<compile_context>
chip_gen: v7x
topology: tpu7x:2x2x1
jax: 0.10.2.dev20260603
libtpu: 0.0.44.dev20260713+nightly
codegen_flags: <defaults>
</compile_context>

<pallas_src>
import functools

import jax
import jax.numpy as jnp
from jax import lax
from jax.experimental import pallas as pl
from jax.experimental.pallas import tpu as pltpu
from jax.experimental.pallas import tpu_sc as plsc

N, E, D, P = 10000, 320000, 128, 10000
NC, NS = 2, 16
NW = NC * NS
CHUNK = 64
CPT = 160
C0, C1 = 304, 16
SSTAGE = 16
E_PAD = NW * CPT * CHUNK
ROWS_PER_TILE = 632
N_ACC = ROWS_PER_TILE * NS
LAST_BASE = (NS - 1) * ROWS_PER_TILE
LAST_ROWS = N - LAST_BASE

PCHUNK = 40
PCPT = 8
P_PAD = NW * PCPT * PCHUNK
PAIR_ROWS = 4 * NW * PCPT

@functools.lru_cache(maxsize=None)
def _sc_mesh():
    return plsc.VectorSubcoreMesh(
        core_axis_name="c", subcore_axis_name="s", num_cores=NC, num_subcores=NS
    )


NBUF = 4


def _seg_sum_body(h_hbm, src_hbm, dst_hbm, zero_hbm, out_hbm,
                  idx_src, idx_dst, rows, gsem, ssem, acc):
    cid = lax.axis_index("c")
    sid = lax.axis_index("s")
    wid = sid * NC + cid

    pltpu.sync_copy(zero_hbm, acc.at[pl.ds(sid * ROWS_PER_TILE, ROWS_PER_TILE)])
    plsc.subcore_barrier()

    base_chunk = jnp.where(cid == 0, sid * C0, NS * C0 + sid * C1)
    nstages = jnp.where(cid == 0, C0 // SSTAGE, C1 // SSTAGE)

    def stage_body(s, carry):
        base = base_chunk + s * SSTAGE
        pltpu.sync_copy(src_hbm.at[pl.ds(base, SSTAGE)], idx_src)
        pltpu.sync_copy(dst_hbm.at[pl.ds(base, SSTAGE)], idx_dst)
        for b in range(NBUF):
            pltpu.async_copy(h_hbm.at[idx_src.at[b]], rows.at[b], gsem)

        def outer(k, carry2):
            g = k * NBUF
            for b in range(NBUF):
                j = g + b
                pltpu.make_async_copy(
                    h_hbm.at[idx_src.at[j]], rows.at[b], gsem).wait()
                pltpu.async_copy(rows.at[b], acc.at[idx_dst.at[j]], ssem,
                                 add=True)
            for b in range(NBUF):
                j = g + b
                pltpu.make_async_copy(
                    rows.at[b], acc.at[idx_dst.at[j]], ssem).wait()

                @pl.when(j + NBUF < SSTAGE)
                def _():
                    pltpu.async_copy(
                        h_hbm.at[idx_src.at[j + NBUF]], rows.at[b], gsem)
            return carry2

        lax.fori_loop(0, SSTAGE // NBUF, outer, 0)
        return carry

    lax.fori_loop(0, nstages, stage_body, 0)
    plsc.subcore_barrier()

    @pl.when(sid < NS - 1)
    def _():
        base = sid * ROWS_PER_TILE
        pltpu.sync_copy(acc.at[pl.ds(base, ROWS_PER_TILE)],
                        out_hbm.at[pl.ds(cid * N + base, ROWS_PER_TILE)])

    @pl.when(sid == NS - 1)
    def _():
        pltpu.sync_copy(acc.at[pl.ds(LAST_BASE, LAST_ROWS)],
                        out_hbm.at[pl.ds(cid * N + LAST_BASE, LAST_ROWS)])


@functools.lru_cache(maxsize=None)
def _seg_sum():
    return pl.kernel(
        _seg_sum_body,
        out_type=jax.ShapeDtypeStruct((NC * N, D), jnp.float32),
        mesh=_sc_mesh(),
        name="seg_sum",
        scratch_types=[
            pltpu.VMEM((SSTAGE, CHUNK), jnp.int32),
            pltpu.VMEM((SSTAGE, CHUNK), jnp.int32),
            pltpu.VMEM((NBUF, CHUNK, D), jnp.float32),
            pltpu.SemaphoreType.DMA,
            pltpu.SemaphoreType.DMA,
            pltpu.VMEM_SHARED((N_ACC, D), jnp.float32),
        ],
    )


NT0, NT1 = 6, 2


def _pair_gather_body(h_hbm, idx_hbm, out_hbm, idxb, rows, gsem, wsem):
    cid = lax.axis_index("c")
    sid = lax.axis_index("s")

    tbase = jnp.where(cid == 0, sid * NT0, NS * NT0 + sid * NT1)
    ntasks = jnp.where(cid == 0, NT0, NT1)

    def task_body(ti, carry):
        t = tbase + ti
        row0 = t * PCPT
        pltpu.sync_copy(idx_hbm.at[pl.ds(row0, PCPT)], idxb)
        for b in range(NBUF):
            pltpu.async_copy(h_hbm.at[idxb.at[b]], rows.at[b], gsem)

        def outer(k, carry2):
            g = k * NBUF
            for b in range(NBUF):
                j = g + b
                pltpu.make_async_copy(
                    h_hbm.at[idxb.at[j]], rows.at[b], gsem).wait()
                pltpu.async_copy(
                    rows.at[b],
                    out_hbm.at[pl.ds((row0 + j) * PCHUNK, PCHUNK)], wsem)
            for b in range(NBUF):
                j = g + b
                pltpu.make_async_copy(
                    rows.at[b],
                    out_hbm.at[pl.ds((row0 + j) * PCHUNK, PCHUNK)], wsem).wait()

                @pl.when(j + NBUF < PCPT)
                def _():
                    pltpu.async_copy(h_hbm.at[idxb.at[j + NBUF]], rows.at[b],
                                     gsem)
            return carry2

        lax.fori_loop(0, PCPT // NBUF, outer, 0)
        return carry

    lax.fori_loop(0, ntasks, task_body, 0)


@functools.lru_cache(maxsize=None)
def _pair_gather():
    return pl.kernel(
        _pair_gather_body,
        out_type=jax.ShapeDtypeStruct((4 * P_PAD, D), jnp.float32),
        mesh=_sc_mesh(),
        scratch_types=[
            pltpu.VMEM((PCPT, PCHUNK), jnp.int32),
            pltpu.VMEM((NBUF, PCHUNK, D), jnp.float32),
            pltpu.SemaphoreType.DMA,
            pltpu.SemaphoreType.DMA,
        ],
    )


def _mlp_body(h_ref, agg_ref, w1_ref, w2_ref, o_ref, *, last):
    x = h_ref[...] + agg_ref[0] + agg_ref[1]
    y = jnp.maximum(jnp.dot(x, w1_ref[...], preferred_element_type=jnp.float32), 0.0)
    z = jnp.dot(y, w2_ref[...], preferred_element_type=jnp.float32)
    if not last:
        z = jnp.maximum(z, 0.0)
    o_ref[...] = z


def _mlp(h, agg, w1, w2, last):
    bn = 1000
    return pl.pallas_call(
        functools.partial(_mlp_body, last=last),
        grid=(N // bn,),
        in_specs=[
            pl.BlockSpec((bn, D), lambda i: (i, 0)),
            pl.BlockSpec((NC, bn, D), lambda i: (0, i, 0)),
            pl.BlockSpec((D, D), lambda i: (0, 0)),
            pl.BlockSpec((D, D), lambda i: (0, 0)),
        ],
        out_specs=pl.BlockSpec((bn, D), lambda i: (i, 0)),
        out_shape=jax.ShapeDtypeStruct((N, D), jnp.float32),
    )(h, agg, w1, w2)


def _pred_body(ga_ref, gb_ref, p1_ref, b1_ref, p2_ref, b2_ref, p3_ref, b3_ref,
               o_ref):
    z = ga_ref[0] * gb_ref[0]
    z = jnp.maximum(
        jnp.dot(z, p1_ref[...], preferred_element_type=jnp.float32) + b1_ref[...],
        0.0)
    z = jnp.maximum(
        jnp.dot(z, p2_ref[...], preferred_element_type=jnp.float32) + b2_ref[...],
        0.0)
    o_ref[0] = jnp.dot(z, p3_ref[...], preferred_element_type=jnp.float32) + b3_ref[0, 0]


def _predictor(g, p1, b1, p2, b2, p3, b3):
    bn = 1024
    return pl.pallas_call(
        _pred_body,
        grid=(2, P_PAD // bn),
        in_specs=[
            pl.BlockSpec((1, bn, D), lambda p, i: (2 * p, i, 0)),
            pl.BlockSpec((1, bn, D), lambda p, i: (2 * p + 1, i, 0)),
            pl.BlockSpec((D, D), lambda p, i: (0, 0)),
            pl.BlockSpec((1, D), lambda p, i: (0, 0)),
            pl.BlockSpec((D, D), lambda p, i: (0, 0)),
            pl.BlockSpec((1, D), lambda p, i: (0, 0)),
            pl.BlockSpec((D, 1), lambda p, i: (0, 0)),
            pl.BlockSpec((1, 1), lambda p, i: (0, 0)),
        ],
        out_specs=pl.BlockSpec((1, bn, 1), lambda p, i: (p, i, 0)),
        out_shape=jax.ShapeDtypeStruct((2, P_PAD, 1), jnp.float32),
    )(g, g, p1, b1, p2, b2, p3, b3)


def kernel(x, edge_index, pos_edge_index, neg_edge_index,
           W1_0, W2_0, W1_1, W2_1, W1_2, W2_2,
           P1, b1, P2, b2, P3, b3):
    src = jnp.concatenate(
        [edge_index[0], jnp.zeros((E_PAD - E,), jnp.int32)]).reshape(NW * CPT, CHUNK)
    dst = jnp.concatenate(
        [edge_index[1], jnp.full((E_PAD - E,), N, jnp.int32)]).reshape(NW * CPT, CHUNK)
    zeros = jnp.zeros((ROWS_PER_TILE, D), jnp.float32)

    def pad_idx(a):
        return jnp.concatenate([a, jnp.zeros((P_PAD - P,), jnp.int32)])

    pidx = jnp.concatenate([
        pad_idx(pos_edge_index[0]), pad_idx(pos_edge_index[1]),
        pad_idx(neg_edge_index[0]), pad_idx(neg_edge_index[1]),
    ]).reshape(PAIR_ROWS, PCHUNK)

    h = x
    for l, (w1, w2) in enumerate(((W1_0, W2_0), (W1_1, W2_1), (W1_2, W2_2))):
        agg = _seg_sum()(h, src, dst, zeros).reshape(NC, N, D)
        h = _mlp(h, agg, w1, w2, last=(l == 2))

    g = _pair_gather()(h, pidx).reshape(4, P_PAD, D)
    out = _predictor(g, P1, b1.reshape(1, D), P2, b2.reshape(1, D),
                     P3, b3.reshape(1, 1))
    return out[0, :P], out[1, :P]

# --- scband reference (transcript-rebuilt; emitter-appended) ---
"""Pipeline reference for scband-gin-26877905339098 (READ-ONLY COPY).

The authoritative reference and input builder live on the scoring server;
editing this copy changes nothing except your own understanding.
"""

import jax, jax.numpy as jnp
import numpy as np

N, E, D, P = 10000, 320000, 128, 10000


def setup_inputs(seed: int = 0) -> dict:
    key = jax.random.key(seed)
    ks = jax.random.split(key, 24)
    inp = {}
    inp["x"] = jax.random.normal(ks[0], (N, D), dtype=jnp.float32)
    inp["edge_index"] = jax.random.randint(ks[1], (2, E), 0, N, dtype=jnp.int32)
    inp["pos_edge_index"] = jax.random.randint(ks[2], (2, P), 0, N, dtype=jnp.int32)
    inp["neg_edge_index"] = jax.random.randint(ks[3], (2, P), 0, N, dtype=jnp.int32)
    s = 1.0 / np.sqrt(D)
    # GIN layer MLP weights (two linear layers, no bias), 3 layers
    inp["W1_0"] = jax.random.normal(ks[4], (D, D), dtype=jnp.float32) * s
    inp["W2_0"] = jax.random.normal(ks[5], (D, D), dtype=jnp.float32) * s
    inp["W1_1"] = jax.random.normal(ks[6], (D, D), dtype=jnp.float32) * s
    inp["W2_1"] = jax.random.normal(ks[7], (D, D), dtype=jnp.float32) * s
    inp["W1_2"] = jax.random.normal(ks[8], (D, D), dtype=jnp.float32) * s
    inp["W2_2"] = jax.random.normal(ks[9], (D, D), dtype=jnp.float32) * s
    # predictor: Linear(D,D)+ReLU, Linear(D,D)+ReLU, Linear(D,1)
    inp["P1"] = jax.random.normal(ks[10], (D, D), dtype=jnp.float32) * s
    inp["b1"] = jnp.zeros((D,), dtype=jnp.float32)
    inp["P2"] = jax.random.normal(ks[11], (D, D), dtype=jnp.float32) * s
    inp["b2"] = jnp.zeros((D,), dtype=jnp.float32)
    inp["P3"] = jax.random.normal(ks[12], (D, 1), dtype=jnp.float32) * s
    inp["b3"] = jnp.zeros((1,), dtype=jnp.float32)
    return inp


def reference(x, edge_index, pos_edge_index, neg_edge_index,
              W1_0, W2_0, W1_1, W2_1, W1_2, W2_2,
              P1, b1, P2, b2, P3, b3):
    n = x.shape[0]
    src = edge_index[0]
    dst = edge_index[1]
    layer_ws = [(W1_0, W2_0), (W1_1, W2_1), (W1_2, W2_2)]
    h = x
    for l, (W1, W2) in enumerate(layer_ws):
        # GINConv, learn_eps=False (eps=0), sum aggregation:
        # h_v = MLP(h_v + sum_{u->v} h_u)
        agg = jax.ops.segment_sum(h[src], dst, num_segments=n)
        h = agg + h
        h = jax.nn.relu(h @ W1) @ W2
        if l != len(layer_ws) - 1:
            h = jax.nn.relu(h)

    def predictor(z):
        z = jax.nn.relu(z @ P1 + b1)
        z = jax.nn.relu(z @ P2 + b2)
        return z @ P3 + b3

    h_pos = predictor(h[pos_edge_index[0]] * h[pos_edge_index[1]])
    h_neg = predictor(h[neg_edge_index[0]] * h[neg_edge_index[1]])
    return (h_pos, h_neg)

if __name__ == "__main__":
    import jax
    _d = setup_inputs()
    print(jax.jit(kernel)(*tuple(_d.values())))

</pallas_src>

<mosaic_0001>
#map = affine_map<(d0, d1) -> (0, 0)>
module attributes {stable_mosaic.version = 14 : i64} {
  func.func @seg_sum(%arg0: i32, %arg1: i32, %arg2: memref<10000x128xf32, #tpu.memory_space<hbm>>, %arg3: memref<5120x64xi32, #tpu.memory_space<hbm>>, %arg4: memref<5120x64xi32, #tpu.memory_space<hbm>>, %arg5: memref<632x128xf32, #tpu.memory_space<hbm>>, %arg6: memref<20000x128xf32, #tpu.memory_space<hbm>>, %arg7: memref<16x64xi32, #tpu.memory_space<vmem>>, %arg8: memref<16x64xi32, #tpu.memory_space<vmem>>, %arg9: memref<4x64x128xf32, #tpu.memory_space<vmem>>, %arg10: memref<!tpu.dma_semaphore, #tpu.memory_space<semaphore_mem>>, %arg11: memref<!tpu.dma_semaphore, #tpu.memory_space<semaphore_mem>>, %arg12: memref<10112x128xf32, #tpu.memory_space<vmem_shared>>) attributes {dimension_semantics = [#tpu.dimension_semantics<core_parallel>, #tpu.dimension_semantics<subcore_parallel>], iteration_bounds = array<i64: 2, 16>, scalar_prefetch = 0 : i64, scratch_operands = 6 : i64, tpu.core_type = #tpu.core_type<sc_vector_subcore>, window_params = [{transform_indices = #map}, {transform_indices = #map}, {transform_indices = #map}, {transform_indices = #map}, {transform_indices = #map}]} {
    %mul3A = arith.constant 2 : i32
    %mul3A_0 = arith.muli %arg1, %mul3A : i32
    %add3A = arith.addi %mul3A_0, %arg0 : i32
    %mul3A_1 = arith.constant 632 : i32
    %mul3A_2 = arith.muli %arg1, %mul3A_1 : i32
    "tpu.region"() ({
      %run_scoped3A = tpu.sem_alloc : memref<!tpu.dma_semaphore, #tpu.memory_space<semaphore_mem>>
      %dma_start3A = arith.constant 0 : i32
      %dma_start3A_31 = tpu.memref_slice %arg12[%mul3A_2, %dma_start3A] : memref<10112x128xf32, #tpu.memory_space<vmem_shared>> -> memref<632x128xf32, #tpu.memory_space<vmem_shared>>
      tpu.enqueue_dma source(%arg5 : memref<632x128xf32, #tpu.memory_space<hbm>>) target(%dma_start3A_31 : memref<632x128xf32, #tpu.memory_space<vmem_shared>>) target_semaphore(%run_scoped3A : memref<!tpu.dma_semaphore, #tpu.memory_space<semaphore_mem>>)
      %dma_wait3A = arith.constant 0 : i32
      %dma_wait3A_32 = tpu.memref_slice %arg12[%mul3A_2, %dma_wait3A] : memref<10112x128xf32, #tpu.memory_space<vmem_shared>> -> memref<632x128xf32, #tpu.memory_space<vmem_shared>>
      tpu.wait_dma2 semaphore(%run_scoped3A : memref<!tpu.dma_semaphore, #tpu.memory_space<semaphore_mem>>) src(%arg5 : memref<632x128xf32, #tpu.memory_space<hbm>>) dst(%dma_wait3A_32 : memref<632x128xf32, #tpu.memory_space<vmem_shared>>)
      tpu.yield
    }) : () -> ()
    %barrier3A = arith.constant 0 : index
    tpu.barrier barrier_id(%barrier3A)
    %eq3A = arith.constant 0 : i32
    %eq3A_3 = arith.cmpi eq, %arg0, %eq3A : i32
    %mul3A_4 = arith.constant 304 : i32
    %mul3A_5 = arith.muli %arg1, %mul3A_4 : i32
    %mul3A_6 = arith.constant 16 : i32
    %mul3A_7 = arith.muli %arg1, %mul3A_6 : i32
    %add3A_8 = arith.constant 4864 : i32
    %add3A_9 = arith.addi %add3A_8, %mul3A_7 : i32
    %select_n3A = arith.select %eq3A_3, %mul3A_5, %add3A_9 : i32
    %eq3A_10 = arith.constant 0 : i32
    %eq3A_11 = arith.cmpi eq, %arg0, %eq3A_10 : i32
    %jit3A = arith.constant 19 : i32
    %jit3A_12 = arith.constant 1 : i32
    %select_n3A_13 = arith.select %eq3A_11, %jit3A, %jit3A_12 : i32
    %while3A = arith.constant 0 : i32
    %while3A_14 = arith.constant 0 : i32
    %while3A_15 = arith.subi %select_n3A_13, %while3A_14 : i32
    %while3A_16 = arith.addi %while3A_14, %while3A_15 : i32
    %while3A_17 = arith.constant 1 : i32
    %while3A_18 = arith.divsi %while3A_15, %while3A_17 : i32
    %while3A_19 = arith.muli %while3A_18, %while3A_17 : i32
    %while3A_20 = arith.addi %while3A_14, %while3A_19 : i32
    %while3A_21 = arith.constant 1 : i32
    scf.for %while3A_31 = %while3A_14 to %while3A_20 step %while3A_21  : i32 {
      %mul3A_32 = arith.constant 16 : i32
      %mul3A_33 = arith.muli %while3A_31, %mul3A_32 : i32
      %add3A_34 = arith.addi %select_n3A, %mul3A_33 : i32
      "tpu.region"() ({
        %run_scoped3A = tpu.sem_alloc : memref<!tpu.dma_semaphore, #tpu.memory_space<semaphore_mem>>
        %dma_start3A_87 = arith.constant 0 : i32
        %dma_start3A_88 = tpu.memref_slice %arg3[%add3A_34, %dma_start3A_87] : memref<5120x64xi32, #tpu.memory_space<hbm>> -> memref<16x64xi32, #tpu.memory_space<hbm>>
        %dma_start3A_89 = arith.constant 0 : i32
        %dma_start3A_90 = tpu.memref_slice %arg3[%add3A_34, %dma_start3A_89] : memref<5120x64xi32, #tpu.memory_space<hbm>> -> memref<16x64xi32, #tpu.memory_space<hbm>>
        tpu.enqueue_dma source(%dma_start3A_90 : memref<16x64xi32, #tpu.memory_space<hbm>>) target(%arg7 : memref<16x64xi32, #tpu.memory_space<vmem>>) target_semaphore(%run_scoped3A : memref<!tpu.dma_semaphore, #tpu.memory_space<semaphore_mem>>)
        %dma_wait3A = arith.constant 0 : i32
        %dma_wait3A_91 = tpu.memref_slice %arg3[%add3A_34, %dma_wait3A] : memref<5120x64xi32, #tpu.memory_space<hbm>> -> memref<16x64xi32, #tpu.memory_space<hbm>>
        %dma_wait3A_92 = arith.constant 0 : i32
        %dma_wait3A_93 = tpu.memref_slice %arg3[%add3A_34, %dma_wait3A_92] : memref<5120x64xi32, #tpu.memory_space<hbm>> -> memref<16x64xi32, #tpu.memory_space<hbm>>
        tpu.wait_dma2 semaphore(%run_scoped3A : memref<!tpu.dma_semaphore, #tpu.memory_space<semaphore_mem>>) src(%dma_wait3A_93 : memref<16x64xi32, #tpu.memory_space<hbm>>) dst(%arg7 : memref<16x64xi32, #tpu.memory_space<vmem>>)
        tpu.yield
      }) : () -> ()
      "tpu.region"() ({
        %run_scoped3A = tpu.sem_alloc : memref<!tpu.dma_semaphore, #tpu.memory_space<semaphore_mem>>
        %dma_start3A_87 = arith.constant 0 : i32
        %dma_start3A_88 = tpu.memref_slice %arg4[%add3A_34, %dma_start3A_87] : memref<5120x64xi32, #tpu.memory_space<hbm>> -> memref<16x64xi32, #tpu.memory_space<hbm>>
        %dma_start3A_89 = arith.constant 0 : i32
        %dma_start3A_90 = tpu.memref_slice %arg4[%add3A_34, %dma_start3A_89] : memref<5120x64xi32, #tpu.memory_space<hbm>> -> memref<16x64xi32, #tpu.memory_space<hbm>>
        tpu.enqueue_dma source(%dma_start3A_90 : memref<16x64xi32, #tpu.memory_space<hbm>>) target(%arg8 : memref<16x64xi32, #tpu.memory_space<vmem>>) target_semaphore(%run_scoped3A : memref<!tpu.dma_semaphore, #tpu.memory_space<semaphore_mem>>)
        %dma_wait3A = arith.constant 0 : i32
        %dma_wait3A_91 = tpu.memref_slice %arg4[%add3A_34, %dma_wait3A] : memref<5120x64xi32, #tpu.memory_space<hbm>> -> memref<16x64xi32, #tpu.memory_space<hbm>>
        %dma_wait3A_92 = arith.constant 0 : i32
        %dma_wait3A_93 = tpu.memref_slice %arg4[%add3A_34, %dma_wait3A_92] : memref<5120x64xi32, #tpu.memory_space<hbm>> -> memref<16x64xi32, #tpu.memory_space<hbm>>
        tpu.wait_dma2 semaphore(%run_scoped3A : memref<!tpu.dma_semaphore, #tpu.memory_space<semaphore_mem>>) src(%dma_wait3A_93 : memref<16x64xi32, #tpu.memory_space<hbm>>) dst(%arg8 : memref<16x64xi32, #tpu.memory_space<vmem>>)
        tpu.yield
      }) : () -> ()
      %dma_start3A = arith.constant 0 : i32
      %dma_start3A_35 = arith.constant 0 : i32
      %dma_start3A_36 = arith.constant 0 : i32
      %dma_start3A_37 = arith.constant 0 : i32
      %dma_start3A_38 = tpu.memref_slice %arg9[%dma_start3A_35, %dma_start3A_36, %dma_start3A_37] : memref<4x64x128xf32, #tpu.memory_space<vmem>> -> memref<1x64x128xf32, #tpu.memory_space<vmem>>
      %dma_start3A_39 = tpu.memref_squeeze %dma_start3A_38 : memref<1x64x128xf32, #tpu.memory_space<vmem>> -> memref<64x128xf32, #tpu.memory_space<vmem>>
      %dma_start3A_40 = arith.constant 0 : i32
      %dma_start3A_41 = tpu.memref_slice %arg7[%dma_start3A, %dma_start3A_40] : memref<16x64xi32, #tpu.memory_space<vmem>> -> memref<1x64xi32, #tpu.memory_space<vmem>>
      %dma_start3A_42 = tpu.memref_squeeze %dma_start3A_41 : memref<1x64xi32, #tpu.memory_space<vmem>> -> memref<64xi32, #tpu.memory_space<vmem>>
      %dma_start3A_43 = arith.constant 0 : i32
      %dma_start3A_44 = arith.constant 0 : i32
      %dma_start3A_45 = tpu.memref_slice %arg2[%dma_start3A_43, %dma_start3A_44] : memref<10000x128xf32, #tpu.memory_space<hbm>> -> memref<10000x128xf32, #tpu.memory_space<hbm>>
      tpu.enqueue_indirect_dma source(%dma_start3A_45 : memref<10000x128xf32, #tpu.memory_space<hbm>>) target(%dma_start3A_39 : memref<64x128xf32, #tpu.memory_space<vmem>>) offsets(%dma_start3A_42 : memref<64xi32, #tpu.memory_space<vmem>>) semaphore(%arg10 : memref<!tpu.dma_semaphore, #tpu.memory_space<semaphore_mem>>)
      %dma_start3A_46 = arith.constant 1 : i32
      %dma_start3A_47 = arith.constant 1 : i32
      %dma_start3A_48 = arith.constant 0 : i32
      %dma_start3A_49 = arith.constant 0 : i32
      %dma_start3A_50 = tpu.memref_slice %arg9[%dma_start3A_47, %dma_start3A_48, %dma_start3A_49] : memref<4x64x128xf32, #tpu.memory_space<vmem>> -> memref<1x64x128xf32, #tpu.memory_space<vmem>>
      %dma_start3A_51 = tpu.memref_squeeze %dma_start3A_50 : memref<1x64x128xf32, #tpu.memory_space<vmem>> -> memref<64x128xf32, #tpu.memory_space<vmem>>
      %dma_start3A_52 = arith.constant 0 : i32
      %dma_start3A_53 = tpu.memref_slice %arg7[%dma_start3A_46, %dma_start3A_52] : memref<16x64xi32, #tpu.memory_space<vmem>> -> memref<1x64xi32, #tpu.memory_space<vmem>>
      %dma_start3A_54 = tpu.memref_squeeze %dma_start3A_53 : memref<1x64xi32, #tpu.memory_space<vmem>> -> memref<64xi32, #tpu.memory_space<vmem>>
      %dma_start3A_55 = arith.constant 0 : i32
      %dma_start3A_56 = arith.constant 0 : i32
      %dma_start3A_57 = tpu.memref_slice %arg2[%dma_start3A_55, %dma_start3A_56] : memref<10000x128xf32, #tpu.memory_space<hbm>> -> memref<10000x128xf32, #tpu.memory_space<hbm>>
      tpu.enqueue_indirect_dma source(%dma_start3A_57 : memref<10000x128xf32, #tpu.memory_space<hbm>>) target(%dma_start3A_51 : memref<64x128xf32, #tpu.memory_space<vmem>>) offsets(%dma_start3A_54 : memref<64xi32, #tpu.memory_space<vmem>>) semaphore(%arg10 : memref<!tpu.dma_semaphore, #tpu.memory_space<semaphore_mem>>)
      %dma_start3A_58 = arith.constant 2 : i32
      %dma_start3A_59 = arith.constant 2 : i32
      %dma_start3A_60 = arith.constant 0 : i32
      %dma_start3A_61 = arith.constant 0 : i32
      %dma_start3A_62 = tpu.memref_slice %arg9[%dma_start3A_59, %dma_start3A_60, %dma_start3A_61] : memref<4x64x128xf32, #tpu.memory_space<vmem>> -> memref<1x64x128xf32, #tpu.memory_space<vmem>>
      %dma_start3A_63 = tpu.memref_squeeze %dma_start3A_62 : memref<1x64x128xf32, #tpu.memory_space<vmem>> -> memref<64x128xf32, #tpu.memory_space<vmem>>
      %dma_start3A_64 = arith.constant 0 : i32
      %dma_start3A_65 = tpu.memref_slice %arg7[%dma_start3A_58, %dma_start3A_64] : memref<16x64xi32, #tpu.memory_space<vmem>> -> memref<1x64xi32, #tpu.memory_space<vmem>>
      %dma_start3A_66 = tpu.memref_squeeze %dma_start3A_65 : memref<1x64xi32, #tpu.memory_space<vmem>> -> memref<64xi32, #tpu.memory_space<vmem>>
      %dma_start3A_67 = arith.constant 0 : i32
      %dma_start3A_68 = arith.constant 0 : i32
      %dma_start3A_69 = tpu.memref_slice %arg2[%dma_start3A_67, %dma_start3A_68] : memref<10000x128xf32, #tpu.memory_space<hbm>> -> memref<10000x128xf32, #tpu.memory_space<hbm>>
      tpu.enqueue_indirect_dma source(%dma_start3A_69 : memref<10000x128xf32, #tpu.memory_space<hbm>>) target(%dma_start3A_63 : memref<64x128xf32, #tpu.memory_space<vmem>>) offsets(%dma_start3A_66 : memref<64xi32, #tpu.memory_space<vmem>>) semaphore(%arg10 : memref<!tpu.dma_semaphore, #tpu.memory_space<semaphore_mem>>)
      %dma_start3A_70 = arith.constant 3 : i32
      %dma_start3A_71 = arith.constant 3 : i32
      %dma_start3A_72 = arith.constant 0 : i32
      %dma_start3A_73 = arith.constant 0 : i32
      %dma_start3A_74 = tpu.memref_slice %arg9[%dma_start3A_71, %dma_start3A_72, %dma_start3A_73] : memref<4x64x128xf32, #tpu.memory_space<vmem>> -> memref<1x64x128xf32, #tpu.memory_space<vmem>>
      %dma_start3A_75 = tpu.memref_squeeze %dma_start3A_74 : memref<1x64x128xf32, #tpu.memory_space<vmem>> -> memref<64x128xf32, #tpu.memory_space<vmem>>
      %dma_start3A_76 = arith.constant 0 : i32
      %dma_start3A_77 = tpu.memref_slice %arg7[%dma_start3A_70, %dma_start3A_76] : memref<16x64xi32, #tpu.memory_space<vmem>> -> memref<1x64xi32, #tpu.memory_space<vmem>>
      %dma_start3A_78 = tpu.memref_squeeze %dma_start3A_77 : memref<1x64xi32, #tpu.memory_space<vmem>> -> memref<64xi32, #tpu.memory_space<vmem>>
      %dma_start3A_79 = arith.constant 0 : i32
      %dma_start3A_80 = arith.constant 0 : i32
      %dma_start3A_81 = tpu.memref_slice %arg2[%dma_start3A_79, %dma_start3A_80] : memref<10000x128xf32, #tpu.memory_space<hbm>> -> memref<10000x128xf32, #tpu.memory_space<hbm>>
      tpu.enqueue_indirect_dma source(%dma_start3A_81 : memref<10000x128xf32, #tpu.memory_space<hbm>>) target(%dma_start3A_75 : memref<64x128xf32, #tpu.memory_space<vmem>>) offsets(%dma_start3A_78 : memref<64xi32, #tpu.memory_space<vmem>>) semaphore(%arg10 : memref<!tpu.dma_semaphore, #tpu.memory_space<semaphore_mem>>)
      %scan3A = arith.constant 0 : i32
      %scan3A_82 = arith.constant 0 : i32
      %scan3A_83 = arith.constant 4 : i32
      %scan3A_84 = arith.addi %scan3A_82, %scan3A_83 : i32
      %scan3A_85 = arith.constant 1 : i32
      scf.for %scan3A_87 = %scan3A_82 to %scan3A_84 step %scan3A_85  : i32 {
        %mul3A_88 = arith.constant 4 : i32
        %mul3A_89 = arith.muli %scan3A_87, %mul3A_88 : i32
        %add3A_90 = arith.constant 0 : i32
        %add3A_91 = arith.addi %mul3A_89, %add3A_90 : i32
        %dma_wait3A = arith.constant 0 : i32
        %dma_wait3A_92 = arith.constant 0 : i32
        %dma_wait3A_93 = arith.constant 0 : i32
        %dma_wait3A_94 = tpu.memref_slice %arg9[%dma_wait3A, %dma_wait3A_92, %dma_wait3A_93] : memref<4x64x128xf32, #tpu.memory_space<vmem>> -> memref<1x64x128xf32, #tpu.memory_space<vmem>>
        %dma_wait3A_95 = tpu.memref_squeeze %dma_wait3A_94 : memref<1x64x128xf32, #tpu.memory_space<vmem>> -> memref<64x128xf32, #tpu.memory_space<vmem>>
        %dma_wait3A_96 = arith.constant 0 : i32
        %dma_wait3A_97 = tpu.memref_slice %arg7[%add3A_91, %dma_wait3A_96] : memref<16x64xi32, #tpu.memory_space<vmem>> -> memref<1x64xi32, #tpu.memory_space<vmem>>
        %dma_wait3A_98 = tpu.memref_squeeze %dma_wait3A_97 : memref<1x64xi32, #tpu.memory_space<vmem>> -> memref<64xi32, #tpu.memory_space<vmem>>
        %dma_wait3A_99 = arith.constant 0 : i32
        %dma_wait3A_100 = arith.constant 0 : i32
        %dma_wait3A_101 = tpu.memref_slice %arg2[%dma_wait3A_99, %dma_wait3A_100] : memref<10000x128xf32, #tpu.memory_space<hbm>> -> memref<10000x128xf32, #tpu.memory_space<hbm>>
        tpu.wait_indirect_dma semaphore(%arg10 : memref<!tpu.dma_semaphore, #tpu.memory_space<semaphore_mem>>) src(%dma_wait3A_101 : memref<10000x128xf32, #tpu.memory_space<hbm>>) dst(%dma_wait3A_95 : memref<64x128xf32, #tpu.memory_space<vmem>>)
        %dma_start3A_102 = arith.constant 0 : i32
        %dma_start3A_103 = arith.constant 0 : i32
        %dma_start3A_104 = arith.constant 0 : i32
        %dma_start3A_105 = tpu.memref_slice %arg9[%dma_start3A_102, %dma_start3A_103, %dma_start3A_104] : memref<4x64x128xf32, #tpu.memory_space<vmem>> -> memref<1x64x128xf32, #tpu.memory_space<vmem>>
        %dma_start3A_106 = tpu.memref_squeeze %dma_start3A_105 : memref<1x64x128xf32, #tpu.memory_space<vmem>> -> memref<64x128xf32, #tpu.memory_space<vmem>>
        %dma_start3A_107 = arith.constant 0 : i32
        %dma_start3A_108 = tpu.memref_slice %arg8[%add3A_91, %dma_start3A_107] : memref<16x64xi32, #tpu.memory_space<vmem>> -> memref<1x64xi32, #tpu.memory_space<vmem>>
        %dma_start3A_109 = tpu.memref_squeeze %dma_start3A_108 : memref<1x64xi32, #tpu.memory_space<vmem>> -> memref<64xi32, #tpu.memory_space<vmem>>
        %dma_start3A_110 = arith.constant 0 : i32
        %dma_start3A_111 = arith.constant 0 : i32
        %dma_start3A_112 = tpu.memref_slice %arg12[%dma_start3A_110, %dma_start3A_111] : memref<10112x128xf32, #tpu.memory_space<vmem_shared>> -> memref<10112x128xf32, #tpu.memory_space<vmem_shared>>
        tpu.enqueue_indirect_dma source(%dma_start3A_106 : memref<64x128xf32, #tpu.memory_space<vmem>>) target(%dma_start3A_112 : memref<10112x128xf32, #tpu.memory_space<vmem_shared>>) offsets(%dma_start3A_109 : memref<64xi32, #tpu.memory_space<vmem>>) semaphore(%arg11 : memref<!tpu.dma_semaphore, #tpu.memory_space<semaphore_mem>>) {add = true}
        %add3A_113 = arith.constant 1 : i32
        %add3A_114 = arith.addi %mul3A_89, %add3A_113 : i32
        %dma_wait3A_115 = arith.constant 1 : i32
        %dma_wait3A_116 = arith.constant 0 : i32
        %dma_wait3A_117 = arith.constant 0 : i32
        %dma_wait3A_118 = tpu.memref_slice %arg9[%dma_wait3A_115, %dma_wait3A_116, %dma_wait3A_117] : memref<4x64x128xf32, #tpu.memory_space<vmem>> -> memref<1x64x128xf32, #tpu.memory_space<vmem>>
        %dma_wait3A_119 = tpu.memref_squeeze %dma_wait3A_118 : memref<1x64x128xf32, #tpu.memory_space<vmem>> -> memref<64x128xf32, #tpu.memory_space<vmem>>
        %dma_wait3A_120 = arith.constant 0 : i32
        %dma_wait3A_121 = tpu.memref_slice %arg7[%add3A_114, %dma_wait3A_120] : memref<16x64xi32, #tpu.memory_space<vmem>> -> memref<1x64xi32, #tpu.memory_space<vmem>>
        %dma_wait3A_122 = tpu.memref_squeeze %dma_wait3A_121 : memref<1x64xi32, #tpu.memory_space<vmem>> -> memref<64xi32, #tpu.memory_space<vmem>>
        %dma_wait3A_123 = arith.constant 0 : i32
        %dma_wait3A_124 = arith.constant 0 : i32
        %dma_wait3A_125 = tpu.memref_slice %arg2[%dma_wait3A_123, %dma_wait3A_124] : memref<10000x128xf32, #tpu.memory_space<hbm>> -> memref<10000x128xf32, #tpu.memory_space<hbm>>
        tpu.wait_indirect_dma semaphore(%arg10 : memref<!tpu.dma_semaphore, #tpu.memory_space<semaphore_mem>>) src(%dma_wait3A_125 : memref<10000x128xf32, #tpu.memory_space<hbm>>) dst(%dma_wait3A_119 : memref<64x128xf32, #tpu.memory_space<vmem>>)
        %dma_start3A_126 = arith.constant 1 : i32
        %dma_start3A_127 = arith.constant 0 : i32
        %dma_start3A_128 = arith.constant 0 : i32
        %dma_start3A_129 = tpu.memref_slice %arg9[%dma_start3A_126, %dma_start3A_127, %dma_start3A_128] : memref<4x64x128xf32, #tpu.memory_space<vmem>> -> memref<1x64x128xf32, #tpu.memory_space<vmem>>
        %dma_start3A_130 = tpu.memref_squeeze %dma_start3A_129 : memref<1x64x128xf32, #tpu.memory_space<vmem>> -> memref<64x128xf32, #tpu.memory_space<vmem>>
        %dma_start3A_131 = arith.constant 0 : i32
        %dma_start3A_132 = tpu.memref_slice %arg8[%add3A_114, %dma_start3A_131] : memref<16x64xi32, #tpu.memory_space<vmem>> -> memref<1x64xi32, #tpu.memory_space<vmem>>
        %dma_start3A_133 = tpu.memref_squeeze %dma_start3A_132 : memref<1x64xi32, #tpu.memory_space<vmem>> -> memref<64xi32, #tpu.memory_space<vmem>>
        %dma_start3A_134 = arith.constant 0 : i32
        %dma_start3A_135 = arith.constant 0 : i32
        %dma_start3A_136 = tpu.memref_slice %arg12[%dma_start3A_134, %dma_start3A_135] : memref<10112x128xf32, #tpu.memory_space<vmem_shared>> -> memref<10112x128xf32, #tpu.memory_space<vmem_shared>>
        tpu.enqueue_indirect_dma source(%dma_start3A_130 : memref<64x128xf32, #tpu.memory_space<vmem>>) target(%dma_start3A_136 : memref<10112x128xf32, #tpu.memory_space<vmem_shared>>) offsets(%dma_start3A_133 : memref<64xi32, #tpu.memory_space<vmem>>) semaphore(%arg11 : memref<!tpu.dma_semaphore, #tpu.memory_space<semaphore_mem>>) {add = true}
        %add3A_137 = arith.constant 2 : i32
        %add3A_138 = arith.addi %mul3A_89, %add3A_137 : i32
        %dma_wait3A_139 = arith.constant 2 : i32
        %dma_wait3A_140 = arith.constant 0 : i32
        %dma_wait3A_141 = arith.constant 0 : i32
        %dma_wait3A_142 = tpu.memref_slice %arg9[%dma_wait3A_139, %dma_wait3A_140, %dma_wait3A_141] : memref<4x64x128xf32, #tpu.memory_space<vmem>> -> memref<1x64x128xf32, #tpu.memory_space<vmem>>
        %dma_wait3A_143 = tpu.memref_squeeze %dma_wait3A_142 : memref<1x64x128xf32, #tpu.memory_space<vmem>> -> memref<64x128xf32, #tpu.memory_space<vmem>>
        %dma_wait3A_144 = arith.constant 0 : i32
        %dma_wait3A_145 = tpu.memref_slice %arg7[%add3A_138, %dma_wait3A_144] : memref<16x64xi32, #tpu.memory_space<vmem>> -> memref<1x64xi32, #tpu.memory_space<vmem>>
        %dma_wait3A_146 = tpu.memref_squeeze %dma_wait3A_145 : memref<1x64xi32, #tpu.memory_space<vmem>> -> memref<64xi32, #tpu.memory_space<vmem>>
        %dma_wait3A_147 = arith.constant 0 : i32
        %dma_wait3A_148 = arith.constant 0 : i32
        %dma_wait3A_149 = tpu.memref_slice %arg2[%dma_wait3A_147, %dma_wait3A_148] : memref<10000x128xf32, #tpu.memory_space<hbm>> -> memref<10000x128xf32, #tpu.memory_space<hbm>>
        tpu.wait_indirect_dma semaphore(%arg10 : memref<!tpu.dma_semaphore, #tpu.memory_space<semaphore_mem>>) src(%dma_wait3A_149 : memref<10000x128xf32, #tpu.memory_space<hbm>>) dst(%dma_wait3A_143 : memref<64x128xf32, #tpu.memory_space<vmem>>)
        %dma_start3A_150 = arith.constant 2 : i32
        %dma_start3A_151 = arith.constant 0 : i32
        %dma_start3A_152 = arith.constant 0 : i32
        %dma_start3A_153 = tpu.memref_slice %arg9[%dma_start3A_150, %dma_start3A_151, %dma_start3A_152] : memref<4x64x128xf32, #tpu.memory_space<vmem>> -> memref<1x64x128xf32, #tpu.memory_space<vmem>>
        %dma_start3A_154 = tpu.memref_squeeze %dma_start3A_153 : memref<1x64x128xf32, #tpu.memory_space<vmem>> -> memref<64x128xf32, #tpu.memory_space<vmem>>
        %dma_start3A_155 = arith.constant 0 : i32
        %dma_start3A_156 = tpu.memref_slice %arg8[%add3A_138, %dma_start3A_155] : memref<16x64xi32, #tpu.memory_space<vmem>> -> memref<1x64xi32, #tpu.memory_space<vmem>>
        %dma_start3A_157 = tpu.memref_squeeze %dma_start3A_156 : memref<1x64xi32, #tpu.memory_space<vmem>> -> memref<64xi32, #tpu.memory_space<vmem>>
        %dma_start3A_158 = arith.constant 0 : i32
        %dma_start3A_159 = arith.constant 0 : i32
        %dma_start3A_160 = tpu.memref_slice %arg12[%dma_start3A_158, %dma_start3A_159] : memref<10112x128xf32, #tpu.memory_space<vmem_shared>> -> memref<10112x128xf32, #tpu.memory_space<vmem_shared>>
        tpu.enqueue_indirect_dma source(%dma_start3A_154 : memref<64x128xf32, #tpu.memory_space<vmem>>) target(%dma_start3A_160 : memref<10112x128xf32, #tpu.memory_space<vmem_shared>>) offsets(%dma_start3A_157 : memref<64xi32, #tpu.memory_space<vmem>>) semaphore(%arg11 : memref<!tpu.dma_semaphore, #tpu.memory_space<semaphore_mem>>) {add = true}
        %add3A_161 = arith.constant 3 : i32
        %add3A_162 = arith.addi %mul3A_89, %add3A_161 : i32
        %dma_wait3A_163 = arith.constant 3 : i32
        %dma_wait3A_164 = arith.constant 0 : i32
        %dma_wait3A_165 = arith.constant 0 : i32
        %dma_wait3A_166 = tpu.memref_slice %arg9[%dma_wait3A_163, %dma_wait3A_164, %dma_wait3A_165] : memref<4x64x128xf32, #tpu.memory_space<vmem>> -> memref<1x64x128xf32, #tpu.memory_space<vmem>>
        %dma_wait3A_167 = tpu.memref_squeeze %dma_wait3A_166 : memref<1x64x128xf32, #tpu.memory_space<vmem>> -> memref<64x128xf32, #tpu.memory_space<vmem>>
        %dma_wait3A_168 = arith.constant 0 : i32
        %dma_wait3A_169 = tpu.memref_slice %arg7[%add3A_162, %dma_wait3A_168] : memref<16x64xi32, #tpu.memory_space<vmem>> -> memref<1x64xi32, #tpu.memory_space<vmem>>
        %dma_wait3A_170 = tpu.memref_squeeze %dma_wait3A_169 : memref<1x64xi32, #tpu.memory_space<vmem>> -> memref<64xi32, #tpu.memory_space<vmem>>
        %dma_wait3A_171 = arith.constant 0 : i32
        %dma_wait3A_172 = arith.constant 0 : i32
        %dma_wait3A_173 = tpu.memref_slice %arg2[%dma_wait3A_171, %dma_wait3A_172] : memref<10000x128xf32, #tpu.memory_space<hbm>> -> memref<10000x128xf32, #tpu.memory_space<hbm>>
        tpu.wait_indirect_dma semaphore(%arg10 : memref<!tpu.dma_semaphore, #tpu.memory_space<semaphore_mem>>) src(%dma_wait3A_173 : memref<10000x128xf32, #tpu.memory_space<hbm>>) dst(%dma_wait3A_167 : memref<64x128xf32, #tpu.memory_space<vmem>>)
        %dma_start3A_174 = arith.constant 3 : i32
        %dma_start3A_175 = arith.constant 0 : i32
        %dma_start3A_176 = arith.constant 0 : i32
        %dma_start3A_177 = tpu.memref_slice %arg9[%dma_start3A_174, %dma_start3A_175, %dma_start3A_176] : memref<4x64x128xf32, #tpu.memory_space<vmem>> -> memref<1x64x128xf32, #tpu.memory_space<vmem>>
        %dma_start3A_178 = tpu.memref_squeeze %dma_start3A_177 : memref<1x64x128xf32, #tpu.memory_space<vmem>> -> memref<64x128xf32, #tpu.memory_space<vmem>>
        %dma_start3A_179 = arith.constant 0 : i32
        %dma_start3A_180 = tpu.memref_slice %arg8[%add3A_162, %dma_start3A_179] : memref<16x64xi32, #tpu.memory_space<vmem>> -> memref<1x64xi32, #tpu.memory_space<vmem>>
        %dma_start3A_181 = tpu.memref_squeeze %dma_start3A_180 : memref<1x64xi32, #tpu.memory_space<vmem>> -> memref<64xi32, #tpu.memory_space<vmem>>
        %dma_start3A_182 = arith.constant 0 : i32
        %dma_start3A_183 = arith.constant 0 : i32
        %dma_start3A_184 = tpu.memref_slice %arg12[%dma_start3A_182, %dma_start3A_183] : memref<10112x128xf32, #tpu.memory_space<vmem_shared>> -> memref<10112x128xf32, #tpu.memory_space<vmem_shared>>
        tpu.enqueue_indirect_dma source(%dma_start3A_178 : memref<64x128xf32, #tpu.memory_space<vmem>>) target(%dma_start3A_184 : memref<10112x128xf32, #tpu.memory_space<vmem_shared>>) offsets(%dma_start3A_181 : memref<64xi32, #tpu.memory_space<vmem>>) semaphore(%arg11 : memref<!tpu.dma_semaphore, #tpu.memory_space<semaphore_mem>>) {add = true}
        %add3A_185 = arith.constant 0 : i32
        %add3A_186 = arith.addi %mul3A_89, %add3A_185 : i32
        %dma_wait3A_187 = arith.constant 0 : i32
        %dma_wait3A_188 = arith.constant 0 : i32
        %dma_wait3A_189 = arith.constant 0 : i32
        %dma_wait3A_190 = tpu.memref_slice %arg9[%dma_wait3A_187, %dma_wait3A_188, %dma_wait3A_189] : memref<4x64x128xf32, #tpu.memory_space<vmem>> -> memref<1x64x128xf32, #tpu.memory_space<vmem>>
        %dma_wait3A_191 = tpu.memref_squeeze %dma_wait3A_190 : memref<1x64x128xf32, #tpu.memory_space<vmem>> -> memref<64x128xf32, #tpu.memory_space<vmem>>
        %dma_wait3A_192 = arith.constant 0 : i32
        %dma_wait3A_193 = tpu.memref_slice %arg8[%add3A_186, %dma_wait3A_192] : memref<16x64xi32, #tpu.memory_space<vmem>> -> memref<1x64xi32, #tpu.memory_space<vmem>>
        %dma_wait3A_194 = tpu.memref_squeeze %dma_wait3A_193 : memref<1x64xi32, #tpu.memory_space<vmem>> -> memref<64xi32, #tpu.memory_space<vmem>>
        %dma_wait3A_195 = arith.constant 0 : i32
        %dma_wait3A_196 = arith.constant 0 : i32
        %dma_wait3A_197 = tpu.memref_slice %arg12[%dma_wait3A_195, %dma_wait3A_196] : memref<10112x128xf32, #tpu.memory_space<vmem_shared>> -> memref<10112x128xf32, #tpu.memory_space<vmem_shared>>
        tpu.wait_indirect_dma semaphore(%arg11 : memref<!tpu.dma_semaphore, #tpu.memory_space<semaphore_mem>>) src(%dma_wait3A_191 : memref<64x128xf32, #tpu.memory_space<vmem>>) dst(%dma_wait3A_197 : memref<10112x128xf32, #tpu.memory_space<vmem_shared>>)
        %add3A_198 = arith.constant 4 : i32
        %add3A_199 = arith.addi %add3A_186, %add3A_198 : i32
        %lt3A_200 = arith.constant 16 : i32
        %lt3A_201 = arith.cmpi slt, %add3A_199, %lt3A_200 : i32
        %convert_element_type3A_202 = arith.extui %lt3A_201 : i1 to i32
        %cond3A_203 = arith.constant 0 : i32
        %cond3A_204 = arith.cmpi ne, %convert_element_type3A_202, %cond3A_203 : i32
        scf.if %cond3A_204 {
          %add3A_265 = arith.constant 4 : i32
          %add3A_266 = arith.addi %add3A_186, %add3A_265 : i32
          %dma_start3A_267 = arith.constant 0 : i32
          %dma_start3A_268 = arith.constant 0 : i32
          %dma_start3A_269 = arith.constant 0 : i32
          %dma_start3A_270 = tpu.memref_slice %arg9[%dma_start3A_267, %dma_start3A_268, %dma_start3A_269] : memref<4x64x128xf32, #tpu.memory_space<vmem>> -> memref<1x64x128xf32, #tpu.memory_space<vmem>>
          %dma_start3A_271 = tpu.memref_squeeze %dma_start3A_270 : memref<1x64x128xf32, #tpu.memory_space<vmem>> -> memref<64x128xf32, #tpu.memory_space<vmem>>
          %dma_start3A_272 = arith.constant 0 : i32
          %dma_start3A_273 = tpu.memref_slice %arg7[%add3A_266, %dma_start3A_272] : memref<16x64xi32, #tpu.memory_space<vmem>> -> memref<1x64xi32, #tpu.memory_space<vmem>>
          %dma_start3A_274 = tpu.memref_squeeze %dma_start3A_273 : memref<1x64xi32, #tpu.memory_space<vmem>> -> memref<64xi32, #tpu.memory_space<vmem>>
          %dma_start3A_275 = arith.constant 0 : i32
          %dma_start3A_276 = arith.constant 0 : i32
          %dma_start3A_277 = tpu.memref_slice %arg2[%dma_start3A_275, %dma_start3A_276] : memref<10000x128xf32, #tpu.memory_space<hbm>> -> memref<10000x128xf32, #tpu.memory_space<hbm>>
          tpu.enqueue_indirect_dma source(%dma_start3A_277 : memref<10000x128xf32, #tpu.memory_space<hbm>>) target(%dma_start3A_271 : memref<64x128xf32, #tpu.memory_space<vmem>>) offsets(%dma_start3A_274 : memref<64xi32, #tpu.memory_space<vmem>>) semaphore(%arg10 : memref<!tpu.dma_semaphore, #tpu.memory_space<semaphore_mem>>)
        } else {
        }
        %add3A_205 = arith.constant 1 : i32
        %add3A_206 = arith.addi %mul3A_89, %add3A_205 : i32
        %dma_wait3A_207 = arith.constant 1 : i32
        %dma_wait3A_208 = arith.constant 0 : i32
        %dma_wait3A_209 = arith.constant 0 : i32
        %dma_wait3A_210 = tpu.memref_slice %arg9[%dma_wait3A_207, %dma_wait3A_208, %dma_wait3A_209] : memref<4x64x128xf32, #tpu.memory_space<vmem>> -> memref<1x64x128xf32, #tpu.memory_space<vmem>>
        %dma_wait3A_211 = tpu.memref_squeeze %dma_wait3A_210 : memref<1x64x128xf32, #tpu.memory_space<vmem>> -> memref<64x128xf32, #tpu.memory_space<vmem>>
        %dma_wait3A_212 = arith.constant 0 : i32
        %dma_wait3A_213 = tpu.memref_slice %arg8[%add3A_206, %dma_wait3A_212] : memref<16x64xi32, #tpu.memory_space<vmem>> -> memref<1x64xi32, #tpu.memory_space<vmem>>
        %dma_wait3A_214 = tpu.memref_squeeze %dma_wait3A_213 : memref<1x64xi32, #tpu.memory_space<vmem>> -> memref<64xi32, #tpu.memory_space<vmem>>
        %dma_wait3A_215 = arith.constant 0 : i32
        %dma_wait3A_216 = arith.constant 0 : i32
        %dma_wait3A_217 = tpu.memref_slice %arg12[%dma_wait3A_215, %dma_wait3A_216] : memref<10112x128xf32, #tpu.memory_space<vmem_shared>> -> memref<10112x128xf32, #tpu.memory_space<vmem_shared>>
        tpu.wait_indirect_dma semaphore(%arg11 : memref<!tpu.dma_semaphore, #tpu.memory_space<semaphore_mem>>) src(%dma_wait3A_211 : memref<64x128xf32, #tpu.memory_space<vmem>>) dst(%dma_wait3A_217 : memref<10112x128xf32, #tpu.memory_space<vmem_shared>>)
        %add3A_218 = arith.constant 4 : i32
        %add3A_219 = arith.addi %add3A_206, %add3A_218 : i32
        %lt3A_220 = arith.constant 16 : i32
        %lt3A_221 = arith.cmpi slt, %add3A_219, %lt3A_220 : i32
        %convert_element_type3A_222 = arith.extui %lt3A_221 : i1 to i32
        %cond3A_223 = arith.constant 0 : i32
        %cond3A_224 = arith.cmpi ne, %convert_element_type3A_222, %cond3A_223 : i32
        scf.if %cond3A_224 {
          %add3A_265 = arith.constant 4 : i32
          %add3A_266 = arith.addi %add3A_206, %add3A_265 : i32
          %dma_start3A_267 = arith.constant 1 : i32
          %dma_start3A_268 = arith.constant 0 : i32
          %dma_start3A_269 = arith.constant 0 : i32
          %dma_start3A_270 = tpu.memref_slice %arg9[%dma_start3A_267, %dma_start3A_268, %dma_start3A_269] : memref<4x64x128xf32, #tpu.memory_space<vmem>> -> memref<1x64x128xf32, #tpu.memory_space<vmem>>
          %dma_start3A_271 = tpu.memref_squeeze %dma_start3A_270 : memref<1x64x128xf32, #tpu.memory_space<vmem>> -> memref<64x128xf32, #tpu.memory_space<vmem>>
          %dma_start3A_272 = arith.constant 0 : i32
          %dma_start3A_273 = tpu.memref_slice %arg7[%add3A_266, %dma_start3A_272] : memref<16x64xi32, #tpu.memory_space<vmem>> -> memref<1x64xi32, #tpu.memory_space<vmem>>
          %dma_start3A_274 = tpu.memref_squeeze %dma_start3A_273 : memref<1x64xi32, #tpu.memory_space<vmem>> -> memref<64xi32, #tpu.memory_space<vmem>>
          %dma_start3A_275 = arith.constant 0 : i32
          %dma_start3A_276 = arith.constant 0 : i32
          %dma_start3A_277 = tpu.memref_slice %arg2[%dma_start3A_275, %dma_start3A_276] : memref<10000x128xf32, #tpu.memory_space<hbm>> -> memref<10000x128xf32, #tpu.memory_space<hbm>>
          tpu.enqueue_indirect_dma source(%dma_start3A_277 : memref<10000x128xf32, #tpu.memory_space<hbm>>) target(%dma_start3A_271 : memref<64x128xf32, #tpu.memory_space<vmem>>) offsets(%dma_start3A_274 : memref<64xi32, #tpu.memory_space<vmem>>) semaphore(%arg10 : memref<!tpu.dma_semaphore, #tpu.memory_space<semaphore_mem>>)
        } else {
        }
        %add3A_225 = arith.constant 2 : i32
        %add3A_226 = arith.addi %mul3A_89, %add3A_225 : i32
        %dma_wait3A_227 = arith.constant 2 : i32
        %dma_wait3A_228 = arith.constant 0 : i32
        %dma_wait3A_229 = arith.constant 0 : i32
        %dma_wait3A_230 = tpu.memref_slice %arg9[%dma_wait3A_227, %dma_wait3A_228, %dma_wait3A_229] : memref<4x64x128xf32, #tpu.memory_space<vmem>> -> memref<1x64x128xf32, #tpu.memory_space<vmem>>
        %dma_wait3A_231 = tpu.memref_squeeze %dma_wait3A_230 : memref<1x64x128xf32, #tpu.memory_space<vmem>> -> memref<64x128xf32, #tpu.memory_space<vmem>>
        %dma_wait3A_232 = arith.constant 0 : i32
        %dma_wait3A_233 = tpu.memref_slice %arg8[%add3A_226, %dma_wait3A_232] : memref<16x64xi32, #tpu.memory_space<vmem>> -> memref<1x64xi32, #tpu.memory_space<vmem>>
        %dma_wait3A_234 = tpu.memref_squeeze %dma_wait3A_233 : memref<1x64xi32, #tpu.memory_space<vmem>> -> memref<64xi32, #tpu.memory_space<vmem>>
        %dma_wait3A_235 = arith.constant 0 : i32
        %dma_wait3A_236 = arith.constant 0 : i32
        %dma_wait3A_237 = tpu.memref_slice %arg12[%dma_wait3A_235, %dma_wait3A_236] : memref<10112x128xf32, #tpu.memory_space<vmem_shared>> -> memref<10112x128xf32, #tpu.memory_space<vmem_shared>>
        tpu.wait_indirect_dma semaphore(%arg11 : memref<!tpu.dma_semaphore, #tpu.memory_space<semaphore_mem>>) src(%dma_wait3A_231 : memref<64x128xf32, #tpu.memory_space<vmem>>) dst(%dma_wait3A_237 : memref<10112x128xf32, #tpu.memory_space<vmem_shared>>)
        %add3A_238 = arith.constant 4 : i32
        %add3A_239 = arith.addi %add3A_226, %add3A_238 : i32
        %lt3A_240 = arith.constant 16 : i32
        %lt3A_241 = arith.cmpi slt, %add3A_239, %lt3A_240 : i32
        %convert_element_type3A_242 = arith.extui %lt3A_241 : i1 to i32
        %cond3A_243 = arith.constant 0 : i32
        %cond3A_244 = arith.cmpi ne, %convert_element_type3A_242, %cond3A_243 : i32
        scf.if %cond3A_244 {
          %add3A_265 = arith.constant 4 : i32
          %add3A_266 = arith.addi %add3A_226, %add3A_265 : i32
          %dma_start3A_267 = arith.constant 2 : i32
          %dma_start3A_268 = arith.constant 0 : i32
          %dma_start3A_269 = arith.constant 0 : i32
          %dma_start3A_270 = tpu.memref_slice %arg9[%dma_start3A_267, %dma_start3A_268, %dma_start3A_269] : memref<4x64x128xf32, #tpu.memory_space<vmem>> -> memref<1x64x128xf32, #tpu.memory_space<vmem>>
          %dma_start3A_271 = tpu.memref_squeeze %dma_start3A_270 : memref<1x64x128xf32, #tpu.memory_space<vmem>> -> memref<64x128xf32, #tpu.memory_space<vmem>>
          %dma_start3A_272 = arith.constant 0 : i32
          %dma_start3A_273 = tpu.memref_slice %arg7[%add3A_266, %dma_start3A_272] : memref<16x64xi32, #tpu.memory_space<vmem>> -> memref<1x64xi32, #tpu.memory_space<vmem>>
          %dma_start3A_274 = tpu.memref_squeeze %dma_start3A_273 : memref<1x64xi32, #tpu.memory_space<vmem>> -> memref<64xi32, #tpu.memory_space<vmem>>
          %dma_start3A_275 = arith.constant 0 : i32
          %dma_start3A_276 = arith.constant 0 : i32
          %dma_start3A_277 = tpu.memref_slice %arg2[%dma_start3A_275, %dma_start3A_276] : memref<10000x128xf32, #tpu.memory_space<hbm>> -> memref<10000x128xf32, #tpu.memory_space<hbm>>
          tpu.enqueue_indirect_dma source(%dma_start3A_277 : memref<10000x128xf32, #tpu.memory_space<hbm>>) target(%dma_start3A_271 : memref<64x128xf32, #tpu.memory_space<vmem>>) offsets(%dma_start3A_274 : memref<64xi32, #tpu.memory_space<vmem>>) semaphore(%arg10 : memref<!tpu.dma_semaphore, #tpu.memory_space<semaphore_mem>>)
        } else {
        }
        %add3A_245 = arith.constant 3 : i32
        %add3A_246 = arith.addi %mul3A_89, %add3A_245 : i32
        %dma_wait3A_247 = arith.constant 3 : i32
        %dma_wait3A_248 = arith.constant 0 : i32
        %dma_wait3A_249 = arith.constant 0 : i32
        %dma_wait3A_250 = tpu.memref_slice %arg9[%dma_wait3A_247, %dma_wait3A_248, %dma_wait3A_249] : memref<4x64x128xf32, #tpu.memory_space<vmem>> -> memref<1x64x128xf32, #tpu.memory_space<vmem>>
        %dma_wait3A_251 = tpu.memref_squeeze %dma_wait3A_250 : memref<1x64x128xf32, #tpu.memory_space<vmem>> -> memref<64x128xf32, #tpu.memory_space<vmem>>
        %dma_wait3A_252 = arith.constant 0 : i32
        %dma_wait3A_253 = tpu.memref_slice %arg8[%add3A_246, %dma_wait3A_252] : memref<16x64xi32, #tpu.memory_space<vmem>> -> memref<1x64xi32, #tpu.memory_space<vmem>>
        %dma_wait3A_254 = tpu.memref_squeeze %dma_wait3A_253 : memref<1x64xi32, #tpu.memory_space<vmem>> -> memref<64xi32, #tpu.memory_space<vmem>>
        %dma_wait3A_255 = arith.constant 0 : i32
        %dma_wait3A_256 = arith.constant 0 : i32
        %dma_wait3A_257 = tpu.memref_slice %arg12[%dma_wait3A_255, %dma_wait3A_256] : memref<10112x128xf32, #tpu.memory_space<vmem_shared>> -> memref<10112x128xf32, #tpu.memory_space<vmem_shared>>
        tpu.wait_indirect_dma semaphore(%arg11 : memref<!tpu.dma_semaphore, #tpu.memory_space<semaphore_mem>>) src(%dma_wait3A_251 : memref<64x128xf32, #tpu.memory_space<vmem>>) dst(%dma_wait3A_257 : memref<10112x128xf32, #tpu.memory_space<vmem_shared>>)
        %add3A_258 = arith.constant 4 : i32
        %add3A_259 = arith.addi %add3A_246, %add3A_258 : i32
        %lt3A_260 = arith.constant 16 : i32
        %lt3A_261 = arith.cmpi slt, %add3A_259, %lt3A_260 : i32
        %convert_element_type3A_262 = arith.extui %lt3A_261 : i1 to i32
        %cond3A_263 = arith.constant 0 : i32
        %cond3A_264 = arith.cmpi ne, %convert_element_type3A_262, %cond3A_263 : i32
        scf.if %cond3A_264 {
          %add3A_265 = arith.constant 4 : i32
          %add3A_266 = arith.addi %add3A_246, %add3A_265 : i32
          %dma_start3A_267 = arith.constant 3 : i32
          %dma_start3A_268 = arith.constant 0 : i32
          %dma_start3A_269 = arith.constant 0 : i32
          %dma_start3A_270 = tpu.memref_slice %arg9[%dma_start3A_267, %dma_start3A_268, %dma_start3A_269] : memref<4x64x128xf32, #tpu.memory_space<vmem>> -> memref<1x64x128xf32, #tpu.memory_space<vmem>>
          %dma_start3A_271 = tpu.memref_squeeze %dma_start3A_270 : memref<1x64x128xf32, #tpu.memory_space<vmem>> -> memref<64x128xf32, #tpu.memory_space<vmem>>
          %dma_start3A_272 = arith.constant 0 : i32
          %dma_start3A_273 = tpu.memref_slice %arg7[%add3A_266, %dma_start3A_272] : memref<16x64xi32, #tpu.memory_space<vmem>> -> memref<1x64xi32, #tpu.memory_space<vmem>>
          %dma_start3A_274 = tpu.memref_squeeze %dma_start3A_273 : memref<1x64xi32, #tpu.memory_space<vmem>> -> memref<64xi32, #tpu.memory_space<vmem>>
          %dma_start3A_275 = arith.constant 0 : i32
          %dma_start3A_276 = arith.constant 0 : i32
          %dma_start3A_277 = tpu.memref_slice %arg2[%dma_start3A_275, %dma_start3A_276] : memref<10000x128xf32, #tpu.memory_space<hbm>> -> memref<10000x128xf32, #tpu.memory_space<hbm>>
          tpu.enqueue_indirect_dma source(%dma_start3A_277 : memref<10000x128xf32, #tpu.memory_space<hbm>>) target(%dma_start3A_271 : memref<64x128xf32, #tpu.memory_space<vmem>>) offsets(%dma_start3A_274 : memref<64xi32, #tpu.memory_space<vmem>>) semaphore(%arg10 : memref<!tpu.dma_semaphore, #tpu.memory_space<semaphore_mem>>)
        } else {
        }
      }
      %scan3A_86 = arith.constant 4 : i32
    }
    %while3A_22 = arith.constant 1 : i32
    scf.for %while3A_31 = %while3A_20 to %while3A_16 step %while3A_22  : i32 {
      %mul3A_32 = arith.constant 16 : i32
      %mul3A_33 = arith.muli %while3A_31, %mul3A_32 : i32
      %add3A_34 = arith.addi %select_n3A, %mul3A_33 : i32
      "tpu.region"() ({
        %run_scoped3A = tpu.sem_alloc : memref<!tpu.dma_semaphore, #tpu.memory_space<semaphore_mem>>
        %dma_start3A_87 = arith.constant 0 : i32
        %dma_start3A_88 = tpu.memref_slice %arg3[%add3A_34, %dma_start3A_87] : memref<5120x64xi32, #tpu.memory_space<hbm>> -> memref<16x64xi32, #tpu.memory_space<hbm>>
        %dma_start3A_89 = arith.constant 0 : i32
        %dma_start3A_90 = tpu.memref_slice %arg3[%add3A_34, %dma_start3A_89] : memref<5120x64xi32, #tpu.memory_space<hbm>> -> memref<16x64xi32, #tpu.memory_space<hbm>>
        tpu.enqueue_dma source(%dma_start3A_90 : memref<16x64xi32, #tpu.memory_space<hbm>>) target(%arg7 : memref<16x64xi32, #tpu.memory_space<vmem>>) target_semaphore(%run_scoped3A : memref<!tpu.dma_semaphore, #tpu.memory_space<semaphore_mem>>)
        %dma_wait3A = arith.constant 0 : i32
        %dma_wait3A_91 = tpu.memref_slice %arg3[%add3A_34, %dma_wait3A] : memref<5120x64xi32, #tpu.memory_space<hbm>> -> memref<16x64xi32, #tpu.memory_space<hbm>>
        %dma_wait3A_92 = arith.constant 0 : i32
        %dma_wait3A_93 = tpu.memref_slice %arg3[%add3A_34, %dma_wait3A_92] : memref<5120x64xi32, #tpu.memory_space<hbm>> -> memref<16x64xi32, #tpu.memory_space<hbm>>
        tpu.wait_dma2 semaphore(%run_scoped3A : memref<!tpu.dma_semaphore, #tpu.memory_space<semaphore_mem>>) src(%dma_wait3A_93 : memref<16x64xi32, #tpu.memory_space<hbm>>) dst(%arg7 : memref<16x64xi32, #tpu.memory_space<vmem>>)
        tpu.yield
      }) : () -> ()
      "tpu.region"() ({
        %run_scoped3A = tpu.sem_alloc : memref<!tpu.dma_semaphore, #tpu.memory_space<semaphore_mem>>
        %dma_start3A_87 = arith.constant 0 : i32
        %dma_start3A_88 = tpu.memref_slice %arg4[%add3A_34, %dma_start3A_87] : memref<5120x64xi32, #tpu.memory_space<hbm>> -> memref<16x64xi32, #tpu.memory_space<hbm>>
        %dma_start3A_89 = arith.constant 0 : i32
        %dma_start3A_90 = tpu.memref_slice %arg4[%add3A_34, %dma_start3A_89] : memref<5120x64xi32, #tpu.memory_space<hbm>> -> memref<16x64xi32, #tpu.memory_space<hbm>>
        tpu.enqueue_dma source(%dma_start3A_90 : memref<16x64xi32, #tpu.memory_space<hbm>>) target(%arg8 : memref<16x64xi32, #tpu.memory_space<vmem>>) target_semaphore(%run_scoped3A : memref<!tpu.dma_semaphore, #tpu.memory_space<semaphore_mem>>)
        %dma_wait3A = arith.constant 0 : i32
        %dma_wait3A_91 = tpu.memref_slice %arg4[%add3A_34, %dma_wait3A] : memref<5120x64xi32, #tpu.memory_space<hbm>> -> memref<16x64xi32, #tpu.memory_space<hbm>>
        %dma_wait3A_92 = arith.constant 0 : i32
        %dma_wait3A_93 = tpu.memref_slice %arg4[%add3A_34, %dma_wait3A_92] : memref<5120x64xi32, #tpu.memory_space<hbm>> -> memref<16x64xi32, #tpu.memory_space<hbm>>
        tpu.wait_dma2 semaphore(%run_scoped3A : memref<!tpu.dma_semaphore, #tpu.memory_space<semaphore_mem>>) src(%dma_wait3A_93 : memref<16x64xi32, #tpu.memory_space<hbm>>) dst(%arg8 : memref<16x64xi32, #tpu.memory_space<vmem>>)
        tpu.yield
      }) : () -> ()
      %dma_start3A = arith.constant 0 : i32
      %dma_start3A_35 = arith.constant 0 : i32
      %dma_start3A_36 = arith.constant 0 : i32
      %dma_start3A_37 = arith.constant 0 : i32
      %dma_start3A_38 = tpu.memref_slice %arg9[%dma_start3A_35, %dma_start3A_36, %dma_start3A_37] : memref<4x64x128xf32, #tpu.memory_space<vmem>> -> memref<1x64x128xf32, #tpu.memory_space<vmem>>
      %dma_start3A_39 = tpu.memref_squeeze %dma_start3A_38 : memref<1x64x128xf32, #tpu.memory_space<vmem>> -> memref<64x128xf32, #tpu.memory_space<vmem>>
      %dma_start3A_40 = arith.constant 0 : i32
      %dma_start3A_41 = tpu.memref_slice %arg7[%dma_start3A, %dma_start3A_40] : memref<16x64xi32, #tpu.memory_space<vmem>> -> memref<1x64xi32, #tpu.memory_space<vmem>>
      %dma_start3A_42 = tpu.memref_squeeze %dma_start3A_41 : memref<1x64xi32, #tpu.memory_space<vmem>> -> memref<64xi32, #tpu.memory_space<vmem>>
      %dma_start3A_43 = arith.constant 0 : i32
      %dma_start3A_44 = arith.constant 0 : i32
      %dma_start3A_45 = tpu.memref_slice %arg2[%dma_start3A_43, %dma_start3A_44] : memref<10000x128xf32, #tpu.memory_space<hbm>> -> memref<10000x128xf32, #tpu.memory_space<hbm>>
      tpu.enqueue_indirect_dma source(%dma_start3A_45 : memref<10000x128xf32, #tpu.memory_space<hbm>>) target(%dma_start3A_39 : memref<64x128xf32, #tpu.memory_space<vmem>>) offsets(%dma_start3A_42 : memref<64xi32, #tpu.memory_space<vmem>>) semaphore(%arg10 : memref<!tpu.dma_semaphore, #tpu.memory_space<semaphore_mem>>)
      %dma_start3A_46 = arith.constant 1 : i32
      %dma_start3A_47 = arith.constant 1 : i32
      %dma_start3A_48 = arith.constant 0 : i32
      %dma_start3A_49 = arith.constant 0 : i32
      %dma_start3A_50 = tpu.memref_slice %arg9[%dma_start3A_47, %dma_start3A_48, %dma_start3A_49] : memref<4x64x128xf32, #tpu.memory_space<vmem>> -> memref<1x64x128xf32, #tpu.memory_space<vmem>>
      %dma_start3A_51 = tpu.memref_squeeze %dma_start3A_50 : memref<1x64x128xf32, #tpu.memory_space<vmem>> -> memref<64x128xf32, #tpu.memory_space<vmem>>
      %dma_start3A_52 = arith.constant 0 : i32
      %dma_start3A_53 = tpu.memref_slice %arg7[%dma_start3A_46, %dma_start3A_52] : memref<16x64xi32, #tpu.memory_space<vmem>> -> memref<1x64xi32, #tpu.memory_space<vmem>>
      %dma_start3A_54 = tpu.memref_squeeze %dma_start3A_53 : memref<1x64xi32, #tpu.memory_space<vmem>> -> memref<64xi32, #tpu.memory_space<vmem>>
      %dma_start3A_55 = arith.constant 0 : i32
      %dma_start3A_56 = arith.constant 0 : i32
      %dma_start3A_57 = tpu.memref_slice %arg2[%dma_start3A_55, %dma_start3A_56] : memref<10000x128xf32, #tpu.memory_space<hbm>> -> memref<10000x128xf32, #tpu.memory_space<hbm>>
      tpu.enqueue_indirect_dma source(%dma_start3A_57 : memref<10000x128xf32, #tpu.memory_space<hbm>>) target(%dma_start3A_51 : memref<64x128xf32, #tpu.memory_space<vmem>>) offsets(%dma_start3A_54 : memref<64xi32, #tpu.memory_space<vmem>>) semaphore(%arg10 : memref<!tpu.dma_semaphore, #tpu.memory_space<semaphore_mem>>)
      %dma_start3A_58 = arith.constant 2 : i32
      %dma_start3A_59 = arith.constant 2 : i32
      %dma_start3A_60 = arith.constant 0 : i32
      %dma_start3A_61 = arith.constant 0 : i32
      %dma_start3A_62 = tpu.memref_slice %arg9[%dma_start3A_59, %dma_start3A_60, %dma_start3A_61] : memref<4x64x128xf32, #tpu.memory_space<vmem>> -> memref<1x64x128xf32, #tpu.memory_space<vmem>>
      %dma_start3A_63 = tpu.memref_squeeze %dma_start3A_62 : memref<1x64x128xf32, #tpu.memory_space<vmem>> -> memref<64x128xf32, #tpu.memory_space<vmem>>
      %dma_start3A_64 = arith.constant 0 : i32
      %dma_start3A_65 = tpu.memref_slice %arg7[%dma_start3A_58, %dma_start3A_64] : memref<16x64xi32, #tpu.memory_space<vmem>> -> memref<1x64xi32, #tpu.memory_space<vmem>>
      %dma_start3A_66 = tpu.memref_squeeze %dma_start3A_65 : memref<1x64xi32, #tpu.memory_space<vmem>> -> memref<64xi32, #tpu.memory_space<vmem>>
      %dma_start3A_67 = arith.constant 0 : i32
      %dma_start3A_68 = arith.constant 0 : i32
      %dma_start3A_69 = tpu.memref_slice %arg2[%dma_start3A_67, %dma_start3A_68] : memref<10000x128xf32, #tpu.memory_space<hbm>> -> memref<10000x128xf32, #tpu.memory_space<hbm>>
      tpu.enqueue_indirect_dma source(%dma_start3A_69 : memref<10000x128xf32, #tpu.memory_space<hbm>>) target(%dma_start3A_63 : memref<64x128xf32, #tpu.memory_space<vmem>>) offsets(%dma_start3A_66 : memref<64xi32, #tpu.memory_space<vmem>>) semaphore(%arg10 : memref<!tpu.dma_semaphore, #tpu.memory_space<semaphore_mem>>)
      %dma_start3A_70 = arith.constant 3 : i32
      %dma_start3A_71 = arith.constant 3 : i32
      %dma_start3A_72 = arith.constant 0 : i32
      %dma_start3A_73 = arith.constant 0 : i32
      %dma_start3A_74 = tpu.memref_slice %arg9[%dma_start3A_71, %dma_start3A_72, %dma_start3A_73] : memref<4x64x128xf32, #tpu.memory_space<vmem>> -> memref<1x64x128xf32, #tpu.memory_space<vmem>>
      %dma_start3A_75 = tpu.memref_squeeze %dma_start3A_74 : memref<1x64x128xf32, #tpu.memory_space<vmem>> -> memref<64x128xf32, #tpu.memory_space<vmem>>
      %dma_start3A_76 = arith.constant 0 : i32
      %dma_start3A_77 = tpu.memref_slice %arg7[%dma_start3A_70, %dma_start3A_76] : memref<16x64xi32, #tpu.memory_space<vmem>> -> memref<1x64xi32, #tpu.memory_space<vmem>>
      %dma_start3A_78 = tpu.memref_squeeze %dma_start3A_77 : memref<1x64xi32, #tpu.memory_space<vmem>> -> memref<64xi32, #tpu.memory_space<vmem>>
      %dma_start3A_79 = arith.constant 0 : i32
      %dma_start3A_80 = arith.constant 0 : i32
      %dma_start3A_81 = tpu.memref_slice %arg2[%dma_start3A_79, %dma_start3A_80] : memref<10000x128xf32, #tpu.memory_space<hbm>> -> memref<10000x128xf32, #tpu.memory_space<hbm>>
      tpu.enqueue_indirect_dma source(%dma_start3A_81 : memref<10000x128xf32, #tpu.memory_space<hbm>>) target(%dma_start3A_75 : memref<64x128xf32, #tpu.memory_space<vmem>>) offsets(%dma_start3A_78 : memref<64xi32, #tpu.memory_space<vmem>>) semaphore(%arg10 : memref<!tpu.dma_semaphore, #tpu.memory_space<semaphore_mem>>)
      %scan3A = arith.constant 0 : i32
      %scan3A_82 = arith.constant 0 : i32
      %scan3A_83 = arith.constant 4 : i32
      %scan3A_84 = arith.addi %scan3A_82, %scan3A_83 : i32
      %scan3A_85 = arith.constant 1 : i32
      scf.for %scan3A_87 = %scan3A_82 to %scan3A_84 step %scan3A_85  : i32 {
        %mul3A_88 = arith.constant 4 : i32
        %mul3A_89 = arith.muli %scan3A_87, %mul3A_88 : i32
        %add3A_90 = arith.constant 0 : i32
        %add3A_91 = arith.addi %mul3A_89, %add3A_90 : i32
        %dma_wait3A = arith.constant 0 : i32
        %dma_wait3A_92 = arith.constant 0 : i32
        %dma_wait3A_93 = arith.constant 0 : i32
        %dma_wait3A_94 = tpu.memref_slice %arg9[%dma_wait3A, %dma_wait3A_92, %dma_wait3A_93] : memref<4x64x128xf32, #tpu.memory_space<vmem>> -> memref<1x64x128xf32, #tpu.memory_space<vmem>>
        %dma_wait3A_95 = tpu.memref_squeeze %dma_wait3A_94 : memref<1x64x128xf32, #tpu.memory_space<vmem>> -> memref<64x128xf32, #tpu.memory_space<vmem>>
        %dma_wait3A_96 = arith.constant 0 : i32
        %dma_wait3A_97 = tpu.memref_slice %arg7[%add3A_91, %dma_wait3A_96] : memref<16x64xi32, #tpu.memory_space<vmem>> -> memref<1x64xi32, #tpu.memory_space<vmem>>
        %dma_wait3A_98 = tpu.memref_squeeze %dma_wait3A_97 : memref<1x64xi32, #tpu.memory_space<vmem>> -> memref<64xi32, #tpu.memory_space<vmem>>
        %dma_wait3A_99 = arith.constant 0 : i32
        %dma_wait3A_100 = arith.constant 0 : i32
        %dma_wait3A_101 = tpu.memref_slice %arg2[%dma_wait3A_99, %dma_wait3A_100] : memref<10000x128xf32, #tpu.memory_space<hbm>> -> memref<10000x128xf32, #tpu.memory_space<hbm>>
        tpu.wait_indirect_dma semaphore(%arg10 : memref<!tpu.dma_semaphore, #tpu.memory_space<semaphore_mem>>) src(%dma_wait3A_101 : memref<10000x128xf32, #tpu.memory_space<hbm>>) dst(%dma_wait3A_95 : memref<64x128xf32, #tpu.memory_space<vmem>>)
        %dma_start3A_102 = arith.constant 0 : i32
        %dma_start3A_103 = arith.constant 0 : i32
        %dma_start3A_104 = arith.constant 0 : i32
        %dma_start3A_105 = tpu.memref_slice %arg9[%dma_start3A_102, %dma_start3A_103, %dma_start3A_104] : memref<4x64x128xf32, #tpu.memory_space<vmem>> -> memref<1x64x128xf32, #tpu.memory_space<vmem>>
        %dma_start3A_106 = tpu.memref_squeeze %dma_start3A_105 : memref<1x64x128xf32, #tpu.memory_space<vmem>> -> memref<64x128xf32, #tpu.memory_space<vmem>>
        %dma_start3A_107 = arith.constant 0 : i32
        %dma_start3A_108 = tpu.memref_slice %arg8[%add3A_91, %dma_start3A_107] : memref<16x64xi32, #tpu.memory_space<vmem>> -> memref<1x64xi32, #tpu.memory_space<vmem>>
        %dma_start3A_109 = tpu.memref_squeeze %dma_start3A_108 : memref<1x64xi32, #tpu.memory_space<vmem>> -> memref<64xi32, #tpu.memory_space<vmem>>
        %dma_start3A_110 = arith.constant 0 : i32
        %dma_start3A_111 = arith.constant 0 : i32
        %dma_start3A_112 = tpu.memref_slice %arg12[%dma_start3A_110, %dma_start3A_111] : memref<10112x128xf32, #tpu.memory_space<vmem_shared>> -> memref<10112x128xf32, #tpu.memory_space<vmem_shared>>
        tpu.enqueue_indirect_dma source(%dma_start3A_106 : memref<64x128xf32, #tpu.memory_space<vmem>>) target(%dma_start3A_112 : memref<10112x128xf32, #tpu.memory_space<vmem_shared>>) offsets(%dma_start3A_109 : memref<64xi32, #tpu.memory_space<vmem>>) semaphore(%arg11 : memref<!tpu.dma_semaphore, #tpu.memory_space<semaphore_mem>>) {add = true}
        %add3A_113 = arith.constant 1 : i32
        %add3A_114 = arith.addi %mul3A_89, %add3A_113 : i32
        %dma_wait3A_115 = arith.constant 1 : i32
        %dma_wait3A_116 = arith.constant 0 : i32
        %dma_wait3A_117 = arith.constant 0 : i32
        %dma_wait3A_118 = tpu.memref_slice %arg9[%dma_wait3A_115, %dma_wait3A_116, %dma_wait3A_117] : memref<4x64x128xf32, #tpu.memory_space<vmem>> -> memref<1x64x128xf32, #tpu.memory_space<vmem>>
        %dma_wait3A_119 = tpu.memref_squeeze %dma_wait3A_118 : memref<1x64x128xf32, #tpu.memory_space<vmem>> -> memref<64x128xf32, #tpu.memory_space<vmem>>
        %dma_wait3A_120 = arith.constant 0 : i32
        %dma_wait3A_121 = tpu.memref_slice %arg7[%add3A_114, %dma_wait3A_120] : memref<16x64xi32, #tpu.memory_space<vmem>> -> memref<1x64xi32, #tpu.memory_space<vmem>>
        %dma_wait3A_122 = tpu.memref_squeeze %dma_wait3A_121 : memref<1x64xi32, #tpu.memory_space<vmem>> -> memref<64xi32, #tpu.memory_space<vmem>>
        %dma_wait3A_123 = arith.constant 0 : i32
        %dma_wait3A_124 = arith.constant 0 : i32
        %dma_wait3A_125 = tpu.memref_slice %arg2[%dma_wait3A_123, %dma_wait3A_124] : memref<10000x128xf32, #tpu.memory_space<hbm>> -> memref<10000x128xf32, #tpu.memory_space<hbm>>
        tpu.wait_indirect_dma semaphore(%arg10 : memref<!tpu.dma_semaphore, #tpu.memory_space<semaphore_mem>>) src(%dma_wait3A_125 : memref<10000x128xf32, #tpu.memory_space<hbm>>) dst(%dma_wait3A_119 : memref<64x128xf32, #tpu.memory_space<vmem>>)
        %dma_start3A_126 = arith.constant 1 : i32
        %dma_start3A_127 = arith.constant 0 : i32
        %dma_start3A_128 = arith.constant 0 : i32
        %dma_start3A_129 = tpu.memref_slice %arg9[%dma_start3A_126, %dma_start3A_127, %dma_start3A_128] : memref<4x64x128xf32, #tpu.memory_space<vmem>> -> memref<1x64x128xf32, #tpu.memory_space<vmem>>
        %dma_start3A_130 = tpu.memref_squeeze %dma_start3A_129 : memref<1x64x128xf32, #tpu.memory_space<vmem>> -> memref<64x128xf32, #tpu.memory_space<vmem>>
        %dma_start3A_131 = arith.constant 0 : i32
        %dma_start3A_132 = tpu.memref_slice %arg8[%add3A_114, %dma_start3A_131] : memref<16x64xi32, #tpu.memory_space<vmem>> -> memref<1x64xi32, #tpu.memory_space<vmem>>
        %dma_start3A_133 = tpu.memref_squeeze %dma_start3A_132 : memref<1x64xi32, #tpu.memory_space<vmem>> -> memref<64xi32, #tpu.memory_space<vmem>>
        %dma_start3A_134 = arith.constant 0 : i32
        %dma_start3A_135 = arith.constant 0 : i32
        %dma_start3A_136 = tpu.memref_slice %arg12[%dma_start3A_134, %dma_start3A_135] : memref<10112x128xf32, #tpu.memory_space<vmem_shared>> -> memref<10112x128xf32, #tpu.memory_space<vmem_shared>>
        tpu.enqueue_indirect_dma source(%dma_start3A_130 : memref<64x128xf32, #tpu.memory_space<vmem>>) target(%dma_start3A_136 : memref<10112x128xf32, #tpu.memory_space<vmem_shared>>) offsets(%dma_start3A_133 : memref<64xi32, #tpu.memory_space<vmem>>) semaphore(%arg11 : memref<!tpu.dma_semaphore, #tpu.memory_space<semaphore_mem>>) {add = true}
        %add3A_137 = arith.constant 2 : i32
        %add3A_138 = arith.addi %mul3A_89, %add3A_137 : i32
        %dma_wait3A_139 = arith.constant 2 : i32
        %dma_wait3A_140 = arith.constant 0 : i32
        %dma_wait3A_141 = arith.constant 0 : i32
        %dma_wait3A_142 = tpu.memref_slice %arg9[%dma_wait3A_139, %dma_wait3A_140, %dma_wait3A_141] : memref<4x64x128xf32, #tpu.memory_space<vmem>> -> memref<1x64x128xf32, #tpu.memory_space<vmem>>
        %dma_wait3A_143 = tpu.memref_squeeze %dma_wait3A_142 : memref<1x64x128xf32, #tpu.memory_space<vmem>> -> memref<64x128xf32, #tpu.memory_space<vmem>>
        %dma_wait3A_144 = arith.constant 0 : i32
        %dma_wait3A_145 = tpu.memref_slice %arg7[%add3A_138, %dma_wait3A_144] : memref<16x64xi32, #tpu.memory_space<vmem>> -> memref<1x64xi32, #tpu.memory_space<vmem>>
        %dma_wait3A_146 = tpu.memref_squeeze %dma_wait3A_145 : memref<1x64xi32, #tpu.memory_space<vmem>> -> memref<64xi32, #tpu.memory_space<vmem>>
        %dma_wait3A_147 = arith.constant 0 : i32
        %dma_wait3A_148 = arith.constant 0 : i32
        %dma_wait3A_149 = tpu.memref_slice %arg2[%dma_wait3A_147, %dma_wait3A_148] : memref<10000x128xf32, #tpu.memory_space<hbm>> -> memref<10000x128xf32, #tpu.memory_space<hbm>>
        tpu.wait_indirect_dma semaphore(%arg10 : memref<!tpu.dma_semaphore, #tpu.memory_space<semaphore_mem>>) src(%dma_wait3A_149 : memref<10000x128xf32, #tpu.memory_space<hbm>>) dst(%dma_wait3A_143 : memref<64x128xf32, #tpu.memory_space<vmem>>)
        %dma_start3A_150 = arith.constant 2 : i32
        %dma_start3A_151 = arith.constant 0 : i32
        %dma_start3A_152 = arith.constant 0 : i32
        %dma_start3A_153 = tpu.memref_slice %arg9[%dma_start3A_150, %dma_start3A_151, %dma_start3A_152] : memref<4x64x128xf32, #tpu.memory_space<vmem>> -> memref<1x64x128xf32, #tpu.memory_space<vmem>>
        %dma_start3A_154 = tpu.memref_squeeze %dma_start3A_153 : memref<1x64x128xf32, #tpu.memory_space<vmem>> -> memref<64x128xf32, #tpu.memory_space<vmem>>
        %dma_start3A_155 = arith.constant 0 : i32
        %dma_start3A_156 = tpu.memref_slice %arg8[%add3A_138, %dma_start3A_155] : memref<16x64xi32, #tpu.memory_space<vmem>> -> memref<1x64xi32, #tpu.memory_space<vmem>>
        %dma_start3A_157 = tpu.memref_squeeze %dma_start3A_156 : memref<1x64xi32, #tpu.memory_space<vmem>> -> memref<64xi32, #tpu.memory_space<vmem>>
        %dma_start3A_158 = arith.constant 0 : i32
        %dma_start3A_159 = arith.constant 0 : i32
        %dma_start3A_160 = tpu.memref_slice %arg12[%dma_start3A_158, %dma_start3A_159] : memref<10112x128xf32, #tpu.memory_space<vmem_shared>> -> memref<10112x128xf32, #tpu.memory_space<vmem_shared>>
        tpu.enqueue_indirect_dma source(%dma_start3A_154 : memref<64x128xf32, #tpu.memory_space<vmem>>) target(%dma_start3A_160 : memref<10112x128xf32, #tpu.memory_space<vmem_shared>>) offsets(%dma_start3A_157 : memref<64xi32, #tpu.memory_space<vmem>>) semaphore(%arg11 : memref<!tpu.dma_semaphore, #tpu.memory_space<semaphore_mem>>) {add = true}
        %add3A_161 = arith.constant 3 : i32
        %add3A_162 = arith.addi %mul3A_89, %add3A_161 : i32
        %dma_wait3A_163 = arith.constant 3 : i32
        %dma_wait3A_164 = arith.constant 0 : i32
        %dma_wait3A_165 = arith.constant 0 : i32
        %dma_wait3A_166 = tpu.memref_slice %arg9[%dma_wait3A_163, %dma_wait3A_164, %dma_wait3A_165] : memref<4x64x128xf32, #tpu.memory_space<vmem>> -> memref<1x64x128xf32, #tpu.memory_space<vmem>>
        %dma_wait3A_167 = tpu.memref_squeeze %dma_wait3A_166 : memref<1x64x128xf32, #tpu.memory_space<vmem>> -> memref<64x128xf32, #tpu.memory_space<vmem>>
        %dma_wait3A_168 = arith.constant 0 : i32
        %dma_wait3A_169 = tpu.memref_slice %arg7[%add3A_162, %dma_wait3A_168] : memref<16x64xi32, #tpu.memory_space<vmem>> -> memref<1x64xi32, #tpu.memory_space<vmem>>
        %dma_wait3A_170 = tpu.memref_squeeze %dma_wait3A_169 : memref<1x64xi32, #tpu.memory_space<vmem>> -> memref<64xi32, #tpu.memory_space<vmem>>
        %dma_wait3A_171 = arith.constant 0 : i32
        %dma_wait3A_172 = arith.constant 0 : i32
        %dma_wait3A_173 = tpu.memref_slice %arg2[%dma_wait3A_171, %dma_wait3A_172] : memref<10000x128xf32, #tpu.memory_space<hbm>> -> memref<10000x128xf32, #tpu.memory_space<hbm>>
        tpu.wait_indirect_dma semaphore(%arg10 : memref<!tpu.dma_semaphore, #tpu.memory_space<semaphore_mem>>) src(%dma_wait3A_173 : memref<10000x128xf32, #tpu.memory_space<hbm>>) dst(%dma_wait3A_167 : memref<64x128xf32, #tpu.memory_space<vmem>>)
        %dma_start3A_174 = arith.constant 3 : i32
        %dma_start3A_175 = arith.constant 0 : i32
        %dma_start3A_176 = arith.constant 0 : i32
        %dma_start3A_177 = tpu.memref_slice %arg9[%dma_start3A_174, %dma_start3A_175, %dma_start3A_176] : memref<4x64x128xf32, #tpu.memory_space<vmem>> -> memref<1x64x128xf32, #tpu.memory_space<vmem>>
        %dma_start3A_178 = tpu.memref_squeeze %dma_start3A_177 : memref<1x64x128xf32, #tpu.memory_space<vmem>> -> memref<64x128xf32, #tpu.memory_space<vmem>>
        %dma_start3A_179 = arith.constant 0 : i32
        %dma_start3A_180 = tpu.memref_slice %arg8[%add3A_162, %dma_start3A_179] : memref<16x64xi32, #tpu.memory_space<vmem>> -> memref<1x64xi32, #tpu.memory_space<vmem>>
        %dma_start3A_181 = tpu.memref_squeeze %dma_start3A_180 : memref<1x64xi32, #tpu.memory_space<vmem>> -> memref<64xi32, #tpu.memory_space<vmem>>
        %dma_start3A_182 = arith.constant 0 : i32
        %dma_start3A_183 = arith.constant 0 : i32
        %dma_start3A_184 = tpu.memref_slice %arg12[%dma_start3A_182, %dma_start3A_183] : memref<10112x128xf32, #tpu.memory_space<vmem_shared>> -> memref<10112x128xf32, #tpu.memory_space<vmem_shared>>
        tpu.enqueue_indirect_dma source(%dma_start3A_178 : memref<64x128xf32, #tpu.memory_space<vmem>>) target(%dma_start3A_184 : memref<10112x128xf32, #tpu.memory_space<vmem_shared>>) offsets(%dma_start3A_181 : memref<64xi32, #tpu.memory_space<vmem>>) semaphore(%arg11 : memref<!tpu.dma_semaphore, #tpu.memory_space<semaphore_mem>>) {add = true}
        %add3A_185 = arith.constant 0 : i32
        %add3A_186 = arith.addi %mul3A_89, %add3A_185 : i32
        %dma_wait3A_187 = arith.constant 0 : i32
        %dma_wait3A_188 = arith.constant 0 : i32
        %dma_wait3A_189 = arith.constant 0 : i32
        %dma_wait3A_190 = tpu.memref_slice %arg9[%dma_wait3A_187, %dma_wait3A_188, %dma_wait3A_189] : memref<4x64x128xf32, #tpu.memory_space<vmem>> -> memref<1x64x128xf32, #tpu.memory_space<vmem>>
        %dma_wait3A_191 = tpu.memref_squeeze %dma_wait3A_190 : memref<1x64x128xf32, #tpu.memory_space<vmem>> -> memref<64x128xf32, #tpu.memory_space<vmem>>
        %dma_wait3A_192 = arith.constant 0 : i32
        %dma_wait3A_193 = tpu.memref_slice %arg8[%add3A_186, %dma_wait3A_192] : memref<16x64xi32, #tpu.memory_space<vmem>> -> memref<1x64xi32, #tpu.memory_space<vmem>>
        %dma_wait3A_194 = tpu.memref_squeeze %dma_wait3A_193 : memref<1x64xi32, #tpu.memory_space<vmem>> -> memref<64xi32, #tpu.memory_space<vmem>>
        %dma_wait3A_195 = arith.constant 0 : i32
        %dma_wait3A_196 = arith.constant 0 : i32
        %dma_wait3A_197 = tpu.memref_slice %arg12[%dma_wait3A_195, %dma_wait3A_196] : memref<10112x128xf32, #tpu.memory_space<vmem_shared>> -> memref<10112x128xf32, #tpu.memory_space<vmem_shared>>
        tpu.wait_indirect_dma semaphore(%arg11 : memref<!tpu.dma_semaphore, #tpu.memory_space<semaphore_mem>>) src(%dma_wait3A_191 : memref<64x128xf32, #tpu.memory_space<vmem>>) dst(%dma_wait3A_197 : memref<10112x128xf32, #tpu.memory_space<vmem_shared>>)
        %add3A_198 = arith.constant 4 : i32
        %add3A_199 = arith.addi %add3A_186, %add3A_198 : i32
        %lt3A_200 = arith.constant 16 : i32
        %lt3A_201 = arith.cmpi slt, %add3A_199, %lt3A_200 : i32
        %convert_element_type3A_202 = arith.extui %lt3A_201 : i1 to i32
        %cond3A_203 = arith.constant 0 : i32
        %cond3A_204 = arith.cmpi ne, %convert_element_type3A_202, %cond3A_203 : i32
        scf.if %cond3A_204 {
          %add3A_265 = arith.constant 4 : i32
          %add3A_266 = arith.addi %add3A_186, %add3A_265 : i32
          %dma_start3A_267 = arith.constant 0 : i32
          %dma_start3A_268 = arith.constant 0 : i32
          %dma_start3A_269 = arith.constant 0 : i32
          %dma_start3A_270 = tpu.memref_slice %arg9[%dma_start3A_267, %dma_start3A_268, %dma_start3A_269] : memref<4x64x128xf32, #tpu.memory_space<vmem>> -> memref<1x64x128xf32, #tpu.memory_space<vmem>>
          %dma_start3A_271 = tpu.memref_squeeze %dma_start3A_270 : memref<1x64x128xf32, #tpu.memory_space<vmem>> -> memref<64x128xf32, #tpu.memory_space<vmem>>
          %dma_start3A_272 = arith.constant 0 : i32
          %dma_start3A_273 = tpu.memref_slice %arg7[%add3A_266, %dma_start3A_272] : memref<16x64xi32, #tpu.memory_space<vmem>> -> memref<1x64xi32, #tpu.memory_space<vmem>>
          %dma_start3A_274 = tpu.memref_squeeze %dma_start3A_273 : memref<1x64xi32, #tpu.memory_space<vmem>> -> memref<64xi32, #tpu.memory_space<vmem>>
          %dma_start3A_275 = arith.constant 0 : i32
          %dma_start3A_276 = arith.constant 0 : i32
          %dma_start3A_277 = tpu.memref_slice %arg2[%dma_start3A_275, %dma_start3A_276] : memref<10000x128xf32, #tpu.memory_space<hbm>> -> memref<10000x128xf32, #tpu.memory_space<hbm>>
          tpu.enqueue_indirect_dma source(%dma_start3A_277 : memref<10000x128xf32, #tpu.memory_space<hbm>>) target(%dma_start3A_271 : memref<64x128xf32, #tpu.memory_space<vmem>>) offsets(%dma_start3A_274 : memref<64xi32, #tpu.memory_space<vmem>>) semaphore(%arg10 : memref<!tpu.dma_semaphore, #tpu.memory_space<semaphore_mem>>)
        } else {
        }
        %add3A_205 = arith.constant 1 : i32
        %add3A_206 = arith.addi %mul3A_89, %add3A_205 : i32
        %dma_wait3A_207 = arith.constant 1 : i32
        %dma_wait3A_208 = arith.constant 0 : i32
        %dma_wait3A_209 = arith.constant 0 : i32
        %dma_wait3A_210 = tpu.memref_slice %arg9[%dma_wait3A_207, %dma_wait3A_208, %dma_wait3A_209] : memref<4x64x128xf32, #tpu.memory_space<vmem>> -> memref<1x64x128xf32, #tpu.memory_space<vmem>>
        %dma_wait3A_211 = tpu.memref_squeeze %dma_wait3A_210 : memref<1x64x128xf32, #tpu.memory_space<vmem>> -> memref<64x128xf32, #tpu.memory_space<vmem>>
        %dma_wait3A_212 = arith.constant 0 : i32
        %dma_wait3A_213 = tpu.memref_slice %arg8[%add3A_206, %dma_wait3A_212] : memref<16x64xi32, #tpu.memory_space<vmem>> -> memref<1x64xi32, #tpu.memory_space<vmem>>
        %dma_wait3A_214 = tpu.memref_squeeze %dma_wait3A_213 : memref<1x64xi32, #tpu.memory_space<vmem>> -> memref<64xi32, #tpu.memory_space<vmem>>
        %dma_wait3A_215 = arith.constant 0 : i32
        %dma_wait3A_216 = arith.constant 0 : i32
        %dma_wait3A_217 = tpu.memref_slice %arg12[%dma_wait3A_215, %dma_wait3A_216] : memref<10112x128xf32, #tpu.memory_space<vmem_shared>> -> memref<10112x128xf32, #tpu.memory_space<vmem_shared>>
        tpu.wait_indirect_dma semaphore(%arg11 : memref<!tpu.dma_semaphore, #tpu.memory_space<semaphore_mem>>) src(%dma_wait3A_211 : memref<64x128xf32, #tpu.memory_space<vmem>>) dst(%dma_wait3A_217 : memref<10112x128xf32, #tpu.memory_space<vmem_shared>>)
        %add3A_218 = arith.constant 4 : i32
        %add3A_219 = arith.addi %add3A_206, %add3A_218 : i32
        %lt3A_220 = arith.constant 16 : i32
        %lt3A_221 = arith.cmpi slt, %add3A_219, %lt3A_220 : i32
        %convert_element_type3A_222 = arith.extui %lt3A_221 : i1 to i32
        %cond3A_223 = arith.constant 0 : i32
        %cond3A_224 = arith.cmpi ne, %convert_element_type3A_222, %cond3A_223 : i32
        scf.if %cond3A_224 {
          %add3A_265 = arith.constant 4 : i32
          %add3A_266 = arith.addi %add3A_206, %add3A_265 : i32
          %dma_start3A_267 = arith.constant 1 : i32
          %dma_start3A_268 = arith.constant 0 : i32
          %dma_start3A_269 = arith.constant 0 : i32
          %dma_start3A_270 = tpu.memref_slice %arg9[%dma_start3A_267, %dma_start3A_268, %dma_start3A_269] : memref<4x64x128xf32, #tpu.memory_space<vmem>> -> memref<1x64x128xf32, #tpu.memory_space<vmem>>
          %dma_start3A_271 = tpu.memref_squeeze %dma_start3A_270 : memref<1x64x128xf32, #tpu.memory_space<vmem>> -> memref<64x128xf32, #tpu.memory_space<vmem>>
          %dma_start3A_272 = arith.constant 0 : i32
          %dma_start3A_273 = tpu.memref_slice %arg7[%add3A_266, %dma_start3A_272] : memref<16x64xi32, #tpu.memory_space<vmem>> -> memref<1x64xi32, #tpu.memory_space<vmem>>
          %dma_start3A_274 = tpu.memref_squeeze %dma_start3A_273 : memref<1x64xi32, #tpu.memory_space<vmem>> -> memref<64xi32, #tpu.memory_space<vmem>>
          %dma_start3A_275 = arith.constant 0 : i32
          %dma_start3A_276 = arith.constant 0 : i32
          %dma_start3A_277 = tpu.memref_slice %arg2[%dma_start3A_275, %dma_start3A_276] : memref<10000x128xf32, #tpu.memory_space<hbm>> -> memref<10000x128xf32, #tpu.memory_space<hbm>>
          tpu.enqueue_indirect_dma source(%dma_start3A_277 : memref<10000x128xf32, #tpu.memory_space<hbm>>) target(%dma_start3A_271 : memref<64x128xf32, #tpu.memory_space<vmem>>) offsets(%dma_start3A_274 : memref<64xi32, #tpu.memory_space<vmem>>) semaphore(%arg10 : memref<!tpu.dma_semaphore, #tpu.memory_space<semaphore_mem>>)
        } else {
        }
        %add3A_225 = arith.constant 2 : i32
        %add3A_226 = arith.addi %mul3A_89, %add3A_225 : i32
        %dma_wait3A_227 = arith.constant 2 : i32
        %dma_wait3A_228 = arith.constant 0 : i32
        %dma_wait3A_229 = arith.constant 0 : i32
        %dma_wait3A_230 = tpu.memref_slice %arg9[%dma_wait3A_227, %dma_wait3A_228, %dma_wait3A_229] : memref<4x64x128xf32, #tpu.memory_space<vmem>> -> memref<1x64x128xf32, #tpu.memory_space<vmem>>
        %dma_wait3A_231 = tpu.memref_squeeze %dma_wait3A_230 : memref<1x64x128xf32, #tpu.memory_space<vmem>> -> memref<64x128xf32, #tpu.memory_space<vmem>>
        %dma_wait3A_232 = arith.constant 0 : i32
        %dma_wait3A_233 = tpu.memref_slice %arg8[%add3A_226, %dma_wait3A_232] : memref<16x64xi32, #tpu.memory_space<vmem>> -> memref<1x64xi32, #tpu.memory_space<vmem>>
        %dma_wait3A_234 = tpu.memref_squeeze %dma_wait3A_233 : memref<1x64xi32, #tpu.memory_space<vmem>> -> memref<64xi32, #tpu.memory_space<vmem>>
        %dma_wait3A_235 = arith.constant 0 : i32
        %dma_wait3A_236 = arith.constant 0 : i32
        %dma_wait3A_237 = tpu.memref_slice %arg12[%dma_wait3A_235, %dma_wait3A_236] : memref<10112x128xf32, #tpu.memory_space<vmem_shared>> -> memref<10112x128xf32, #tpu.memory_space<vmem_shared>>
        tpu.wait_indirect_dma semaphore(%arg11 : memref<!tpu.dma_semaphore, #tpu.memory_space<semaphore_mem>>) src(%dma_wait3A_231 : memref<64x128xf32, #tpu.memory_space<vmem>>) dst(%dma_wait3A_237 : memref<10112x128xf32, #tpu.memory_space<vmem_shared>>)
        %add3A_238 = arith.constant 4 : i32
        %add3A_239 = arith.addi %add3A_226, %add3A_238 : i32
        %lt3A_240 = arith.constant 16 : i32
        %lt3A_241 = arith.cmpi slt, %add3A_239, %lt3A_240 : i32
        %convert_element_type3A_242 = arith.extui %lt3A_241 : i1 to i32
        %cond3A_243 = arith.constant 0 : i32
        %cond3A_244 = arith.cmpi ne, %convert_element_type3A_242, %cond3A_243 : i32
        scf.if %cond3A_244 {
          %add3A_265 = arith.constant 4 : i32
          %add3A_266 = arith.addi %add3A_226, %add3A_265 : i32
          %dma_start3A_267 = arith.constant 2 : i32
          %dma_start3A_268 = arith.constant 0 : i32
          %dma_start3A_269 = arith.constant 0 : i32
          %dma_start3A_270 = tpu.memref_slice %arg9[%dma_start3A_267, %dma_start3A_268, %dma_start3A_269] : memref<4x64x128xf32, #tpu.memory_space<vmem>> -> memref<1x64x128xf32, #tpu.memory_space<vmem>>
          %dma_start3A_271 = tpu.memref_squeeze %dma_start3A_270 : memref<1x64x128xf32, #tpu.memory_space<vmem>> -> memref<64x128xf32, #tpu.memory_space<vmem>>
          %dma_start3A_272 = arith.constant 0 : i32
          %dma_start3A_273 = tpu.memref_slice %arg7[%add3A_266, %dma_start3A_272] : memref<16x64xi32, #tpu.memory_space<vmem>> -> memref<1x64xi32, #tpu.memory_space<vmem>>
          %dma_start3A_274 = tpu.memref_squeeze %dma_start3A_273 : memref<1x64xi32, #tpu.memory_space<vmem>> -> memref<64xi32, #tpu.memory_space<vmem>>
          %dma_start3A_275 = arith.constant 0 : i32
          %dma_start3A_276 = arith.constant 0 : i32
          %dma_start3A_277 = tpu.memref_slice %arg2[%dma_start3A_275, %dma_start3A_276] : memref<10000x128xf32, #tpu.memory_space<hbm>> -> memref<10000x128xf32, #tpu.memory_space<hbm>>
          tpu.enqueue_indirect_dma source(%dma_start3A_277 : memref<10000x128xf32, #tpu.memory_space<hbm>>) target(%dma_start3A_271 : memref<64x128xf32, #tpu.memory_space<vmem>>) offsets(%dma_start3A_274 : memref<64xi32, #tpu.memory_space<vmem>>) semaphore(%arg10 : memref<!tpu.dma_semaphore, #tpu.memory_space<semaphore_mem>>)
        } else {
        }
        %add3A_245 = arith.constant 3 : i32
        %add3A_246 = arith.addi %mul3A_89, %add3A_245 : i32
        %dma_wait3A_247 = arith.constant 3 : i32
        %dma_wait3A_248 = arith.constant 0 : i32
        %dma_wait3A_249 = arith.constant 0 : i32
        %dma_wait3A_250 = tpu.memref_slice %arg9[%dma_wait3A_247, %dma_wait3A_248, %dma_wait3A_249] : memref<4x64x128xf32, #tpu.memory_space<vmem>> -> memref<1x64x128xf32, #tpu.memory_space<vmem>>
        %dma_wait3A_251 = tpu.memref_squeeze %dma_wait3A_250 : memref<1x64x128xf32, #tpu.memory_space<vmem>> -> memref<64x128xf32, #tpu.memory_space<vmem>>
        %dma_wait3A_252 = arith.constant 0 : i32
        %dma_wait3A_253 = tpu.memref_slice %arg8[%add3A_246, %dma_wait3A_252] : memref<16x64xi32, #tpu.memory_space<vmem>> -> memref<1x64xi32, #tpu.memory_space<vmem>>
        %dma_wait3A_254 = tpu.memref_squeeze %dma_wait3A_253 : memref<1x64xi32, #tpu.memory_space<vmem>> -> memref<64xi32, #tpu.memory_space<vmem>>
        %dma_wait3A_255 = arith.constant 0 : i32
        %dma_wait3A_256 = arith.constant 0 : i32
        %dma_wait3A_257 = tpu.memref_slice %arg12[%dma_wait3A_255, %dma_wait3A_256] : memref<10112x128xf32, #tpu.memory_space<vmem_shared>> -> memref<10112x128xf32, #tpu.memory_space<vmem_shared>>
        tpu.wait_indirect_dma semaphore(%arg11 : memref<!tpu.dma_semaphore, #tpu.memory_space<semaphore_mem>>) src(%dma_wait3A_251 : memref<64x128xf32, #tpu.memory_space<vmem>>) dst(%dma_wait3A_257 : memref<10112x128xf32, #tpu.memory_space<vmem_shared>>)
        %add3A_258 = arith.constant 4 : i32
        %add3A_259 = arith.addi %add3A_246, %add3A_258 : i32
        %lt3A_260 = arith.constant 16 : i32
        %lt3A_261 = arith.cmpi slt, %add3A_259, %lt3A_260 : i32
        %convert_element_type3A_262 = arith.extui %lt3A_261 : i1 to i32
        %cond3A_263 = arith.constant 0 : i32
        %cond3A_264 = arith.cmpi ne, %convert_element_type3A_262, %cond3A_263 : i32
        scf.if %cond3A_264 {
          %add3A_265 = arith.constant 4 : i32
          %add3A_266 = arith.addi %add3A_246, %add3A_265 : i32
          %dma_start3A_267 = arith.constant 3 : i32
          %dma_start3A_268 = arith.constant 0 : i32
          %dma_start3A_269 = arith.constant 0 : i32
          %dma_start3A_270 = tpu.memref_slice %arg9[%dma_start3A_267, %dma_start3A_268, %dma_start3A_269] : memref<4x64x128xf32, #tpu.memory_space<vmem>> -> memref<1x64x128xf32, #tpu.memory_space<vmem>>
          %dma_start3A_271 = tpu.memref_squeeze %dma_start3A_270 : memref<1x64x128xf32, #tpu.memory_space<vmem>> -> memref<64x128xf32, #tpu.memory_space<vmem>>
          %dma_start3A_272 = arith.constant 0 : i32
          %dma_start3A_273 = tpu.memref_slice %arg7[%add3A_266, %dma_start3A_272] : memref<16x64xi32, #tpu.memory_space<vmem>> -> memref<1x64xi32, #tpu.memory_space<vmem>>
          %dma_start3A_274 = tpu.memref_squeeze %dma_start3A_273 : memref<1x64xi32, #tpu.memory_space<vmem>> -> memref<64xi32, #tpu.memory_space<vmem>>
          %dma_start3A_275 = arith.constant 0 : i32
          %dma_start3A_276 = arith.constant 0 : i32
          %dma_start3A_277 = tpu.memref_slice %arg2[%dma_start3A_275, %dma_start3A_276] : memref<10000x128xf32, #tpu.memory_space<hbm>> -> memref<10000x128xf32, #tpu.memory_space<hbm>>
          tpu.enqueue_indirect_dma source(%dma_start3A_277 : memref<10000x128xf32, #tpu.memory_space<hbm>>) target(%dma_start3A_271 : memref<64x128xf32, #tpu.memory_space<vmem>>) offsets(%dma_start3A_274 : memref<64xi32, #tpu.memory_space<vmem>>) semaphore(%arg10 : memref<!tpu.dma_semaphore, #tpu.memory_space<semaphore_mem>>)
        } else {
        }
      }
      %scan3A_86 = arith.constant 4 : i32
    }
    %barrier3A_23 = arith.constant 0 : index
    tpu.barrier barrier_id(%barrier3A_23)
    %lt3A = arith.constant 15 : i32
    %lt3A_24 = arith.cmpi slt, %arg1, %lt3A : i32
    %convert_element_type3A = arith.extui %lt3A_24 : i1 to i32
    %cond3A = arith.constant 0 : i32
    %cond3A_25 = arith.cmpi ne, %convert_element_type3A, %cond3A : i32
    scf.if %cond3A_25 {
      %mul3A_31 = arith.constant 632 : i32
      %mul3A_32 = arith.muli %arg1, %mul3A_31 : i32
      %mul3A_33 = arith.constant 10000 : i32
      %mul3A_34 = arith.muli %arg0, %mul3A_33 : i32
      %add3A_35 = arith.addi %mul3A_34, %mul3A_32 : i32
      "tpu.region"() ({
        %run_scoped3A = tpu.sem_alloc : memref<!tpu.dma_semaphore, #tpu.memory_space<semaphore_mem>>
        %dma_start3A = arith.constant 0 : i32
        %dma_start3A_36 = tpu.memref_slice %arg6[%add3A_35, %dma_start3A] : memref<20000x128xf32, #tpu.memory_space<hbm>> -> memref<632x128xf32, #tpu.memory_space<hbm>>
        %dma_start3A_37 = arith.constant 0 : i32
        %dma_start3A_38 = tpu.memref_slice %arg12[%mul3A_32, %dma_start3A_37] : memref<10112x128xf32, #tpu.memory_space<vmem_shared>> -> memref<632x128xf32, #tpu.memory_space<vmem_shared>>
        tpu.enqueue_dma source(%dma_start3A_38 : memref<632x128xf32, #tpu.memory_space<vmem_shared>>) target(%dma_start3A_36 : memref<632x128xf32, #tpu.memory_space<hbm>>) target_semaphore(%run_scoped3A : memref<!tpu.dma_semaphore, #tpu.memory_space<semaphore_mem>>)
        %dma_wait3A = arith.constant 0 : i32
        %dma_wait3A_39 = tpu.memref_slice %arg6[%add3A_35, %dma_wait3A] : memref<20000x128xf32, #tpu.memory_space<hbm>> -> memref<632x128xf32, #tpu.memory_space<hbm>>
        %dma_wait3A_40 = arith.constant 0 : i32
        %dma_wait3A_41 = tpu.memref_slice %arg12[%mul3A_32, %dma_wait3A_40] : memref<10112x128xf32, #tpu.memory_space<vmem_shared>> -> memref<632x128xf32, #tpu.memory_space<vmem_shared>>
        tpu.wait_dma2 semaphore(%run_scoped3A : memref<!tpu.dma_semaphore, #tpu.memory_space<semaphore_mem>>) src(%dma_wait3A_41 : memref<632x128xf32, #tpu.memory_space<vmem_shared>>) dst(%dma_wait3A_39 : memref<632x128xf32, #tpu.memory_space<hbm>>)
        tpu.yield
      }) : () -> ()
    } else {
    }
    %eq3A_26 = arith.constant 15 : i32
    %eq3A_27 = arith.cmpi eq, %arg1, %eq3A_26 : i32
    %convert_element_type3A_28 = arith.extui %eq3A_27 : i1 to i32
    %cond3A_29 = arith.constant 0 : i32
    %cond3A_30 = arith.cmpi ne, %convert_element_type3A_28, %cond3A_29 : i32
    scf.if %cond3A_30 {
      %mul3A_31 = arith.constant 10000 : i32
      %mul3A_32 = arith.muli %arg0, %mul3A_31 : i32
      %add3A_33 = arith.constant 9480 : i32
      %add3A_34 = arith.addi %mul3A_32, %add3A_33 : i32
      "tpu.region"() ({
        %run_scoped3A = tpu.sem_alloc : memref<!tpu.dma_semaphore, #tpu.memory_space<semaphore_mem>>
        %dma_start3A = arith.constant 0 : i32
        %dma_start3A_35 = tpu.memref_slice %arg6[%add3A_34, %dma_start3A] : memref<20000x128xf32, #tpu.memory_space<hbm>> -> memref<520x128xf32, #tpu.memory_space<hbm>>
        %dma_start3A_36 = arith.constant 9480 : i32
        %dma_start3A_37 = arith.constant 0 : i32
        %dma_start3A_38 = tpu.memref_slice %arg12[%dma_start3A_36, %dma_start3A_37] : memref<10112x128xf32, #tpu.memory_space<vmem_shared>> -> memref<520x128xf32, #tpu.memory_space<vmem_shared>>
        tpu.enqueue_dma source(%dma_start3A_38 : memref<520x128xf32, #tpu.memory_space<vmem_shared>>) target(%dma_start3A_35 : memref<520x128xf32, #tpu.memory_space<hbm>>) target_semaphore(%run_scoped3A : memref<!tpu.dma_semaphore, #tpu.memory_space<semaphore_mem>>)
        %dma_wait3A = arith.constant 0 : i32
        %dma_wait3A_39 = tpu.memref_slice %arg6[%add3A_34, %dma_wait3A] : memref<20000x128xf32, #tpu.memory_space<hbm>> -> memref<520x128xf32, #tpu.memory_space<hbm>>
        %dma_wait3A_40 = arith.constant 9480 : i32
        %dma_wait3A_41 = arith.constant 0 : i32
        %dma_wait3A_42 = tpu.memref_slice %arg12[%dma_wait3A_40, %dma_wait3A_41] : memref<10112x128xf32, #tpu.memory_space<vmem_shared>> -> memref<520x128xf32, #tpu.memory_space<vmem_shared>>
        tpu.wait_dma2 semaphore(%run_scoped3A : memref<!tpu.dma_semaphore, #tpu.memory_space<semaphore_mem>>) src(%dma_wait3A_42 : memref<520x128xf32, #tpu.memory_space<vmem_shared>>) dst(%dma_wait3A_39 : memref<520x128xf32, #tpu.memory_space<hbm>>)
        tpu.yield
      }) : () -> ()
    } else {
    }
    return
  }
}

#map = affine_map<(d0, d1) -> (0, 0)>
module attributes {stable_mosaic.version = 14 : i64} {
  func.func @seg_sum(%arg0: i32, %arg1: i32, %arg2: memref<10000x128xf32, #tpu.memory_space<hbm>>, %arg3: memref<5120x64xi32, #tpu.memory_space<hbm>>, %arg4: memref<5120x64xi32, #tpu.memory_space<hbm>>, %arg5: memref<632x128xf32, #tpu.memory_space<hbm>>, %arg6: memref<20000x128xf32, #tpu.memory_space<hbm>>, %arg7: memref<16x64xi32, #tpu.memory_space<vmem>>, %arg8: memref<16x64xi32, #tpu.memory_space<vmem>>, %arg9: memref<4x64x128xf32, #tpu.memory_space<vmem>>, %arg10: memref<!tpu.dma_semaphore, #tpu.memory_space<semaphore_mem>>, %arg11: memref<!tpu.dma_semaphore, #tpu.memory_space<semaphore_mem>>, %arg12: memref<10112x128xf32, #tpu.memory_space<vmem_shared>>) attributes {dimension_semantics = [#tpu.dimension_semantics<core_parallel>, #tpu.dimension_semantics<subcore_parallel>], iteration_bounds = array<i64: 2, 16>, scalar_prefetch = 0 : i64, scratch_operands = 6 : i64, tpu.core_type = #tpu.core_type<sc_vector_subcore>, window_params = [{transform_indices = #map}, {transform_indices = #map}, {transform_indices = #map}, {transform_indices = #map}, {transform_indices = #map}]} {
    %mul3A = arith.constant 2 : i32
    %mul3A_0 = arith.muli %arg1, %mul3A : i32
    %add3A = arith.addi %mul3A_0, %arg0 : i32
    %mul3A_1 = arith.constant 632 : i32
    %mul3A_2 = arith.muli %arg1, %mul3A_1 : i32
    "tpu.region"() ({
      %run_scoped3A = tpu.sem_alloc : memref<!tpu.dma_semaphore, #tpu.memory_space<semaphore_mem>>
      %dma_start3A = arith.constant 0 : i32
      %dma_start3A_31 = tpu.memref_slice %arg12[%mul3A_2, %dma_start3A] : memref<10112x128xf32, #tpu.memory_space<vmem_shared>> -> memref<632x128xf32, #tpu.memory_space<vmem_shared>>
      tpu.enqueue_dma source(%arg5 : memref<632x128xf32, #tpu.memory_space<hbm>>) target(%dma_start3A_31 : memref<632x128xf32, #tpu.memory_space<vmem_shared>>) target_semaphore(%run_scoped3A : memref<!tpu.dma_semaphore, #tpu.memory_space<semaphore_mem>>)
      %dma_wait3A = arith.constant 0 : i32
      %dma_wait3A_32 = tpu.memref_slice %arg12[%mul3A_2, %dma_wait3A] : memref<10112x128xf32, #tpu.memory_space<vmem_shared>> -> memref<632x128xf32, #tpu.memory_space<vmem_shared>>
      tpu.wait_dma2 semaphore(%run_scoped3A : memref<!tpu.dma_semaphore, #tpu.memory_space<semaphore_mem>>) src(%arg5 : memref<632x128xf32, #tpu.memory_space<hbm>>) dst(%dma_wait3A_32 : memref<632x128xf32, #tpu.memory_space<vmem_shared>>)
      tpu.yield
    }) : () -> ()
    %barrier3A = arith.constant 0 : index
    tpu.barrier barrier_id(%barrier3A)
    %eq3A = arith.constant 0 : i32
    %eq3A_3 = arith.cmpi eq, %arg0, %eq3A : i32
    %mul3A_4 = arith.constant 304 : i32
    %mul3A_5 = arith.muli %arg1, %mul3A_4 : i32
    %mul3A_6 = arith.constant 16 : i32
    %mul3A_7 = arith.muli %arg1, %mul3A_6 : i32
    %add3A_8 = arith.constant 4864 : i32
    %add3A_9 = arith.addi %add3A_8, %mul3A_7 : i32
    %select_n3A = arith.select %eq3A_3, %mul3A_5, %add3A_9 : i32
    %eq3A_10 = arith.constant 0 : i32
    %eq3A_11 = arith.cmpi eq, %arg0, %eq3A_10 : i32
    %jit3A = arith.constant 19 : i32
    %jit3A_12 = arith.constant 1 : i32
    %select_n3A_13 = arith.select %eq3A_11, %jit3A, %jit3A_12 : i32
    %while3A = arith.constant 0 : i32
    %while3A_14 = arith.constant 0 : i32
    %while3A_15 = arith.subi %select_n3A_13, %while3A_14 : i32
    %while3A_16 = arith.addi %while3A_14, %while3A_15 : i32
    %while3A_17 = arith.constant 1 : i32
    %while3A_18 = arith.divsi %while3A_15, %while3A_17 : i32
    %while3A_19 = arith.muli %while3A_18, %while3A_17 : i32
    %while3A_20 = arith.addi %while3A_14, %while3A_19 : i32
    %while3A_21 = arith.constant 1 : i32
    scf.for %while3A_31 = %while3A_14 to %while3A_20 step %while3A_21  : i32 {
      %mul3A_32 = arith.constant 16 : i32
      %mul3A_33 = arith.muli %while3A_31, %mul3A_32 : i32
      %add3A_34 = arith.addi %select_n3A, %mul3A_33 : i32
      "tpu.region"() ({
        %run_scoped3A = tpu.sem_alloc : memref<!tpu.dma_semaphore, #tpu.memory_space<semaphore_mem>>
        %dma_start3A_87 = arith.constant 0 : i32
        %dma_start3A_88 = tpu.memref_slice %arg3[%add3A_34, %dma_start3A_87] : memref<5120x64xi32, #tpu.memory_space<hbm>> -> memref<16x64xi32, #tpu.memory_space<hbm>>
        %dma_start3A_89 = arith.constant 0 : i32
        %dma_start3A_90 = tpu.memref_slice %arg3[%add3A_34, %dma_start3A_89] : memref<5120x64xi32, #tpu.memory_space<hbm>> -> memref<16x64xi32, #tpu.memory_space<hbm>>
        tpu.enqueue_dma source(%dma_start3A_90 : memref<16x64xi32, #tpu.memory_space<hbm>>) target(%arg7 : memref<16x64xi32, #tpu.memory_space<vmem>>) target_semaphore(%run_scoped3A : memref<!tpu.dma_semaphore, #tpu.memory_space<semaphore_mem>>)
        %dma_wait3A = arith.constant 0 : i32
        %dma_wait3A_91 = tpu.memref_slice %arg3[%add3A_34, %dma_wait3A] : memref<5120x64xi32, #tpu.memory_space<hbm>> -> memref<16x64xi32, #tpu.memory_space<hbm>>
        %dma_wait3A_92 = arith.constant 0 : i32
        %dma_wait3A_93 = tpu.memref_slice %arg3[%add3A_34, %dma_wait3A_92] : memref<5120x64xi32, #tpu.memory_space<hbm>> -> memref<16x64xi32, #tpu.memory_space<hbm>>
        tpu.wait_dma2 semaphore(%run_scoped3A : memref<!tpu.dma_semaphore, #tpu.memory_space<semaphore_mem>>) src(%dma_wait3A_93 : memref<16x64xi32, #tpu.memory_space<hbm>>) dst(%arg7 : memref<16x64xi32, #tpu.memory_space<vmem>>)
        tpu.yield
      }) : () -> ()
      "tpu.region"() ({
        %run_scoped3A = tpu.sem_alloc : memref<!tpu.dma_semaphore, #tpu.memory_space<semaphore_mem>>
        %dma_start3A_87 = arith.constant 0 : i32
        %dma_start3A_88 = tpu.memref_slice %arg4[%add3A_34, %dma_start3A_87] : memref<5120x64xi32, #tpu.memory_space<hbm>> -> memref<16x64xi32, #tpu.memory_space<hbm>>
        %dma_start3A_89 = arith.constant 0 : i32
        %dma_start3A_90 = tpu.memref_slice %arg4[%add3A_34, %dma_start3A_89] : memref<5120x64xi32, #tpu.memory_space<hbm>> -> memref<16x64xi32, #tpu.memory_space<hbm>>
        tpu.enqueue_dma source(%dma_start3A_90 : memref<16x64xi32, #tpu.memory_space<hbm>>) target(%arg8 : memref<16x64xi32, #tpu.memory_space<vmem>>) target_semaphore(%run_scoped3A : memref<!tpu.dma_semaphore, #tpu.memory_space<semaphore_mem>>)
        %dma_wait3A = arith.constant 0 : i32
        %dma_wait3A_91 = tpu.memref_slice %arg4[%add3A_34, %dma_wait3A] : memref<5120x64xi32, #tpu.memory_space<hbm>> -> memref<16x64xi32, #tpu.memory_space<hbm>>
        %dma_wait3A_92 = arith.constant 0 : i32
        %dma_wait3A_93 = tpu.memref_slice %arg4[%add3A_34, %dma_wait3A_92] : memref<5120x64xi32, #tpu.memory_space<hbm>> -> memref<16x64xi32, #tpu.memory_space<hbm>>
        tpu.wait_dma2 semaphore(%run_scoped3A : memref<!tpu.dma_semaphore, #tpu.memory_space<semaphore_mem>>) src(%dma_wait3A_93 : memref<16x64xi32, #tpu.memory_space<hbm>>) dst(%arg8 : memref<16x64xi32, #tpu.memory_space<vmem>>)
        tpu.yield
      }) : () -> ()
      %dma_start3A = arith.constant 0 : i32
      %dma_start3A_35 = arith.constant 0 : i32
      %dma_start3A_36 = arith.constant 0 : i32
      %dma_start3A_37 = arith.constant 0 : i32
      %dma_start3A_38 = tpu.memref_slice %arg9[%dma_start3A_35, %dma_start3A_36, %dma_start3A_37] : memref<4x64x128xf32, #tpu.memory_space<vmem>> -> memref<1x64x128xf32, #tpu.memory_space<vmem>>
      %dma_start3A_39 = tpu.memref_squeeze %dma_start3A_38 : memref<1x64x128xf32, #tpu.memory_space<vmem>> -> memref<64x128xf32, #tpu.memory_space<vmem>>
      %dma_start3A_40 = arith.constant 0 : i32
      %dma_start3A_41 = tpu.memref_slice %arg7[%dma_start3A, %dma_start3A_40] : memref<16x64xi32, #tpu.memory_space<vmem>> -> memref<1x64xi32, #tpu.memory_space<vmem>>
      %dma_start3A_42 = tpu.memref_squeeze %dma_start3A_41 : memref<1x64xi32, #tpu.memory_space<vmem>> -> memref<64xi32, #tpu.memory_space<vmem>>
      %dma_start3A_43 = arith.constant 0 : i32
      %dma_start3A_44 = arith.constant 0 : i32
      %dma_start3A_45 = tpu.memref_slice %arg2[%dma_start3A_43, %dma_start3A_44] : memref<10000x128xf32, #tpu.memory_space<hbm>> -> memref<10000x128xf32, #tpu.memory_space<hbm>>
      tpu.enqueue_indirect_dma source(%dma_start3A_45 : memref<10000x128xf32, #tpu.memory_space<hbm>>) target(%dma_start3A_39 : memref<64x128xf32, #tpu.memory_space<vmem>>) offsets(%dma_start3A_42 : memref<64xi32, #tpu.memory_space<vmem>>) semaphore(%arg10 : memref<!tpu.dma_semaphore, #tpu.memory_space<semaphore_mem>>)
      %dma_start3A_46 = arith.constant 1 : i32
      %dma_start3A_47 = arith.constant 1 : i32
      %dma_start3A_48 = arith.constant 0 : i32
      %dma_start3A_49 = arith.constant 0 : i32
      %dma_start3A_50 = tpu.memref_slice %arg9[%dma_start3A_47, %dma_start3A_48, %dma_start3A_49] : memref<4x64x128xf32, #tpu.memory_space<vmem>> -> memref<1x64x128xf32, #tpu.memory_space<vmem>>
      %dma_start3A_51 = tpu.memref_squeeze %dma_start3A_50 : memref<1x64x128xf32, #tpu.memory_space<vmem>> -> memref<64x128xf32, #tpu.memory_space<vmem>>
      %dma_start3A_52 = arith.constant 0 : i32
      %dma_start3A_53 = tpu.memref_slice %arg7[%dma_start3A_46, %dma_start3A_52] : memref<16x64xi32, #tpu.memory_space<vmem>> -> memref<1x64xi32, #tpu.memory_space<vmem>>
      %dma_start3A_54 = tpu.memref_squeeze %dma_start3A_53 : memref<1x64xi32, #tpu.memory_space<vmem>> -> memref<64xi32, #tpu.memory_space<vmem>>
      %dma_start3A_55 = arith.constant 0 : i32
      %dma_start3A_56 = arith.constant 0 : i32
      %dma_start3A_57 = tpu.memref_slice %arg2[%dma_start3A_55, %dma_start3A_56] : memref<10000x128xf32, #tpu.memory_space<hbm>> -> memref<10000x128xf32, #tpu.memory_space<hbm>>
      tpu.enqueue_indirect_dma source(%dma_start3A_57 : memref<10000x128xf32, #tpu.memory_space<hbm>>) target(%dma_start3A_51 : memref<64x128xf32, #tpu.memory_space<vmem>>) offsets(%dma_start3A_54 : memref<64xi32, #tpu.memory_space<vmem>>) semaphore(%arg10 : memref<!tpu.dma_semaphore, #tpu.memory_space<semaphore_mem>>)
      %dma_start3A_58 = arith.constant 2 : i32
      %dma_start3A_59 = arith.constant 2 : i32
      %dma_start3A_60 = arith.constant 0 : i32
      %dma_start3A_61 = arith.constant 0 : i32
      %dma_start3A_62 = tpu.memref_slice %arg9[%dma_start3A_59, %dma_start3A_60, %dma_start3A_61] : memref<4x64x128xf32, #tpu.memory_space<vmem>> -> memref<1x64x128xf32, #tpu.memory_space<vmem>>
      %dma_start3A_63 = tpu.memref_squeeze %dma_start3A_62 : memref<1x64x128xf32, #tpu.memory_space<vmem>> -> memref<64x128xf32, #tpu.memory_space<vmem>>
      %dma_start3A_64 = arith.constant 0 : i32
      %dma_start3A_65 = tpu.memref_slice %arg7[%dma_start3A_58, %dma_start3A_64] : memref<16x64xi32, #tpu.memory_space<vmem>> -> memref<1x64xi32, #tpu.memory_space<vmem>>
      %dma_start3A_66 = tpu.memref_squeeze %dma_start3A_65 : memref<1x64xi32, #tpu.memory_space<vmem>> -> memref<64xi32, #tpu.memory_space<vmem>>
      %dma_start3A_67 = arith.constant 0 : i32
      %dma_start3A_68 = arith.constant 0 : i32
      %dma_start3A_69 = tpu.memref_slice %arg2[%dma_start3A_67, %dma_start3A_68] : memref<10000x128xf32, #tpu.memory_space<hbm>> -> memref<10000x128xf32, #tpu.memory_space<hbm>>
      tpu.enqueue_indirect_dma source(%dma_start3A_69 : memref<10000x128xf32, #tpu.memory_space<hbm>>) target(%dma_start3A_63 : memref<64x128xf32, #tpu.memory_space<vmem>>) offsets(%dma_start3A_66 : memref<64xi32, #tpu.memory_space<vmem>>) semaphore(%arg10 : memref<!tpu.dma_semaphore, #tpu.memory_space<semaphore_mem>>)
      %dma_start3A_70 = arith.constant 3 : i32
      %dma_start3A_71 = arith.constant 3 : i32
      %dma_start3A_72 = arith.constant 0 : i32
      %dma_start3A_73 = arith.constant 0 : i32
      %dma_start3A_74 = tpu.memref_slice %arg9[%dma_start3A_71, %dma_start3A_72, %dma_start3A_73] : memref<4x64x128xf32, #tpu.memory_space<vmem>> -> memref<1x64x128xf32, #tpu.memory_space<vmem>>
      %dma_start3A_75 = tpu.memref_squeeze %dma_start3A_74 : memref<1x64x128xf32, #tpu.memory_space<vmem>> -> memref<64x128xf32, #tpu.memory_space<vmem>>
      %dma_start3A_76 = arith.constant 0 : i32
      %dma_start3A_77 = tpu.memref_slice %arg7[%dma_start3A_70, %dma_start3A_76] : memref<16x64xi32, #tpu.memory_space<vmem>> -> memref<1x64xi32, #tpu.memory_space<vmem>>
      %dma_start3A_78 = tpu.memref_squeeze %dma_start3A_77 : memref<1x64xi32, #tpu.memory_space<vmem>> -> memref<64xi32, #tpu.memory_space<vmem>>
      %dma_start3A_79 = arith.constant 0 : i32
      %dma_start3A_80 = arith.constant 0 : i32
      %dma_start3A_81 = tpu.memref_slice %arg2[%dma_start3A_79, %dma_start3A_80] : memref<10000x128xf32, #tpu.memory_space<hbm>> -> memref<10000x128xf32, #tpu.memory_space<hbm>>
      tpu.enqueue_indirect_dma source(%dma_start3A_81 : memref<10000x128xf32, #tpu.memory_space<hbm>>) target(%dma_start3A_75 : memref<64x128xf32, #tpu.memory_space<vmem>>) offsets(%dma_start3A_78 : memref<64xi32, #tpu.memory_space<vmem>>) semaphore(%arg10 : memref<!tpu.dma_semaphore, #tpu.memory_space<semaphore_mem>>)
      %scan3A = arith.constant 0 : i32
      %scan3A_82 = arith.constant 0 : i32
      %scan3A_83 = arith.constant 4 : i32
      %scan3A_84 = arith.addi %scan3A_82, %scan3A_83 : i32
      %scan3A_85 = arith.constant 1 : i32
      scf.for %scan3A_87 = %scan3A_82 to %scan3A_84 step %scan3A_85  : i32 {
        %mul3A_88 = arith.constant 4 : i32
        %mul3A_89 = arith.muli %scan3A_87, %mul3A_88 : i32
        %add3A_90 = arith.constant 0 : i32
        %add3A_91 = arith.addi %mul3A_89, %add3A_90 : i32
        %dma_wait3A = arith.constant 0 : i32
        %dma_wait3A_92 = arith.constant 0 : i32
        %dma_wait3A_93 = arith.constant 0 : i32
        %dma_wait3A_94 = tpu.memref_slice %arg9[%dma_wait3A, %dma_wait3A_92, %dma_wait3A_93] : memref<4x64x128xf32, #tpu.memory_space<vmem>> -> memref<1x64x128xf32, #tpu.memory_space<vmem>>
        %dma_wait3A_95 = tpu.memref_squeeze %dma_wait3A_94 : memref<1x64x128xf32, #tpu.memory_space<vmem>> -> memref<64x128xf32, #tpu.memory_space<vmem>>
        %dma_wait3A_96 = arith.constant 0 : i32
        %dma_wait3A_97 = tpu.memref_slice %arg7[%add3A_91, %dma_wait3A_96] : memref<16x64xi32, #tpu.memory_space<vmem>> -> memref<1x64xi32, #tpu.memory_space<vmem>>
        %dma_wait3A_98 = tpu.memref_squeeze %dma_wait3A_97 : memref<1x64xi32, #tpu.memory_space<vmem>> -> memref<64xi32, #tpu.memory_space<vmem>>
        %dma_wait3A_99 = arith.constant 0 : i32
        %dma_wait3A_100 = arith.constant 0 : i32
        %dma_wait3A_101 = tpu.memref_slice %arg2[%dma_wait3A_99, %dma_wait3A_100] : memref<10000x128xf32, #tpu.memory_space<hbm>> -> memref<10000x128xf32, #tpu.memory_space<hbm>>
        tpu.wait_indirect_dma semaphore(%arg10 : memref<!tpu.dma_semaphore, #tpu.memory_space<semaphore_mem>>) src(%dma_wait3A_101 : memref<10000x128xf32, #tpu.memory_space<hbm>>) dst(%dma_wait3A_95 : memref<64x128xf32, #tpu.memory_space<vmem>>)
        %dma_start3A_102 = arith.constant 0 : i32
        %dma_start3A_103 = arith.constant 0 : i32
        %dma_start3A_104 = arith.constant 0 : i32
        %dma_start3A_105 = tpu.memref_slice %arg9[%dma_start3A_102, %dma_start3A_103, %dma_start3A_104] : memref<4x64x128xf32, #tpu.memory_space<vmem>> -> memref<1x64x128xf32, #tpu.memory_space<vmem>>
        %dma_start3A_106 = tpu.memref_squeeze %dma_start3A_105 : memref<1x64x128xf32, #tpu.memory_space<vmem>> -> memref<64x128xf32, #tpu.memory_space<vmem>>
        %dma_start3A_107 = arith.constant 0 : i32
        %dma_start3A_108 = tpu.memref_slice %arg8[%add3A_91, %dma_start3A_107] : memref<16x64xi32, #tpu.memory_space<vmem>> -> memref<1x64xi32, #tpu.memory_space<vmem>>
        %dma_start3A_109 = tpu.memref_squeeze %dma_start3A_108 : memref<1x64xi32, #tpu.memory_space<vmem>> -> memref<64xi32, #tpu.memory_space<vmem>>
        %dma_start3A_110 = arith.constant 0 : i32
        %dma_start3A_111 = arith.constant 0 : i32
        %dma_start3A_112 = tpu.memref_slice %arg12[%dma_start3A_110, %dma_start3A_111] : memref<10112x128xf32, #tpu.memory_space<vmem_shared>> -> memref<10112x128xf32, #tpu.memory_space<vmem_shared>>
        tpu.enqueue_indirect_dma source(%dma_start3A_106 : memref<64x128xf32, #tpu.memory_space<vmem>>) target(%dma_start3A_112 : memref<10112x128xf32, #tpu.memory_space<vmem_shared>>) offsets(%dma_start3A_109 : memref<64xi32, #tpu.memory_space<vmem>>) semaphore(%arg11 : memref<!tpu.dma_semaphore, #tpu.memory_space<semaphore_mem>>) {add = true}
        %add3A_113 = arith.constant 1 : i32
        %add3A_114 = arith.addi %mul3A_89, %add3A_113 : i32
        %dma_wait3A_115 = arith.constant 1 : i32
        %dma_wait3A_116 = arith.constant 0 : i32
        %dma_wait3A_117 = arith.constant 0 : i32
        %dma_wait3A_118 = tpu.memref_slice %arg9[%dma_wait3A_115, %dma_wait3A_116, %dma_wait3A_117] : memref<4x64x128xf32, #tpu.memory_space<vmem>> -> memref<1x64x128xf32, #tpu.memory_space<vmem>>
        %dma_wait3A_119 = tpu.memref_squeeze %dma_wait3A_118 : memref<1x64x128xf32, #tpu.memory_space<vmem>> -> memref<64x128xf32, #tpu.memory_space<vmem>>
        %dma_wait3A_120 = arith.constant 0 : i32
        %dma_wait3A_121 = tpu.memref_slice %arg7[%add3A_114, %dma_wait3A_120] : memref<16x64xi32, #tpu.memory_space<vmem>> -> memref<1x64xi32, #tpu.memory_space<vmem>>
        %dma_wait3A_122 = tpu.memref_squeeze %dma_wait3A_121 : memref<1x64xi32, #tpu.memory_space<vmem>> -> memref<64xi32, #tpu.memory_space<vmem>>
        %dma_wait3A_123 = arith.constant 0 : i32
        %dma_wait3A_124 = arith.constant 0 : i32
        %dma_wait3A_125 = tpu.memref_slice %arg2[%dma_wait3A_123, %dma_wait3A_124] : memref<10000x128xf32, #tpu.memory_space<hbm>> -> memref<10000x128xf32, #tpu.memory_space<hbm>>
        tpu.wait_indirect_dma semaphore(%arg10 : memref<!tpu.dma_semaphore, #tpu.memory_space<semaphore_mem>>) src(%dma_wait3A_125 : memref<10000x128xf32, #tpu.memory_space<hbm>>) dst(%dma_wait3A_119 : memref<64x128xf32, #tpu.memory_space<vmem>>)
        %dma_start3A_126 = arith.constant 1 : i32
        %dma_start3A_127 = arith.constant 0 : i32
        %dma_start3A_128 = arith.constant 0 : i32
        %dma_start3A_129 = tpu.memref_slice %arg9[%dma_start3A_126, %dma_start3A_127, %dma_start3A_128] : memref<4x64x128xf32, #tpu.memory_space<vmem>> -> memref<1x64x128xf32, #tpu.memory_space<vmem>>
        %dma_start3A_130 = tpu.memref_squeeze %dma_start3A_129 : memref<1x64x128xf32, #tpu.memory_space<vmem>> -> memref<64x128xf32, #tpu.memory_space<vmem>>
        %dma_start3A_131 = arith.constant 0 : i32
        %dma_start3A_132 = tpu.memref_slice %arg8[%add3A_114, %dma_start3A_131] : memref<16x64xi32, #tpu.memory_space<vmem>> -> memref<1x64xi32, #tpu.memory_space<vmem>>
        %dma_start3A_133 = tpu.memref_squeeze %dma_start3A_132 : memref<1x64xi32, #tpu.memory_space<vmem>> -> memref<64xi32, #tpu.memory_space<vmem>>
        %dma_start3A_134 = arith.constant 0 : i32
        %dma_start3A_135 = arith.constant 0 : i32
        %dma_start3A_136 = tpu.memref_slice %arg12[%dma_start3A_134, %dma_start3A_135] : memref<10112x128xf32, #tpu.memory_space<vmem_shared>> -> memref<10112x128xf32, #tpu.memory_space<vmem_shared>>
        tpu.enqueue_indirect_dma source(%dma_start3A_130 : memref<64x128xf32, #tpu.memory_space<vmem>>) target(%dma_start3A_136 : memref<10112x128xf32, #tpu.memory_space<vmem_shared>>) offsets(%dma_start3A_133 : memref<64xi32, #tpu.memory_space<vmem>>) semaphore(%arg11 : memref<!tpu.dma_semaphore, #tpu.memory_space<semaphore_mem>>) {add = true}
        %add3A_137 = arith.constant 2 : i32
        %add3A_138 = arith.addi %mul3A_89, %add3A_137 : i32
        %dma_wait3A_139 = arith.constant 2 : i32
        %dma_wait3A_140 = arith.constant 0 : i32
        %dma_wait3A_141 = arith.constant 0 : i32
        %dma_wait3A_142 = tpu.memref_slice %arg9[%dma_wait3A_139, %dma_wait3A_140, %dma_wait3A_141] : memref<4x64x128xf32, #tpu.memory_space<vmem>> -> memref<1x64x128xf32, #tpu.memory_space<vmem>>
        %dma_wait3A_143 = tpu.memref_squeeze %dma_wait3A_142 : memref<1x64x128xf32, #tpu.memory_space<vmem>> -> memref<64x128xf32, #tpu.memory_space<vmem>>
        %dma_wait3A_144 = arith.constant 0 : i32
        %dma_wait3A_145 = tpu.memref_slice %arg7[%add3A_138, %dma_wait3A_144] : memref<16x64xi32, #tpu.memory_space<vmem>> -> memref<1x64xi32, #tpu.memory_space<vmem>>
        %dma_wait3A_146 = tpu.memref_squeeze %dma_wait3A_145 : memref<1x64xi32, #tpu.memory_space<vmem>> -> memref<64xi32, #tpu.memory_space<vmem>>
        %dma_wait3A_147 = arith.constant 0 : i32
        %dma_wait3A_148 = arith.constant 0 : i32
        %dma_wait3A_149 = tpu.memref_slice %arg2[%dma_wait3A_147, %dma_wait3A_148] : memref<10000x128xf32, #tpu.memory_space<hbm>> -> memref<10000x128xf32, #tpu.memory_space<hbm>>
        tpu.wait_indirect_dma semaphore(%arg10 : memref<!tpu.dma_semaphore, #tpu.memory_space<semaphore_mem>>) src(%dma_wait3A_149 : memref<10000x128xf32, #tpu.memory_space<hbm>>) dst(%dma_wait3A_143 : memref<64x128xf32, #tpu.memory_space<vmem>>)
        %dma_start3A_150 = arith.constant 2 : i32
        %dma_start3A_151 = arith.constant 0 : i32
        %dma_start3A_152 = arith.constant 0 : i32
        %dma_start3A_153 = tpu.memref_slice %arg9[%dma_start3A_150, %dma_start3A_151, %dma_start3A_152] : memref<4x64x128xf32, #tpu.memory_space<vmem>> -> memref<1x64x128xf32, #tpu.memory_space<vmem>>
        %dma_start3A_154 = tpu.memref_squeeze %dma_start3A_153 : memref<1x64x128xf32, #tpu.memory_space<vmem>> -> memref<64x128xf32, #tpu.memory_space<vmem>>
        %dma_start3A_155 = arith.constant 0 : i32
        %dma_start3A_156 = tpu.memref_slice %arg8[%add3A_138, %dma_start3A_155] : memref<16x64xi32, #tpu.memory_space<vmem>> -> memref<1x64xi32, #tpu.memory_space<vmem>>
        %dma_start3A_157 = tpu.memref_squeeze %dma_start3A_156 : memref<1x64xi32, #tpu.memory_space<vmem>> -> memref<64xi32, #tpu.memory_space<vmem>>
        %dma_start3A_158 = arith.constant 0 : i32
        %dma_start3A_159 = arith.constant 0 : i32
        %dma_start3A_160 = tpu.memref_slice %arg12[%dma_start3A_158, %dma_start3A_159] : memref<10112x128xf32, #tpu.memory_space<vmem_shared>> -> memref<10112x128xf32, #tpu.memory_space<vmem_shared>>
        tpu.enqueue_indirect_dma source(%dma_start3A_154 : memref<64x128xf32, #tpu.memory_space<vmem>>) target(%dma_start3A_160 : memref<10112x128xf32, #tpu.memory_space<vmem_shared>>) offsets(%dma_start3A_157 : memref<64xi32, #tpu.memory_space<vmem>>) semaphore(%arg11 : memref<!tpu.dma_semaphore, #tpu.memory_space<semaphore_mem>>) {add = true}
        %add3A_161 = arith.constant 3 : i32
        %add3A_162 = arith.addi %mul3A_89, %add3A_161 : i32
        %dma_wait3A_163 = arith.constant 3 : i32
        %dma_wait3A_164 = arith.constant 0 : i32
        %dma_wait3A_165 = arith.constant 0 : i32
        %dma_wait3A_166 = tpu.memref_slice %arg9[%dma_wait3A_163, %dma_wait3A_164, %dma_wait3A_165] : memref<4x64x128xf32, #tpu.memory_space<vmem>> -> memref<1x64x128xf32, #tpu.memory_space<vmem>>
        %dma_wait3A_167 = tpu.memref_squeeze %dma_wait3A_166 : memref<1x64x128xf32, #tpu.memory_space<vmem>> -> memref<64x128xf32, #tpu.memory_space<vmem>>
        %dma_wait3A_168 = arith.constant 0 : i32
        %dma_wait3A_169 = tpu.memref_slice %arg7[%add3A_162, %dma_wait3A_168] : memref<16x64xi32, #tpu.memory_space<vmem>> -> memref<1x64xi32, #tpu.memory_space<vmem>>
        %dma_wait3A_170 = tpu.memref_squeeze %dma_wait3A_169 : memref<1x64xi32, #tpu.memory_space<vmem>> -> memref<64xi32, #tpu.memory_space<vmem>>
        %dma_wait3A_171 = arith.constant 0 : i32
        %dma_wait3A_172 = arith.constant 0 : i32
        %dma_wait3A_173 = tpu.memref_slice %arg2[%dma_wait3A_171, %dma_wait3A_172] : memref<10000x128xf32, #tpu.memory_space<hbm>> -> memref<10000x128xf32, #tpu.memory_space<hbm>>
        tpu.wait_indirect_dma semaphore(%arg10 : memref<!tpu.dma_semaphore, #tpu.memory_space<semaphore_mem>>) src(%dma_wait3A_173 : memref<10000x128xf32, #tpu.memory_space<hbm>>) dst(%dma_wait3A_167 : memref<64x128xf32, #tpu.memory_space<vmem>>)
        %dma_start3A_174 = arith.constant 3 : i32
        %dma_start3A_175 = arith.constant 0 : i32
        %dma_start3A_176 = arith.constant 0 : i32
        %dma_start3A_177 = tpu.memref_slice %arg9[%dma_start3A_174, %dma_start3A_175, %dma_start3A_176] : memref<4x64x128xf32, #tpu.memory_space<vmem>> -> memref<1x64x128xf32, #tpu.memory_space<vmem>>
        %dma_start3A_178 = tpu.memref_squeeze %dma_start3A_177 : memref<1x64x128xf32, #tpu.memory_space<vmem>> -> memref<64x128xf32, #tpu.memory_space<vmem>>
        %dma_start3A_179 = arith.constant 0 : i32
        %dma_start3A_180 = tpu.memref_slice %arg8[%add3A_162, %dma_start3A_179] : memref<16x64xi32, #tpu.memory_space<vmem>> -> memref<1x64xi32, #tpu.memory_space<vmem>>
        %dma_start3A_181 = tpu.memref_squeeze %dma_start3A_180 : memref<1x64xi32, #tpu.memory_space<vmem>> -> memref<64xi32, #tpu.memory_space<vmem>>
        %dma_start3A_182 = arith.constant 0 : i32
        %dma_start3A_183 = arith.constant 0 : i32
        %dma_start3A_184 = tpu.memref_slice %arg12[%dma_start3A_182, %dma_start3A_183] : memref<10112x128xf32, #tpu.memory_space<vmem_shared>> -> memref<10112x128xf32, #tpu.memory_space<vmem_shared>>
        tpu.enqueue_indirect_dma source(%dma_start3A_178 : memref<64x128xf32, #tpu.memory_space<vmem>>) target(%dma_start3A_184 : memref<10112x128xf32, #tpu.memory_space<vmem_shared>>) offsets(%dma_start3A_181 : memref<64xi32, #tpu.memory_space<vmem>>) semaphore(%arg11 : memref<!tpu.dma_semaphore, #tpu.memory_space<semaphore_mem>>) {add = true}
        %add3A_185 = arith.constant 0 : i32
        %add3A_186 = arith.addi %mul3A_89, %add3A_185 : i32
        %dma_wait3A_187 = arith.constant 0 : i32
        %dma_wait3A_188 = arith.constant 0 : i32
        %dma_wait3A_189 = arith.constant 0 : i32
        %dma_wait3A_190 = tpu.memref_slice %arg9[%dma_wait3A_187, %dma_wait3A_188, %dma_wait3A_189] : memref<4x64x128xf32, #tpu.memory_space<vmem>> -> memref<1x64x128xf32, #tpu.memory_space<vmem>>
        %dma_wait3A_191 = tpu.memref_squeeze %dma_wait3A_190 : memref<1x64x128xf32, #tpu.memory_space<vmem>> -> memref<64x128xf32, #tpu.memory_space<vmem>>
        %dma_wait3A_192 = arith.constant 0 : i32
        %dma_wait3A_193 = tpu.memref_slice %arg8[%add3A_186, %dma_wait3A_192] : memref<16x64xi32, #tpu.memory_space<vmem>> -> memref<1x64xi32, #tpu.memory_space<vmem>>
        %dma_wait3A_194 = tpu.memref_squeeze %dma_wait3A_193 : memref<1x64xi32, #tpu.memory_space<vmem>> -> memref<64xi32, #tpu.memory_space<vmem>>
        %dma_wait3A_195 = arith.constant 0 : i32
        %dma_wait3A_196 = arith.constant 0 : i32
        %dma_wait3A_197 = tpu.memref_slice %arg12[%dma_wait3A_195, %dma_wait3A_196] : memref<10112x128xf32, #tpu.memory_space<vmem_shared>> -> memref<10112x128xf32, #tpu.memory_space<vmem_shared>>
        tpu.wait_indirect_dma semaphore(%arg11 : memref<!tpu.dma_semaphore, #tpu.memory_space<semaphore_mem>>) src(%dma_wait3A_191 : memref<64x128xf32, #tpu.memory_space<vmem>>) dst(%dma_wait3A_197 : memref<10112x128xf32, #tpu.memory_space<vmem_shared>>)
        %add3A_198 = arith.constant 4 : i32
        %add3A_199 = arith.addi %add3A_186, %add3A_198 : i32
        %lt3A_200 = arith.constant 16 : i32
        %lt3A_201 = arith.cmpi slt, %add3A_199, %lt3A_200 : i32
        %convert_element_type3A_202 = arith.extui %lt3A_201 : i1 to i32
        %cond3A_203 = arith.constant 0 : i32
        %cond3A_204 = arith.cmpi ne, %convert_element_type3A_202, %cond3A_203 : i32
        scf.if %cond3A_204 {
          %add3A_265 = arith.constant 4 : i32
          %add3A_266 = arith.addi %add3A_186, %add3A_265 : i32
          %dma_start3A_267 = arith.constant 0 : i32
          %dma_start3A_268 = arith.constant 0 : i32
          %dma_start3A_269 = arith.constant 0 : i32
          %dma_start3A_270 = tpu.memref_slice %arg9[%dma_start3A_267, %dma_start3A_268, %dma_start3A_269] : memref<4x64x128xf32, #tpu.memory_space<vmem>> -> memref<1x64x128xf32, #tpu.memory_space<vmem>>
          %dma_start3A_271 = tpu.memref_squeeze %dma_start3A_270 : memref<1x64x128xf32, #tpu.memory_space<vmem>> -> memref<64x128xf32, #tpu.memory_space<vmem>>
          %dma_start3A_272 = arith.constant 0 : i32
          %dma_start3A_273 = tpu.memref_slice %arg7[%add3A_266, %dma_start3A_272] : memref<16x64xi32, #tpu.memory_space<vmem>> -> memref<1x64xi32, #tpu.memory_space<vmem>>
          %dma_start3A_274 = tpu.memref_squeeze %dma_start3A_273 : memref<1x64xi32, #tpu.memory_space<vmem>> -> memref<64xi32, #tpu.memory_space<vmem>>
          %dma_start3A_275 = arith.constant 0 : i32
          %dma_start3A_276 = arith.constant 0 : i32
          %dma_start3A_277 = tpu.memref_slice %arg2[%dma_start3A_275, %dma_start3A_276] : memref<10000x128xf32, #tpu.memory_space<hbm>> -> memref<10000x128xf32, #tpu.memory_space<hbm>>
          tpu.enqueue_indirect_dma source(%dma_start3A_277 : memref<10000x128xf32, #tpu.memory_space<hbm>>) target(%dma_start3A_271 : memref<64x128xf32, #tpu.memory_space<vmem>>) offsets(%dma_start3A_274 : memref<64xi32, #tpu.memory_space<vmem>>) semaphore(%arg10 : memref<!tpu.dma_semaphore, #tpu.memory_space<semaphore_mem>>)
        } else {
        }
        %add3A_205 = arith.constant 1 : i32
        %add3A_206 = arith.addi %mul3A_89, %add3A_205 : i32
        %dma_wait3A_207 = arith.constant 1 : i32
        %dma_wait3A_208 = arith.constant 0 : i32
        %dma_wait3A_209 = arith.constant 0 : i32
        %dma_wait3A_210 = tpu.memref_slice %arg9[%dma_wait3A_207, %dma_wait3A_208, %dma_wait3A_209] : memref<4x64x128xf32, #tpu.memory_space<vmem>> -> memref<1x64x128xf32, #tpu.memory_space<vmem>>
        %dma_wait3A_211 = tpu.memref_squeeze %dma_wait3A_210 : memref<1x64x128xf32, #tpu.memory_space<vmem>> -> memref<64x128xf32, #tpu.memory_space<vmem>>
        %dma_wait3A_212 = arith.constant 0 : i32
        %dma_wait3A_213 = tpu.memref_slice %arg8[%add3A_206, %dma_wait3A_212] : memref<16x64xi32, #tpu.memory_space<vmem>> -> memref<1x64xi32, #tpu.memory_space<vmem>>
        %dma_wait3A_214 = tpu.memref_squeeze %dma_wait3A_213 : memref<1x64xi32, #tpu.memory_space<vmem>> -> memref<64xi32, #tpu.memory_space<vmem>>
        %dma_wait3A_215 = arith.constant 0 : i32
        %dma_wait3A_216 = arith.constant 0 : i32
        %dma_wait3A_217 = tpu.memref_slice %arg12[%dma_wait3A_215, %dma_wait3A_216] : memref<10112x128xf32, #tpu.memory_space<vmem_shared>> -> memref<10112x128xf32, #tpu.memory_space<vmem_shared>>
        tpu.wait_indirect_dma semaphore(%arg11 : memref<!tpu.dma_semaphore, #tpu.memory_space<semaphore_mem>>) src(%dma_wait3A_211 : memref<64x128xf32, #tpu.memory_space<vmem>>) dst(%dma_wait3A_217 : memref<10112x128xf32, #tpu.memory_space<vmem_shared>>)
        %add3A_218 = arith.constant 4 : i32
        %add3A_219 = arith.addi %add3A_206, %add3A_218 : i32
        %lt3A_220 = arith.constant 16 : i32
        %lt3A_221 = arith.cmpi slt, %add3A_219, %lt3A_220 : i32
        %convert_element_type3A_222 = arith.extui %lt3A_221 : i1 to i32
        %cond3A_223 = arith.constant 0 : i32
        %cond3A_224 = arith.cmpi ne, %convert_element_type3A_222, %cond3A_223 : i32
        scf.if %cond3A_224 {
          %add3A_265 = arith.constant 4 : i32
          %add3A_266 = arith.addi %add3A_206, %add3A_265 : i32
          %dma_start3A_267 = arith.constant 1 : i32
          %dma_start3A_268 = arith.constant 0 : i32
          %dma_start3A_269 = arith.constant 0 : i32
          %dma_start3A_270 = tpu.memref_slice %arg9[%dma_start3A_267, %dma_start3A_268, %dma_start3A_269] : memref<4x64x128xf32, #tpu.memory_space<vmem>> -> memref<1x64x128xf32, #tpu.memory_space<vmem>>
          %dma_start3A_271 = tpu.memref_squeeze %dma_start3A_270 : memref<1x64x128xf32, #tpu.memory_space<vmem>> -> memref<64x128xf32, #tpu.memory_space<vmem>>
          %dma_start3A_272 = arith.constant 0 : i32
          %dma_start3A_273 = tpu.memref_slice %arg7[%add3A_266, %dma_start3A_272] : memref<16x64xi32, #tpu.memory_space<vmem>> -> memref<1x64xi32, #tpu.memory_space<vmem>>
          %dma_start3A_274 = tpu.memref_squeeze %dma_start3A_273 : memref<1x64xi32, #tpu.memory_space<vmem>> -> memref<64xi32, #tpu.memory_space<vmem>>
          %dma_start3A_275 = arith.constant 0 : i32
          %dma_start3A_276 = arith.constant 0 : i32
          %dma_start3A_277 = tpu.memref_slice %arg2[%dma_start3A_275, %dma_start3A_276] : memref<10000x128xf32, #tpu.memory_space<hbm>> -> memref<10000x128xf32, #tpu.memory_space<hbm>>
          tpu.enqueue_indirect_dma source(%dma_start3A_277 : memref<10000x128xf32, #tpu.memory_space<hbm>>) target(%dma_start3A_271 : memref<64x128xf32, #tpu.memory_space<vmem>>) offsets(%dma_start3A_274 : memref<64xi32, #tpu.memory_space<vmem>>) semaphore(%arg10 : memref<!tpu.dma_semaphore, #tpu.memory_space<semaphore_mem>>)
        } else {
        }
        %add3A_225 = arith.constant 2 : i32
        %add3A_226 = arith.addi %mul3A_89, %add3A_225 : i32
        %dma_wait3A_227 = arith.constant 2 : i32
        %dma_wait3A_228 = arith.constant 0 : i32
        %dma_wait3A_229 = arith.constant 0 : i32
        %dma_wait3A_230 = tpu.memref_slice %arg9[%dma_wait3A_227, %dma_wait3A_228, %dma_wait3A_229] : memref<4x64x128xf32, #tpu.memory_space<vmem>> -> memref<1x64x128xf32, #tpu.memory_space<vmem>>
        %dma_wait3A_231 = tpu.memref_squeeze %dma_wait3A_230 : memref<1x64x128xf32, #tpu.memory_space<vmem>> -> memref<64x128xf32, #tpu.memory_space<vmem>>
        %dma_wait3A_232 = arith.constant 0 : i32
        %dma_wait3A_233 = tpu.memref_slice %arg8[%add3A_226, %dma_wait3A_232] : memref<16x64xi32, #tpu.memory_space<vmem>> -> memref<1x64xi32, #tpu.memory_space<vmem>>
        %dma_wait3A_234 = tpu.memref_squeeze %dma_wait3A_233 : memref<1x64xi32, #tpu.memory_space<vmem>> -> memref<64xi32, #tpu.memory_space<vmem>>
        %dma_wait3A_235 = arith.constant 0 : i32
        %dma_wait3A_236 = arith.constant 0 : i32
        %dma_wait3A_237 = tpu.memref_slice %arg12[%dma_wait3A_235, %dma_wait3A_236] : memref<10112x128xf32, #tpu.memory_space<vmem_shared>> -> memref<10112x128xf32, #tpu.memory_space<vmem_shared>>
        tpu.wait_indirect_dma semaphore(%arg11 : memref<!tpu.dma_semaphore, #tpu.memory_space<semaphore_mem>>) src(%dma_wait3A_231 : memref<64x128xf32, #tpu.memory_space<vmem>>) dst(%dma_wait3A_237 : memref<10112x128xf32, #tpu.memory_space<vmem_shared>>)
        %add3A_238 = arith.constant 4 : i32
        %add3A_239 = arith.addi %add3A_226, %add3A_238 : i32
        %lt3A_240 = arith.constant 16 : i32
        %lt3A_241 = arith.cmpi slt, %add3A_239, %lt3A_240 : i32
        %convert_element_type3A_242 = arith.extui %lt3A_241 : i1 to i32
        %cond3A_243 = arith.constant 0 : i32
        %cond3A_244 = arith.cmpi ne, %convert_element_type3A_242, %cond3A_243 : i32
        scf.if %cond3A_244 {
          %add3A_265 = arith.constant 4 : i32
          %add3A_266 = arith.addi %add3A_226, %add3A_265 : i32
          %dma_start3A_267 = arith.constant 2 : i32
          %dma_start3A_268 = arith.constant 0 : i32
          %dma_start3A_269 = arith.constant 0 : i32
          %dma_start3A_270 = tpu.memref_slice %arg9[%dma_start3A_267, %dma_start3A_268, %dma_start3A_269] : memref<4x64x128xf32, #tpu.memory_space<vmem>> -> memref<1x64x128xf32, #tpu.memory_space<vmem>>
          %dma_start3A_271 = tpu.memref_squeeze %dma_start3A_270 : memref<1x64x128xf32, #tpu.memory_space<vmem>> -> memref<64x128xf32, #tpu.memory_space<vmem>>
          %dma_start3A_272 = arith.constant 0 : i32
          %dma_start3A_273 = tpu.memref_slice %arg7[%add3A_266, %dma_start3A_272] : memref<16x64xi32, #tpu.memory_space<vmem>> -> memref<1x64xi32, #tpu.memory_space<vmem>>
          %dma_start3A_274 = tpu.memref_squeeze %dma_start3A_273 : memref<1x64xi32, #tpu.memory_space<vmem>> -> memref<64xi32, #tpu.memory_space<vmem>>
          %dma_start3A_275 = arith.constant 0 : i32
          %dma_start3A_276 = arith.constant 0 : i32
          %dma_start3A_277 = tpu.memref_slice %arg2[%dma_start3A_275, %dma_start3A_276] : memref<10000x128xf32, #tpu.memory_space<hbm>> -> memref<10000x128xf32, #tpu.memory_space<hbm>>
          tpu.enqueue_indirect_dma source(%dma_start3A_277 : memref<10000x128xf32, #tpu.memory_space<hbm>>) target(%dma_start3A_271 : memref<64x128xf32, #tpu.memory_space<vmem>>) offsets(%dma_start3A_274 : memref<64xi32, #tpu.memory_space<vmem>>) semaphore(%arg10 : memref<!tpu.dma_semaphore, #tpu.memory_space<semaphore_mem>>)
        } else {
        }
        %add3A_245 = arith.constant 3 : i32
        %add3A_246 = arith.addi %mul3A_89, %add3A_245 : i32
        %dma_wait3A_247 = arith.constant 3 : i32
        %dma_wait3A_248 = arith.constant 0 : i32
        %dma_wait3A_249 = arith.constant 0 : i32
        %dma_wait3A_250 = tpu.memref_slice %arg9[%dma_wait3A_247, %dma_wait3A_248, %dma_wait3A_249] : memref<4x64x128xf32, #tpu.memory_space<vmem>> -> memref<1x64x128xf32, #tpu.memory_space<vmem>>
        %dma_wait3A_251 = tpu.memref_squeeze %dma_wait3A_250 : memref<1x64x128xf32, #tpu.memory_space<vmem>> -> memref<64x128xf32, #tpu.memory_space<vmem>>
        %dma_wait3A_252 = arith.constant 0 : i32
        %dma_wait3A_253 = tpu.memref_slice %arg8[%add3A_246, %dma_wait3A_252] : memref<16x64xi32, #tpu.memory_space<vmem>> -> memref<1x64xi32, #tpu.memory_space<vmem>>
        %dma_wait3A_254 = tpu.memref_squeeze %dma_wait3A_253 : memref<1x64xi32, #tpu.memory_space<vmem>> -> memref<64xi32, #tpu.memory_space<vmem>>
        %dma_wait3A_255 = arith.constant 0 : i32
        %dma_wait3A_256 = arith.constant 0 : i32
        %dma_wait3A_257 = tpu.memref_slice %arg12[%dma_wait3A_255, %dma_wait3A_256] : memref<10112x128xf32, #tpu.memory_space<vmem_shared>> -> memref<10112x128xf32, #tpu.memory_space<vmem_shared>>
        tpu.wait_indirect_dma semaphore(%arg11 : memref<!tpu.dma_semaphore, #tpu.memory_space<semaphore_mem>>) src(%dma_wait3A_251 : memref<64x128xf32, #tpu.memory_space<vmem>>) dst(%dma_wait3A_257 : memref<10112x128xf32, #tpu.memory_space<vmem_shared>>)
        %add3A_258 = arith.constant 4 : i32
        %add3A_259 = arith.addi %add3A_246, %add3A_258 : i32
        %lt3A_260 = arith.constant 16 : i32
        %lt3A_261 = arith.cmpi slt, %add3A_259, %lt3A_260 : i32
        %convert_element_type3A_262 = arith.extui %lt3A_261 : i1 to i32
        %cond3A_263 = arith.constant 0 : i32
        %cond3A_264 = arith.cmpi ne, %convert_element_type3A_262, %cond3A_263 : i32
        scf.if %cond3A_264 {
          %add3A_265 = arith.constant 4 : i32
          %add3A_266 = arith.addi %add3A_246, %add3A_265 : i32
          %dma_start3A_267 = arith.constant 3 : i32
          %dma_start3A_268 = arith.constant 0 : i32
          %dma_start3A_269 = arith.constant 0 : i32
          %dma_start3A_270 = tpu.memref_slice %arg9[%dma_start3A_267, %dma_start3A_268, %dma_start3A_269] : memref<4x64x128xf32, #tpu.memory_space<vmem>> -> memref<1x64x128xf32, #tpu.memory_space<vmem>>
          %dma_start3A_271 = tpu.memref_squeeze %dma_start3A_270 : memref<1x64x128xf32, #tpu.memory_space<vmem>> -> memref<64x128xf32, #tpu.memory_space<vmem>>
          %dma_start3A_272 = arith.constant 0 : i32
          %dma_start3A_273 = tpu.memref_slice %arg7[%add3A_266, %dma_start3A_272] : memref<16x64xi32, #tpu.memory_space<vmem>> -> memref<1x64xi32, #tpu.memory_space<vmem>>
          %dma_start3A_274 = tpu.memref_squeeze %dma_start3A_273 : memref<1x64xi32, #tpu.memory_space<vmem>> -> memref<64xi32, #tpu.memory_space<vmem>>
          %dma_start3A_275 = arith.constant 0 : i32
          %dma_start3A_276 = arith.constant 0 : i32
          %dma_start3A_277 = tpu.memref_slice %arg2[%dma_start3A_275, %dma_start3A_276] : memref<10000x128xf32, #tpu.memory_space<hbm>> -> memref<10000x128xf32, #tpu.memory_space<hbm>>
          tpu.enqueue_indirect_dma source(%dma_start3A_277 : memref<10000x128xf32, #tpu.memory_space<hbm>>) target(%dma_start3A_271 : memref<64x128xf32, #tpu.memory_space<vmem>>) offsets(%dma_start3A_274 : memref<64xi32, #tpu.memory_space<vmem>>) semaphore(%arg10 : memref<!tpu.dma_semaphore, #tpu.memory_space<semaphore_mem>>)
        } else {
        }
      }
      %scan3A_86 = arith.constant 4 : i32
    }
    %while3A_22 = arith.constant 1 : i32
    scf.for %while3A_31 = %while3A_20 to %while3A_16 step %while3A_22  : i32 {
      %mul3A_32 = arith.constant 16 : i32
      %mul3A_33 = arith.muli %while3A_31, %mul3A_32 : i32
      %add3A_34 = arith.addi %select_n3A, %mul3A_33 : i32
      "tpu.region"() ({
        %run_scoped3A = tpu.sem_alloc : memref<!tpu.dma_semaphore, #tpu.memory_space<semaphore_mem>>
        %dma_start3A_87 = arith.constant 0 : i32
        %dma_start3A_88 = tpu.memref_slice %arg3[%add3A_34, %dma_start3A_87] : memref<5120x64xi32, #tpu.memory_space<hbm>> -> memref<16x64xi32, #tpu.memory_space<hbm>>
        %dma_start3A_89 = arith.constant 0 : i32
        %dma_start3A_90 = tpu.memref_slice %arg3[%add3A_34, %dma_start3A_89] : memref<5120x64xi32, #tpu.memory_space<hbm>> -> memref<16x64xi32, #tpu.memory_space<hbm>>
        tpu.enqueue_dma source(%dma_start3A_90 : memref<16x64xi32, #tpu.memory_space<hbm>>) target(%arg7 : memref<16x64xi32, #tpu.memory_space<vmem>>) target_semaphore(%run_scoped3A : memref<!tpu.dma_semaphore, #tpu.memory_space<semaphore_mem>>)
        %dma_wait3A = arith.constant 0 : i32
        %dma_wait3A_91 = tpu.memref_slice %arg3[%add3A_34, %dma_wait3A] : memref<5120x64xi32, #tpu.memory_space<hbm>> -> memref<16x64xi32, #tpu.memory_space<hbm>>
        %dma_wait3A_92 = arith.constant 0 : i32
        %dma_wait3A_93 = tpu.memref_slice %arg3[%add3A_34, %dma_wait3A_92] : memref<5120x64xi32, #tpu.memory_space<hbm>> -> memref<16x64xi32, #tpu.memory_space<hbm>>
        tpu.wait_dma2 semaphore(%run_scoped3A : memref<!tpu.dma_semaphore, #tpu.memory_space<semaphore_mem>>) src(%dma_wait3A_93 : memref<16x64xi32, #tpu.memory_space<hbm>>) dst(%arg7 : memref<16x64xi32, #tpu.memory_space<vmem>>)
        tpu.yield
      }) : () -> ()
      "tpu.region"() ({
        %run_scoped3A = tpu.sem_alloc : memref<!tpu.dma_semaphore, #tpu.memory_space<semaphore_mem>>
        %dma_start3A_87 = arith.constant 0 : i32
        %dma_start3A_88 = tpu.memref_slice %arg4[%add3A_34, %dma_start3A_87] : memref<5120x64xi32, #tpu.memory_space<hbm>> -> memref<16x64xi32, #tpu.memory_space<hbm>>
        %dma_start3A_89 = arith.constant 0 : i32
        %dma_start3A_90 = tpu.memref_slice %arg4[%add3A_34, %dma_start3A_89] : memref<5120x64xi32, #tpu.memory_space<hbm>> -> memref<16x64xi32, #tpu.memory_space<hbm>>
        tpu.enqueue_dma source(%dma_start3A_90 : memref<16x64xi32, #tpu.memory_space<hbm>>) target(%arg8 : memref<16x64xi32, #tpu.memory_space<vmem>>) target_semaphore(%run_scoped3A : memref<!tpu.dma_semaphore, #tpu.memory_space<semaphore_mem>>)
        %dma_wait3A = arith.constant 0 : i32
        %dma_wait3A_91 = tpu.memref_slice %arg4[%add3A_34, %dma_wait3A] : memref<5120x64xi32, #tpu.memory_space<hbm>> -> memref<16x64xi32, #tpu.memory_space<hbm>>
        %dma_wait3A_92 = arith.constant 0 : i32
        %dma_wait3A_93 = tpu.memref_slice %arg4[%add3A_34, %dma_wait3A_92] : memref<5120x64xi32, #tpu.memory_space<hbm>> -> memref<16x64xi32, #tpu.memory_space<hbm>>
        tpu.wait_dma2 semaphore(%run_scoped3A : memref<!tpu.dma_semaphore, #tpu.memory_space<semaphore_mem>>) src(%dma_wait3A_93 : memref<16x64xi32, #tpu.memory_space<hbm>>) dst(%arg8 : memref<16x64xi32, #tpu.memory_space<vmem>>)
        tpu.yield
      }) : () -> ()
      %dma_start3A = arith.constant 0 : i32
      %dma_start3A_35 = arith.constant 0 : i32
      %dma_start3A_36 = arith.constant 0 : i32
      %dma_start3A_37 = arith.constant 0 : i32
      %dma_start3A_38 = tpu.memref_slice %arg9[%dma_start3A_35, %dma_start3A_36, %dma_start3A_37] : memref<4x64x128xf32, #tpu.memory_space<vmem>> -> memref<1x64x128xf32, #tpu.memory_space<vmem>>
      %dma_start3A_39 = tpu.memref_squeeze %dma_start3A_38 : memref<1x64x128xf32, #tpu.memory_space<vmem>> -> memref<64x128xf32, #tpu.memory_space<vmem>>
      %dma_start3A_40 = arith.constant 0 : i32
      %dma_start3A_41 = tpu.memref_slice %arg7[%dma_start3A, %dma_start3A_40] : memref<16x64xi32, #tpu.memory_space<vmem>> -> memref<1x64xi32, #tpu.memory_space<vmem>>
      %dma_start3A_42 = tpu.memref_squeeze %dma_start3A_41 : memref<1x64xi32, #tpu.memory_space<vmem>> -> memref<64xi32, #tpu.memory_space<vmem>>
      %dma_start3A_43 = arith.constant 0 : i32
      %dma_start3A_44 = arith.constant 0 : i32
      %dma_start3A_45 = tpu.memref_slice %arg2[%dma_start3A_43, %dma_start3A_44] : memref<10000x128xf32, #tpu.memory_space<hbm>> -> memref<10000x128xf32, #tpu.memory_space<hbm>>
      tpu.enqueue_indirect_dma source(%dma_start3A_45 : memref<10000x128xf32, #tpu.memory_space<hbm>>) target(%dma_start3A_39 : memref<64x128xf32, #tpu.memory_space<vmem>>) offsets(%dma_start3A_42 : memref<64xi32, #tpu.memory_space<vmem>>) semaphore(%arg10 : memref<!tpu.dma_semaphore, #tpu.memory_space<semaphore_mem>>)
      %dma_start3A_46 = arith.constant 1 : i32
      %dma_start3A_47 = arith.constant 1 : i32
      %dma_start3A_48 = arith.constant 0 : i32
      %dma_start3A_49 = arith.constant 0 : i32
      %dma_start3A_50 = tpu.memref_slice %arg9[%dma_start3A_47, %dma_start3A_48, %dma_start3A_49] : memref<4x64x128xf32, #tpu.memory_space<vmem>> -> memref<1x64x128xf32, #tpu.memory_space<vmem>>
      %dma_start3A_51 = tpu.memref_squeeze %dma_start3A_50 : memref<1x64x128xf32, #tpu.memory_space<vmem>> -> memref<64x128xf32, #tpu.memory_space<vmem>>
      %dma_start3A_52 = arith.constant 0 : i32
      %dma_start3A_53 = tpu.memref_slice %arg7[%dma_start3A_46, %dma_start3A_52] : memref<16x64xi32, #tpu.memory_space<vmem>> -> memref<1x64xi32, #tpu.memory_space<vmem>>
      %dma_start3A_54 = tpu.memref_squeeze %dma_start3A_53 : memref<1x64xi32, #tpu.memory_space<vmem>> -> memref<64xi32, #tpu.memory_space<vmem>>
      %dma_start3A_55 = arith.constant 0 : i32
      %dma_start3A_56 = arith.constant 0 : i32
      %dma_start3A_57 = tpu.memref_slice %arg2[%dma_start3A_55, %dma_start3A_56] : memref<10000x128xf32, #tpu.memory_space<hbm>> -> memref<10000x128xf32, #tpu.memory_space<hbm>>
      tpu.enqueue_indirect_dma source(%dma_start3A_57 : memref<10000x128xf32, #tpu.memory_space<hbm>>) target(%dma_start3A_51 : memref<64x128xf32, #tpu.memory_space<vmem>>) offsets(%dma_start3A_54 : memref<64xi32, #tpu.memory_space<vmem>>) semaphore(%arg10 : memref<!tpu.dma_semaphore, #tpu.memory_space<semaphore_mem>>)
      %dma_start3A_58 = arith.constant 2 : i32
      %dma_start3A_59 = arith.constant 2 : i32
      %dma_start3A_60 = arith.constant 0 : i32
      %dma_start3A_61 = arith.constant 0 : i32
      %dma_start3A_62 = tpu.memref_slice %arg9[%dma_start3A_59, %dma_start3A_60, %dma_start3A_61] : memref<4x64x128xf32, #tpu.memory_space<vmem>> -> memref<1x64x128xf32, #tpu.memory_space<vmem>>
      %dma_start3A_63 = tpu.memref_squeeze %dma_start3A_62 : memref<1x64x128xf32, #tpu.memory_space<vmem>> -> memref<64x128xf32, #tpu.memory_space<vmem>>
      %dma_start3A_64 = arith.constant 0 : i32
      %dma_start3A_65 = tpu.memref_slice %arg7[%dma_start3A_58, %dma_start3A_64] : memref<16x64xi32, #tpu.memory_space<vmem>> -> memref<1x64xi32, #tpu.memory_space<vmem>>
      %dma_start3A_66 = tpu.memref_squeeze %dma_start3A_65 : memref<1x64xi32, #tpu.memory_space<vmem>> -> memref<64xi32, #tpu.memory_space<vmem>>
      %dma_start3A_67 = arith.constant 0 : i32
      %dma_start3A_68 = arith.constant 0 : i32
      %dma_start3A_69 = tpu.memref_slice %arg2[%dma_start3A_67, %dma_start3A_68] : memref<10000x128xf32, #tpu.memory_space<hbm>> -> memref<10000x128xf32, #tpu.memory_space<hbm>>
      tpu.enqueue_indirect_dma source(%dma_start3A_69 : memref<10000x128xf32, #tpu.memory_space<hbm>>) target(%dma_start3A_63 : memref<64x128xf32, #tpu.memory_space<vmem>>) offsets(%dma_start3A_66 : memref<64xi32, #tpu.memory_space<vmem>>) semaphore(%arg10 : memref<!tpu.dma_semaphore, #tpu.memory_space<semaphore_mem>>)
      %dma_start3A_70 = arith.constant 3 : i32
      %dma_start3A_71 = arith.constant 3 : i32
      %dma_start3A_72 = arith.constant 0 : i32
      %dma_start3A_73 = arith.constant 0 : i32
      %dma_start3A_74 = tpu.memref_slice %arg9[%dma_start3A_71, %dma_start3A_72, %dma_start3A_73] : memref<4x64x128xf32, #tpu.memory_space<vmem>> -> memref<1x64x128xf32, #tpu.memory_space<vmem>>
      %dma_start3A_75 = tpu.memref_squeeze %dma_start3A_74 : memref<1x64x128xf32, #tpu.memory_space<vmem>> -> memref<64x128xf32, #tpu.memory_space<vmem>>
      %dma_start3A_76 = arith.constant 0 : i32
      %dma_start3A_77 = tpu.memref_slice %arg7[%dma_start3A_70, %dma_start3A_76] : memref<16x64xi32, #tpu.memory_space<vmem>> -> memref<1x64xi32, #tpu.memory_space<vmem>>
      %dma_start3A_78 = tpu.memref_squeeze %dma_start3A_77 : memref<1x64xi32, #tpu.memory_space<vmem>> -> memref<64xi32, #tpu.memory_space<vmem>>
      %dma_start3A_79 = arith.constant 0 : i32
      %dma_start3A_80 = arith.constant 0 : i32
      %dma_start3A_81 = tpu.memref_slice %arg2[%dma_start3A_79, %dma_start3A_80] : memref<10000x128xf32, #tpu.memory_space<hbm>> -> memref<10000x128xf32, #tpu.memory_space<hbm>>
      tpu.enqueue_indirect_dma source(%dma_start3A_81 : memref<10000x128xf32, #tpu.memory_space<hbm>>) target(%dma_start3A_75 : memref<64x128xf32, #tpu.memory_space<vmem>>) offsets(%dma_start3A_78 : memref<64xi32, #tpu.memory_space<vmem>>) semaphore(%arg10 : memref<!tpu.dma_semaphore, #tpu.memory_space<semaphore_mem>>)
      %scan3A = arith.constant 0 : i32
      %scan3A_82 = arith.constant 0 : i32
      %scan3A_83 = arith.constant 4 : i32
      %scan3A_84 = arith.addi %scan3A_82, %scan3A_83 : i32
      %scan3A_85 = arith.constant 1 : i32
      scf.for %scan3A_87 = %scan3A_82 to %scan3A_84 step %scan3A_85  : i32 {
        %mul3A_88 = arith.constant 4 : i32
        %mul3A_89 = arith.muli %scan3A_87, %mul3A_88 : i32
        %add3A_90 = arith.constant 0 : i32
        %add3A_91 = arith.addi %mul3A_89, %add3A_90 : i32
        %dma_wait3A = arith.constant 0 : i32
        %dma_wait3A_92 = arith.constant 0 : i32
        %dma_wait3A_93 = arith.constant 0 : i32
        %dma_wait3A_94 = tpu.memref_slice %arg9[%dma_wait3A, %dma_wait3A_92, %dma_wait3A_93] : memref<4x64x128xf32, #tpu.memory_space<vmem>> -> memref<1x64x128xf32, #tpu.memory_space<vmem>>
        %dma_wait3A_95 = tpu.memref_squeeze %dma_wait3A_94 : memref<1x64x128xf32, #tpu.memory_space<vmem>> -> memref<64x128xf32, #tpu.memory_space<vmem>>
        %dma_wait3A_96 = arith.constant 0 : i32
        %dma_wait3A_97 = tpu.memref_slice %arg7[%add3A_91, %dma_wait3A_96] : memref<16x64xi32, #tpu.memory_space<vmem>> -> memref<1x64xi32, #tpu.memory_space<vmem>>
        %dma_wait3A_98 = tpu.memref_squeeze %dma_wait3A_97 : memref<1x64xi32, #tpu.memory_space<vmem>> -> memref<64xi32, #tpu.memory_space<vmem>>
        %dma_wait3A_99 = arith.constant 0 : i32
        %dma_wait3A_100 = arith.constant 0 : i32
        %dma_wait3A_101 = tpu.memref_slice %arg2[%dma_wait3A_99, %dma_wait3A_100] : memref<10000x128xf32, #tpu.memory_space<hbm>> -> memref<10000x128xf32, #tpu.memory_space<hbm>>
        tpu.wait_indirect_dma semaphore(%arg10 : memref<!tpu.dma_semaphore, #tpu.memory_space<semaphore_mem>>) src(%dma_wait3A_101 : memref<10000x128xf32, #tpu.memory_space<hbm>>) dst(%dma_wait3A_95 : memref<64x128xf32, #tpu.memory_space<vmem>>)
        %dma_start3A_102 = arith.constant 0 : i32
        %dma_start3A_103 = arith.constant 0 : i32
        %dma_start3A_104 = arith.constant 0 : i32
        %dma_start3A_105 = tpu.memref_slice %arg9[%dma_start3A_102, %dma_start3A_103, %dma_start3A_104] : memref<4x64x128xf32, #tpu.memory_space<vmem>> -> memref<1x64x128xf32, #tpu.memory_space<vmem>>
        %dma_start3A_106 = tpu.memref_squeeze %dma_start3A_105 : memref<1x64x128xf32, #tpu.memory_space<vmem>> -> memref<64x128xf32, #tpu.memory_space<vmem>>
        %dma_start3A_107 = arith.constant 0 : i32
        %dma_start3A_108 = tpu.memref_slice %arg8[%add3A_91, %dma_start3A_107] : memref<16x64xi32, #tpu.memory_space<vmem>> -> memref<1x64xi32, #tpu.memory_space<vmem>>
        %dma_start3A_109 = tpu.memref_squeeze %dma_start3A_108 : memref<1x64xi32, #tpu.memory_space<vmem>> -> memref<64xi32, #tpu.memory_space<vmem>>
        %dma_start3A_110 = arith.constant 0 : i32
        %dma_start3A_111 = arith.constant 0 : i32
        %dma_start3A_112 = tpu.memref_slice %arg12[%dma_start3A_110, %dma_start3A_111] : memref<10112x128xf32, #tpu.memory_space<vmem_shared>> -> memref<10112x128xf32, #tpu.memory_space<vmem_shared>>
        tpu.enqueue_indirect_dma source(%dma_start3A_106 : memref<64x128xf32, #tpu.memory_space<vmem>>) target(%dma_start3A_112 : memref<10112x128xf32, #tpu.memory_space<vmem_shared>>) offsets(%dma_start3A_109 : memref<64xi32, #tpu.memory_space<vmem>>) semaphore(%arg11 : memref<!tpu.dma_semaphore, #tpu.memory_space<semaphore_mem>>) {add = true}
        %add3A_113 = arith.constant 1 : i32
        %add3A_114 = arith.addi %mul3A_89, %add3A_113 : i32
        %dma_wait3A_115 = arith.constant 1 : i32
        %dma_wait3A_116 = arith.constant 0 : i32
        %dma_wait3A_117 = arith.constant 0 : i32
        %dma_wait3A_118 = tpu.memref_slice %arg9[%dma_wait3A_115, %dma_wait3A_116, %dma_wait3A_117] : memref<4x64x128xf32, #tpu.memory_space<vmem>> -> memref<1x64x128xf32, #tpu.memory_space<vmem>>
        %dma_wait3A_119 = tpu.memref_squeeze %dma_wait3A_118 : memref<1x64x128xf32, #tpu.memory_space<vmem>> -> memref<64x128xf32, #tpu.memory_space<vmem>>
        %dma_wait3A_120 = arith.constant 0 : i32
        %dma_wait3A_121 = tpu.memref_slice %arg7[%add3A_114, %dma_wait3A_120] : memref<16x64xi32, #tpu.memory_space<vmem>> -> memref<1x64xi32, #tpu.memory_space<vmem>>
        %dma_wait3A_122 = tpu.memref_squeeze %dma_wait3A_121 : memref<1x64xi32, #tpu.memory_space<vmem>> -> memref<64xi32, #tpu.memory_space<vmem>>
        %dma_wait3A_123 = arith.constant 0 : i32
        %dma_wait3A_124 = arith.constant 0 : i32
        %dma_wait3A_125 = tpu.memref_slice %arg2[%dma_wait3A_123, %dma_wait3A_124] : memref<10000x128xf32, #tpu.memory_space<hbm>> -> memref<10000x128xf32, #tpu.memory_space<hbm>>
        tpu.wait_indirect_dma semaphore(%arg10 : memref<!tpu.dma_semaphore, #tpu.memory_space<semaphore_mem>>) src(%dma_wait3A_125 : memref<10000x128xf32, #tpu.memory_space<hbm>>) dst(%dma_wait3A_119 : memref<64x128xf32, #tpu.memory_space<vmem>>)
        %dma_start3A_126 = arith.constant 1 : i32
        %dma_start3A_127 = arith.constant 0 : i32
        %dma_start3A_128 = arith.constant 0 : i32
        %dma_start3A_129 = tpu.memref_slice %arg9[%dma_start3A_126, %dma_start3A_127, %dma_start3A_128] : memref<4x64x128xf32, #tpu.memory_space<vmem>> -> memref<1x64x128xf32, #tpu.memory_space<vmem>>
        %dma_start3A_130 = tpu.memref_squeeze %dma_start3A_129 : memref<1x64x128xf32, #tpu.memory_space<vmem>> -> memref<64x128xf32, #tpu.memory_space<vmem>>
        %dma_start3A_131 = arith.constant 0 : i32
        %dma_start3A_132 = tpu.memref_slice %arg8[%add3A_114, %dma_start3A_131] : memref<16x64xi32, #tpu.memory_space<vmem>> -> memref<1x64xi32, #tpu.memory_space<vmem>>
        %dma_start3A_133 = tpu.memref_squeeze %dma_start3A_132 : memref<1x64xi32, #tpu.memory_space<vmem>> -> memref<64xi32, #tpu.memory_space<vmem>>
        %dma_start3A_134 = arith.constant 0 : i32
        %dma_start3A_135 = arith.constant 0 : i32
        %dma_start3A_136 = tpu.memref_slice %arg12[%dma_start3A_134, %dma_start3A_135] : memref<10112x128xf32, #tpu.memory_space<vmem_shared>> -> memref<10112x128xf32, #tpu.memory_space<vmem_shared>>
        tpu.enqueue_indirect_dma source(%dma_start3A_130 : memref<64x128xf32, #tpu.memory_space<vmem>>) target(%dma_start3A_136 : memref<10112x128xf32, #tpu.memory_space<vmem_shared>>) offsets(%dma_start3A_133 : memref<64xi32, #tpu.memory_space<vmem>>) semaphore(%arg11 : memref<!tpu.dma_semaphore, #tpu.memory_space<semaphore_mem>>) {add = true}
        %add3A_137 = arith.constant 2 : i32
        %add3A_138 = arith.addi %mul3A_89, %add3A_137 : i32
        %dma_wait3A_139 = arith.constant 2 : i32
        %dma_wait3A_140 = arith.constant 0 : i32
        %dma_wait3A_141 = arith.constant 0 : i32
        %dma_wait3A_142 = tpu.memref_slice %arg9[%dma_wait3A_139, %dma_wait3A_140, %dma_wait3A_141] : memref<4x64x128xf32, #tpu.memory_space<vmem>> -> memref<1x64x128xf32, #tpu.memory_space<vmem>>
        %dma_wait3A_143 = tpu.memref_squeeze %dma_wait3A_142 : memref<1x64x128xf32, #tpu.memory_space<vmem>> -> memref<64x128xf32, #tpu.memory_space<vmem>>
        %dma_wait3A_144 = arith.constant 0 : i32
        %dma_wait3A_145 = tpu.memref_slice %arg7[%add3A_138, %dma_wait3A_144] : memref<16x64xi32, #tpu.memory_space<vmem>> -> memref<1x64xi32, #tpu.memory_space<vmem>>
        %dma_wait3A_146 = tpu.memref_squeeze %dma_wait3A_145 : memref<1x64xi32, #tpu.memory_space<vmem>> -> memref<64xi32, #tpu.memory_space<vmem>>
        %dma_wait3A_147 = arith.constant 0 : i32
        %dma_wait3A_148 = arith.constant 0 : i32
        %dma_wait3A_149 = tpu.memref_slice %arg2[%dma_wait3A_147, %dma_wait3A_148] : memref<10000x128xf32, #tpu.memory_space<hbm>> -> memref<10000x128xf32, #tpu.memory_space<hbm>>
        tpu.wait_indirect_dma semaphore(%arg10 : memref<!tpu.dma_semaphore, #tpu.memory_space<semaphore_mem>>) src(%dma_wait3A_149 : memref<10000x128xf32, #tpu.memory_space<hbm>>) dst(%dma_wait3A_143 : memref<64x128xf32, #tpu.memory_space<vmem>>)
        %dma_start3A_150 = arith.constant 2 : i32
        %dma_start3A_151 = arith.constant 0 : i32
        %dma_start3A_152 = arith.constant 0 : i32
        %dma_start3A_153 = tpu.memref_slice %arg9[%dma_start3A_150, %dma_start3A_151, %dma_start3A_152] : memref<4x64x128xf32, #tpu.memory_space<vmem>> -> memref<1x64x128xf32, #tpu.memory_space<vmem>>
        %dma_start3A_154 = tpu.memref_squeeze %dma_start3A_153 : memref<1x64x128xf32, #tpu.memory_space<vmem>> -> memref<64x128xf32, #tpu.memory_space<vmem>>
        %dma_start3A_155 = arith.constant 0 : i32
        %dma_start3A_156 = tpu.memref_slice %arg8[%add3A_138, %dma_start3A_155] : memref<16x64xi32, #tpu.memory_space<vmem>> -> memref<1x64xi32, #tpu.memory_space<vmem>>
        %dma_start3A_157 = tpu.memref_squeeze %dma_start3A_156 : memref<1x64xi32, #tpu.memory_space<vmem>> -> memref<64xi32, #tpu.memory_space<vmem>>
        %dma_start3A_158 = arith.constant 0 : i32
        %dma_start3A_159 = arith.constant 0 : i32
        %dma_start3A_160 = tpu.memref_slice %arg12[%dma_start3A_158, %dma_start3A_159] : memref<10112x128xf32, #tpu.memory_space<vmem_shared>> -> memref<10112x128xf32, #tpu.memory_space<vmem_shared>>
        tpu.enqueue_indirect_dma source(%dma_start3A_154 : memref<64x128xf32, #tpu.memory_space<vmem>>) target(%dma_start3A_160 : memref<10112x128xf32, #tpu.memory_space<vmem_shared>>) offsets(%dma_start3A_157 : memref<64xi32, #tpu.memory_space<vmem>>) semaphore(%arg11 : memref<!tpu.dma_semaphore, #tpu.memory_space<semaphore_mem>>) {add = true}
        %add3A_161 = arith.constant 3 : i32
        %add3A_162 = arith.addi %mul3A_89, %add3A_161 : i32
        %dma_wait3A_163 = arith.constant 3 : i32
        %dma_wait3A_164 = arith.constant 0 : i32
        %dma_wait3A_165 = arith.constant 0 : i32
        %dma_wait3A_166 = tpu.memref_slice %arg9[%dma_wait3A_163, %dma_wait3A_164, %dma_wait3A_165] : memref<4x64x128xf32, #tpu.memory_space<vmem>> -> memref<1x64x128xf32, #tpu.memory_space<vmem>>
        %dma_wait3A_167 = tpu.memref_squeeze %dma_wait3A_166 : memref<1x64x128xf32, #tpu.memory_space<vmem>> -> memref<64x128xf32, #tpu.memory_space<vmem>>
        %dma_wait3A_168 = arith.constant 0 : i32
        %dma_wait3A_169 = tpu.memref_slice %arg7[%add3A_162, %dma_wait3A_168] : memref<16x64xi32, #tpu.memory_space<vmem>> -> memref<1x64xi32, #tpu.memory_space<vmem>>
        %dma_wait3A_170 = tpu.memref_squeeze %dma_wait3A_169 : memref<1x64xi32, #tpu.memory_space<vmem>> -> memref<64xi32, #tpu.memory_space<vmem>>
        %dma_wait3A_171 = arith.constant 0 : i32
        %dma_wait3A_172 = arith.constant 0 : i32
        %dma_wait3A_173 = tpu.memref_slice %arg2[%dma_wait3A_171, %dma_wait3A_172] : memref<10000x128xf32, #tpu.memory_space<hbm>> -> memref<10000x128xf32, #tpu.memory_space<hbm>>
        tpu.wait_indirect_dma semaphore(%arg10 : memref<!tpu.dma_semaphore, #tpu.memory_space<semaphore_mem>>) src(%dma_wait3A_173 : memref<10000x128xf32, #tpu.memory_space<hbm>>) dst(%dma_wait3A_167 : memref<64x128xf32, #tpu.memory_space<vmem>>)
        %dma_start3A_174 = arith.constant 3 : i32
        %dma_start3A_175 = arith.constant 0 : i32
        %dma_start3A_176 = arith.constant 0 : i32
        %dma_start3A_177 = tpu.memref_slice %arg9[%dma_start3A_174, %dma_start3A_175, %dma_start3A_176] : memref<4x64x128xf32, #tpu.memory_space<vmem>> -> memref<1x64x128xf32, #tpu.memory_space<vmem>>
        %dma_start3A_178 = tpu.memref_squeeze %dma_start3A_177 : memref<1x64x128xf32, #tpu.memory_space<vmem>> -> memref<64x128xf32, #tpu.memory_space<vmem>>
        %dma_start3A_179 = arith.constant 0 : i32
        %dma_start3A_180 = tpu.memref_slice %arg8[%add3A_162, %dma_start3A_179] : memref<16x64xi32, #tpu.memory_space<vmem>> -> memref<1x64xi32, #tpu.memory_space<vmem>>
        %dma_start3A_181 = tpu.memref_squeeze %dma_start3A_180 : memref<1x64xi32, #tpu.memory_space<vmem>> -> memref<64xi32, #tpu.memory_space<vmem>>
        %dma_start3A_182 = arith.constant 0 : i32
        %dma_start3A_183 = arith.constant 0 : i32
        %dma_start3A_184 = tpu.memref_slice %arg12[%dma_start3A_182, %dma_start3A_183] : memref<10112x128xf32, #tpu.memory_space<vmem_shared>> -> memref<10112x128xf32, #tpu.memory_space<vmem_shared>>
        tpu.enqueue_indirect_dma source(%dma_start3A_178 : memref<64x128xf32, #tpu.memory_space<vmem>>) target(%dma_start3A_184 : memref<10112x128xf32, #tpu.memory_space<vmem_shared>>) offsets(%dma_start3A_181 : memref<64xi32, #tpu.memory_space<vmem>>) semaphore(%arg11 : memref<!tpu.dma_semaphore, #tpu.memory_space<semaphore_mem>>) {add = true}
        %add3A_185 = arith.constant 0 : i32
        %add3A_186 = arith.addi %mul3A_89, %add3A_185 : i32
        %dma_wait3A_187 = arith.constant 0 : i32
        %dma_wait3A_188 = arith.constant 0 : i32
        %dma_wait3A_189 = arith.constant 0 : i32
        %dma_wait3A_190 = tpu.memref_slice %arg9[%dma_wait3A_187, %dma_wait3A_188, %dma_wait3A_189] : memref<4x64x128xf32, #tpu.memory_space<vmem>> -> memref<1x64x128xf32, #tpu.memory_space<vmem>>
        %dma_wait3A_191 = tpu.memref_squeeze %dma_wait3A_190 : memref<1x64x128xf32, #tpu.memory_space<vmem>> -> memref<64x128xf32, #tpu.memory_space<vmem>>
        %dma_wait3A_192 = arith.constant 0 : i32
        %dma_wait3A_193 = tpu.memref_slice %arg8[%add3A_186, %dma_wait3A_192] : memref<16x64xi32, #tpu.memory_space<vmem>> -> memref<1x64xi32, #tpu.memory_space<vmem>>
        %dma_wait3A_194 = tpu.memref_squeeze %dma_wait3A_193 : memref<1x64xi32, #tpu.memory_space<vmem>> -> memref<64xi32, #tpu.memory_space<vmem>>
        %dma_wait3A_195 = arith.constant 0 : i32
        %dma_wait3A_196 = arith.constant 0 : i32
        %dma_wait3A_197 = tpu.memref_slice %arg12[%dma_wait3A_195, %dma_wait3A_196] : memref<10112x128xf32, #tpu.memory_space<vmem_shared>> -> memref<10112x128xf32, #tpu.memory_space<vmem_shared>>
        tpu.wait_indirect_dma semaphore(%arg11 : memref<!tpu.dma_semaphore, #tpu.memory_space<semaphore_mem>>) src(%dma_wait3A_191 : memref<64x128xf32, #tpu.memory_space<vmem>>) dst(%dma_wait3A_197 : memref<10112x128xf32, #tpu.memory_space<vmem_shared>>)
        %add3A_198 = arith.constant 4 : i32
        %add3A_199 = arith.addi %add3A_186, %add3A_198 : i32
        %lt3A_200 = arith.constant 16 : i32
        %lt3A_201 = arith.cmpi slt, %add3A_199, %lt3A_200 : i32
        %convert_element_type3A_202 = arith.extui %lt3A_201 : i1 to i32
        %cond3A_203 = arith.constant 0 : i32
        %cond3A_204 = arith.cmpi ne, %convert_element_type3A_202, %cond3A_203 : i32
        scf.if %cond3A_204 {
          %add3A_265 = arith.constant 4 : i32
          %add3A_266 = arith.addi %add3A_186, %add3A_265 : i32
          %dma_start3A_267 = arith.constant 0 : i32
          %dma_start3A_268 = arith.constant 0 : i32
          %dma_start3A_269 = arith.constant 0 : i32
          %dma_start3A_270 = tpu.memref_slice %arg9[%dma_start3A_267, %dma_start3A_268, %dma_start3A_269] : memref<4x64x128xf32, #tpu.memory_space<vmem>> -> memref<1x64x128xf32, #tpu.memory_space<vmem>>
          %dma_start3A_271 = tpu.memref_squeeze %dma_start3A_270 : memref<1x64x128xf32, #tpu.memory_space<vmem>> -> memref<64x128xf32, #tpu.memory_space<vmem>>
          %dma_start3A_272 = arith.constant 0 : i32
          %dma_start3A_273 = tpu.memref_slice %arg7[%add3A_266, %dma_start3A_272] : memref<16x64xi32, #tpu.memory_space<vmem>> -> memref<1x64xi32, #tpu.memory_space<vmem>>
          %dma_start3A_274 = tpu.memref_squeeze %dma_start3A_273 : memref<1x64xi32, #tpu.memory_space<vmem>> -> memref<64xi32, #tpu.memory_space<vmem>>
          %dma_start3A_275 = arith.constant 0 : i32
          %dma_start3A_276 = arith.constant 0 : i32
          %dma_start3A_277 = tpu.memref_slice %arg2[%dma_start3A_275, %dma_start3A_276] : memref<10000x128xf32, #tpu.memory_space<hbm>> -> memref<10000x128xf32, #tpu.memory_space<hbm>>
          tpu.enqueue_indirect_dma source(%dma_start3A_277 : memref<10000x128xf32, #tpu.memory_space<hbm>>) target(%dma_start3A_271 : memref<64x128xf32, #tpu.memory_space<vmem>>) offsets(%dma_start3A_274 : memref<64xi32, #tpu.memory_space<vmem>>) semaphore(%arg10 : memref<!tpu.dma_semaphore, #tpu.memory_space<semaphore_mem>>)
        } else {
        }
        %add3A_205 = arith.constant 1 : i32
        %add3A_206 = arith.addi %mul3A_89, %add3A_205 : i32
        %dma_wait3A_207 = arith.constant 1 : i32
        %dma_wait3A_208 = arith.constant 0 : i32
        %dma_wait3A_209 = arith.constant 0 : i32
        %dma_wait3A_210 = tpu.memref_slice %arg9[%dma_wait3A_207, %dma_wait3A_208, %dma_wait3A_209] : memref<4x64x128xf32, #tpu.memory_space<vmem>> -> memref<1x64x128xf32, #tpu.memory_space<vmem>>
        %dma_wait3A_211 = tpu.memref_squeeze %dma_wait3A_210 : memref<1x64x128xf32, #tpu.memory_space<vmem>> -> memref<64x128xf32, #tpu.memory_space<vmem>>
        %dma_wait3A_212 = arith.constant 0 : i32
        %dma_wait3A_213 = tpu.memref_slice %arg8[%add3A_206, %dma_wait3A_212] : memref<16x64xi32, #tpu.memory_space<vmem>> -> memref<1x64xi32, #tpu.memory_space<vmem>>
        %dma_wait3A_214 = tpu.memref_squeeze %dma_wait3A_213 : memref<1x64xi32, #tpu.memory_space<vmem>> -> memref<64xi32, #tpu.memory_space<vmem>>
        %dma_wait3A_215 = arith.constant 0 : i32
        %dma_wait3A_216 = arith.constant 0 : i32
        %dma_wait3A_217 = tpu.memref_slice %arg12[%dma_wait3A_215, %dma_wait3A_216] : memref<10112x128xf32, #tpu.memory_space<vmem_shared>> -> memref<10112x128xf32, #tpu.memory_space<vmem_shared>>
        tpu.wait_indirect_dma semaphore(%arg11 : memref<!tpu.dma_semaphore, #tpu.memory_space<semaphore_mem>>) src(%dma_wait3A_211 : memref<64x128xf32, #tpu.memory_space<vmem>>) dst(%dma_wait3A_217 : memref<10112x128xf32, #tpu.memory_space<vmem_shared>>)
        %add3A_218 = arith.constant 4 : i32
        %add3A_219 = arith.addi %add3A_206, %add3A_218 : i32
        %lt3A_220 = arith.constant 16 : i32
        %lt3A_221 = arith.cmpi slt, %add3A_219, %lt3A_220 : i32
        %convert_element_type3A_222 = arith.extui %lt3A_221 : i1 to i32
        %cond3A_223 = arith.constant 0 : i32
        %cond3A_224 = arith.cmpi ne, %convert_element_type3A_222, %cond3A_223 : i32
        scf.if %cond3A_224 {
          %add3A_265 = arith.constant 4 : i32
          %add3A_266 = arith.addi %add3A_206, %add3A_265 : i32
          %dma_start3A_267 = arith.constant 1 : i32
          %dma_start3A_268 = arith.constant 0 : i32
          %dma_start3A_269 = arith.constant 0 : i32
          %dma_start3A_270 = tpu.memref_slice %arg9[%dma_start3A_267, %dma_start3A_268, %dma_start3A_269] : memref<4x64x128xf32, #tpu.memory_space<vmem>> -> memref<1x64x128xf32, #tpu.memory_space<vmem>>
          %dma_start3A_271 = tpu.memref_squeeze %dma_start3A_270 : memref<1x64x128xf32, #tpu.memory_space<vmem>> -> memref<64x128xf32, #tpu.memory_space<vmem>>
          %dma_start3A_272 = arith.constant 0 : i32
          %dma_start3A_273 = tpu.memref_slice %arg7[%add3A_266, %dma_start3A_272] : memref<16x64xi32, #tpu.memory_space<vmem>> -> memref<1x64xi32, #tpu.memory_space<vmem>>
          %dma_start3A_274 = tpu.memref_squeeze %dma_start3A_273 : memref<1x64xi32, #tpu.memory_space<vmem>> -> memref<64xi32, #tpu.memory_space<vmem>>
          %dma_start3A_275 = arith.constant 0 : i32
          %dma_start3A_276 = arith.constant 0 : i32
          %dma_start3A_277 = tpu.memref_slice %arg2[%dma_start3A_275, %dma_start3A_276] : memref<10000x128xf32, #tpu.memory_space<hbm>> -> memref<10000x128xf32, #tpu.memory_space<hbm>>
          tpu.enqueue_indirect_dma source(%dma_start3A_277 : memref<10000x128xf32, #tpu.memory_space<hbm>>) target(%dma_start3A_271 : memref<64x128xf32, #tpu.memory_space<vmem>>) offsets(%dma_start3A_274 : memref<64xi32, #tpu.memory_space<vmem>>) semaphore(%arg10 : memref<!tpu.dma_semaphore, #tpu.memory_space<semaphore_mem>>)
        } else {
        }
        %add3A_225 = arith.constant 2 : i32
        %add3A_226 = arith.addi %mul3A_89, %add3A_225 : i32
        %dma_wait3A_227 = arith.constant 2 : i32
        %dma_wait3A_228 = arith.constant 0 : i32
        %dma_wait3A_229 = arith.constant 0 : i32
        %dma_wait3A_230 = tpu.memref_slice %arg9[%dma_wait3A_227, %dma_wait3A_228, %dma_wait3A_229] : memref<4x64x128xf32, #tpu.memory_space<vmem>> -> memref<1x64x128xf32, #tpu.memory_space<vmem>>
        %dma_wait3A_231 = tpu.memref_squeeze %dma_wait3A_230 : memref<1x64x128xf32, #tpu.memory_space<vmem>> -> memref<64x128xf32, #tpu.memory_space<vmem>>
        %dma_wait3A_232 = arith.constant 0 : i32
        %dma_wait3A_233 = tpu.memref_slice %arg8[%add3A_226, %dma_wait3A_232] : memref<16x64xi32, #tpu.memory_space<vmem>> -> memref<1x64xi32, #tpu.memory_space<vmem>>
        %dma_wait3A_234 = tpu.memref_squeeze %dma_wait3A_233 : memref<1x64xi32, #tpu.memory_space<vmem>> -> memref<64xi32, #tpu.memory_space<vmem>>
        %dma_wait3A_235 = arith.constant 0 : i32
        %dma_wait3A_236 = arith.constant 0 : i32
        %dma_wait3A_237 = tpu.memref_slice %arg12[%dma_wait3A_235, %dma_wait3A_236] : memref<10112x128xf32, #tpu.memory_space<vmem_shared>> -> memref<10112x128xf32, #tpu.memory_space<vmem_shared>>
        tpu.wait_indirect_dma semaphore(%arg11 : memref<!tpu.dma_semaphore, #tpu.memory_space<semaphore_mem>>) src(%dma_wait3A_231 : memref<64x128xf32, #tpu.memory_space<vmem>>) dst(%dma_wait3A_237 : memref<10112x128xf32, #tpu.memory_space<vmem_shared>>)
        %add3A_238 = arith.constant 4 : i32
        %add3A_239 = arith.addi %add3A_226, %add3A_238 : i32
        %lt3A_240 = arith.constant 16 : i32
        %lt3A_241 = arith.cmpi slt, %add3A_239, %lt3A_240 : i32
        %convert_element_type3A_242 = arith.extui %lt3A_241 : i1 to i32
        %cond3A_243 = arith.constant 0 : i32
        %cond3A_244 = arith.cmpi ne, %convert_element_type3A_242, %cond3A_243 : i32
        scf.if %cond3A_244 {
          %add3A_265 = arith.constant 4 : i32
          %add3A_266 = arith.addi %add3A_226, %add3A_265 : i32
          %dma_start3A_267 = arith.constant 2 : i32
          %dma_start3A_268 = arith.constant 0 : i32
          %dma_start3A_269 = arith.constant 0 : i32
          %dma_start3A_270 = tpu.memref_slice %arg9[%dma_start3A_267, %dma_start3A_268, %dma_start3A_269] : memref<4x64x128xf32, #tpu.memory_space<vmem>> -> memref<1x64x128xf32, #tpu.memory_space<vmem>>
          %dma_start3A_271 = tpu.memref_squeeze %dma_start3A_270 : memref<1x64x128xf32, #tpu.memory_space<vmem>> -> memref<64x128xf32, #tpu.memory_space<vmem>>
          %dma_start3A_272 = arith.constant 0 : i32
          %dma_start3A_273 = tpu.memref_slice %arg7[%add3A_266, %dma_start3A_272] : memref<16x64xi32, #tpu.memory_space<vmem>> -> memref<1x64xi32, #tpu.memory_space<vmem>>
          %dma_start3A_274 = tpu.memref_squeeze %dma_start3A_273 : memref<1x64xi32, #tpu.memory_space<vmem>> -> memref<64xi32, #tpu.memory_space<vmem>>
          %dma_start3A_275 = arith.constant 0 : i32
          %dma_start3A_276 = arith.constant 0 : i32
          %dma_start3A_277 = tpu.memref_slice %arg2[%dma_start3A_275, %dma_start3A_276] : memref<10000x128xf32, #tpu.memory_space<hbm>> -> memref<10000x128xf32, #tpu.memory_space<hbm>>
          tpu.enqueue_indirect_dma source(%dma_start3A_277 : memref<10000x128xf32, #tpu.memory_space<hbm>>) target(%dma_start3A_271 : memref<64x128xf32, #tpu.memory_space<vmem>>) offsets(%dma_start3A_274 : memref<64xi32, #tpu.memory_space<vmem>>) semaphore(%arg10 : memref<!tpu.dma_semaphore, #tpu.memory_space<semaphore_mem>>)
        } else {
        }
        %add3A_245 = arith.constant 3 : i32
        %add3A_246 = arith.addi %mul3A_89, %add3A_245 : i32
        %dma_wait3A_247 = arith.constant 3 : i32
        %dma_wait3A_248 = arith.constant 0 : i32
        %dma_wait3A_249 = arith.constant 0 : i32
        %dma_wait3A_250 = tpu.memref_slice %arg9[%dma_wait3A_247, %dma_wait3A_248, %dma_wait3A_249] : memref<4x64x128xf32, #tpu.memory_space<vmem>> -> memref<1x64x128xf32, #tpu.memory_space<vmem>>
        %dma_wait3A_251 = tpu.memref_squeeze %dma_wait3A_250 : memref<1x64x128xf32, #tpu.memory_space<vmem>> -> memref<64x128xf32, #tpu.memory_space<vmem>>
        %dma_wait3A_252 = arith.constant 0 : i32
        %dma_wait3A_253 = tpu.memref_slice %arg8[%add3A_246, %dma_wait3A_252] : memref<16x64xi32, #tpu.memory_space<vmem>> -> memref<1x64xi32, #tpu.memory_space<vmem>>
        %dma_wait3A_254 = tpu.memref_squeeze %dma_wait3A_253 : memref<1x64xi32, #tpu.memory_space<vmem>> -> memref<64xi32, #tpu.memory_space<vmem>>
        %dma_wait3A_255 = arith.constant 0 : i32
        %dma_wait3A_256 = arith.constant 0 : i32
        %dma_wait3A_257 = tpu.memref_slice %arg12[%dma_wait3A_255, %dma_wait3A_256] : memref<10112x128xf32, #tpu.memory_space<vmem_shared>> -> memref<10112x128xf32, #tpu.memory_space<vmem_shared>>
        tpu.wait_indirect_dma semaphore(%arg11 : memref<!tpu.dma_semaphore, #tpu.memory_space<semaphore_mem>>) src(%dma_wait3A_251 : memref<64x128xf32, #tpu.memory_space<vmem>>) dst(%dma_wait3A_257 : memref<10112x128xf32, #tpu.memory_space<vmem_shared>>)
        %add3A_258 = arith.constant 4 : i32
        %add3A_259 = arith.addi %add3A_246, %add3A_258 : i32
        %lt3A_260 = arith.constant 16 : i32
        %lt3A_261 = arith.cmpi slt, %add3A_259, %lt3A_260 : i32
        %convert_element_type3A_262 = arith.extui %lt3A_261 : i1 to i32
        %cond3A_263 = arith.constant 0 : i32
        %cond3A_264 = arith.cmpi ne, %convert_element_type3A_262, %cond3A_263 : i32
        scf.if %cond3A_264 {
          %add3A_265 = arith.constant 4 : i32
          %add3A_266 = arith.addi %add3A_246, %add3A_265 : i32
          %dma_start3A_267 = arith.constant 3 : i32
          %dma_start3A_268 = arith.constant 0 : i32
          %dma_start3A_269 = arith.constant 0 : i32
          %dma_start3A_270 = tpu.memref_slice %arg9[%dma_start3A_267, %dma_start3A_268, %dma_start3A_269] : memref<4x64x128xf32, #tpu.memory_space<vmem>> -> memref<1x64x128xf32, #tpu.memory_space<vmem>>
          %dma_start3A_271 = tpu.memref_squeeze %dma_start3A_270 : memref<1x64x128xf32, #tpu.memory_space<vmem>> -> memref<64x128xf32, #tpu.memory_space<vmem>>
          %dma_start3A_272 = arith.constant 0 : i32
          %dma_start3A_273 = tpu.memref_slice %arg7[%add3A_266, %dma_start3A_272] : memref<16x64xi32, #tpu.memory_space<vmem>> -> memref<1x64xi32, #tpu.memory_space<vmem>>
          %dma_start3A_274 = tpu.memref_squeeze %dma_start3A_273 : memref<1x64xi32, #tpu.memory_space<vmem>> -> memref<64xi32, #tpu.memory_space<vmem>>
          %dma_start3A_275 = arith.constant 0 : i32
          %dma_start3A_276 = arith.constant 0 : i32
          %dma_start3A_277 = tpu.memref_slice %arg2[%dma_start3A_275, %dma_start3A_276] : memref<10000x128xf32, #tpu.memory_space<hbm>> -> memref<10000x128xf32, #tpu.memory_space<hbm>>
          tpu.enqueue_indirect_dma source(%dma_start3A_277 : memref<10000x128xf32, #tpu.memory_space<hbm>>) target(%dma_start3A_271 : memref<64x128xf32, #tpu.memory_space<vmem>>) offsets(%dma_start3A_274 : memref<64xi32, #tpu.memory_space<vmem>>) semaphore(%arg10 : memref<!tpu.dma_semaphore, #tpu.memory_space<semaphore_mem>>)
        } else {
        }
      }
      %scan3A_86 = arith.constant 4 : i32
    }
    %barrier3A_23 = arith.constant 0 : index
    tpu.barrier barrier_id(%barrier3A_23)
    %lt3A = arith.constant 15 : i32
    %lt3A_24 = arith.cmpi slt, %arg1, %lt3A : i32
    %convert_element_type3A = arith.extui %lt3A_24 : i1 to i32
    %cond3A = arith.constant 0 : i32
    %cond3A_25 = arith.cmpi ne, %convert_element_type3A, %cond3A : i32
    scf.if %cond3A_25 {
      %mul3A_31 = arith.constant 632 : i32
      %mul3A_32 = arith.muli %arg1, %mul3A_31 : i32
      %mul3A_33 = arith.constant 10000 : i32
      %mul3A_34 = arith.muli %arg0, %mul3A_33 : i32
      %add3A_35 = arith.addi %mul3A_34, %mul3A_32 : i32
      "tpu.region"() ({
        %run_scoped3A = tpu.sem_alloc : memref<!tpu.dma_semaphore, #tpu.memory_space<semaphore_mem>>
        %dma_start3A = arith.constant 0 : i32
        %dma_start3A_36 = tpu.memref_slice %arg6[%add3A_35, %dma_start3A] : memref<20000x128xf32, #tpu.memory_space<hbm>> -> memref<632x128xf32, #tpu.memory_space<hbm>>
        %dma_start3A_37 = arith.constant 0 : i32
        %dma_start3A_38 = tpu.memref_slice %arg12[%mul3A_32, %dma_start3A_37] : memref<10112x128xf32, #tpu.memory_space<vmem_shared>> -> memref<632x128xf32, #tpu.memory_space<vmem_shared>>
        tpu.enqueue_dma source(%dma_start3A_38 : memref<632x128xf32, #tpu.memory_space<vmem_shared>>) target(%dma_start3A_36 : memref<632x128xf32, #tpu.memory_space<hbm>>) target_semaphore(%run_scoped3A : memref<!tpu.dma_semaphore, #tpu.memory_space<semaphore_mem>>)
        %dma_wait3A = arith.constant 0 : i32
        %dma_wait3A_39 = tpu.memref_slice %arg6[%add3A_35, %dma_wait3A] : memref<20000x128xf32, #tpu.memory_space<hbm>> -> memref<632x128xf32, #tpu.memory_space<hbm>>
        %dma_wait3A_40 = arith.constant 0 : i32
        %dma_wait3A_41 = tpu.memref_slice %arg12[%mul3A_32, %dma_wait3A_40] : memref<10112x128xf32, #tpu.memory_space<vmem_shared>> -> memref<632x128xf32, #tpu.memory_space<vmem_shared>>
        tpu.wait_dma2 semaphore(%run_scoped3A : memref<!tpu.dma_semaphore, #tpu.memory_space<semaphore_mem>>) src(%dma_wait3A_41 : memref<632x128xf32, #tpu.memory_space<vmem_shared>>) dst(%dma_wait3A_39 : memref<632x128xf32, #tpu.memory_space<hbm>>)
        tpu.yield
      }) : () -> ()
    } else {
    }
    %eq3A_26 = arith.constant 15 : i32
    %eq3A_27 = arith.cmpi eq, %arg1, %eq3A_26 : i32
    %convert_element_type3A_28 = arith.extui %eq3A_27 : i1 to i32
    %cond3A_29 = arith.constant 0 : i32
    %cond3A_30 = arith.cmpi ne, %convert_element_type3A_28, %cond3A_29 : i32
    scf.if %cond3A_30 {
      %mul3A_31 = arith.constant 10000 : i32
      %mul3A_32 = arith.muli %arg0, %mul3A_31 : i32
      %add3A_33 = arith.constant 9480 : i32
      %add3A_34 = arith.addi %mul3A_32, %add3A_33 : i32
      "tpu.region"() ({
        %run_scoped3A = tpu.sem_alloc : memref<!tpu.dma_semaphore, #tpu.memory_space<semaphore_mem>>
        %dma_start3A = arith.constant 0 : i32
        %dma_start3A_35 = tpu.memref_slice %arg6[%add3A_34, %dma_start3A] : memref<20000x128xf32, #tpu.memory_space<hbm>> -> memref<520x128xf32, #tpu.memory_space<hbm>>
        %dma_start3A_36 = arith.constant 9480 : i32
        %dma_start3A_37 = arith.constant 0 : i32
        %dma_start3A_38 = tpu.memref_slice %arg12[%dma_start3A_36, %dma_start3A_37] : memref<10112x128xf32, #tpu.memory_space<vmem_shared>> -> memref<520x128xf32, #tpu.memory_space<vmem_shared>>
        tpu.enqueue_dma source(%dma_start3A_38 : memref<520x128xf32, #tpu.memory_space<vmem_shared>>) target(%dma_start3A_35 : memref<520x128xf32, #tpu.memory_space<hbm>>) target_semaphore(%run_scoped3A : memref<!tpu.dma_semaphore, #tpu.memory_space<semaphore_mem>>)
        %dma_wait3A = arith.constant 0 : i32
        %dma_wait3A_39 = tpu.memref_slice %arg6[%add3A_34, %dma_wait3A] : memref<20000x128xf32, #tpu.memory_space<hbm>> -> memref<520x128xf32, #tpu.memory_space<hbm>>
        %dma_wait3A_40 = arith.constant 9480 : i32
        %dma_wait3A_41 = arith.constant 0 : i32
        %dma_wait3A_42 = tpu.memref_slice %arg12[%dma_wait3A_40, %dma_wait3A_41] : memref<10112x128xf32, #tpu.memory_space<vmem_shared>> -> memref<520x128xf32, #tpu.memory_space<vmem_shared>>
        tpu.wait_dma2 semaphore(%run_scoped3A : memref<!tpu.dma_semaphore, #tpu.memory_space<semaphore_mem>>) src(%dma_wait3A_42 : memref<520x128xf32, #tpu.memory_space<vmem_shared>>) dst(%dma_wait3A_39 : memref<520x128xf32, #tpu.memory_space<hbm>>)
        tpu.yield
      }) : () -> ()
    } else {
    }
    return
  }
}

#map = affine_map<(d0, d1) -> (0, 0)>
module attributes {stable_mosaic.version = 14 : i64} {
  func.func @seg_sum(%arg0: i32, %arg1: i32, %arg2: memref<10000x128xf32, #tpu.memory_space<hbm>>, %arg3: memref<5120x64xi32, #tpu.memory_space<hbm>>, %arg4: memref<5120x64xi32, #tpu.memory_space<hbm>>, %arg5: memref<632x128xf32, #tpu.memory_space<hbm>>, %arg6: memref<20000x128xf32, #tpu.memory_space<hbm>>, %arg7: memref<16x64xi32, #tpu.memory_space<vmem>>, %arg8: memref<16x64xi32, #tpu.memory_space<vmem>>, %arg9: memref<4x64x128xf32, #tpu.memory_space<vmem>>, %arg10: memref<!tpu.dma_semaphore, #tpu.memory_space<semaphore_mem>>, %arg11: memref<!tpu.dma_semaphore, #tpu.memory_space<semaphore_mem>>, %arg12: memref<10112x128xf32, #tpu.memory_space<vmem_shared>>) attributes {dimension_semantics = [#tpu.dimension_semantics<core_parallel>, #tpu.dimension_semantics<subcore_parallel>], iteration_bounds = array<i64: 2, 16>, scalar_prefetch = 0 : i64, scratch_operands = 6 : i64, tpu.core_type = #tpu.core_type<sc_vector_subcore>, window_params = [{transform_indices = #map}, {transform_indices = #map}, {transform_indices = #map}, {transform_indices = #map}, {transform_indices = #map}]} {
    %mul3A = arith.constant 2 : i32
    %mul3A_0 = arith.muli %arg1, %mul3A : i32
    %add3A = arith.addi %mul3A_0, %arg0 : i32
    %mul3A_1 = arith.constant 632 : i32
    %mul3A_2 = arith.muli %arg1, %mul3A_1 : i32
    "tpu.region"() ({
      %run_scoped3A = tpu.sem_alloc : memref<!tpu.dma_semaphore, #tpu.memory_space<semaphore_mem>>
      %dma_start3A = arith.constant 0 : i32
      %dma_start3A_31 = tpu.memref_slice %arg12[%mul3A_2, %dma_start3A] : memref<10112x128xf32, #tpu.memory_space<vmem_shared>> -> memref<632x128xf32, #tpu.memory_space<vmem_shared>>
      tpu.enqueue_dma source(%arg5 : memref<632x128xf32, #tpu.memory_space<hbm>>) target(%dma_start3A_31 : memref<632x128xf32, #tpu.memory_space<vmem_shared>>) target_semaphore(%run_scoped3A : memref<!tpu.dma_semaphore, #tpu.memory_space<semaphore_mem>>)
      %dma_wait3A = arith.constant 0 : i32
      %dma_wait3A_32 = tpu.memref_slice %arg12[%mul3A_2, %dma_wait3A] : memref<10112x128xf32, #tpu.memory_space<vmem_shared>> -> memref<632x128xf32, #tpu.memory_space<vmem_shared>>
      tpu.wait_dma2 semaphore(%run_scoped3A : memref<!tpu.dma_semaphore, #tpu.memory_space<semaphore_mem>>) src(%arg5 : memref<632x128xf32, #tpu.memory_space<hbm>>) dst(%dma_wait3A_32 : memref<632x128xf32, #tpu.memory_space<vmem_shared>>)
      tpu.yield
    }) : () -> ()
    %barrier3A = arith.constant 0 : index
    tpu.barrier barrier_id(%barrier3A)
    %eq3A = arith.constant 0 : i32
    %eq3A_3 = arith.cmpi eq, %arg0, %eq3A : i32
    %mul3A_4 = arith.constant 304 : i32
    %mul3A_5 = arith.muli %arg1, %mul3A_4 : i32
    %mul3A_6 = arith.constant 16 : i32
    %mul3A_7 = arith.muli %arg1, %mul3A_6 : i32
    %add3A_8 = arith.constant 4864 : i32
    %add3A_9 = arith.addi %add3A_8, %mul3A_7 : i32
    %select_n3A = arith.select %eq3A_3, %mul3A_5, %add3A_9 : i32
    %eq3A_10 = arith.constant 0 : i32
    %eq3A_11 = arith.cmpi eq, %arg0, %eq3A_10 : i32
    %jit3A = arith.constant 19 : i32
    %jit3A_12 = arith.constant 1 : i32
    %select_n3A_13 = arith.select %eq3A_11, %jit3A, %jit3A_12 : i32
    %while3A = arith.constant 0 : i32
    %while3A_14 = arith.constant 0 : i32
    %while3A_15 = arith.subi %select_n3A_13, %while3A_14 : i32
    %while3A_16 = arith.addi %while3A_14, %while3A_15 : i32
    %while3A_17 = arith.constant 1 : i32
    %while3A_18 = arith.divsi %while3A_15, %while3A_17 : i32
    %while3A_19 = arith.muli %while3A_18, %while3A_17 : i32
    %while3A_20 = arith.addi %while3A_14, %while3A_19 : i32
    %while3A_21 = arith.constant 1 : i32
    scf.for %while3A_31 = %while3A_14 to %while3A_20 step %while3A_21  : i32 {
      %mul3A_32 = arith.constant 16 : i32
      %mul3A_33 = arith.muli %while3A_31, %mul3A_32 : i32
      %add3A_34 = arith.addi %select_n3A, %mul3A_33 : i32
      "tpu.region"() ({
        %run_scoped3A = tpu.sem_alloc : memref<!tpu.dma_semaphore, #tpu.memory_space<semaphore_mem>>
        %dma_start3A_87 = arith.constant 0 : i32
        %dma_start3A_88 = tpu.memref_slice %arg3[%add3A_34, %dma_start3A_87] : memref<5120x64xi32, #tpu.memory_space<hbm>> -> memref<16x64xi32, #tpu.memory_space<hbm>>
        %dma_start3A_89 = arith.constant 0 : i32
        %dma_start3A_90 = tpu.memref_slice %arg3[%add3A_34, %dma_start3A_89] : memref<5120x64xi32, #tpu.memory_space<hbm>> -> memref<16x64xi32, #tpu.memory_space<hbm>>
        tpu.enqueue_dma source(%dma_start3A_90 : memref<16x64xi32, #tpu.memory_space<hbm>>) target(%arg7 : memref<16x64xi32, #tpu.memory_space<vmem>>) target_semaphore(%run_scoped3A : memref<!tpu.dma_semaphore, #tpu.memory_space<semaphore_mem>>)
        %dma_wait3A = arith.constant 0 : i32
        %dma_wait3A_91 = tpu.memref_slice %arg3[%add3A_34, %dma_wait3A] : memref<5120x64xi32, #tpu.memory_space<hbm>> -> memref<16x64xi32, #tpu.memory_space<hbm>>
        %dma_wait3A_92 = arith.constant 0 : i32
        %dma_wait3A_93 = tpu.memref_slice %arg3[%add3A_34, %dma_wait3A_92] : memref<5120x64xi32, #tpu.memory_space<hbm>> -> memref<16x64xi32, #tpu.memory_space<hbm>>
        tpu.wait_dma2 semaphore(%run_scoped3A : memref<!tpu.dma_semaphore, #tpu.memory_space<semaphore_mem>>) src(%dma_wait3A_93 : memref<16x64xi32, #tpu.memory_space<hbm>>) dst(%arg7 : memref<16x64xi32, #tpu.memory_space<vmem>>)
        tpu.yield
      }) : () -> ()
      "tpu.region"() ({
        %run_scoped3A = tpu.sem_alloc : memref<!tpu.dma_semaphore, #tpu.memory_space<semaphore_mem>>
        %dma_start3A_87 = arith.constant 0 : i32
        %dma_start3A_88 = tpu.memref_slice %arg4[%add3A_34, %dma_start3A_87] : memref<5120x64xi32, #tpu.memory_space<hbm>> -> memref<16x64xi32, #tpu.memory_space<hbm>>
        %dma_start3A_89 = arith.constant 0 : i32
        %dma_start3A_90 = tpu.memref_slice %arg4[%add3A_34, %dma_start3A_89] : memref<5120x64xi32, #tpu.memory_space<hbm>> -> memref<16x64xi32, #tpu.memory_space<hbm>>
        tpu.enqueue_dma source(%dma_start3A_90 : memref<16x64xi32, #tpu.memory_space<hbm>>) target(%arg8 : memref<16x64xi32, #tpu.memory_space<vmem>>) target_semaphore(%run_scoped3A : memref<!tpu.dma_semaphore, #tpu.memory_space<semaphore_mem>>)
        %dma_wait3A = arith.constant 0 : i32
        %dma_wait3A_91 = tpu.memref_slice %arg4[%add3A_34, %dma_wait3A] : memref<5120x64xi32, #tpu.memory_space<hbm>> -> memref<16x64xi32, #tpu.memory_space<hbm>>
        %dma_wait3A_92 = arith.constant 0 : i32
        %dma_wait3A_93 = tpu.memref_slice %arg4[%add3A_34, %dma_wait3A_92] : memref<5120x64xi32, #tpu.memory_space<hbm>> -> memref<16x64xi32, #tpu.memory_space<hbm>>
        tpu.wait_dma2 semaphore(%run_scoped3A : memref<!tpu.dma_semaphore, #tpu.memory_space<semaphore_mem>>) src(%dma_wait3A_93 : memref<16x64xi32, #tpu.memory_space<hbm>>) dst(%arg8 : memref<16x64xi32, #tpu.memory_space<vmem>>)
        tpu.yield
      }) : () -> ()
      %dma_start3A = arith.constant 0 : i32
      %dma_start3A_35 = arith.constant 0 : i32
      %dma_start3A_36 = arith.constant 0 : i32
      %dma_start3A_37 = arith.constant 0 : i32
      %dma_start3A_38 = tpu.memref_slice %arg9[%dma_start3A_35, %dma_start3A_36, %dma_start3A_37] : memref<4x64x128xf32, #tpu.memory_space<vmem>> -> memref<1x64x128xf32, #tpu.memory_space<vmem>>
      %dma_start3A_39 = tpu.memref_squeeze %dma_start3A_38 : memref<1x64x128xf32, #tpu.memory_space<vmem>> -> memref<64x128xf32, #tpu.memory_space<vmem>>
      %dma_start3A_40 = arith.constant 0 : i32
      %dma_start3A_41 = tpu.memref_slice %arg7[%dma_start3A, %dma_start3A_40] : memref<16x64xi32, #tpu.memory_space<vmem>> -> memref<1x64xi32, #tpu.memory_space<vmem>>
      %dma_start3A_42 = tpu.memref_squeeze %dma_start3A_41 : memref<1x64xi32, #tpu.memory_space<vmem>> -> memref<64xi32, #tpu.memory_space<vmem>>
      %dma_start3A_43 = arith.constant 0 : i32
      %dma_start3A_44 = arith.constant 0 : i32
      %dma_start3A_45 = tpu.memref_slice %arg2[%dma_start3A_43, %dma_start3A_44] : memref<10000x128xf32, #tpu.memory_space<hbm>> -> memref<10000x128xf32, #tpu.memory_space<hbm>>
      tpu.enqueue_indirect_dma source(%dma_start3A_45 : memref<10000x128xf32, #tpu.memory_space<hbm>>) target(%dma_start3A_39 : memref<64x128xf32, #tpu.memory_space<vmem>>) offsets(%dma_start3A_42 : memref<64xi32, #tpu.memory_space<vmem>>) semaphore(%arg10 : memref<!tpu.dma_semaphore, #tpu.memory_space<semaphore_mem>>)
      %dma_start3A_46 = arith.constant 1 : i32
      %dma_start3A_47 = arith.constant 1 : i32
      %dma_start3A_48 = arith.constant 0 : i32
      %dma_start3A_49 = arith.constant 0 : i32
      %dma_start3A_50 = tpu.memref_slice %arg9[%dma_start3A_47, %dma_start3A_48, %dma_start3A_49] : memref<4x64x128xf32, #tpu.memory_space<vmem>> -> memref<1x64x128xf32, #tpu.memory_space<vmem>>
      %dma_start3A_51 = tpu.memref_squeeze %dma_start3A_50 : memref<1x64x128xf32, #tpu.memory_space<vmem>> -> memref<64x128xf32, #tpu.memory_space<vmem>>
      %dma_start3A_52 = arith.constant 0 : i32
      %dma_start3A_53 = tpu.memref_slice %arg7[%dma_start3A_46, %dma_start3A_52] : memref<16x64xi32, #tpu.memory_space<vmem>> -> memref<1x64xi32, #tpu.memory_space<vmem>>
      %dma_start3A_54 = tpu.memref_squeeze %dma_start3A_53 : memref<1x64xi32, #tpu.memory_space<vmem>> -> memref<64xi32, #tpu.memory_space<vmem>>
      %dma_start3A_55 = arith.constant 0 : i32
      %dma_start3A_56 = arith.constant 0 : i32
      %dma_start3A_57 = tpu.memref_slice %arg2[%dma_start3A_55, %dma_start3A_56] : memref<10000x128xf32, #tpu.memory_space<hbm>> -> memref<10000x128xf32, #tpu.memory_space<hbm>>
      tpu.enqueue_indirect_dma source(%dma_start3A_57 : memref<10000x128xf32, #tpu.memory_space<hbm>>) target(%dma_start3A_51 : memref<64x128xf32, #tpu.memory_space<vmem>>) offsets(%dma_start3A_54 : memref<64xi32, #tpu.memory_space<vmem>>) semaphore(%arg10 : memref<!tpu.dma_semaphore, #tpu.memory_space<semaphore_mem>>)
      %dma_start3A_58 = arith.constant 2 : i32
      %dma_start3A_59 = arith.constant 2 : i32
      %dma_start3A_60 = arith.constant 0 : i32
      %dma_start3A_61 = arith.constant 0 : i32
      %dma_start3A_62 = tpu.memref_slice %arg9[%dma_start3A_59, %dma_start3A_60, %dma_start3A_61] : memref<4x64x128xf32, #tpu.memory_space<vmem>> -> memref<1x64x128xf32, #tpu.memory_space<vmem>>
      %dma_start3A_63 = tpu.memref_squeeze %dma_start3A_62 : memref<1x64x128xf32, #tpu.memory_space<vmem>> -> memref<64x128xf32, #tpu.memory_space<vmem>>
      %dma_start3A_64 = arith.constant 0 : i32
      %dma_start3A_65 = tpu.memref_slice %arg7[%dma_start3A_58, %dma_start3A_64] : memref<16x64xi32, #tpu.memory_space<vmem>> -> memref<1x64xi32, #tpu.memory_space<vmem>>
      %dma_start3A_66 = tpu.memref_squeeze %dma_start3A_65 : memref<1x64xi32, #tpu.memory_space<vmem>> -> memref<64xi32, #tpu.memory_space<vmem>>
      %dma_start3A_67 = arith.constant 0 : i32
      %dma_start3A_68 = arith.constant 0 : i32
      %dma_start3A_69 = tpu.memref_slice %arg2[%dma_start3A_67, %dma_start3A_68] : memref<10000x128xf32, #tpu.memory_space<hbm>> -> memref<10000x128xf32, #tpu.memory_space<hbm>>
      tpu.enqueue_indirect_dma source(%dma_start3A_69 : memref<10000x128xf32, #tpu.memory_space<hbm>>) target(%dma_start3A_63 : memref<64x128xf32, #tpu.memory_space<vmem>>) offsets(%dma_start3A_66 : memref<64xi32, #tpu.memory_space<vmem>>) semaphore(%arg10 : memref<!tpu.dma_semaphore, #tpu.memory_space<semaphore_mem>>)
      %dma_start3A_70 = arith.constant 3 : i32
      %dma_start3A_71 = arith.constant 3 : i32
      %dma_start3A_72 = arith.constant 0 : i32
      %dma_start3A_73 = arith.constant 0 : i32
      %dma_start3A_74 = tpu.memref_slice %arg9[%dma_start3A_71, %dma_start3A_72, %dma_start3A_73] : memref<4x64x128xf32, #tpu.memory_space<vmem>> -> memref<1x64x128xf32, #tpu.memory_space<vmem>>
      %dma_start3A_75 = tpu.memref_squeeze %dma_start3A_74 : memref<1x64x128xf32, #tpu.memory_space<vmem>> -> memref<64x128xf32, #tpu.memory_space<vmem>>
      %dma_start3A_76 = arith.constant 0 : i32
      %dma_start3A_77 = tpu.memref_slice %arg7[%dma_start3A_70, %dma_start3A_76] : memref<16x64xi32, #tpu.memory_space<vmem>> -> memref<1x64xi32, #tpu.memory_space<vmem>>
      %dma_start3A_78 = tpu.memref_squeeze %dma_start3A_77 : memref<1x64xi32, #tpu.memory_space<vmem>> -> memref<64xi32, #tpu.memory_space<vmem>>
      %dma_start3A_79 = arith.constant 0 : i32
      %dma_start3A_80 = arith.constant 0 : i32
      %dma_start3A_81 = tpu.memref_slice %arg2[%dma_start3A_79, %dma_start3A_80] : memref<10000x128xf32, #tpu.memory_space<hbm>> -> memref<10000x128xf32, #tpu.memory_space<hbm>>
      tpu.enqueue_indirect_dma source(%dma_start3A_81 : memref<10000x128xf32, #tpu.memory_space<hbm>>) target(%dma_start3A_75 : memref<64x128xf32, #tpu.memory_space<vmem>>) offsets(%dma_start3A_78 : memref<64xi32, #tpu.memory_space<vmem>>) semaphore(%arg10 : memref<!tpu.dma_semaphore, #tpu.memory_space<semaphore_mem>>)
      %scan3A = arith.constant 0 : i32
      %scan3A_82 = arith.constant 0 : i32
      %scan3A_83 = arith.constant 4 : i32
      %scan3A_84 = arith.addi %scan3A_82, %scan3A_83 : i32
      %scan3A_85 = arith.constant 1 : i32
      scf.for %scan3A_87 = %scan3A_82 to %scan3A_84 step %scan3A_85  : i32 {
        %mul3A_88 = arith.constant 4 : i32
        %mul3A_89 = arith.muli %scan3A_87, %mul3A_88 : i32
        %add3A_90 = arith.constant 0 : i32
        %add3A_91 = arith.addi %mul3A_89, %add3A_90 : i32
        %dma_wait3A = arith.constant 0 : i32
        %dma_wait3A_92 = arith.constant 0 : i32
        %dma_wait3A_93 = arith.constant 0 : i32
        %dma_wait3A_94 = tpu.memref_slice %arg9[%dma_wait3A, %dma_wait3A_92, %dma_wait3A_93] : memref<4x64x128xf32, #tpu.memory_space<vmem>> -> memref<1x64x128xf32, #tpu.memory_space<vmem>>
        %dma_wait3A_95 = tpu.memref_squeeze %dma_wait3A_94 : memref<1x64x128xf32, #tpu.memory_space<vmem>> -> memref<64x128xf32, #tpu.memory_space<vmem>>
        %dma_wait3A_96 = arith.constant 0 : i32
        %dma_wait3A_97 = tpu.memref_slice %arg7[%add3A_91, %dma_wait3A_96] : memref<16x64xi32, #tpu.memory_space<vmem>> -> memref<1x64xi32, #tpu.memory_space<vmem>>
        %dma_wait3A_98 = tpu.memref_squeeze %dma_wait3A_97 : memref<1x64xi32, #tpu.memory_space<vmem>> -> memref<64xi32, #tpu.memory_space<vmem>>
        %dma_wait3A_99 = arith.constant 0 : i32
        %dma_wait3A_100 = arith.constant 0 : i32
        %dma_wait3A_101 = tpu.memref_slice %arg2[%dma_wait3A_99, %dma_wait3A_100] : memref<10000x128xf32, #tpu.memory_space<hbm>> -> memref<10000x128xf32, #tpu.memory_space<hbm>>
        tpu.wait_indirect_dma semaphore(%arg10 : memref<!tpu.dma_semaphore, #tpu.memory_space<semaphore_mem>>) src(%dma_wait3A_101 : memref<10000x128xf32, #tpu.memory_space<hbm>>) dst(%dma_wait3A_95 : memref<64x128xf32, #tpu.memory_space<vmem>>)
        %dma_start3A_102 = arith.constant 0 : i32
        %dma_start3A_103 = arith.constant 0 : i32
        %dma_start3A_104 = arith.constant 0 : i32
        %dma_start3A_105 = tpu.memref_slice %arg9[%dma_start3A_102, %dma_start3A_103, %dma_start3A_104] : memref<4x64x128xf32, #tpu.memory_space<vmem>> -> memref<1x64x128xf32, #tpu.memory_space<vmem>>
        %dma_start3A_106 = tpu.memref_squeeze %dma_start3A_105 : memref<1x64x128xf32, #tpu.memory_space<vmem>> -> memref<64x128xf32, #tpu.memory_space<vmem>>
        %dma_start3A_107 = arith.constant 0 : i32
        %dma_start3A_108 = tpu.memref_slice %arg8[%add3A_91, %dma_start3A_107] : memref<16x64xi32, #tpu.memory_space<vmem>> -> memref<1x64xi32, #tpu.memory_space<vmem>>
        %dma_start3A_109 = tpu.memref_squeeze %dma_start3A_108 : memref<1x64xi32, #tpu.memory_space<vmem>> -> memref<64xi32, #tpu.memory_space<vmem>>
        %dma_start3A_110 = arith.constant 0 : i32
        %dma_start3A_111 = arith.constant 0 : i32
        %dma_start3A_112 = tpu.memref_slice %arg12[%dma_start3A_110, %dma_start3A_111] : memref<10112x128xf32, #tpu.memory_space<vmem_shared>> -> memref<10112x128xf32, #tpu.memory_space<vmem_shared>>
        tpu.enqueue_indirect_dma source(%dma_start3A_106 : memref<64x128xf32, #tpu.memory_space<vmem>>) target(%dma_start3A_112 : memref<10112x128xf32, #tpu.memory_space<vmem_shared>>) offsets(%dma_start3A_109 : memref<64xi32, #tpu.memory_space<vmem>>) semaphore(%arg11 : memref<!tpu.dma_semaphore, #tpu.memory_space<semaphore_mem>>) {add = true}
        %add3A_113 = arith.constant 1 : i32
        %add3A_114 = arith.addi %mul3A_89, %add3A_113 : i32
        %dma_wait3A_115 = arith.constant 1 : i32
        %dma_wait3A_116 = arith.constant 0 : i32
        %dma_wait3A_117 = arith.constant 0 : i32
        %dma_wait3A_118 = tpu.memref_slice %arg9[%dma_wait3A_115, %dma_wait3A_116, %dma_wait3A_117] : memref<4x64x128xf32, #tpu.memory_space<vmem>> -> memref<1x64x128xf32, #tpu.memory_space<vmem>>
        %dma_wait3A_119 = tpu.memref_squeeze %dma_wait3A_118 : memref<1x64x128xf32, #tpu.memory_space<vmem>> -> memref<64x128xf32, #tpu.memory_space<vmem>>
        %dma_wait3A_120 = arith.constant 0 : i32
        %dma_wait3A_121 = tpu.memref_slice %arg7[%add3A_114, %dma_wait3A_120] : memref<16x64xi32, #tpu.memory_space<vmem>> -> memref<1x64xi32, #tpu.memory_space<vmem>>
        %dma_wait3A_122 = tpu.memref_squeeze %dma_wait3A_121 : memref<1x64xi32, #tpu.memory_space<vmem>> -> memref<64xi32, #tpu.memory_space<vmem>>
        %dma_wait3A_123 = arith.constant 0 : i32
        %dma_wait3A_124 = arith.constant 0 : i32
        %dma_wait3A_125 = tpu.memref_slice %arg2[%dma_wait3A_123, %dma_wait3A_124] : memref<10000x128xf32, #tpu.memory_space<hbm>> -> memref<10000x128xf32, #tpu.memory_space<hbm>>
        tpu.wait_indirect_dma semaphore(%arg10 : memref<!tpu.dma_semaphore, #tpu.memory_space<semaphore_mem>>) src(%dma_wait3A_125 : memref<10000x128xf32, #tpu.memory_space<hbm>>) dst(%dma_wait3A_119 : memref<64x128xf32, #tpu.memory_space<vmem>>)
        %dma_start3A_126 = arith.constant 1 : i32
        %dma_start3A_127 = arith.constant 0 : i32
        %dma_start3A_128 = arith.constant 0 : i32
        %dma_start3A_129 = tpu.memref_slice %arg9[%dma_start3A_126, %dma_start3A_127, %dma_start3A_128] : memref<4x64x128xf32, #tpu.memory_space<vmem>> -> memref<1x64x128xf32, #tpu.memory_space<vmem>>
        %dma_start3A_130 = tpu.memref_squeeze %dma_start3A_129 : memref<1x64x128xf32, #tpu.memory_space<vmem>> -> memref<64x128xf32, #tpu.memory_space<vmem>>
        %dma_start3A_131 = arith.constant 0 : i32
        %dma_start3A_132 = tpu.memref_slice %arg8[%add3A_114, %dma_start3A_131] : memref<16x64xi32, #tpu.memory_space<vmem>> -> memref<1x64xi32, #tpu.memory_space<vmem>>
        %dma_start3A_133 = tpu.memref_squeeze %dma_start3A_132 : memref<1x64xi32, #tpu.memory_space<vmem>> -> memref<64xi32, #tpu.memory_space<vmem>>
        %dma_start3A_134 = arith.constant 0 : i32
        %dma_start3A_135 = arith.constant 0 : i32
        %dma_start3A_136 = tpu.memref_slice %arg12[%dma_start3A_134, %dma_start3A_135] : memref<10112x128xf32, #tpu.memory_space<vmem_shared>> -> memref<10112x128xf32, #tpu.memory_space<vmem_shared>>
        tpu.enqueue_indirect_dma source(%dma_start3A_130 : memref<64x128xf32, #tpu.memory_space<vmem>>) target(%dma_start3A_136 : memref<10112x128xf32, #tpu.memory_space<vmem_shared>>) offsets(%dma_start3A_133 : memref<64xi32, #tpu.memory_space<vmem>>) semaphore(%arg11 : memref<!tpu.dma_semaphore, #tpu.memory_space<semaphore_mem>>) {add = true}
        %add3A_137 = arith.constant 2 : i32
        %add3A_138 = arith.addi %mul3A_89, %add3A_137 : i32
        %dma_wait3A_139 = arith.constant 2 : i32
        %dma_wait3A_140 = arith.constant 0 : i32
        %dma_wait3A_141 = arith.constant 0 : i32
        %dma_wait3A_142 = tpu.memref_slice %arg9[%dma_wait3A_139, %dma_wait3A_140, %dma_wait3A_141] : memref<4x64x128xf32, #tpu.memory_space<vmem>> -> memref<1x64x128xf32, #tpu.memory_space<vmem>>
        %dma_wait3A_143 = tpu.memref_squeeze %dma_wait3A_142 : memref<1x64x128xf32, #tpu.memory_space<vmem>> -> memref<64x128xf32, #tpu.memory_space<vmem>>
        %dma_wait3A_144 = arith.constant 0 : i32
        %dma_wait3A_145 = tpu.memref_slice %arg7[%add3A_138, %dma_wait3A_144] : memref<16x64xi32, #tpu.memory_space<vmem>> -> memref<1x64xi32, #tpu.memory_space<vmem>>
        %dma_wait3A_146 = tpu.memref_squeeze %dma_wait3A_145 : memref<1x64xi32, #tpu.memory_space<vmem>> -> memref<64xi32, #tpu.memory_space<vmem>>
        %dma_wait3A_147 = arith.constant 0 : i32
        %dma_wait3A_148 = arith.constant 0 : i32
        %dma_wait3A_149 = tpu.memref_slice %arg2[%dma_wait3A_147, %dma_wait3A_148] : memref<10000x128xf32, #tpu.memory_space<hbm>> -> memref<10000x128xf32, #tpu.memory_space<hbm>>
        tpu.wait_indirect_dma semaphore(%arg10 : memref<!tpu.dma_semaphore, #tpu.memory_space<semaphore_mem>>) src(%dma_wait3A_149 : memref<10000x128xf32, #tpu.memory_space<hbm>>) dst(%dma_wait3A_143 : memref<64x128xf32, #tpu.memory_space<vmem>>)
        %dma_start3A_150 = arith.constant 2 : i32
        %dma_start3A_151 = arith.constant 0 : i32
        %dma_start3A_152 = arith.constant 0 : i32
        %dma_start3A_153 = tpu.memref_slice %arg9[%dma_start3A_150, %dma_start3A_151, %dma_start3A_152] : memref<4x64x128xf32, #tpu.memory_space<vmem>> -> memref<1x64x128xf32, #tpu.memory_space<vmem>>
        %dma_start3A_154 = tpu.memref_squeeze %dma_start3A_153 : memref<1x64x128xf32, #tpu.memory_space<vmem>> -> memref<64x128xf32, #tpu.memory_space<vmem>>
        %dma_start3A_155 = arith.constant 0 : i32
        %dma_start3A_156 = tpu.memref_slice %arg8[%add3A_138, %dma_start3A_155] : memref<16x64xi32, #tpu.memory_space<vmem>> -> memref<1x64xi32, #tpu.memory_space<vmem>>
        %dma_start3A_157 = tpu.memref_squeeze %dma_start3A_156 : memref<1x64xi32, #tpu.memory_space<vmem>> -> memref<64xi32, #tpu.memory_space<vmem>>
        %dma_start3A_158 = arith.constant 0 : i32
        %dma_start3A_159 = arith.constant 0 : i32
        %dma_start3A_160 = tpu.memref_slice %arg12[%dma_start3A_158, %dma_start3A_159] : memref<10112x128xf32, #tpu.memory_space<vmem_shared>> -> memref<10112x128xf32, #tpu.memory_space<vmem_shared>>
        tpu.enqueue_indirect_dma source(%dma_start3A_154 : memref<64x128xf32, #tpu.memory_space<vmem>>) target(%dma_start3A_160 : memref<10112x128xf32, #tpu.memory_space<vmem_shared>>) offsets(%dma_start3A_157 : memref<64xi32, #tpu.memory_space<vmem>>) semaphore(%arg11 : memref<!tpu.dma_semaphore, #tpu.memory_space<semaphore_mem>>) {add = true}
        %add3A_161 = arith.constant 3 : i32
        %add3A_162 = arith.addi %mul3A_89, %add3A_161 : i32
        %dma_wait3A_163 = arith.constant 3 : i32
        %dma_wait3A_164 = arith.constant 0 : i32
        %dma_wait3A_165 = arith.constant 0 : i32
        %dma_wait3A_166 = tpu.memref_slice %arg9[%dma_wait3A_163, %dma_wait3A_164, %dma_wait3A_165] : memref<4x64x128xf32, #tpu.memory_space<vmem>> -> memref<1x64x128xf32, #tpu.memory_space<vmem>>
        %dma_wait3A_167 = tpu.memref_squeeze %dma_wait3A_166 : memref<1x64x128xf32, #tpu.memory_space<vmem>> -> memref<64x128xf32, #tpu.memory_space<vmem>>
        %dma_wait3A_168 = arith.constant 0 : i32
        %dma_wait3A_169 = tpu.memref_slice %arg7[%add3A_162, %dma_wait3A_168] : memref<16x64xi32, #tpu.memory_space<vmem>> -> memref<1x64xi32, #tpu.memory_space<vmem>>
        %dma_wait3A_170 = tpu.memref_squeeze %dma_wait3A_169 : memref<1x64xi32, #tpu.memory_space<vmem>> -> memref<64xi32, #tpu.memory_space<vmem>>
        %dma_wait3A_171 = arith.constant 0 : i32
        %dma_wait3A_172 = arith.constant 0 : i32
        %dma_wait3A_173 = tpu.memref_slice %arg2[%dma_wait3A_171, %dma_wait3A_172] : memref<10000x128xf32, #tpu.memory_space<hbm>> -> memref<10000x128xf32, #tpu.memory_space<hbm>>
        tpu.wait_indirect_dma semaphore(%arg10 : memref<!tpu.dma_semaphore, #tpu.memory_space<semaphore_mem>>) src(%dma_wait3A_173 : memref<10000x128xf32, #tpu.memory_space<hbm>>) dst(%dma_wait3A_167 : memref<64x128xf32, #tpu.memory_space<vmem>>)
        %dma_start3A_174 = arith.constant 3 : i32
        %dma_start3A_175 = arith.constant 0 : i32
        %dma_start3A_176 = arith.constant 0 : i32
        %dma_start3A_177 = tpu.memref_slice %arg9[%dma_start3A_174, %dma_start3A_175, %dma_start3A_176] : memref<4x64x128xf32, #tpu.memory_space<vmem>> -> memref<1x64x128xf32, #tpu.memory_space<vmem>>
        %dma_start3A_178 = tpu.memref_squeeze %dma_start3A_177 : memref<1x64x128xf32, #tpu.memory_space<vmem>> -> memref<64x128xf32, #tpu.memory_space<vmem>>
        %dma_start3A_179 = arith.constant 0 : i32
        %dma_start3A_180 = tpu.memref_slice %arg8[%add3A_162, %dma_start3A_179] : memref<16x64xi32, #tpu.memory_space<vmem>> -> memref<1x64xi32, #tpu.memory_space<vmem>>
        %dma_start3A_181 = tpu.memref_squeeze %dma_start3A_180 : memref<1x64xi32, #tpu.memory_space<vmem>> -> memref<64xi32, #tpu.memory_space<vmem>>
        %dma_start3A_182 = arith.constant 0 : i32
        %dma_start3A_183 = arith.constant 0 : i32
        %dma_start3A_184 = tpu.memref_slice %arg12[%dma_start3A_182, %dma_start3A_183] : memref<10112x128xf32, #tpu.memory_space<vmem_shared>> -> memref<10112x128xf32, #tpu.memory_space<vmem_shared>>
        tpu.enqueue_indirect_dma source(%dma_start3A_178 : memref<64x128xf32, #tpu.memory_space<vmem>>) target(%dma_start3A_184 : memref<10112x128xf32, #tpu.memory_space<vmem_shared>>) offsets(%dma_start3A_181 : memref<64xi32, #tpu.memory_space<vmem>>) semaphore(%arg11 : memref<!tpu.dma_semaphore, #tpu.memory_space<semaphore_mem>>) {add = true}
        %add3A_185 = arith.constant 0 : i32
        %add3A_186 = arith.addi %mul3A_89, %add3A_185 : i32
        %dma_wait3A_187 = arith.constant 0 : i32
        %dma_wait3A_188 = arith.constant 0 : i32
        %dma_wait3A_189 = arith.constant 0 : i32
        %dma_wait3A_190 = tpu.memref_slice %arg9[%dma_wait3A_187, %dma_wait3A_188, %dma_wait3A_189] : memref<4x64x128xf32, #tpu.memory_space<vmem>> -> memref<1x64x128xf32, #tpu.memory_space<vmem>>
        %dma_wait3A_191 = tpu.memref_squeeze %dma_wait3A_190 : memref<1x64x128xf32, #tpu.memory_space<vmem>> -> memref<64x128xf32, #tpu.memory_space<vmem>>
        %dma_wait3A_192 = arith.constant 0 : i32
        %dma_wait3A_193 = tpu.memref_slice %arg8[%add3A_186, %dma_wait3A_192] : memref<16x64xi32, #tpu.memory_space<vmem>> -> memref<1x64xi32, #tpu.memory_space<vmem>>
        %dma_wait3A_194 = tpu.memref_squeeze %dma_wait3A_193 : memref<1x64xi32, #tpu.memory_space<vmem>> -> memref<64xi32, #tpu.memory_space<vmem>>
        %dma_wait3A_195 = arith.constant 0 : i32
        %dma_wait3A_196 = arith.constant 0 : i32
        %dma_wait3A_197 = tpu.memref_slice %arg12[%dma_wait3A_195, %dma_wait3A_196] : memref<10112x128xf32, #tpu.memory_space<vmem_shared>> -> memref<10112x128xf32, #tpu.memory_space<vmem_shared>>
        tpu.wait_indirect_dma semaphore(%arg11 : memref<!tpu.dma_semaphore, #tpu.memory_space<semaphore_mem>>) src(%dma_wait3A_191 : memref<64x128xf32, #tpu.memory_space<vmem>>) dst(%dma_wait3A_197 : memref<10112x128xf32, #tpu.memory_space<vmem_shared>>)
        %add3A_198 = arith.constant 4 : i32
        %add3A_199 = arith.addi %add3A_186, %add3A_198 : i32
        %lt3A_200 = arith.constant 16 : i32
        %lt3A_201 = arith.cmpi slt, %add3A_199, %lt3A_200 : i32
        %convert_element_type3A_202 = arith.extui %lt3A_201 : i1 to i32
        %cond3A_203 = arith.constant 0 : i32
        %cond3A_204 = arith.cmpi ne, %convert_element_type3A_202, %cond3A_203 : i32
        scf.if %cond3A_204 {
          %add3A_265 = arith.constant 4 : i32
          %add3A_266 = arith.addi %add3A_186, %add3A_265 : i32
          %dma_start3A_267 = arith.constant 0 : i32
          %dma_start3A_268 = arith.constant 0 : i32
          %dma_start3A_269 = arith.constant 0 : i32
          %dma_start3A_270 = tpu.memref_slice %arg9[%dma_start3A_267, %dma_start3A_268, %dma_start3A_269] : memref<4x64x128xf32, #tpu.memory_space<vmem>> -> memref<1x64x128xf32, #tpu.memory_space<vmem>>
          %dma_start3A_271 = tpu.memref_squeeze %dma_start3A_270 : memref<1x64x128xf32, #tpu.memory_space<vmem>> -> memref<64x128xf32, #tpu.memory_space<vmem>>
          %dma_start3A_272 = arith.constant 0 : i32
          %dma_start3A_273 = tpu.memref_slice %arg7[%add3A_266, %dma_start3A_272] : memref<16x64xi32, #tpu.memory_space<vmem>> -> memref<1x64xi32, #tpu.memory_space<vmem>>
          %dma_start3A_274 = tpu.memref_squeeze %dma_start3A_273 : memref<1x64xi32, #tpu.memory_space<vmem>> -> memref<64xi32, #tpu.memory_space<vmem>>
          %dma_start3A_275 = arith.constant 0 : i32
          %dma_start3A_276 = arith.constant 0 : i32
          %dma_start3A_277 = tpu.memref_slice %arg2[%dma_start3A_275, %dma_start3A_276] : memref<10000x128xf32, #tpu.memory_space<hbm>> -> memref<10000x128xf32, #tpu.memory_space<hbm>>
          tpu.enqueue_indirect_dma source(%dma_start3A_277 : memref<10000x128xf32, #tpu.memory_space<hbm>>) target(%dma_start3A_271 : memref<64x128xf32, #tpu.memory_space<vmem>>) offsets(%dma_start3A_274 : memref<64xi32, #tpu.memory_space<vmem>>) semaphore(%arg10 : memref<!tpu.dma_semaphore, #tpu.memory_space<semaphore_mem>>)
        } else {
        }
        %add3A_205 = arith.constant 1 : i32
        %add3A_206 = arith.addi %mul3A_89, %add3A_205 : i32
        %dma_wait3A_207 = arith.constant 1 : i32
        %dma_wait3A_208 = arith.constant 0 : i32
        %dma_wait3A_209 = arith.constant 0 : i32
        %dma_wait3A_210 = tpu.memref_slice %arg9[%dma_wait3A_207, %dma_wait3A_208, %dma_wait3A_209] : memref<4x64x128xf32, #tpu.memory_space<vmem>> -> memref<1x64x128xf32, #tpu.memory_space<vmem>>
        %dma_wait3A_211 = tpu.memref_squeeze %dma_wait3A_210 : memref<1x64x128xf32, #tpu.memory_space<vmem>> -> memref<64x128xf32, #tpu.memory_space<vmem>>
        %dma_wait3A_212 = arith.constant 0 : i32
        %dma_wait3A_213 = tpu.memref_slice %arg8[%add3A_206, %dma_wait3A_212] : memref<16x64xi32, #tpu.memory_space<vmem>> -> memref<1x64xi32, #tpu.memory_space<vmem>>
        %dma_wait3A_214 = tpu.memref_squeeze %dma_wait3A_213 : memref<1x64xi32, #tpu.memory_space<vmem>> -> memref<64xi32, #tpu.memory_space<vmem>>
        %dma_wait3A_215 = arith.constant 0 : i32
        %dma_wait3A_216 = arith.constant 0 : i32
        %dma_wait3A_217 = tpu.memref_slice %arg12[%dma_wait3A_215, %dma_wait3A_216] : memref<10112x128xf32, #tpu.memory_space<vmem_shared>> -> memref<10112x128xf32, #tpu.memory_space<vmem_shared>>
        tpu.wait_indirect_dma semaphore(%arg11 : memref<!tpu.dma_semaphore, #tpu.memory_space<semaphore_mem>>) src(%dma_wait3A_211 : memref<64x128xf32, #tpu.memory_space<vmem>>) dst(%dma_wait3A_217 : memref<10112x128xf32, #tpu.memory_space<vmem_shared>>)
        %add3A_218 = arith.constant 4 : i32
        %add3A_219 = arith.addi %add3A_206, %add3A_218 : i32
        %lt3A_220 = arith.constant 16 : i32
        %lt3A_221 = arith.cmpi slt, %add3A_219, %lt3A_220 : i32
        %convert_element_type3A_222 = arith.extui %lt3A_221 : i1 to i32
        %cond3A_223 = arith.constant 0 : i32
        %cond3A_224 = arith.cmpi ne, %convert_element_type3A_222, %cond3A_223 : i32
        scf.if %cond3A_224 {
          %add3A_265 = arith.constant 4 : i32
          %add3A_266 = arith.addi %add3A_206, %add3A_265 : i32
          %dma_start3A_267 = arith.constant 1 : i32
          %dma_start3A_268 = arith.constant 0 : i32
          %dma_start3A_269 = arith.constant 0 : i32
          %dma_start3A_270 = tpu.memref_slice %arg9[%dma_start3A_267, %dma_start3A_268, %dma_start3A_269] : memref<4x64x128xf32, #tpu.memory_space<vmem>> -> memref<1x64x128xf32, #tpu.memory_space<vmem>>
          %dma_start3A_271 = tpu.memref_squeeze %dma_start3A_270 : memref<1x64x128xf32, #tpu.memory_space<vmem>> -> memref<64x128xf32, #tpu.memory_space<vmem>>
          %dma_start3A_272 = arith.constant 0 : i32
          %dma_start3A_273 = tpu.memref_slice %arg7[%add3A_266, %dma_start3A_272] : memref<16x64xi32, #tpu.memory_space<vmem>> -> memref<1x64xi32, #tpu.memory_space<vmem>>
          %dma_start3A_274 = tpu.memref_squeeze %dma_start3A_273 : memref<1x64xi32, #tpu.memory_space<vmem>> -> memref<64xi32, #tpu.memory_space<vmem>>
          %dma_start3A_275 = arith.constant 0 : i32
          %dma_start3A_276 = arith.constant 0 : i32
          %dma_start3A_277 = tpu.memref_slice %arg2[%dma_start3A_275, %dma_start3A_276] : memref<10000x128xf32, #tpu.memory_space<hbm>> -> memref<10000x128xf32, #tpu.memory_space<hbm>>
          tpu.enqueue_indirect_dma source(%dma_start3A_277 : memref<10000x128xf32, #tpu.memory_space<hbm>>) target(%dma_start3A_271 : memref<64x128xf32, #tpu.memory_space<vmem>>) offsets(%dma_start3A_274 : memref<64xi32, #tpu.memory_space<vmem>>) semaphore(%arg10 : memref<!tpu.dma_semaphore, #tpu.memory_space<semaphore_mem>>)
        } else {
        }
        %add3A_225 = arith.constant 2 : i32
        %add3A_226 = arith.addi %mul3A_89, %add3A_225 : i32
        %dma_wait3A_227 = arith.constant 2 : i32
        %dma_wait3A_228 = arith.constant 0 : i32
        %dma_wait3A_229 = arith.constant 0 : i32
        %dma_wait3A_230 = tpu.memref_slice %arg9[%dma_wait3A_227, %dma_wait3A_228, %dma_wait3A_229] : memref<4x64x128xf32, #tpu.memory_space<vmem>> -> memref<1x64x128xf32, #tpu.memory_space<vmem>>
        %dma_wait3A_231 = tpu.memref_squeeze %dma_wait3A_230 : memref<1x64x128xf32, #tpu.memory_space<vmem>> -> memref<64x128xf32, #tpu.memory_space<vmem>>
        %dma_wait3A_232 = arith.constant 0 : i32
        %dma_wait3A_233 = tpu.memref_slice %arg8[%add3A_226, %dma_wait3A_232] : memref<16x64xi32, #tpu.memory_space<vmem>> -> memref<1x64xi32, #tpu.memory_space<vmem>>
        %dma_wait3A_234 = tpu.memref_squeeze %dma_wait3A_233 : memref<1x64xi32, #tpu.memory_space<vmem>> -> memref<64xi32, #tpu.memory_space<vmem>>
        %dma_wait3A_235 = arith.constant 0 : i32
        %dma_wait3A_236 = arith.constant 0 : i32
        %dma_wait3A_237 = tpu.memref_slice %arg12[%dma_wait3A_235, %dma_wait3A_236] : memref<10112x128xf32, #tpu.memory_space<vmem_shared>> -> memref<10112x128xf32, #tpu.memory_space<vmem_shared>>
        tpu.wait_indirect_dma semaphore(%arg11 : memref<!tpu.dma_semaphore, #tpu.memory_space<semaphore_mem>>) src(%dma_wait3A_231 : memref<64x128xf32, #tpu.memory_space<vmem>>) dst(%dma_wait3A_237 : memref<10112x128xf32, #tpu.memory_space<vmem_shared>>)
        %add3A_238 = arith.constant 4 : i32
        %add3A_239 = arith.addi %add3A_226, %add3A_238 : i32
        %lt3A_240 = arith.constant 16 : i32
        %lt3A_241 = arith.cmpi slt, %add3A_239, %lt3A_240 : i32
        %convert_element_type3A_242 = arith.extui %lt3A_241 : i1 to i32
        %cond3A_243 = arith.constant 0 : i32
        %cond3A_244 = arith.cmpi ne, %convert_element_type3A_242, %cond3A_243 : i32
        scf.if %cond3A_244 {
          %add3A_265 = arith.constant 4 : i32
          %add3A_266 = arith.addi %add3A_226, %add3A_265 : i32
          %dma_start3A_267 = arith.constant 2 : i32
          %dma_start3A_268 = arith.constant 0 : i32
          %dma_start3A_269 = arith.constant 0 : i32
          %dma_start3A_270 = tpu.memref_slice %arg9[%dma_start3A_267, %dma_start3A_268, %dma_start3A_269] : memref<4x64x128xf32, #tpu.memory_space<vmem>> -> memref<1x64x128xf32, #tpu.memory_space<vmem>>
          %dma_start3A_271 = tpu.memref_squeeze %dma_start3A_270 : memref<1x64x128xf32, #tpu.memory_space<vmem>> -> memref<64x128xf32, #tpu.memory_space<vmem>>
          %dma_start3A_272 = arith.constant 0 : i32
          %dma_start3A_273 = tpu.memref_slice %arg7[%add3A_266, %dma_start3A_272] : memref<16x64xi32, #tpu.memory_space<vmem>> -> memref<1x64xi32, #tpu.memory_space<vmem>>
          %dma_start3A_274 = tpu.memref_squeeze %dma_start3A_273 : memref<1x64xi32, #tpu.memory_space<vmem>> -> memref<64xi32, #tpu.memory_space<vmem>>
          %dma_start3A_275 = arith.constant 0 : i32
          %dma_start3A_276 = arith.constant 0 : i32
          %dma_start3A_277 = tpu.memref_slice %arg2[%dma_start3A_275, %dma_start3A_276] : memref<10000x128xf32, #tpu.memory_space<hbm>> -> memref<10000x128xf32, #tpu.memory_space<hbm>>
          tpu.enqueue_indirect_dma source(%dma_start3A_277 : memref<10000x128xf32, #tpu.memory_space<hbm>>) target(%dma_start3A_271 : memref<64x128xf32, #tpu.memory_space<vmem>>) offsets(%dma_start3A_274 : memref<64xi32, #tpu.memory_space<vmem>>) semaphore(%arg10 : memref<!tpu.dma_semaphore, #tpu.memory_space<semaphore_mem>>)
        } else {
        }
        %add3A_245 = arith.constant 3 : i32
        %add3A_246 = arith.addi %mul3A_89, %add3A_245 : i32
        %dma_wait3A_247 = arith.constant 3 : i32
        %dma_wait3A_248 = arith.constant 0 : i32
        %dma_wait3A_249 = arith.constant 0 : i32
        %dma_wait3A_250 = tpu.memref_slice %arg9[%dma_wait3A_247, %dma_wait3A_248, %dma_wait3A_249] : memref<4x64x128xf32, #tpu.memory_space<vmem>> -> memref<1x64x128xf32, #tpu.memory_space<vmem>>
        %dma_wait3A_251 = tpu.memref_squeeze %dma_wait3A_250 : memref<1x64x128xf32, #tpu.memory_space<vmem>> -> memref<64x128xf32, #tpu.memory_space<vmem>>
        %dma_wait3A_252 = arith.constant 0 : i32
        %dma_wait3A_253 = tpu.memref_slice %arg8[%add3A_246, %dma_wait3A_252] : memref<16x64xi32, #tpu.memory_space<vmem>> -> memref<1x64xi32, #tpu.memory_space<vmem>>
        %dma_wait3A_254 = tpu.memref_squeeze %dma_wait3A_253 : memref<1x64xi32, #tpu.memory_space<vmem>> -> memref<64xi32, #tpu.memory_space<vmem>>
        %dma_wait3A_255 = arith.constant 0 : i32
        %dma_wait3A_256 = arith.constant 0 : i32
        %dma_wait3A_257 = tpu.memref_slice %arg12[%dma_wait3A_255, %dma_wait3A_256] : memref<10112x128xf32, #tpu.memory_space<vmem_shared>> -> memref<10112x128xf32, #tpu.memory_space<vmem_shared>>
        tpu.wait_indirect_dma semaphore(%arg11 : memref<!tpu.dma_semaphore, #tpu.memory_space<semaphore_mem>>) src(%dma_wait3A_251 : memref<64x128xf32, #tpu.memory_space<vmem>>) dst(%dma_wait3A_257 : memref<10112x128xf32, #tpu.memory_space<vmem_shared>>)
        %add3A_258 = arith.constant 4 : i32
        %add3A_259 = arith.addi %add3A_246, %add3A_258 : i32
        %lt3A_260 = arith.constant 16 : i32
        %lt3A_261 = arith.cmpi slt, %add3A_259, %lt3A_260 : i32
        %convert_element_type3A_262 = arith.extui %lt3A_261 : i1 to i32
        %cond3A_263 = arith.constant 0 : i32
        %cond3A_264 = arith.cmpi ne, %convert_element_type3A_262, %cond3A_263 : i32
        scf.if %cond3A_264 {
          %add3A_265 = arith.constant 4 : i32
          %add3A_266 = arith.addi %add3A_246, %add3A_265 : i32
          %dma_start3A_267 = arith.constant 3 : i32
          %dma_start3A_268 = arith.constant 0 : i32
          %dma_start3A_269 = arith.constant 0 : i32
          %dma_start3A_270 = tpu.memref_slice %arg9[%dma_start3A_267, %dma_start3A_268, %dma_start3A_269] : memref<4x64x128xf32, #tpu.memory_space<vmem>> -> memref<1x64x128xf32, #tpu.memory_space<vmem>>
          %dma_start3A_271 = tpu.memref_squeeze %dma_start3A_270 : memref<1x64x128xf32, #tpu.memory_space<vmem>> -> memref<64x128xf32, #tpu.memory_space<vmem>>
          %dma_start3A_272 = arith.constant 0 : i32
          %dma_start3A_273 = tpu.memref_slice %arg7[%add3A_266, %dma_start3A_272] : memref<16x64xi32, #tpu.memory_space<vmem>> -> memref<1x64xi32, #tpu.memory_space<vmem>>
          %dma_start3A_274 = tpu.memref_squeeze %dma_start3A_273 : memref<1x64xi32, #tpu.memory_space<vmem>> -> memref<64xi32, #tpu.memory_space<vmem>>
          %dma_start3A_275 = arith.constant 0 : i32
          %dma_start3A_276 = arith.constant 0 : i32
          %dma_start3A_277 = tpu.memref_slice %arg2[%dma_start3A_275, %dma_start3A_276] : memref<10000x128xf32, #tpu.memory_space<hbm>> -> memref<10000x128xf32, #tpu.memory_space<hbm>>
          tpu.enqueue_indirect_dma source(%dma_start3A_277 : memref<10000x128xf32, #tpu.memory_space<hbm>>) target(%dma_start3A_271 : memref<64x128xf32, #tpu.memory_space<vmem>>) offsets(%dma_start3A_274 : memref<64xi32, #tpu.memory_space<vmem>>) semaphore(%arg10 : memref<!tpu.dma_semaphore, #tpu.memory_space<semaphore_mem>>)
        } else {
        }
      }
      %scan3A_86 = arith.constant 4 : i32
    }
    %while3A_22 = arith.constant 1 : i32
    scf.for %while3A_31 = %while3A_20 to %while3A_16 step %while3A_22  : i32 {
      %mul3A_32 = arith.constant 16 : i32
      %mul3A_33 = arith.muli %while3A_31, %mul3A_32 : i32
      %add3A_34 = arith.addi %select_n3A, %mul3A_33 : i32
      "tpu.region"() ({
        %run_scoped3A = tpu.sem_alloc : memref<!tpu.dma_semaphore, #tpu.memory_space<semaphore_mem>>
        %dma_start3A_87 = arith.constant 0 : i32
        %dma_start3A_88 = tpu.memref_slice %arg3[%add3A_34, %dma_start3A_87] : memref<5120x64xi32, #tpu.memory_space<hbm>> -> memref<16x64xi32, #tpu.memory_space<hbm>>
        %dma_start3A_89 = arith.constant 0 : i32
        %dma_start3A_90 = tpu.memref_slice %arg3[%add3A_34, %dma_start3A_89] : memref<5120x64xi32, #tpu.memory_space<hbm>> -> memref<16x64xi32, #tpu.memory_space<hbm>>
        tpu.enqueue_dma source(%dma_start3A_90 : memref<16x64xi32, #tpu.memory_space<hbm>>) target(%arg7 : memref<16x64xi32, #tpu.memory_space<vmem>>) target_semaphore(%run_scoped3A : memref<!tpu.dma_semaphore, #tpu.memory_space<semaphore_mem>>)
        %dma_wait3A = arith.constant 0 : i32
        %dma_wait3A_91 = tpu.memref_slice %arg3[%add3A_34, %dma_wait3A] : memref<5120x64xi32, #tpu.memory_space<hbm>> -> memref<16x64xi32, #tpu.memory_space<hbm>>
        %dma_wait3A_92 = arith.constant 0 : i32
        %dma_wait3A_93 = tpu.memref_slice %arg3[%add3A_34, %dma_wait3A_92] : memref<5120x64xi32, #tpu.memory_space<hbm>> -> memref<16x64xi32, #tpu.memory_space<hbm>>
        tpu.wait_dma2 semaphore(%run_scoped3A : memref<!tpu.dma_semaphore, #tpu.memory_space<semaphore_mem>>) src(%dma_wait3A_93 : memref<16x64xi32, #tpu.memory_space<hbm>>) dst(%arg7 : memref<16x64xi32, #tpu.memory_space<vmem>>)
        tpu.yield
      }) : () -> ()
      "tpu.region"() ({
        %run_scoped3A = tpu.sem_alloc : memref<!tpu.dma_semaphore, #tpu.memory_space<semaphore_mem>>
        %dma_start3A_87 = arith.constant 0 : i32
        %dma_start3A_88 = tpu.memref_slice %arg4[%add3A_34, %dma_start3A_87] : memref<5120x64xi32, #tpu.memory_space<hbm>> -> memref<16x64xi32, #tpu.memory_space<hbm>>
        %dma_start3A_89 = arith.constant 0 : i32
        %dma_start3A_90 = tpu.memref_slice %arg4[%add3A_34, %dma_start3A_89] : memref<5120x64xi32, #tpu.memory_space<hbm>> -> memref<16x64xi32, #tpu.memory_space<hbm>>
        tpu.enqueue_dma source(%dma_start3A_90 : memref<16x64xi32, #tpu.memory_space<hbm>>) target(%arg8 : memref<16x64xi32, #tpu.memory_space<vmem>>) target_semaphore(%run_scoped3A : memref<!tpu.dma_semaphore, #tpu.memory_space<semaphore_mem>>)
        %dma_wait3A = arith.constant 0 : i32
        %dma_wait3A_91 = tpu.memref_slice %arg4[%add3A_34, %dma_wait3A] : memref<5120x64xi32, #tpu.memory_space<hbm>> -> memref<16x64xi32, #tpu.memory_space<hbm>>
        %dma_wait3A_92 = arith.constant 0 : i32
        %dma_wait3A_93 = tpu.memref_slice %arg4[%add3A_34, %dma_wait3A_92] : memref<5120x64xi32, #tpu.memory_space<hbm>> -> memref<16x64xi32, #tpu.memory_space<hbm>>
        tpu.wait_dma2 semaphore(%run_scoped3A : memref<!tpu.dma_semaphore, #tpu.memory_space<semaphore_mem>>) src(%dma_wait3A_93 : memref<16x64xi32, #tpu.memory_space<hbm>>) dst(%arg8 : memref<16x64xi32, #tpu.memory_space<vmem>>)
        tpu.yield
      }) : () -> ()
      %dma_start3A = arith.constant 0 : i32
      %dma_start3A_35 = arith.constant 0 : i32
      %dma_start3A_36 = arith.constant 0 : i32
      %dma_start3A_37 = arith.constant 0 : i32
      %dma_start3A_38 = tpu.memref_slice %arg9[%dma_start3A_35, %dma_start3A_36, %dma_start3A_37] : memref<4x64x128xf32, #tpu.memory_space<vmem>> -> memref<1x64x128xf32, #tpu.memory_space<vmem>>
      %dma_start3A_39 = tpu.memref_squeeze %dma_start3A_38 : memref<1x64x128xf32, #tpu.memory_space<vmem>> -> memref<64x128xf32, #tpu.memory_space<vmem>>
      %dma_start3A_40 = arith.constant 0 : i32
      %dma_start3A_41 = tpu.memref_slice %arg7[%dma_start3A, %dma_start3A_40] : memref<16x64xi32, #tpu.memory_space<vmem>> -> memref<1x64xi32, #tpu.memory_space<vmem>>
      %dma_start3A_42 = tpu.memref_squeeze %dma_start3A_41 : memref<1x64xi32, #tpu.memory_space<vmem>> -> memref<64xi32, #tpu.memory_space<vmem>>
      %dma_start3A_43 = arith.constant 0 : i32
      %dma_start3A_44 = arith.constant 0 : i32
      %dma_start3A_45 = tpu.memref_slice %arg2[%dma_start3A_43, %dma_start3A_44] : memref<10000x128xf32, #tpu.memory_space<hbm>> -> memref<10000x128xf32, #tpu.memory_space<hbm>>
      tpu.enqueue_indirect_dma source(%dma_start3A_45 : memref<10000x128xf32, #tpu.memory_space<hbm>>) target(%dma_start3A_39 : memref<64x128xf32, #tpu.memory_space<vmem>>) offsets(%dma_start3A_42 : memref<64xi32, #tpu.memory_space<vmem>>) semaphore(%arg10 : memref<!tpu.dma_semaphore, #tpu.memory_space<semaphore_mem>>)
      %dma_start3A_46 = arith.constant 1 : i32
      %dma_start3A_47 = arith.constant 1 : i32
      %dma_start3A_48 = arith.constant 0 : i32
      %dma_start3A_49 = arith.constant 0 : i32
      %dma_start3A_50 = tpu.memref_slice %arg9[%dma_start3A_47, %dma_start3A_48, %dma_start3A_49] : memref<4x64x128xf32, #tpu.memory_space<vmem>> -> memref<1x64x128xf32, #tpu.memory_space<vmem>>
      %dma_start3A_51 = tpu.memref_squeeze %dma_start3A_50 : memref<1x64x128xf32, #tpu.memory_space<vmem>> -> memref<64x128xf32, #tpu.memory_space<vmem>>
      %dma_start3A_52 = arith.constant 0 : i32
      %dma_start3A_53 = tpu.memref_slice %arg7[%dma_start3A_46, %dma_start3A_52] : memref<16x64xi32, #tpu.memory_space<vmem>> -> memref<1x64xi32, #tpu.memory_space<vmem>>
      %dma_start3A_54 = tpu.memref_squeeze %dma_start3A_53 : memref<1x64xi32, #tpu.memory_space<vmem>> -> memref<64xi32, #tpu.memory_space<vmem>>
      %dma_start3A_55 = arith.constant 0 : i32
      %dma_start3A_56 = arith.constant 0 : i32
      %dma_start3A_57 = tpu.memref_slice %arg2[%dma_start3A_55, %dma_start3A_56] : memref<10000x128xf32, #tpu.memory_space<hbm>> -> memref<10000x128xf32, #tpu.memory_space<hbm>>
      tpu.enqueue_indirect_dma source(%dma_start3A_57 : memref<10000x128xf32, #tpu.memory_space<hbm>>) target(%dma_start3A_51 : memref<64x128xf32, #tpu.memory_space<vmem>>) offsets(%dma_start3A_54 : memref<64xi32, #tpu.memory_space<vmem>>) semaphore(%arg10 : memref<!tpu.dma_semaphore, #tpu.memory_space<semaphore_mem>>)
      %dma_start3A_58 = arith.constant 2 : i32
      %dma_start3A_59 = arith.constant 2 : i32
      %dma_start3A_60 = arith.constant 0 : i32
      %dma_start3A_61 = arith.constant 0 : i32
      %dma_start3A_62 = tpu.memref_slice %arg9[%dma_start3A_59, %dma_start3A_60, %dma_start3A_61] : memref<4x64x128xf32, #tpu.memory_space<vmem>> -> memref<1x64x128xf32, #tpu.memory_space<vmem>>
      %dma_start3A_63 = tpu.memref_squeeze %dma_start3A_62 : memref<1x64x128xf32, #tpu.memory_space<vmem>> -> memref<64x128xf32, #tpu.memory_space<vmem>>
      %dma_start3A_64 = arith.constant 0 : i32
      %dma_start3A_65 = tpu.memref_slice %arg7[%dma_start3A_58, %dma_start3A_64] : memref<16x64xi32, #tpu.memory_space<vmem>> -> memref<1x64xi32, #tpu.memory_space<vmem>>
      %dma_start3A_66 = tpu.memref_squeeze %dma_start3A_65 : memref<1x64xi32, #tpu.memory_space<vmem>> -> memref<64xi32, #tpu.memory_space<vmem>>
      %dma_start3A_67 = arith.constant 0 : i32
      %dma_start3A_68 = arith.constant 0 : i32
      %dma_start3A_69 = tpu.memref_slice %arg2[%dma_start3A_67, %dma_start3A_68] : memref<10000x128xf32, #tpu.memory_space<hbm>> -> memref<10000x128xf32, #tpu.memory_space<hbm>>
      tpu.enqueue_indirect_dma source(%dma_start3A_69 : memref<10000x128xf32, #tpu.memory_space<hbm>>) target(%dma_start3A_63 : memref<64x128xf32, #tpu.memory_space<vmem>>) offsets(%dma_start3A_66 : memref<64xi32, #tpu.memory_space<vmem>>) semaphore(%arg10 : memref<!tpu.dma_semaphore, #tpu.memory_space<semaphore_mem>>)
      %dma_start3A_70 = arith.constant 3 : i32
      %dma_start3A_71 = arith.constant 3 : i32
      %dma_start3A_72 = arith.constant 0 : i32
      %dma_start3A_73 = arith.constant 0 : i32
      %dma_start3A_74 = tpu.memref_slice %arg9[%dma_start3A_71, %dma_start3A_72, %dma_start3A_73] : memref<4x64x128xf32, #tpu.memory_space<vmem>> -> memref<1x64x128xf32, #tpu.memory_space<vmem>>
      %dma_start3A_75 = tpu.memref_squeeze %dma_start3A_74 : memref<1x64x128xf32, #tpu.memory_space<vmem>> -> memref<64x128xf32, #tpu.memory_space<vmem>>
      %dma_start3A_76 = arith.constant 0 : i32
      %dma_start3A_77 = tpu.memref_slice %arg7[%dma_start3A_70, %dma_start3A_76] : memref<16x64xi32, #tpu.memory_space<vmem>> -> memref<1x64xi32, #tpu.memory_space<vmem>>
      %dma_start3A_78 = tpu.memref_squeeze %dma_start3A_77 : memref<1x64xi32, #tpu.memory_space<vmem>> -> memref<64xi32, #tpu.memory_space<vmem>>
      %dma_start3A_79 = arith.constant 0 : i32
      %dma_start3A_80 = arith.constant 0 : i32
      %dma_start3A_81 = tpu.memref_slice %arg2[%dma_start3A_79, %dma_start3A_80] : memref<10000x128xf32, #tpu.memory_space<hbm>> -> memref<10000x128xf32, #tpu.memory_space<hbm>>
      tpu.enqueue_indirect_dma source(%dma_start3A_81 : memref<10000x128xf32, #tpu.memory_space<hbm>>) target(%dma_start3A_75 : memref<64x128xf32, #tpu.memory_space<vmem>>) offsets(%dma_start3A_78 : memref<64xi32, #tpu.memory_space<vmem>>) semaphore(%arg10 : memref<!tpu.dma_semaphore, #tpu.memory_space<semaphore_mem>>)
      %scan3A = arith.constant 0 : i32
      %scan3A_82 = arith.constant 0 : i32
      %scan3A_83 = arith.constant 4 : i32
      %scan3A_84 = arith.addi %scan3A_82, %scan3A_83 : i32
      %scan3A_85 = arith.constant 1 : i32
      scf.for %scan3A_87 = %scan3A_82 to %scan3A_84 step %scan3A_85  : i32 {
        %mul3A_88 = arith.constant 4 : i32
        %mul3A_89 = arith.muli %scan3A_87, %mul3A_88 : i32
        %add3A_90 = arith.constant 0 : i32
        %add3A_91 = arith.addi %mul3A_89, %add3A_90 : i32
        %dma_wait3A = arith.constant 0 : i32
        %dma_wait3A_92 = arith.constant 0 : i32
        %dma_wait3A_93 = arith.constant 0 : i32
        %dma_wait3A_94 = tpu.memref_slice %arg9[%dma_wait3A, %dma_wait3A_92, %dma_wait3A_93] : memref<4x64x128xf32, #tpu.memory_space<vmem>> -> memref<1x64x128xf32, #tpu.memory_space<vmem>>
        %dma_wait3A_95 = tpu.memref_squeeze %dma_wait3A_94 : memref<1x64x128xf32, #tpu.memory_space<vmem>> -> memref<64x128xf32, #tpu.memory_space<vmem>>
        %dma_wait3A_96 = arith.constant 0 : i32
        %dma_wait3A_97 = tpu.memref_slice %arg7[%add3A_91, %dma_wait3A_96] : memref<16x64xi32, #tpu.memory_space<vmem>> -> memref<1x64xi32, #tpu.memory_space<vmem>>
        %dma_wait3A_98 = tpu.memref_squeeze %dma_wait3A_97 : memref<1x64xi32, #tpu.memory_space<vmem>> -> memref<64xi32, #tpu.memory_space<vmem>>
        %dma_wait3A_99 = arith.constant 0 : i32
        %dma_wait3A_100 = arith.constant 0 : i32
        %dma_wait3A_101 = tpu.memref_slice %arg2[%dma_wait3A_99, %dma_wait3A_100] : memref<10000x128xf32, #tpu.memory_space<hbm>> -> memref<10000x128xf32, #tpu.memory_space<hbm>>
        tpu.wait_indirect_dma semaphore(%arg10 : memref<!tpu.dma_semaphore, #tpu.memory_space<semaphore_mem>>) src(%dma_wait3A_101 : memref<10000x128xf32, #tpu.memory_space<hbm>>) dst(%dma_wait3A_95 : memref<64x128xf32, #tpu.memory_space<vmem>>)
        %dma_start3A_102 = arith.constant 0 : i32
        %dma_start3A_103 = arith.constant 0 : i32
        %dma_start3A_104 = arith.constant 0 : i32
        %dma_start3A_105 = tpu.memref_slice %arg9[%dma_start3A_102, %dma_start3A_103, %dma_start3A_104] : memref<4x64x128xf32, #tpu.memory_space<vmem>> -> memref<1x64x128xf32, #tpu.memory_space<vmem>>
        %dma_start3A_106 = tpu.memref_squeeze %dma_start3A_105 : memref<1x64x128xf32, #tpu.memory_space<vmem>> -> memref<64x128xf32, #tpu.memory_space<vmem>>
        %dma_start3A_107 = arith.constant 0 : i32
        %dma_start3A_108 = tpu.memref_slice %arg8[%add3A_91, %dma_start3A_107] : memref<16x64xi32, #tpu.memory_space<vmem>> -> memref<1x64xi32, #tpu.memory_space<vmem>>
        %dma_start3A_109 = tpu.memref_squeeze %dma_start3A_108 : memref<1x64xi32, #tpu.memory_space<vmem>> -> memref<64xi32, #tpu.memory_space<vmem>>
        %dma_start3A_110 = arith.constant 0 : i32
        %dma_start3A_111 = arith.constant 0 : i32
        %dma_start3A_112 = tpu.memref_slice %arg12[%dma_start3A_110, %dma_start3A_111] : memref<10112x128xf32, #tpu.memory_space<vmem_shared>> -> memref<10112x128xf32, #tpu.memory_space<vmem_shared>>
        tpu.enqueue_indirect_dma source(%dma_start3A_106 : memref<64x128xf32, #tpu.memory_space<vmem>>) target(%dma_start3A_112 : memref<10112x128xf32, #tpu.memory_space<vmem_shared>>) offsets(%dma_start3A_109 : memref<64xi32, #tpu.memory_space<vmem>>) semaphore(%arg11 : memref<!tpu.dma_semaphore, #tpu.memory_space<semaphore_mem>>) {add = true}
        %add3A_113 = arith.constant 1 : i32
        %add3A_114 = arith.addi %mul3A_89, %add3A_113 : i32
        %dma_wait3A_115 = arith.constant 1 : i32
        %dma_wait3A_116 = arith.constant 0 : i32
        %dma_wait3A_117 = arith.constant 0 : i32
        %dma_wait3A_118 = tpu.memref_slice %arg9[%dma_wait3A_115, %dma_wait3A_116, %dma_wait3A_117] : memref<4x64x128xf32, #tpu.memory_space<vmem>> -> memref<1x64x128xf32, #tpu.memory_space<vmem>>
        %dma_wait3A_119 = tpu.memref_squeeze %dma_wait3A_118 : memref<1x64x128xf32, #tpu.memory_space<vmem>> -> memref<64x128xf32, #tpu.memory_space<vmem>>
        %dma_wait3A_120 = arith.constant 0 : i32
        %dma_wait3A_121 = tpu.memref_slice %arg7[%add3A_114, %dma_wait3A_120] : memref<16x64xi32, #tpu.memory_space<vmem>> -> memref<1x64xi32, #tpu.memory_space<vmem>>
        %dma_wait3A_122 = tpu.memref_squeeze %dma_wait3A_121 : memref<1x64xi32, #tpu.memory_space<vmem>> -> memref<64xi32, #tpu.memory_space<vmem>>
        %dma_wait3A_123 = arith.constant 0 : i32
        %dma_wait3A_124 = arith.constant 0 : i32
        %dma_wait3A_125 = tpu.memref_slice %arg2[%dma_wait3A_123, %dma_wait3A_124] : memref<10000x128xf32, #tpu.memory_space<hbm>> -> memref<10000x128xf32, #tpu.memory_space<hbm>>
        tpu.wait_indirect_dma semaphore(%arg10 : memref<!tpu.dma_semaphore, #tpu.memory_space<semaphore_mem>>) src(%dma_wait3A_125 : memref<10000x128xf32, #tpu.memory_space<hbm>>) dst(%dma_wait3A_119 : memref<64x128xf32, #tpu.memory_space<vmem>>)
        %dma_start3A_126 = arith.constant 1 : i32
        %dma_start3A_127 = arith.constant 0 : i32
        %dma_start3A_128 = arith.constant 0 : i32
        %dma_start3A_129 = tpu.memref_slice %arg9[%dma_start3A_126, %dma_start3A_127, %dma_start3A_128] : memref<4x64x128xf32, #tpu.memory_space<vmem>> -> memref<1x64x128xf32, #tpu.memory_space<vmem>>
        %dma_start3A_130 = tpu.memref_squeeze %dma_start3A_129 : memref<1x64x128xf32, #tpu.memory_space<vmem>> -> memref<64x128xf32, #tpu.memory_space<vmem>>
        %dma_start3A_131 = arith.constant 0 : i32
        %dma_start3A_132 = tpu.memref_slice %arg8[%add3A_114, %dma_start3A_131] : memref<16x64xi32, #tpu.memory_space<vmem>> -> memref<1x64xi32, #tpu.memory_space<vmem>>
        %dma_start3A_133 = tpu.memref_squeeze %dma_start3A_132 : memref<1x64xi32, #tpu.memory_space<vmem>> -> memref<64xi32, #tpu.memory_space<vmem>>
        %dma_start3A_134 = arith.constant 0 : i32
        %dma_start3A_135 = arith.constant 0 : i32
        %dma_start3A_136 = tpu.memref_slice %arg12[%dma_start3A_134, %dma_start3A_135] : memref<10112x128xf32, #tpu.memory_space<vmem_shared>> -> memref<10112x128xf32, #tpu.memory_space<vmem_shared>>
        tpu.enqueue_indirect_dma source(%dma_start3A_130 : memref<64x128xf32, #tpu.memory_space<vmem>>) target(%dma_start3A_136 : memref<10112x128xf32, #tpu.memory_space<vmem_shared>>) offsets(%dma_start3A_133 : memref<64xi32, #tpu.memory_space<vmem>>) semaphore(%arg11 : memref<!tpu.dma_semaphore, #tpu.memory_space<semaphore_mem>>) {add = true}
        %add3A_137 = arith.constant 2 : i32
        %add3A_138 = arith.addi %mul3A_89, %add3A_137 : i32
        %dma_wait3A_139 = arith.constant 2 : i32
        %dma_wait3A_140 = arith.constant 0 : i32
        %dma_wait3A_141 = arith.constant 0 : i32
        %dma_wait3A_142 = tpu.memref_slice %arg9[%dma_wait3A_139, %dma_wait3A_140, %dma_wait3A_141] : memref<4x64x128xf32, #tpu.memory_space<vmem>> -> memref<1x64x128xf32, #tpu.memory_space<vmem>>
        %dma_wait3A_143 = tpu.memref_squeeze %dma_wait3A_142 : memref<1x64x128xf32, #tpu.memory_space<vmem>> -> memref<64x128xf32, #tpu.memory_space<vmem>>
        %dma_wait3A_144 = arith.constant 0 : i32
        %dma_wait3A_145 = tpu.memref_slice %arg7[%add3A_138, %dma_wait3A_144] : memref<16x64xi32, #tpu.memory_space<vmem>> -> memref<1x64xi32, #tpu.memory_space<vmem>>
        %dma_wait3A_146 = tpu.memref_squeeze %dma_wait3A_145 : memref<1x64xi32, #tpu.memory_space<vmem>> -> memref<64xi32, #tpu.memory_space<vmem>>
        %dma_wait3A_147 = arith.constant 0 : i32
        %dma_wait3A_148 = arith.constant 0 : i32
        %dma_wait3A_149 = tpu.memref_slice %arg2[%dma_wait3A_147, %dma_wait3A_148] : memref<10000x128xf32, #tpu.memory_space<hbm>> -> memref<10000x128xf32, #tpu.memory_space<hbm>>
        tpu.wait_indirect_dma semaphore(%arg10 : memref<!tpu.dma_semaphore, #tpu.memory_space<semaphore_mem>>) src(%dma_wait3A_149 : memref<10000x128xf32, #tpu.memory_space<hbm>>) dst(%dma_wait3A_143 : memref<64x128xf32, #tpu.memory_space<vmem>>)
        %dma_start3A_150 = arith.constant 2 : i32
        %dma_start3A_151 = arith.constant 0 : i32
        %dma_start3A_152 = arith.constant 0 : i32
        %dma_start3A_153 = tpu.memref_slice %arg9[%dma_start3A_150, %dma_start3A_151, %dma_start3A_152] : memref<4x64x128xf32, #tpu.memory_space<vmem>> -> memref<1x64x128xf32, #tpu.memory_space<vmem>>
        %dma_start3A_154 = tpu.memref_squeeze %dma_start3A_153 : memref<1x64x128xf32, #tpu.memory_space<vmem>> -> memref<64x128xf32, #tpu.memory_space<vmem>>
        %dma_start3A_155 = arith.constant 0 : i32
        %dma_start3A_156 = tpu.memref_slice %arg8[%add3A_138, %dma_start3A_155] : memref<16x64xi32, #tpu.memory_space<vmem>> -> memref<1x64xi32, #tpu.memory_space<vmem>>
        %dma_start3A_157 = tpu.memref_squeeze %dma_start3A_156 : memref<1x64xi32, #tpu.memory_space<vmem>> -> memref<64xi32, #tpu.memory_space<vmem>>
        %dma_start3A_158 = arith.constant 0 : i32
        %dma_start3A_159 = arith.constant 0 : i32
        %dma_start3A_160 = tpu.memref_slice %arg12[%dma_start3A_158, %dma_start3A_159] : memref<10112x128xf32, #tpu.memory_space<vmem_shared>> -> memref<10112x128xf32, #tpu.memory_space<vmem_shared>>
        tpu.enqueue_indirect_dma source(%dma_start3A_154 : memref<64x128xf32, #tpu.memory_space<vmem>>) target(%dma_start3A_160 : memref<10112x128xf32, #tpu.memory_space<vmem_shared>>) offsets(%dma_start3A_157 : memref<64xi32, #tpu.memory_space<vmem>>) semaphore(%arg11 : memref<!tpu.dma_semaphore, #tpu.memory_space<semaphore_mem>>) {add = true}
        %add3A_161 = arith.constant 3 : i32
        %add3A_162 = arith.addi %mul3A_89, %add3A_161 : i32
        %dma_wait3A_163 = arith.constant 3 : i32
        %dma_wait3A_164 = arith.constant 0 : i32
        %dma_wait3A_165 = arith.constant 0 : i32
        %dma_wait3A_166 = tpu.memref_slice %arg9[%dma_wait3A_163, %dma_wait3A_164, %dma_wait3A_165] : memref<4x64x128xf32, #tpu.memory_space<vmem>> -> memref<1x64x128xf32, #tpu.memory_space<vmem>>
        %dma_wait3A_167 = tpu.memref_squeeze %dma_wait3A_166 : memref<1x64x128xf32, #tpu.memory_space<vmem>> -> memref<64x128xf32, #tpu.memory_space<vmem>>
        %dma_wait3A_168 = arith.constant 0 : i32
        %dma_wait3A_169 = tpu.memref_slice %arg7[%add3A_162, %dma_wait3A_168] : memref<16x64xi32, #tpu.memory_space<vmem>> -> memref<1x64xi32, #tpu.memory_space<vmem>>
        %dma_wait3A_170 = tpu.memref_squeeze %dma_wait3A_169 : memref<1x64xi32, #tpu.memory_space<vmem>> -> memref<64xi32, #tpu.memory_space<vmem>>
        %dma_wait3A_171 = arith.constant 0 : i32
        %dma_wait3A_172 = arith.constant 0 : i32
        %dma_wait3A_173 = tpu.memref_slice %arg2[%dma_wait3A_171, %dma_wait3A_172] : memref<10000x128xf32, #tpu.memory_space<hbm>> -> memref<10000x128xf32, #tpu.memory_space<hbm>>
        tpu.wait_indirect_dma semaphore(%arg10 : memref<!tpu.dma_semaphore, #tpu.memory_space<semaphore_mem>>) src(%dma_wait3A_173 : memref<10000x128xf32, #tpu.memory_space<hbm>>) dst(%dma_wait3A_167 : memref<64x128xf32, #tpu.memory_space<vmem>>)
        %dma_start3A_174 = arith.constant 3 : i32
        %dma_start3A_175 = arith.constant 0 : i32
        %dma_start3A_176 = arith.constant 0 : i32
        %dma_start3A_177 = tpu.memref_slice %arg9[%dma_start3A_174, %dma_start3A_175, %dma_start3A_176] : memref<4x64x128xf32, #tpu.memory_space<vmem>> -> memref<1x64x128xf32, #tpu.memory_space<vmem>>
        %dma_start3A_178 = tpu.memref_squeeze %dma_start3A_177 : memref<1x64x128xf32, #tpu.memory_space<vmem>> -> memref<64x128xf32, #tpu.memory_space<vmem>>
        %dma_start3A_179 = arith.constant 0 : i32
        %dma_start3A_180 = tpu.memref_slice %arg8[%add3A_162, %dma_start3A_179] : memref<16x64xi32, #tpu.memory_space<vmem>> -> memref<1x64xi32, #tpu.memory_space<vmem>>
        %dma_start3A_181 = tpu.memref_squeeze %dma_start3A_180 : memref<1x64xi32, #tpu.memory_space<vmem>> -> memref<64xi32, #tpu.memory_space<vmem>>
        %dma_start3A_182 = arith.constant 0 : i32
        %dma_start3A_183 = arith.constant 0 : i32
        %dma_start3A_184 = tpu.memref_slice %arg12[%dma_start3A_182, %dma_start3A_183] : memref<10112x128xf32, #tpu.memory_space<vmem_shared>> -> memref<10112x128xf32, #tpu.memory_space<vmem_shared>>
        tpu.enqueue_indirect_dma source(%dma_start3A_178 : memref<64x128xf32, #tpu.memory_space<vmem>>) target(%dma_start3A_184 : memref<10112x128xf32, #tpu.memory_space<vmem_shared>>) offsets(%dma_start3A_181 : memref<64xi32, #tpu.memory_space<vmem>>) semaphore(%arg11 : memref<!tpu.dma_semaphore, #tpu.memory_space<semaphore_mem>>) {add = true}
        %add3A_185 = arith.constant 0 : i32
        %add3A_186 = arith.addi %mul3A_89, %add3A_185 : i32
        %dma_wait3A_187 = arith.constant 0 : i32
        %dma_wait3A_188 = arith.constant 0 : i32
        %dma_wait3A_189 = arith.constant 0 : i32
        %dma_wait3A_190 = tpu.memref_slice %arg9[%dma_wait3A_187, %dma_wait3A_188, %dma_wait3A_189] : memref<4x64x128xf32, #tpu.memory_space<vmem>> -> memref<1x64x128xf32, #tpu.memory_space<vmem>>
        %dma_wait3A_191 = tpu.memref_squeeze %dma_wait3A_190 : memref<1x64x128xf32, #tpu.memory_space<vmem>> -> memref<64x128xf32, #tpu.memory_space<vmem>>
        %dma_wait3A_192 = arith.constant 0 : i32
        %dma_wait3A_193 = tpu.memref_slice %arg8[%add3A_186, %dma_wait3A_192] : memref<16x64xi32, #tpu.memory_space<vmem>> -> memref<1x64xi32, #tpu.memory_space<vmem>>
        %dma_wait3A_194 = tpu.memref_squeeze %dma_wait3A_193 : memref<1x64xi32, #tpu.memory_space<vmem>> -> memref<64xi32, #tpu.memory_space<vmem>>
        %dma_wait3A_195 = arith.constant 0 : i32
        %dma_wait3A_196 = arith.constant 0 : i32
        %dma_wait3A_197 = tpu.memref_slice %arg12[%dma_wait3A_195, %dma_wait3A_196] : memref<10112x128xf32, #tpu.memory_space<vmem_shared>> -> memref<10112x128xf32, #tpu.memory_space<vmem_shared>>
        tpu.wait_indirect_dma semaphore(%arg11 : memref<!tpu.dma_semaphore, #tpu.memory_space<semaphore_mem>>) src(%dma_wait3A_191 : memref<64x128xf32, #tpu.memory_space<vmem>>) dst(%dma_wait3A_197 : memref<10112x128xf32, #tpu.memory_space<vmem_shared>>)
        %add3A_198 = arith.constant 4 : i32
        %add3A_199 = arith.addi %add3A_186, %add3A_198 : i32
        %lt3A_200 = arith.constant 16 : i32
        %lt3A_201 = arith.cmpi slt, %add3A_199, %lt3A_200 : i32
        %convert_element_type3A_202 = arith.extui %lt3A_201 : i1 to i32
        %cond3A_203 = arith.constant 0 : i32
        %cond3A_204 = arith.cmpi ne, %convert_element_type3A_202, %cond3A_203 : i32
        scf.if %cond3A_204 {
          %add3A_265 = arith.constant 4 : i32
          %add3A_266 = arith.addi %add3A_186, %add3A_265 : i32
          %dma_start3A_267 = arith.constant 0 : i32
          %dma_start3A_268 = arith.constant 0 : i32
          %dma_start3A_269 = arith.constant 0 : i32
          %dma_start3A_270 = tpu.memref_slice %arg9[%dma_start3A_267, %dma_start3A_268, %dma_start3A_269] : memref<4x64x128xf32, #tpu.memory_space<vmem>> -> memref<1x64x128xf32, #tpu.memory_space<vmem>>
          %dma_start3A_271 = tpu.memref_squeeze %dma_start3A_270 : memref<1x64x128xf32, #tpu.memory_space<vmem>> -> memref<64x128xf32, #tpu.memory_space<vmem>>
          %dma_start3A_272 = arith.constant 0 : i32
          %dma_start3A_273 = tpu.memref_slice %arg7[%add3A_266, %dma_start3A_272] : memref<16x64xi32, #tpu.memory_space<vmem>> -> memref<1x64xi32, #tpu.memory_space<vmem>>
          %dma_start3A_274 = tpu.memref_squeeze %dma_start3A_273 : memref<1x64xi32, #tpu.memory_space<vmem>> -> memref<64xi32, #tpu.memory_space<vmem>>
          %dma_start3A_275 = arith.constant 0 : i32
          %dma_start3A_276 = arith.constant 0 : i32
          %dma_start3A_277 = tpu.memref_slice %arg2[%dma_start3A_275, %dma_start3A_276] : memref<10000x128xf32, #tpu.memory_space<hbm>> -> memref<10000x128xf32, #tpu.memory_space<hbm>>
          tpu.enqueue_indirect_dma source(%dma_start3A_277 : memref<10000x128xf32, #tpu.memory_space<hbm>>) target(%dma_start3A_271 : memref<64x128xf32, #tpu.memory_space<vmem>>) offsets(%dma_start3A_274 : memref<64xi32, #tpu.memory_space<vmem>>) semaphore(%arg10 : memref<!tpu.dma_semaphore, #tpu.memory_space<semaphore_mem>>)
        } else {
        }
        %add3A_205 = arith.constant 1 : i32
        %add3A_206 = arith.addi %mul3A_89, %add3A_205 : i32
        %dma_wait3A_207 = arith.constant 1 : i32
        %dma_wait3A_208 = arith.constant 0 : i32
        %dma_wait3A_209 = arith.constant 0 : i32
        %dma_wait3A_210 = tpu.memref_slice %arg9[%dma_wait3A_207, %dma_wait3A_208, %dma_wait3A_209] : memref<4x64x128xf32, #tpu.memory_space<vmem>> -> memref<1x64x128xf32, #tpu.memory_space<vmem>>
        %dma_wait3A_211 = tpu.memref_squeeze %dma_wait3A_210 : memref<1x64x128xf32, #tpu.memory_space<vmem>> -> memref<64x128xf32, #tpu.memory_space<vmem>>
        %dma_wait3A_212 = arith.constant 0 : i32
        %dma_wait3A_213 = tpu.memref_slice %arg8[%add3A_206, %dma_wait3A_212] : memref<16x64xi32, #tpu.memory_space<vmem>> -> memref<1x64xi32, #tpu.memory_space<vmem>>
        %dma_wait3A_214 = tpu.memref_squeeze %dma_wait3A_213 : memref<1x64xi32, #tpu.memory_space<vmem>> -> memref<64xi32, #tpu.memory_space<vmem>>
        %dma_wait3A_215 = arith.constant 0 : i32
        %dma_wait3A_216 = arith.constant 0 : i32
        %dma_wait3A_217 = tpu.memref_slice %arg12[%dma_wait3A_215, %dma_wait3A_216] : memref<10112x128xf32, #tpu.memory_space<vmem_shared>> -> memref<10112x128xf32, #tpu.memory_space<vmem_shared>>
        tpu.wait_indirect_dma semaphore(%arg11 : memref<!tpu.dma_semaphore, #tpu.memory_space<semaphore_mem>>) src(%dma_wait3A_211 : memref<64x128xf32, #tpu.memory_space<vmem>>) dst(%dma_wait3A_217 : memref<10112x128xf32, #tpu.memory_space<vmem_shared>>)
        %add3A_218 = arith.constant 4 : i32
        %add3A_219 = arith.addi %add3A_206, %add3A_218 : i32
        %lt3A_220 = arith.constant 16 : i32
        %lt3A_221 = arith.cmpi slt, %add3A_219, %lt3A_220 : i32
        %convert_element_type3A_222 = arith.extui %lt3A_221 : i1 to i32
        %cond3A_223 = arith.constant 0 : i32
        %cond3A_224 = arith.cmpi ne, %convert_element_type3A_222, %cond3A_223 : i32
        scf.if %cond3A_224 {
          %add3A_265 = arith.constant 4 : i32
          %add3A_266 = arith.addi %add3A_206, %add3A_265 : i32
          %dma_start3A_267 = arith.constant 1 : i32
          %dma_start3A_268 = arith.constant 0 : i32
          %dma_start3A_269 = arith.constant 0 : i32
          %dma_start3A_270 = tpu.memref_slice %arg9[%dma_start3A_267, %dma_start3A_268, %dma_start3A_269] : memref<4x64x128xf32, #tpu.memory_space<vmem>> -> memref<1x64x128xf32, #tpu.memory_space<vmem>>
          %dma_start3A_271 = tpu.memref_squeeze %dma_start3A_270 : memref<1x64x128xf32, #tpu.memory_space<vmem>> -> memref<64x128xf32, #tpu.memory_space<vmem>>
          %dma_start3A_272 = arith.constant 0 : i32
          %dma_start3A_273 = tpu.memref_slice %arg7[%add3A_266, %dma_start3A_272] : memref<16x64xi32, #tpu.memory_space<vmem>> -> memref<1x64xi32, #tpu.memory_space<vmem>>
          %dma_start3A_274 = tpu.memref_squeeze %dma_start3A_273 : memref<1x64xi32, #tpu.memory_space<vmem>> -> memref<64xi32, #tpu.memory_space<vmem>>
          %dma_start3A_275 = arith.constant 0 : i32
          %dma_start3A_276 = arith.constant 0 : i32
          %dma_start3A_277 = tpu.memref_slice %arg2[%dma_start3A_275, %dma_start3A_276] : memref<10000x128xf32, #tpu.memory_space<hbm>> -> memref<10000x128xf32, #tpu.memory_space<hbm>>
          tpu.enqueue_indirect_dma source(%dma_start3A_277 : memref<10000x128xf32, #tpu.memory_space<hbm>>) target(%dma_start3A_271 : memref<64x128xf32, #tpu.memory_space<vmem>>) offsets(%dma_start3A_274 : memref<64xi32, #tpu.memory_space<vmem>>) semaphore(%arg10 : memref<!tpu.dma_semaphore, #tpu.memory_space<semaphore_mem>>)
        } else {
        }
        %add3A_225 = arith.constant 2 : i32
        %add3A_226 = arith.addi %mul3A_89, %add3A_225 : i32
        %dma_wait3A_227 = arith.constant 2 : i32
        %dma_wait3A_228 = arith.constant 0 : i32
        %dma_wait3A_229 = arith.constant 0 : i32
        %dma_wait3A_230 = tpu.memref_slice %arg9[%dma_wait3A_227, %dma_wait3A_228, %dma_wait3A_229] : memref<4x64x128xf32, #tpu.memory_space<vmem>> -> memref<1x64x128xf32, #tpu.memory_space<vmem>>
        %dma_wait3A_231 = tpu.memref_squeeze %dma_wait3A_230 : memref<1x64x128xf32, #tpu.memory_space<vmem>> -> memref<64x128xf32, #tpu.memory_space<vmem>>
        %dma_wait3A_232 = arith.constant 0 : i32
        %dma_wait3A_233 = tpu.memref_slice %arg8[%add3A_226, %dma_wait3A_232] : memref<16x64xi32, #tpu.memory_space<vmem>> -> memref<1x64xi32, #tpu.memory_space<vmem>>
        %dma_wait3A_234 = tpu.memref_squeeze %dma_wait3A_233 : memref<1x64xi32, #tpu.memory_space<vmem>> -> memref<64xi32, #tpu.memory_space<vmem>>
        %dma_wait3A_235 = arith.constant 0 : i32
        %dma_wait3A_236 = arith.constant 0 : i32
        %dma_wait3A_237 = tpu.memref_slice %arg12[%dma_wait3A_235, %dma_wait3A_236] : memref<10112x128xf32, #tpu.memory_space<vmem_shared>> -> memref<10112x128xf32, #tpu.memory_space<vmem_shared>>
        tpu.wait_indirect_dma semaphore(%arg11 : memref<!tpu.dma_semaphore, #tpu.memory_space<semaphore_mem>>) src(%dma_wait3A_231 : memref<64x128xf32, #tpu.memory_space<vmem>>) dst(%dma_wait3A_237 : memref<10112x128xf32, #tpu.memory_space<vmem_shared>>)
        %add3A_238 = arith.constant 4 : i32
        %add3A_239 = arith.addi %add3A_226, %add3A_238 : i32
        %lt3A_240 = arith.constant 16 : i32
        %lt3A_241 = arith.cmpi slt, %add3A_239, %lt3A_240 : i32
        %convert_element_type3A_242 = arith.extui %lt3A_241 : i1 to i32
        %cond3A_243 = arith.constant 0 : i32
        %cond3A_244 = arith.cmpi ne, %convert_element_type3A_242, %cond3A_243 : i32
        scf.if %cond3A_244 {
          %add3A_265 = arith.constant 4 : i32
          %add3A_266 = arith.addi %add3A_226, %add3A_265 : i32
          %dma_start3A_267 = arith.constant 2 : i32
          %dma_start3A_268 = arith.constant 0 : i32
          %dma_start3A_269 = arith.constant 0 : i32
          %dma_start3A_270 = tpu.memref_slice %arg9[%dma_start3A_267, %dma_start3A_268, %dma_start3A_269] : memref<4x64x128xf32, #tpu.memory_space<vmem>> -> memref<1x64x128xf32, #tpu.memory_space<vmem>>
          %dma_start3A_271 = tpu.memref_squeeze %dma_start3A_270 : memref<1x64x128xf32, #tpu.memory_space<vmem>> -> memref<64x128xf32, #tpu.memory_space<vmem>>
          %dma_start3A_272 = arith.constant 0 : i32
          %dma_start3A_273 = tpu.memref_slice %arg7[%add3A_266, %dma_start3A_272] : memref<16x64xi32, #tpu.memory_space<vmem>> -> memref<1x64xi32, #tpu.memory_space<vmem>>
          %dma_start3A_274 = tpu.memref_squeeze %dma_start3A_273 : memref<1x64xi32, #tpu.memory_space<vmem>> -> memref<64xi32, #tpu.memory_space<vmem>>
          %dma_start3A_275 = arith.constant 0 : i32
          %dma_start3A_276 = arith.constant 0 : i32
          %dma_start3A_277 = tpu.memref_slice %arg2[%dma_start3A_275, %dma_start3A_276] : memref<10000x128xf32, #tpu.memory_space<hbm>> -> memref<10000x128xf32, #tpu.memory_space<hbm>>
          tpu.enqueue_indirect_dma source(%dma_start3A_277 : memref<10000x128xf32, #tpu.memory_space<hbm>>) target(%dma_start3A_271 : memref<64x128xf32, #tpu.memory_space<vmem>>) offsets(%dma_start3A_274 : memref<64xi32, #tpu.memory_space<vmem>>) semaphore(%arg10 : memref<!tpu.dma_semaphore, #tpu.memory_space<semaphore_mem>>)
        } else {
        }
        %add3A_245 = arith.constant 3 : i32
        %add3A_246 = arith.addi %mul3A_89, %add3A_245 : i32
        %dma_wait3A_247 = arith.constant 3 : i32
        %dma_wait3A_248 = arith.constant 0 : i32
        %dma_wait3A_249 = arith.constant 0 : i32
        %dma_wait3A_250 = tpu.memref_slice %arg9[%dma_wait3A_247, %dma_wait3A_248, %dma_wait3A_249] : memref<4x64x128xf32, #tpu.memory_space<vmem>> -> memref<1x64x128xf32, #tpu.memory_space<vmem>>
        %dma_wait3A_251 = tpu.memref_squeeze %dma_wait3A_250 : memref<1x64x128xf32, #tpu.memory_space<vmem>> -> memref<64x128xf32, #tpu.memory_space<vmem>>
        %dma_wait3A_252 = arith.constant 0 : i32
        %dma_wait3A_253 = tpu.memref_slice %arg8[%add3A_246, %dma_wait3A_252] : memref<16x64xi32, #tpu.memory_space<vmem>> -> memref<1x64xi32, #tpu.memory_space<vmem>>
        %dma_wait3A_254 = tpu.memref_squeeze %dma_wait3A_253 : memref<1x64xi32, #tpu.memory_space<vmem>> -> memref<64xi32, #tpu.memory_space<vmem>>
        %dma_wait3A_255 = arith.constant 0 : i32
        %dma_wait3A_256 = arith.constant 0 : i32
        %dma_wait3A_257 = tpu.memref_slice %arg12[%dma_wait3A_255, %dma_wait3A_256] : memref<10112x128xf32, #tpu.memory_space<vmem_shared>> -> memref<10112x128xf32, #tpu.memory_space<vmem_shared>>
        tpu.wait_indirect_dma semaphore(%arg11 : memref<!tpu.dma_semaphore, #tpu.memory_space<semaphore_mem>>) src(%dma_wait3A_251 : memref<64x128xf32, #tpu.memory_space<vmem>>) dst(%dma_wait3A_257 : memref<10112x128xf32, #tpu.memory_space<vmem_shared>>)
        %add3A_258 = arith.constant 4 : i32
        %add3A_259 = arith.addi %add3A_246, %add3A_258 : i32
        %lt3A_260 = arith.constant 16 : i32
        %lt3A_261 = arith.cmpi slt, %add3A_259, %lt3A_260 : i32
        %convert_element_type3A_262 = arith.extui %lt3A_261 : i1 to i32
        %cond3A_263 = arith.constant 0 : i32
        %cond3A_264 = arith.cmpi ne, %convert_element_type3A_262, %cond3A_263 : i32
        scf.if %cond3A_264 {
          %add3A_265 = arith.constant 4 : i32
          %add3A_266 = arith.addi %add3A_246, %add3A_265 : i32
          %dma_start3A_267 = arith.constant 3 : i32
          %dma_start3A_268 = arith.constant 0 : i32
          %dma_start3A_269 = arith.constant 0 : i32
          %dma_start3A_270 = tpu.memref_slice %arg9[%dma_start3A_267, %dma_start3A_268, %dma_start3A_269] : memref<4x64x128xf32, #tpu.memory_space<vmem>> -> memref<1x64x128xf32, #tpu.memory_space<vmem>>
          %dma_start3A_271 = tpu.memref_squeeze %dma_start3A_270 : memref<1x64x128xf32, #tpu.memory_space<vmem>> -> memref<64x128xf32, #tpu.memory_space<vmem>>
          %dma_start3A_272 = arith.constant 0 : i32
          %dma_start3A_273 = tpu.memref_slice %arg7[%add3A_266, %dma_start3A_272] : memref<16x64xi32, #tpu.memory_space<vmem>> -> memref<1x64xi32, #tpu.memory_space<vmem>>
          %dma_start3A_274 = tpu.memref_squeeze %dma_start3A_273 : memref<1x64xi32, #tpu.memory_space<vmem>> -> memref<64xi32, #tpu.memory_space<vmem>>
          %dma_start3A_275 = arith.constant 0 : i32
          %dma_start3A_276 = arith.constant 0 : i32
          %dma_start3A_277 = tpu.memref_slice %arg2[%dma_start3A_275, %dma_start3A_276] : memref<10000x128xf32, #tpu.memory_space<hbm>> -> memref<10000x128xf32, #tpu.memory_space<hbm>>
          tpu.enqueue_indirect_dma source(%dma_start3A_277 : memref<10000x128xf32, #tpu.memory_space<hbm>>) target(%dma_start3A_271 : memref<64x128xf32, #tpu.memory_space<vmem>>) offsets(%dma_start3A_274 : memref<64xi32, #tpu.memory_space<vmem>>) semaphore(%arg10 : memref<!tpu.dma_semaphore, #tpu.memory_space<semaphore_mem>>)
        } else {
        }
      }
      %scan3A_86 = arith.constant 4 : i32
    }
    %barrier3A_23 = arith.constant 0 : index
    tpu.barrier barrier_id(%barrier3A_23)
    %lt3A = arith.constant 15 : i32
    %lt3A_24 = arith.cmpi slt, %arg1, %lt3A : i32
    %convert_element_type3A = arith.extui %lt3A_24 : i1 to i32
    %cond3A = arith.constant 0 : i32
    %cond3A_25 = arith.cmpi ne, %convert_element_type3A, %cond3A : i32
    scf.if %cond3A_25 {
      %mul3A_31 = arith.constant 632 : i32
      %mul3A_32 = arith.muli %arg1, %mul3A_31 : i32
      %mul3A_33 = arith.constant 10000 : i32
      %mul3A_34 = arith.muli %arg0, %mul3A_33 : i32
      %add3A_35 = arith.addi %mul3A_34, %mul3A_32 : i32
      "tpu.region"() ({
        %run_scoped3A = tpu.sem_alloc : memref<!tpu.dma_semaphore, #tpu.memory_space<semaphore_mem>>
        %dma_start3A = arith.constant 0 : i32
        %dma_start3A_36 = tpu.memref_slice %arg6[%add3A_35, %dma_start3A] : memref<20000x128xf32, #tpu.memory_space<hbm>> -> memref<632x128xf32, #tpu.memory_space<hbm>>
        %dma_start3A_37 = arith.constant 0 : i32
        %dma_start3A_38 = tpu.memref_slice %arg12[%mul3A_32, %dma_start3A_37] : memref<10112x128xf32, #tpu.memory_space<vmem_shared>> -> memref<632x128xf32, #tpu.memory_space<vmem_shared>>
        tpu.enqueue_dma source(%dma_start3A_38 : memref<632x128xf32, #tpu.memory_space<vmem_shared>>) target(%dma_start3A_36 : memref<632x128xf32, #tpu.memory_space<hbm>>) target_semaphore(%run_scoped3A : memref<!tpu.dma_semaphore, #tpu.memory_space<semaphore_mem>>)
        %dma_wait3A = arith.constant 0 : i32
        %dma_wait3A_39 = tpu.memref_slice %arg6[%add3A_35, %dma_wait3A] : memref<20000x128xf32, #tpu.memory_space<hbm>> -> memref<632x128xf32, #tpu.memory_space<hbm>>
        %dma_wait3A_40 = arith.constant 0 : i32
        %dma_wait3A_41 = tpu.memref_slice %arg12[%mul3A_32, %dma_wait3A_40] : memref<10112x128xf32, #tpu.memory_space<vmem_shared>> -> memref<632x128xf32, #tpu.memory_space<vmem_shared>>
        tpu.wait_dma2 semaphore(%run_scoped3A : memref<!tpu.dma_semaphore, #tpu.memory_space<semaphore_mem>>) src(%dma_wait3A_41 : memref<632x128xf32, #tpu.memory_space<vmem_shared>>) dst(%dma_wait3A_39 : memref<632x128xf32, #tpu.memory_space<hbm>>)
        tpu.yield
      }) : () -> ()
    } else {
    }
    %eq3A_26 = arith.constant 15 : i32
    %eq3A_27 = arith.cmpi eq, %arg1, %eq3A_26 : i32
    %convert_element_type3A_28 = arith.extui %eq3A_27 : i1 to i32
    %cond3A_29 = arith.constant 0 : i32
    %cond3A_30 = arith.cmpi ne, %convert_element_type3A_28, %cond3A_29 : i32
    scf.if %cond3A_30 {
      %mul3A_31 = arith.constant 10000 : i32
      %mul3A_32 = arith.muli %arg0, %mul3A_31 : i32
      %add3A_33 = arith.constant 9480 : i32
      %add3A_34 = arith.addi %mul3A_32, %add3A_33 : i32
      "tpu.region"() ({
        %run_scoped3A = tpu.sem_alloc : memref<!tpu.dma_semaphore, #tpu.memory_space<semaphore_mem>>
        %dma_start3A = arith.constant 0 : i32
        %dma_start3A_35 = tpu.memref_slice %arg6[%add3A_34, %dma_start3A] : memref<20000x128xf32, #tpu.memory_space<hbm>> -> memref<520x128xf32, #tpu.memory_space<hbm>>
        %dma_start3A_36 = arith.constant 9480 : i32
        %dma_start3A_37 = arith.constant 0 : i32
        %dma_start3A_38 = tpu.memref_slice %arg12[%dma_start3A_36, %dma_start3A_37] : memref<10112x128xf32, #tpu.memory_space<vmem_shared>> -> memref<520x128xf32, #tpu.memory_space<vmem_shared>>
        tpu.enqueue_dma source(%dma_start3A_38 : memref<520x128xf32, #tpu.memory_space<vmem_shared>>) target(%dma_start3A_35 : memref<520x128xf32, #tpu.memory_space<hbm>>) target_semaphore(%run_scoped3A : memref<!tpu.dma_semaphore, #tpu.memory_space<semaphore_mem>>)
        %dma_wait3A = arith.constant 0 : i32
        %dma_wait3A_39 = tpu.memref_slice %arg6[%add3A_34, %dma_wait3A] : memref<20000x128xf32, #tpu.memory_space<hbm>> -> memref<520x128xf32, #tpu.memory_space<hbm>>
        %dma_wait3A_40 = arith.constant 9480 : i32
        %dma_wait3A_41 = arith.constant 0 : i32
        %dma_wait3A_42 = tpu.memref_slice %arg12[%dma_wait3A_40, %dma_wait3A_41] : memref<10112x128xf32, #tpu.memory_space<vmem_shared>> -> memref<520x128xf32, #tpu.memory_space<vmem_shared>>
        tpu.wait_dma2 semaphore(%run_scoped3A : memref<!tpu.dma_semaphore, #tpu.memory_space<semaphore_mem>>) src(%dma_wait3A_42 : memref<520x128xf32, #tpu.memory_space<vmem_shared>>) dst(%dma_wait3A_39 : memref<520x128xf32, #tpu.memory_space<hbm>>)
        tpu.yield
      }) : () -> ()
    } else {
    }
    return
  }
}

#map = affine_map<(d0, d1) -> (0, 0)>
module attributes {stable_mosaic.version = 14 : i64} {
  func.func @_pair_gather_body(%arg0: i32, %arg1: i32, %arg2: memref<10000x128xf32, #tpu.memory_space<hbm>>, %arg3: memref<1024x40xi32, #tpu.memory_space<hbm>>, %arg4: memref<40960x128xf32, #tpu.memory_space<hbm>>, %arg5: memref<8x40xi32, #tpu.memory_space<vmem>>, %arg6: memref<4x40x128xf32, #tpu.memory_space<vmem>>, %arg7: memref<!tpu.dma_semaphore, #tpu.memory_space<semaphore_mem>>, %arg8: memref<!tpu.dma_semaphore, #tpu.memory_space<semaphore_mem>>) attributes {dimension_semantics = [#tpu.dimension_semantics<core_parallel>, #tpu.dimension_semantics<subcore_parallel>], iteration_bounds = array<i64: 2, 16>, scalar_prefetch = 0 : i64, scratch_operands = 4 : i64, tpu.core_type = #tpu.core_type<sc_vector_subcore>, window_params = [{transform_indices = #map}, {transform_indices = #map}, {transform_indices = #map}]} {
    %eq3A = arith.constant 0 : i32
    %eq3A_0 = arith.cmpi eq, %arg0, %eq3A : i32
    %mul3A = arith.constant 6 : i32
    %mul3A_1 = arith.muli %arg1, %mul3A : i32
    %mul3A_2 = arith.constant 2 : i32
    %mul3A_3 = arith.muli %arg1, %mul3A_2 : i32
    %add3A = arith.constant 96 : i32
    %add3A_4 = arith.addi %add3A, %mul3A_3 : i32
    %select_n3A = arith.select %eq3A_0, %mul3A_1, %add3A_4 : i32
    %eq3A_5 = arith.constant 0 : i32
    %eq3A_6 = arith.cmpi eq, %arg0, %eq3A_5 : i32
    %jit3A = arith.constant 6 : i32
    %jit3A_7 = arith.constant 2 : i32
    %select_n3A_8 = arith.select %eq3A_6, %jit3A, %jit3A_7 : i32
    %while3A = arith.constant 0 : i32
    %while3A_9 = arith.constant 0 : i32
    %while3A_10 = arith.subi %select_n3A_8, %while3A_9 : i32
    %while3A_11 = arith.addi %while3A_9, %while3A_10 : i32
    %while3A_12 = arith.constant 1 : i32
    %while3A_13 = arith.divsi %while3A_10, %while3A_12 : i32
    %while3A_14 = arith.muli %while3A_13, %while3A_12 : i32
    %while3A_15 = arith.addi %while3A_9, %while3A_14 : i32
    %while3A_16 = arith.constant 1 : i32
    scf.for %while3A_18 = %while3A_9 to %while3A_15 step %while3A_16  : i32 {
      %add3A_19 = arith.addi %select_n3A, %while3A_18 : i32
      %mul3A_20 = arith.constant 8 : i32
      %mul3A_21 = arith.muli %add3A_19, %mul3A_20 : i32
      "tpu.region"() ({
        %run_scoped3A = tpu.sem_alloc : memref<!tpu.dma_semaphore, #tpu.memory_space<semaphore_mem>>
        %dma_start3A_74 = arith.constant 0 : i32
        %dma_start3A_75 = tpu.memref_slice %arg3[%mul3A_21, %dma_start3A_74] : memref<1024x40xi32, #tpu.memory_space<hbm>> -> memref<8x40xi32, #tpu.memory_space<hbm>>
        %dma_start3A_76 = arith.constant 0 : i32
        %dma_start3A_77 = tpu.memref_slice %arg3[%mul3A_21, %dma_start3A_76] : memref<1024x40xi32, #tpu.memory_space<hbm>> -> memref<8x40xi32, #tpu.memory_space<hbm>>
        tpu.enqueue_dma source(%dma_start3A_77 : memref<8x40xi32, #tpu.memory_space<hbm>>) target(%arg5 : memref<8x40xi32, #tpu.memory_space<vmem>>) target_semaphore(%run_scoped3A : memref<!tpu.dma_semaphore, #tpu.memory_space<semaphore_mem>>)
        %dma_wait3A = arith.constant 0 : i32
        %dma_wait3A_78 = tpu.memref_slice %arg3[%mul3A_21, %dma_wait3A] : memref<1024x40xi32, #tpu.memory_space<hbm>> -> memref<8x40xi32, #tpu.memory_space<hbm>>
        %dma_wait3A_79 = arith.constant 0 : i32
        %dma_wait3A_80 = tpu.memref_slice %arg3[%mul3A_21, %dma_wait3A_79] : memref<1024x40xi32, #tpu.memory_space<hbm>> -> memref<8x40xi32, #tpu.memory_space<hbm>>
        tpu.wait_dma2 semaphore(%run_scoped3A : memref<!tpu.dma_semaphore, #tpu.memory_space<semaphore_mem>>) src(%dma_wait3A_80 : memref<8x40xi32, #tpu.memory_space<hbm>>) dst(%arg5 : memref<8x40xi32, #tpu.memory_space<vmem>>)
        tpu.yield
      }) : () -> ()
      %dma_start3A = arith.constant 0 : i32
      %dma_start3A_22 = arith.constant 0 : i32
      %dma_start3A_23 = arith.constant 0 : i32
      %dma_start3A_24 = arith.constant 0 : i32
      %dma_start3A_25 = tpu.memref_slice %arg6[%dma_start3A_22, %dma_start3A_23, %dma_start3A_24] : memref<4x40x128xf32, #tpu.memory_space<vmem>> -> memref<1x40x128xf32, #tpu.memory_space<vmem>>
      %dma_start3A_26 = tpu.memref_squeeze %dma_start3A_25 : memref<1x40x128xf32, #tpu.memory_space<vmem>> -> memref<40x128xf32, #tpu.memory_space<vmem>>
      %dma_start3A_27 = arith.constant 0 : i32
      %dma_start3A_28 = tpu.memref_slice %arg5[%dma_start3A, %dma_start3A_27] : memref<8x40xi32, #tpu.memory_space<vmem>> -> memref<1x40xi32, #tpu.memory_space<vmem>>
      %dma_start3A_29 = tpu.memref_squeeze %dma_start3A_28 : memref<1x40xi32, #tpu.memory_space<vmem>> -> memref<40xi32, #tpu.memory_space<vmem>>
      %dma_start3A_30 = arith.constant 0 : i32
      %dma_start3A_31 = arith.constant 0 : i32
      %dma_start3A_32 = tpu.memref_slice %arg2[%dma_start3A_30, %dma_start3A_31] : memref<10000x128xf32, #tpu.memory_space<hbm>> -> memref<10000x128xf32, #tpu.memory_space<hbm>>
      tpu.enqueue_indirect_dma source(%dma_start3A_32 : memref<10000x128xf32, #tpu.memory_space<hbm>>) target(%dma_start3A_26 : memref<40x128xf32, #tpu.memory_space<vmem>>) offsets(%dma_start3A_29 : memref<40xi32, #tpu.memory_space<vmem>>) semaphore(%arg7 : memref<!tpu.dma_semaphore, #tpu.memory_space<semaphore_mem>>)
      %dma_start3A_33 = arith.constant 1 : i32
      %dma_start3A_34 = arith.constant 1 : i32
      %dma_start3A_35 = arith.constant 0 : i32
      %dma_start3A_36 = arith.constant 0 : i32
      %dma_start3A_37 = tpu.memref_slice %arg6[%dma_start3A_34, %dma_start3A_35, %dma_start3A_36] : memref<4x40x128xf32, #tpu.memory_space<vmem>> -> memref<1x40x128xf32, #tpu.memory_space<vmem>>
      %dma_start3A_38 = tpu.memref_squeeze %dma_start3A_37 : memref<1x40x128xf32, #tpu.memory_space<vmem>> -> memref<40x128xf32, #tpu.memory_space<vmem>>
      %dma_start3A_39 = arith.constant 0 : i32
      %dma_start3A_40 = tpu.memref_slice %arg5[%dma_start3A_33, %dma_start3A_39] : memref<8x40xi32, #tpu.memory_space<vmem>> -> memref<1x40xi32, #tpu.memory_space<vmem>>
      %dma_start3A_41 = tpu.memref_squeeze %dma_start3A_40 : memref<1x40xi32, #tpu.memory_space<vmem>> -> memref<40xi32, #tpu.memory_space<vmem>>
      %dma_start3A_42 = arith.constant 0 : i32
      %dma_start3A_43 = arith.constant 0 : i32
      %dma_start3A_44 = tpu.memref_slice %arg2[%dma_start3A_42, %dma_start3A_43] : memref<10000x128xf32, #tpu.memory_space<hbm>> -> memref<10000x128xf32, #tpu.memory_space<hbm>>
      tpu.enqueue_indirect_dma source(%dma_start3A_44 : memref<10000x128xf32, #tpu.memory_space<hbm>>) target(%dma_start3A_38 : memref<40x128xf32, #tpu.memory_space<vmem>>) offsets(%dma_start3A_41 : memref<40xi32, #tpu.memory_space<vmem>>) semaphore(%arg7 : memref<!tpu.dma_semaphore, #tpu.memory_space<semaphore_mem>>)
      %dma_start3A_45 = arith.constant 2 : i32
      %dma_start3A_46 = arith.constant 2 : i32
      %dma_start3A_47 = arith.constant 0 : i32
      %dma_start3A_48 = arith.constant 0 : i32
      %dma_start3A_49 = tpu.memref_slice %arg6[%dma_start3A_46, %dma_start3A_47, %dma_start3A_48] : memref<4x40x128xf32, #tpu.memory_space<vmem>> -> memref<1x40x128xf32, #tpu.memory_space<vmem>>
      %dma_start3A_50 = tpu.memref_squeeze %dma_start3A_49 : memref<1x40x128xf32, #tpu.memory_space<vmem>> -> memref<40x128xf32, #tpu.memory_space<vmem>>
      %dma_start3A_51 = arith.constant 0 : i32
      %dma_start3A_52 = tpu.memref_slice %arg5[%dma_start3A_45, %dma_start3A_51] : memref<8x40xi32, #tpu.memory_space<vmem>> -> memref<1x40xi32, #tpu.memory_space<vmem>>
      %dma_start3A_53 = tpu.memref_squeeze %dma_start3A_52 : memref<1x40xi32, #tpu.memory_space<vmem>> -> memref<40xi32, #tpu.memory_space<vmem>>
      %dma_start3A_54 = arith.constant 0 : i32
      %dma_start3A_55 = arith.constant 0 : i32
      %dma_start3A_56 = tpu.memref_slice %arg2[%dma_start3A_54, %dma_start3A_55] : memref<10000x128xf32, #tpu.memory_space<hbm>> -> memref<10000x128xf32, #tpu.memory_space<hbm>>
      tpu.enqueue_indirect_dma source(%dma_start3A_56 : memref<10000x128xf32, #tpu.memory_space<hbm>>) target(%dma_start3A_50 : memref<40x128xf32, #tpu.memory_space<vmem>>) offsets(%dma_start3A_53 : memref<40xi32, #tpu.memory_space<vmem>>) semaphore(%arg7 : memref<!tpu.dma_semaphore, #tpu.memory_space<semaphore_mem>>)
      %dma_start3A_57 = arith.constant 3 : i32
      %dma_start3A_58 = arith.constant 3 : i32
      %dma_start3A_59 = arith.constant 0 : i32
      %dma_start3A_60 = arith.constant 0 : i32
      %dma_start3A_61 = tpu.memref_slice %arg6[%dma_start3A_58, %dma_start3A_59, %dma_start3A_60] : memref<4x40x128xf32, #tpu.memory_space<vmem>> -> memref<1x40x128xf32, #tpu.memory_space<vmem>>
      %dma_start3A_62 = tpu.memref_squeeze %dma_start3A_61 : memref<1x40x128xf32, #tpu.memory_space<vmem>> -> memref<40x128xf32, #tpu.memory_space<vmem>>
      %dma_start3A_63 = arith.constant 0 : i32
      %dma_start3A_64 = tpu.memref_slice %arg5[%dma_start3A_57, %dma_start3A_63] : memref<8x40xi32, #tpu.memory_space<vmem>> -> memref<1x40xi32, #tpu.memory_space<vmem>>
      %dma_start3A_65 = tpu.memref_squeeze %dma_start3A_64 : memref<1x40xi32, #tpu.memory_space<vmem>> -> memref<40xi32, #tpu.memory_space<vmem>>
      %dma_start3A_66 = arith.constant 0 : i32
      %dma_start3A_67 = arith.constant 0 : i32
      %dma_start3A_68 = tpu.memref_slice %arg2[%dma_start3A_66, %dma_start3A_67] : memref<10000x128xf32, #tpu.memory_space<hbm>> -> memref<10000x128xf32, #tpu.memory_space<hbm>>
      tpu.enqueue_indirect_dma source(%dma_start3A_68 : memref<10000x128xf32, #tpu.memory_space<hbm>>) target(%dma_start3A_62 : memref<40x128xf32, #tpu.memory_space<vmem>>) offsets(%dma_start3A_65 : memref<40xi32, #tpu.memory_space<vmem>>) semaphore(%arg7 : memref<!tpu.dma_semaphore, #tpu.memory_space<semaphore_mem>>)
      %scan3A = arith.constant 0 : i32
      %scan3A_69 = arith.constant 0 : i32
      %scan3A_70 = arith.constant 2 : i32
      %scan3A_71 = arith.addi %scan3A_69, %scan3A_70 : i32
      %scan3A_72 = arith.constant 1 : i32
      scf.for %scan3A_74 = %scan3A_69 to %scan3A_71 step %scan3A_72  : i32 {
        %mul3A_75 = arith.constant 4 : i32
        %mul3A_76 = arith.muli %scan3A_74, %mul3A_75 : i32
        %add3A_77 = arith.constant 0 : i32
        %add3A_78 = arith.addi %mul3A_76, %add3A_77 : i32
        %dma_wait3A = arith.constant 0 : i32
        %dma_wait3A_79 = arith.constant 0 : i32
        %dma_wait3A_80 = arith.constant 0 : i32
        %dma_wait3A_81 = tpu.memref_slice %arg6[%dma_wait3A, %dma_wait3A_79, %dma_wait3A_80] : memref<4x40x128xf32, #tpu.memory_space<vmem>> -> memref<1x40x128xf32, #tpu.memory_space<vmem>>
        %dma_wait3A_82 = tpu.memref_squeeze %dma_wait3A_81 : memref<1x40x128xf32, #tpu.memory_space<vmem>> -> memref<40x128xf32, #tpu.memory_space<vmem>>
        %dma_wait3A_83 = arith.constant 0 : i32
        %dma_wait3A_84 = tpu.memref_slice %arg5[%add3A_78, %dma_wait3A_83] : memref<8x40xi32, #tpu.memory_space<vmem>> -> memref<1x40xi32, #tpu.memory_space<vmem>>
        %dma_wait3A_85 = tpu.memref_squeeze %dma_wait3A_84 : memref<1x40xi32, #tpu.memory_space<vmem>> -> memref<40xi32, #tpu.memory_space<vmem>>
        %dma_wait3A_86 = arith.constant 0 : i32
        %dma_wait3A_87 = arith.constant 0 : i32
        %dma_wait3A_88 = tpu.memref_slice %arg2[%dma_wait3A_86, %dma_wait3A_87] : memref<10000x128xf32, #tpu.memory_space<hbm>> -> memref<10000x128xf32, #tpu.memory_space<hbm>>
        tpu.wait_indirect_dma semaphore(%arg7 : memref<!tpu.dma_semaphore, #tpu.memory_space<semaphore_mem>>) src(%dma_wait3A_88 : memref<10000x128xf32, #tpu.memory_space<hbm>>) dst(%dma_wait3A_82 : memref<40x128xf32, #tpu.memory_space<vmem>>)
        %add3A_89 = arith.addi %mul3A_21, %add3A_78 : i32
        %mul3A_90 = arith.constant 40 : i32
        %mul3A_91 = arith.muli %add3A_89, %mul3A_90 : i32
        %dma_start3A_92 = arith.constant 0 : i32
        %dma_start3A_93 = arith.constant 0 : i32
        %dma_start3A_94 = arith.constant 0 : i32
        %dma_start3A_95 = tpu.memref_slice %arg6[%dma_start3A_92, %dma_start3A_93, %dma_start3A_94] : memref<4x40x128xf32, #tpu.memory_space<vmem>> -> memref<1x40x128xf32, #tpu.memory_space<vmem>>
        %dma_start3A_96 = tpu.memref_squeeze %dma_start3A_95 : memref<1x40x128xf32, #tpu.memory_space<vmem>> -> memref<40x128xf32, #tpu.memory_space<vmem>>
        %dma_start3A_97 = arith.constant 0 : i32
        %dma_start3A_98 = tpu.memref_slice %arg4[%mul3A_91, %dma_start3A_97] : memref<40960x128xf32, #tpu.memory_space<hbm>> -> memref<40x128xf32, #tpu.memory_space<hbm>>
        %dma_start3A_99 = arith.constant 0 : i32
        %dma_start3A_100 = tpu.memref_slice %arg4[%mul3A_91, %dma_start3A_99] : memref<40960x128xf32, #tpu.memory_space<hbm>> -> memref<40x128xf32, #tpu.memory_space<hbm>>
        %dma_start3A_101 = arith.constant 0 : i32
        %dma_start3A_102 = arith.constant 0 : i32
        %dma_start3A_103 = tpu.memref_slice %arg6[%dma_start3A_92, %dma_start3A_101, %dma_start3A_102] : memref<4x40x128xf32, #tpu.memory_space<vmem>> -> memref<1x40x128xf32, #tpu.memory_space<vmem>>
        %dma_start3A_104 = tpu.memref_squeeze %dma_start3A_103 : memref<1x40x128xf32, #tpu.memory_space<vmem>> -> memref<40x128xf32, #tpu.memory_space<vmem>>
        tpu.enqueue_dma source(%dma_start3A_104 : memref<40x128xf32, #tpu.memory_space<vmem>>) target(%dma_start3A_100 : memref<40x128xf32, #tpu.memory_space<hbm>>) target_semaphore(%arg8 : memref<!tpu.dma_semaphore, #tpu.memory_space<semaphore_mem>>)
        %add3A_105 = arith.constant 1 : i32
        %add3A_106 = arith.addi %mul3A_76, %add3A_105 : i32
        %dma_wait3A_107 = arith.constant 1 : i32
        %dma_wait3A_108 = arith.constant 0 : i32
        %dma_wait3A_109 = arith.constant 0 : i32
        %dma_wait3A_110 = tpu.memref_slice %arg6[%dma_wait3A_107, %dma_wait3A_108, %dma_wait3A_109] : memref<4x40x128xf32, #tpu.memory_space<vmem>> -> memref<1x40x128xf32, #tpu.memory_space<vmem>>
        %dma_wait3A_111 = tpu.memref_squeeze %dma_wait3A_110 : memref<1x40x128xf32, #tpu.memory_space<vmem>> -> memref<40x128xf32, #tpu.memory_space<vmem>>
        %dma_wait3A_112 = arith.constant 0 : i32
        %dma_wait3A_113 = tpu.memref_slice %arg5[%add3A_106, %dma_wait3A_112] : memref<8x40xi32, #tpu.memory_space<vmem>> -> memref<1x40xi32, #tpu.memory_space<vmem>>
        %dma_wait3A_114 = tpu.memref_squeeze %dma_wait3A_113 : memref<1x40xi32, #tpu.memory_space<vmem>> -> memref<40xi32, #tpu.memory_space<vmem>>
        %dma_wait3A_115 = arith.constant 0 : i32
        %dma_wait3A_116 = arith.constant 0 : i32
        %dma_wait3A_117 = tpu.memref_slice %arg2[%dma_wait3A_115, %dma_wait3A_116] : memref<10000x128xf32, #tpu.memory_space<hbm>> -> memref<10000x128xf32, #tpu.memory_space<hbm>>
        tpu.wait_indirect_dma semaphore(%arg7 : memref<!tpu.dma_semaphore, #tpu.memory_space<semaphore_mem>>) src(%dma_wait3A_117 : memref<10000x128xf32, #tpu.memory_space<hbm>>) dst(%dma_wait3A_111 : memref<40x128xf32, #tpu.memory_space<vmem>>)
        %add3A_118 = arith.addi %mul3A_21, %add3A_106 : i32
        %mul3A_119 = arith.constant 40 : i32
        %mul3A_120 = arith.muli %add3A_118, %mul3A_119 : i32
        %dma_start3A_121 = arith.constant 1 : i32
        %dma_start3A_122 = arith.constant 0 : i32
        %dma_start3A_123 = arith.constant 0 : i32
        %dma_start3A_124 = tpu.memref_slice %arg6[%dma_start3A_121, %dma_start3A_122, %dma_start3A_123] : memref<4x40x128xf32, #tpu.memory_space<vmem>> -> memref<1x40x128xf32, #tpu.memory_space<vmem>>
        %dma_start3A_125 = tpu.memref_squeeze %dma_start3A_124 : memref<1x40x128xf32, #tpu.memory_space<vmem>> -> memref<40x128xf32, #tpu.memory_space<vmem>>
        %dma_start3A_126 = arith.constant 0 : i32
        %dma_start3A_127 = tpu.memref_slice %arg4[%mul3A_120, %dma_start3A_126] : memref<40960x128xf32, #tpu.memory_space<hbm>> -> memref<40x128xf32, #tpu.memory_space<hbm>>
        %dma_start3A_128 = arith.constant 0 : i32
        %dma_start3A_129 = tpu.memref_slice %arg4[%mul3A_120, %dma_start3A_128] : memref<40960x128xf32, #tpu.memory_space<hbm>> -> memref<40x128xf32, #tpu.memory_space<hbm>>
        %dma_start3A_130 = arith.constant 0 : i32
        %dma_start3A_131 = arith.constant 0 : i32
        %dma_start3A_132 = tpu.memref_slice %arg6[%dma_start3A_121, %dma_start3A_130, %dma_start3A_131] : memref<4x40x128xf32, #tpu.memory_space<vmem>> -> memref<1x40x128xf32, #tpu.memory_space<vmem>>
        %dma_start3A_133 = tpu.memref_squeeze %dma_start3A_132 : memref<1x40x128xf32, #tpu.memory_space<vmem>> -> memref<40x128xf32, #tpu.memory_space<vmem>>
        tpu.enqueue_dma source(%dma_start3A_133 : memref<40x128xf32, #tpu.memory_space<vmem>>) target(%dma_start3A_129 : memref<40x128xf32, #tpu.memory_space<hbm>>) target_semaphore(%arg8 : memref<!tpu.dma_semaphore, #tpu.memory_space<semaphore_mem>>)
        %add3A_134 = arith.constant 2 : i32
        %add3A_135 = arith.addi %mul3A_76, %add3A_134 : i32
        %dma_wait3A_136 = arith.constant 2 : i32
        %dma_wait3A_137 = arith.constant 0 : i32
        %dma_wait3A_138 = arith.constant 0 : i32
        %dma_wait3A_139 = tpu.memref_slice %arg6[%dma_wait3A_136, %dma_wait3A_137, %dma_wait3A_138] : memref<4x40x128xf32, #tpu.memory_space<vmem>> -> memref<1x40x128xf32, #tpu.memory_space<vmem>>
        %dma_wait3A_140 = tpu.memref_squeeze %dma_wait3A_139 : memref<1x40x128xf32, #tpu.memory_space<vmem>> -> memref<40x128xf32, #tpu.memory_space<vmem>>
        %dma_wait3A_141 = arith.constant 0 : i32
        %dma_wait3A_142 = tpu.memref_slice %arg5[%add3A_135, %dma_wait3A_141] : memref<8x40xi32, #tpu.memory_space<vmem>> -> memref<1x40xi32, #tpu.memory_space<vmem>>
        %dma_wait3A_143 = tpu.memref_squeeze %dma_wait3A_142 : memref<1x40xi32, #tpu.memory_space<vmem>> -> memref<40xi32, #tpu.memory_space<vmem>>
        %dma_wait3A_144 = arith.constant 0 : i32
        %dma_wait3A_145 = arith.constant 0 : i32
        %dma_wait3A_146 = tpu.memref_slice %arg2[%dma_wait3A_144, %dma_wait3A_145] : memref<10000x128xf32, #tpu.memory_space<hbm>> -> memref<10000x128xf32, #tpu.memory_space<hbm>>
        tpu.wait_indirect_dma semaphore(%arg7 : memref<!tpu.dma_semaphore, #tpu.memory_space<semaphore_mem>>) src(%dma_wait3A_146 : memref<10000x128xf32, #tpu.memory_space<hbm>>) dst(%dma_wait3A_140 : memref<40x128xf32, #tpu.memory_space<vmem>>)
        %add3A_147 = arith.addi %mul3A_21, %add3A_135 : i32
        %mul3A_148 = arith.constant 40 : i32
        %mul3A_149 = arith.muli %add3A_147, %mul3A_148 : i32
        %dma_start3A_150 = arith.constant 2 : i32
        %dma_start3A_151 = arith.constant 0 : i32
        %dma_start3A_152 = arith.constant 0 : i32
        %dma_start3A_153 = tpu.memref_slice %arg6[%dma_start3A_150, %dma_start3A_151, %dma_start3A_152] : memref<4x40x128xf32, #tpu.memory_space<vmem>> -> memref<1x40x128xf32, #tpu.memory_space<vmem>>
        %dma_start3A_154 = tpu.memref_squeeze %dma_start3A_153 : memref<1x40x128xf32, #tpu.memory_space<vmem>> -> memref<40x128xf32, #tpu.memory_space<vmem>>
        %dma_start3A_155 = arith.constant 0 : i32
        %dma_start3A_156 = tpu.memref_slice %arg4[%mul3A_149, %dma_start3A_155] : memref<40960x128xf32, #tpu.memory_space<hbm>> -> memref<40x128xf32, #tpu.memory_space<hbm>>
        %dma_start3A_157 = arith.constant 0 : i32
        %dma_start3A_158 = tpu.memref_slice %arg4[%mul3A_149, %dma_start3A_157] : memref<40960x128xf32, #tpu.memory_space<hbm>> -> memref<40x128xf32, #tpu.memory_space<hbm>>
        %dma_start3A_159 = arith.constant 0 : i32
        %dma_start3A_160 = arith.constant 0 : i32
        %dma_start3A_161 = tpu.memref_slice %arg6[%dma_start3A_150, %dma_start3A_159, %dma_start3A_160] : memref<4x40x128xf32, #tpu.memory_space<vmem>> -> memref<1x40x128xf32, #tpu.memory_space<vmem>>
        %dma_start3A_162 = tpu.memref_squeeze %dma_start3A_161 : memref<1x40x128xf32, #tpu.memory_space<vmem>> -> memref<40x128xf32, #tpu.memory_space<vmem>>
        tpu.enqueue_dma source(%dma_start3A_162 : memref<40x128xf32, #tpu.memory_space<vmem>>) target(%dma_start3A_158 : memref<40x128xf32, #tpu.memory_space<hbm>>) target_semaphore(%arg8 : memref<!tpu.dma_semaphore, #tpu.memory_space<semaphore_mem>>)
        %add3A_163 = arith.constant 3 : i32
        %add3A_164 = arith.addi %mul3A_76, %add3A_163 : i32
        %dma_wait3A_165 = arith.constant 3 : i32
        %dma_wait3A_166 = arith.constant 0 : i32
        %dma_wait3A_167 = arith.constant 0 : i32
        %dma_wait3A_168 = tpu.memref_slice %arg6[%dma_wait3A_165, %dma_wait3A_166, %dma_wait3A_167] : memref<4x40x128xf32, #tpu.memory_space<vmem>> -> memref<1x40x128xf32, #tpu.memory_space<vmem>>
        %dma_wait3A_169 = tpu.memref_squeeze %dma_wait3A_168 : memref<1x40x128xf32, #tpu.memory_space<vmem>> -> memref<40x128xf32, #tpu.memory_space<vmem>>
        %dma_wait3A_170 = arith.constant 0 : i32
        %dma_wait3A_171 = tpu.memref_slice %arg5[%add3A_164, %dma_wait3A_170] : memref<8x40xi32, #tpu.memory_space<vmem>> -> memref<1x40xi32, #tpu.memory_space<vmem>>
        %dma_wait3A_172 = tpu.memref_squeeze %dma_wait3A_171 : memref<1x40xi32, #tpu.memory_space<vmem>> -> memref<40xi32, #tpu.memory_space<vmem>>
        %dma_wait3A_173 = arith.constant 0 : i32
        %dma_wait3A_174 = arith.constant 0 : i32
        %dma_wait3A_175 = tpu.memref_slice %arg2[%dma_wait3A_173, %dma_wait3A_174] : memref<10000x128xf32, #tpu.memory_space<hbm>> -> memref<10000x128xf32, #tpu.memory_space<hbm>>
        tpu.wait_indirect_dma semaphore(%arg7 : memref<!tpu.dma_semaphore, #tpu.memory_space<semaphore_mem>>) src(%dma_wait3A_175 : memref<10000x128xf32, #tpu.memory_space<hbm>>) dst(%dma_wait3A_169 : memref<40x128xf32, #tpu.memory_space<vmem>>)
        %add3A_176 = arith.addi %mul3A_21, %add3A_164 : i32
        %mul3A_177 = arith.constant 40 : i32
        %mul3A_178 = arith.muli %add3A_176, %mul3A_177 : i32
        %dma_start3A_179 = arith.constant 3 : i32
        %dma_start3A_180 = arith.constant 0 : i32
        %dma_start3A_181 = arith.constant 0 : i32
        %dma_start3A_182 = tpu.memref_slice %arg6[%dma_start3A_179, %dma_start3A_180, %dma_start3A_181] : memref<4x40x128xf32, #tpu.memory_space<vmem>> -> memref<1x40x128xf32, #tpu.memory_space<vmem>>
        %dma_start3A_183 = tpu.memref_squeeze %dma_start3A_182 : memref<1x40x128xf32, #tpu.memory_space<vmem>> -> memref<40x128xf32, #tpu.memory_space<vmem>>
        %dma_start3A_184 = arith.constant 0 : i32
        %dma_start3A_185 = tpu.memref_slice %arg4[%mul3A_178, %dma_start3A_184] : memref<40960x128xf32, #tpu.memory_space<hbm>> -> memref<40x128xf32, #tpu.memory_space<hbm>>
        %dma_start3A_186 = arith.constant 0 : i32
        %dma_start3A_187 = tpu.memref_slice %arg4[%mul3A_178, %dma_start3A_186] : memref<40960x128xf32, #tpu.memory_space<hbm>> -> memref<40x128xf32, #tpu.memory_space<hbm>>
        %dma_start3A_188 = arith.constant 0 : i32
        %dma_start3A_189 = arith.constant 0 : i32
        %dma_start3A_190 = tpu.memref_slice %arg6[%dma_start3A_179, %dma_start3A_188, %dma_start3A_189] : memref<4x40x128xf32, #tpu.memory_space<vmem>> -> memref<1x40x128xf32, #tpu.memory_space<vmem>>
        %dma_start3A_191 = tpu.memref_squeeze %dma_start3A_190 : memref<1x40x128xf32, #tpu.memory_space<vmem>> -> memref<40x128xf32, #tpu.memory_space<vmem>>
        tpu.enqueue_dma source(%dma_start3A_191 : memref<40x128xf32, #tpu.memory_space<vmem>>) target(%dma_start3A_187 : memref<40x128xf32, #tpu.memory_space<hbm>>) target_semaphore(%arg8 : memref<!tpu.dma_semaphore, #tpu.memory_space<semaphore_mem>>)
        %add3A_192 = arith.constant 0 : i32
        %add3A_193 = arith.addi %mul3A_76, %add3A_192 : i32
        %add3A_194 = arith.addi %mul3A_21, %add3A_193 : i32
        %mul3A_195 = arith.constant 40 : i32
        %mul3A_196 = arith.muli %add3A_194, %mul3A_195 : i32
        %dma_wait3A_197 = arith.constant 0 : i32
        %dma_wait3A_198 = arith.constant 0 : i32
        %dma_wait3A_199 = arith.constant 0 : i32
        %dma_wait3A_200 = tpu.memref_slice %arg6[%dma_wait3A_197, %dma_wait3A_198, %dma_wait3A_199] : memref<4x40x128xf32, #tpu.memory_space<vmem>> -> memref<1x40x128xf32, #tpu.memory_space<vmem>>
        %dma_wait3A_201 = tpu.memref_squeeze %dma_wait3A_200 : memref<1x40x128xf32, #tpu.memory_space<vmem>> -> memref<40x128xf32, #tpu.memory_space<vmem>>
        %dma_wait3A_202 = arith.constant 0 : i32
        %dma_wait3A_203 = tpu.memref_slice %arg4[%mul3A_196, %dma_wait3A_202] : memref<40960x128xf32, #tpu.memory_space<hbm>> -> memref<40x128xf32, #tpu.memory_space<hbm>>
        %dma_wait3A_204 = arith.constant 0 : i32
        %dma_wait3A_205 = tpu.memref_slice %arg4[%mul3A_196, %dma_wait3A_204] : memref<40960x128xf32, #tpu.memory_space<hbm>> -> memref<40x128xf32, #tpu.memory_space<hbm>>
        %dma_wait3A_206 = arith.constant 0 : i32
        %dma_wait3A_207 = arith.constant 0 : i32
        %dma_wait3A_208 = tpu.memref_slice %arg6[%dma_wait3A_197, %dma_wait3A_206, %dma_wait3A_207] : memref<4x40x128xf32, #tpu.memory_space<vmem>> -> memref<1x40x128xf32, #tpu.memory_space<vmem>>
        %dma_wait3A_209 = tpu.memref_squeeze %dma_wait3A_208 : memref<1x40x128xf32, #tpu.memory_space<vmem>> -> memref<40x128xf32, #tpu.memory_space<vmem>>
        tpu.wait_dma2 semaphore(%arg8 : memref<!tpu.dma_semaphore, #tpu.memory_space<semaphore_mem>>) src(%dma_wait3A_209 : memref<40x128xf32, #tpu.memory_space<vmem>>) dst(%dma_wait3A_205 : memref<40x128xf32, #tpu.memory_space<hbm>>)
        %add3A_210 = arith.constant 4 : i32
        %add3A_211 = arith.addi %add3A_193, %add3A_210 : i32
        %lt3A = arith.constant 8 : i32
        %lt3A_212 = arith.cmpi slt, %add3A_211, %lt3A : i32
        %convert_element_type3A = arith.extui %lt3A_212 : i1 to i32
        %cond3A = arith.constant 0 : i32
        %cond3A_213 = arith.cmpi ne, %convert_element_type3A, %cond3A : i32
        scf.if %cond3A_213 {
          %add3A_289 = arith.constant 4 : i32
          %add3A_290 = arith.addi %add3A_193, %add3A_289 : i32
          %dma_start3A_291 = arith.constant 0 : i32
          %dma_start3A_292 = arith.constant 0 : i32
          %dma_start3A_293 = arith.constant 0 : i32
          %dma_start3A_294 = tpu.memref_slice %arg6[%dma_start3A_291, %dma_start3A_292, %dma_start3A_293] : memref<4x40x128xf32, #tpu.memory_space<vmem>> -> memref<1x40x128xf32, #tpu.memory_space<vmem>>
          %dma_start3A_295 = tpu.memref_squeeze %dma_start3A_294 : memref<1x40x128xf32, #tpu.memory_space<vmem>> -> memref<40x128xf32, #tpu.memory_space<vmem>>
          %dma_start3A_296 = arith.constant 0 : i32
          %dma_start3A_297 = tpu.memref_slice %arg5[%add3A_290, %dma_start3A_296] : memref<8x40xi32, #tpu.memory_space<vmem>> -> memref<1x40xi32, #tpu.memory_space<vmem>>
          %dma_start3A_298 = tpu.memref_squeeze %dma_start3A_297 : memref<1x40xi32, #tpu.memory_space<vmem>> -> memref<40xi32, #tpu.memory_space<vmem>>
          %dma_start3A_299 = arith.constant 0 : i32
          %dma_start3A_300 = arith.constant 0 : i32
          %dma_start3A_301 = tpu.memref_slice %arg2[%dma_start3A_299, %dma_start3A_300] : memref<10000x128xf32, #tpu.memory_space<hbm>> -> memref<10000x128xf32, #tpu.memory_space<hbm>>
          tpu.enqueue_indirect_dma source(%dma_start3A_301 : memref<10000x128xf32, #tpu.memory_space<hbm>>) target(%dma_start3A_295 : memref<40x128xf32, #tpu.memory_space<vmem>>) offsets(%dma_start3A_298 : memref<40xi32, #tpu.memory_space<vmem>>) semaphore(%arg7 : memref<!tpu.dma_semaphore, #tpu.memory_space<semaphore_mem>>)
        } else {
        }
        %add3A_214 = arith.constant 1 : i32
        %add3A_215 = arith.addi %mul3A_76, %add3A_214 : i32
        %add3A_216 = arith.addi %mul3A_21, %add3A_215 : i32
        %mul3A_217 = arith.constant 40 : i32
        %mul3A_218 = arith.muli %add3A_216, %mul3A_217 : i32
        %dma_wait3A_219 = arith.constant 1 : i32
        %dma_wait3A_220 = arith.constant 0 : i32
        %dma_wait3A_221 = arith.constant 0 : i32
        %dma_wait3A_222 = tpu.memref_slice %arg6[%dma_wait3A_219, %dma_wait3A_220, %dma_wait3A_221] : memref<4x40x128xf32, #tpu.memory_space<vmem>> -> memref<1x40x128xf32, #tpu.memory_space<vmem>>
        %dma_wait3A_223 = tpu.memref_squeeze %dma_wait3A_222 : memref<1x40x128xf32, #tpu.memory_space<vmem>> -> memref<40x128xf32, #tpu.memory_space<vmem>>
        %dma_wait3A_224 = arith.constant 0 : i32
        %dma_wait3A_225 = tpu.memref_slice %arg4[%mul3A_218, %dma_wait3A_224] : memref<40960x128xf32, #tpu.memory_space<hbm>> -> memref<40x128xf32, #tpu.memory_space<hbm>>
        %dma_wait3A_226 = arith.constant 0 : i32
        %dma_wait3A_227 = tpu.memref_slice %arg4[%mul3A_218, %dma_wait3A_226] : memref<40960x128xf32, #tpu.memory_space<hbm>> -> memref<40x128xf32, #tpu.memory_space<hbm>>
        %dma_wait3A_228 = arith.constant 0 : i32
        %dma_wait3A_229 = arith.constant 0 : i32
        %dma_wait3A_230 = tpu.memref_slice %arg6[%dma_wait3A_219, %dma_wait3A_228, %dma_wait3A_229] : memref<4x40x128xf32, #tpu.memory_space<vmem>> -> memref<1x40x128xf32, #tpu.memory_space<vmem>>
        %dma_wait3A_231 = tpu.memref_squeeze %dma_wait3A_230 : memref<1x40x128xf32, #tpu.memory_space<vmem>> -> memref<40x128xf32, #tpu.memory_space<vmem>>
        tpu.wait_dma2 semaphore(%arg8 : memref<!tpu.dma_semaphore, #tpu.memory_space<semaphore_mem>>) src(%dma_wait3A_231 : memref<40x128xf32, #tpu.memory_space<vmem>>) dst(%dma_wait3A_227 : memref<40x128xf32, #tpu.memory_space<hbm>>)
        %add3A_232 = arith.constant 4 : i32
        %add3A_233 = arith.addi %add3A_215, %add3A_232 : i32
        %lt3A_234 = arith.constant 8 : i32
        %lt3A_235 = arith.cmpi slt, %add3A_233, %lt3A_234 : i32
        %convert_element_type3A_236 = arith.extui %lt3A_235 : i1 to i32
        %cond3A_237 = arith.constant 0 : i32
        %cond3A_238 = arith.cmpi ne, %convert_element_type3A_236, %cond3A_237 : i32
        scf.if %cond3A_238 {
          %add3A_289 = arith.constant 4 : i32
          %add3A_290 = arith.addi %add3A_215, %add3A_289 : i32
          %dma_start3A_291 = arith.constant 1 : i32
          %dma_start3A_292 = arith.constant 0 : i32
          %dma_start3A_293 = arith.constant 0 : i32
          %dma_start3A_294 = tpu.memref_slice %arg6[%dma_start3A_291, %dma_start3A_292, %dma_start3A_293] : memref<4x40x128xf32, #tpu.memory_space<vmem>> -> memref<1x40x128xf32, #tpu.memory_space<vmem>>
          %dma_start3A_295 = tpu.memref_squeeze %dma_start3A_294 : memref<1x40x128xf32, #tpu.memory_space<vmem>> -> memref<40x128xf32, #tpu.memory_space<vmem>>
          %dma_start3A_296 = arith.constant 0 : i32
          %dma_start3A_297 = tpu.memref_slice %arg5[%add3A_290, %dma_start3A_296] : memref<8x40xi32, #tpu.memory_space<vmem>> -> memref<1x40xi32, #tpu.memory_space<vmem>>
          %dma_start3A_298 = tpu.memref_squeeze %dma_start3A_297 : memref<1x40xi32, #tpu.memory_space<vmem>> -> memref<40xi32, #tpu.memory_space<vmem>>
          %dma_start3A_299 = arith.constant 0 : i32
          %dma_start3A_300 = arith.constant 0 : i32
          %dma_start3A_301 = tpu.memref_slice %arg2[%dma_start3A_299, %dma_start3A_300] : memref<10000x128xf32, #tpu.memory_space<hbm>> -> memref<10000x128xf32, #tpu.memory_space<hbm>>
          tpu.enqueue_indirect_dma source(%dma_start3A_301 : memref<10000x128xf32, #tpu.memory_space<hbm>>) target(%dma_start3A_295 : memref<40x128xf32, #tpu.memory_space<vmem>>) offsets(%dma_start3A_298 : memref<40xi32, #tpu.memory_space<vmem>>) semaphore(%arg7 : memref<!tpu.dma_semaphore, #tpu.memory_space<semaphore_mem>>)
        } else {
        }
        %add3A_239 = arith.constant 2 : i32
        %add3A_240 = arith.addi %mul3A_76, %add3A_239 : i32
        %add3A_241 = arith.addi %mul3A_21, %add3A_240 : i32
        %mul3A_242 = arith.constant 40 : i32
        %mul3A_243 = arith.muli %add3A_241, %mul3A_242 : i32
        %dma_wait3A_244 = arith.constant 2 : i32
        %dma_wait3A_245 = arith.constant 0 : i32
        %dma_wait3A_246 = arith.constant 0 : i32
        %dma_wait3A_247 = tpu.memref_slice %arg6[%dma_wait3A_244, %dma_wait3A_245, %dma_wait3A_246] : memref<4x40x128xf32, #tpu.memory_space<vmem>> -> memref<1x40x128xf32, #tpu.memory_space<vmem>>
        %dma_wait3A_248 = tpu.memref_squeeze %dma_wait3A_247 : memref<1x40x128xf32, #tpu.memory_space<vmem>> -> memref<40x128xf32, #tpu.memory_space<vmem>>
        %dma_wait3A_249 = arith.constant 0 : i32
        %dma_wait3A_250 = tpu.memref_slice %arg4[%mul3A_243, %dma_wait3A_249] : memref<40960x128xf32, #tpu.memory_space<hbm>> -> memref<40x128xf32, #tpu.memory_space<hbm>>
        %dma_wait3A_251 = arith.constant 0 : i32
        %dma_wait3A_252 = tpu.memref_slice %arg4[%mul3A_243, %dma_wait3A_251] : memref<40960x128xf32, #tpu.memory_space<hbm>> -> memref<40x128xf32, #tpu.memory_space<hbm>>
        %dma_wait3A_253 = arith.constant 0 : i32
        %dma_wait3A_254 = arith.constant 0 : i32
        %dma_wait3A_255 = tpu.memref_slice %arg6[%dma_wait3A_244, %dma_wait3A_253, %dma_wait3A_254] : memref<4x40x128xf32, #tpu.memory_space<vmem>> -> memref<1x40x128xf32, #tpu.memory_space<vmem>>
        %dma_wait3A_256 = tpu.memref_squeeze %dma_wait3A_255 : memref<1x40x128xf32, #tpu.memory_space<vmem>> -> memref<40x128xf32, #tpu.memory_space<vmem>>
        tpu.wait_dma2 semaphore(%arg8 : memref<!tpu.dma_semaphore, #tpu.memory_space<semaphore_mem>>) src(%dma_wait3A_256 : memref<40x128xf32, #tpu.memory_space<vmem>>) dst(%dma_wait3A_252 : memref<40x128xf32, #tpu.memory_space<hbm>>)
        %add3A_257 = arith.constant 4 : i32
        %add3A_258 = arith.addi %add3A_240, %add3A_257 : i32
        %lt3A_259 = arith.constant 8 : i32
        %lt3A_260 = arith.cmpi slt, %add3A_258, %lt3A_259 : i32
        %convert_element_type3A_261 = arith.extui %lt3A_260 : i1 to i32
        %cond3A_262 = arith.constant 0 : i32
        %cond3A_263 = arith.cmpi ne, %convert_element_type3A_261, %cond3A_262 : i32
        scf.if %cond3A_263 {
          %add3A_289 = arith.constant 4 : i32
          %add3A_290 = arith.addi %add3A_240, %add3A_289 : i32
          %dma_start3A_291 = arith.constant 2 : i32
          %dma_start3A_292 = arith.constant 0 : i32
          %dma_start3A_293 = arith.constant 0 : i32
          %dma_start3A_294 = tpu.memref_slice %arg6[%dma_start3A_291, %dma_start3A_292, %dma_start3A_293] : memref<4x40x128xf32, #tpu.memory_space<vmem>> -> memref<1x40x128xf32, #tpu.memory_space<vmem>>
          %dma_start3A_295 = tpu.memref_squeeze %dma_start3A_294 : memref<1x40x128xf32, #tpu.memory_space<vmem>> -> memref<40x128xf32, #tpu.memory_space<vmem>>
          %dma_start3A_296 = arith.constant 0 : i32
          %dma_start3A_297 = tpu.memref_slice %arg5[%add3A_290, %dma_start3A_296] : memref<8x40xi32, #tpu.memory_space<vmem>> -> memref<1x40xi32, #tpu.memory_space<vmem>>
          %dma_start3A_298 = tpu.memref_squeeze %dma_start3A_297 : memref<1x40xi32, #tpu.memory_space<vmem>> -> memref<40xi32, #tpu.memory_space<vmem>>
          %dma_start3A_299 = arith.constant 0 : i32
          %dma_start3A_300 = arith.constant 0 : i32
          %dma_start3A_301 = tpu.memref_slice %arg2[%dma_start3A_299, %dma_start3A_300] : memref<10000x128xf32, #tpu.memory_space<hbm>> -> memref<10000x128xf32, #tpu.memory_space<hbm>>
          tpu.enqueue_indirect_dma source(%dma_start3A_301 : memref<10000x128xf32, #tpu.memory_space<hbm>>) target(%dma_start3A_295 : memref<40x128xf32, #tpu.memory_space<vmem>>) offsets(%dma_start3A_298 : memref<40xi32, #tpu.memory_space<vmem>>) semaphore(%arg7 : memref<!tpu.dma_semaphore, #tpu.memory_space<semaphore_mem>>)
        } else {
        }
        %add3A_264 = arith.constant 3 : i32
        %add3A_265 = arith.addi %mul3A_76, %add3A_264 : i32
        %add3A_266 = arith.addi %mul3A_21, %add3A_265 : i32
        %mul3A_267 = arith.constant 40 : i32
        %mul3A_268 = arith.muli %add3A_266, %mul3A_267 : i32
        %dma_wait3A_269 = arith.constant 3 : i32
        %dma_wait3A_270 = arith.constant 0 : i32
        %dma_wait3A_271 = arith.constant 0 : i32
        %dma_wait3A_272 = tpu.memref_slice %arg6[%dma_wait3A_269, %dma_wait3A_270, %dma_wait3A_271] : memref<4x40x128xf32, #tpu.memory_space<vmem>> -> memref<1x40x128xf32, #tpu.memory_space<vmem>>
        %dma_wait3A_273 = tpu.memref_squeeze %dma_wait3A_272 : memref<1x40x128xf32, #tpu.memory_space<vmem>> -> memref<40x128xf32, #tpu.memory_space<vmem>>
        %dma_wait3A_274 = arith.constant 0 : i32
        %dma_wait3A_275 = tpu.memref_slice %arg4[%mul3A_268, %dma_wait3A_274] : memref<40960x128xf32, #tpu.memory_space<hbm>> -> memref<40x128xf32, #tpu.memory_space<hbm>>
        %dma_wait3A_276 = arith.constant 0 : i32
        %dma_wait3A_277 = tpu.memref_slice %arg4[%mul3A_268, %dma_wait3A_276] : memref<40960x128xf32, #tpu.memory_space<hbm>> -> memref<40x128xf32, #tpu.memory_space<hbm>>
        %dma_wait3A_278 = arith.constant 0 : i32
        %dma_wait3A_279 = arith.constant 0 : i32
        %dma_wait3A_280 = tpu.memref_slice %arg6[%dma_wait3A_269, %dma_wait3A_278, %dma_wait3A_279] : memref<4x40x128xf32, #tpu.memory_space<vmem>> -> memref<1x40x128xf32, #tpu.memory_space<vmem>>
        %dma_wait3A_281 = tpu.memref_squeeze %dma_wait3A_280 : memref<1x40x128xf32, #tpu.memory_space<vmem>> -> memref<40x128xf32, #tpu.memory_space<vmem>>
        tpu.wait_dma2 semaphore(%arg8 : memref<!tpu.dma_semaphore, #tpu.memory_space<semaphore_mem>>) src(%dma_wait3A_281 : memref<40x128xf32, #tpu.memory_space<vmem>>) dst(%dma_wait3A_277 : memref<40x128xf32, #tpu.memory_space<hbm>>)
        %add3A_282 = arith.constant 4 : i32
        %add3A_283 = arith.addi %add3A_265, %add3A_282 : i32
        %lt3A_284 = arith.constant 8 : i32
        %lt3A_285 = arith.cmpi slt, %add3A_283, %lt3A_284 : i32
        %convert_element_type3A_286 = arith.extui %lt3A_285 : i1 to i32
        %cond3A_287 = arith.constant 0 : i32
        %cond3A_288 = arith.cmpi ne, %convert_element_type3A_286, %cond3A_287 : i32
        scf.if %cond3A_288 {
          %add3A_289 = arith.constant 4 : i32
          %add3A_290 = arith.addi %add3A_265, %add3A_289 : i32
          %dma_start3A_291 = arith.constant 3 : i32
          %dma_start3A_292 = arith.constant 0 : i32
          %dma_start3A_293 = arith.constant 0 : i32
          %dma_start3A_294 = tpu.memref_slice %arg6[%dma_start3A_291, %dma_start3A_292, %dma_start3A_293] : memref<4x40x128xf32, #tpu.memory_space<vmem>> -> memref<1x40x128xf32, #tpu.memory_space<vmem>>
          %dma_start3A_295 = tpu.memref_squeeze %dma_start3A_294 : memref<1x40x128xf32, #tpu.memory_space<vmem>> -> memref<40x128xf32, #tpu.memory_space<vmem>>
          %dma_start3A_296 = arith.constant 0 : i32
          %dma_start3A_297 = tpu.memref_slice %arg5[%add3A_290, %dma_start3A_296] : memref<8x40xi32, #tpu.memory_space<vmem>> -> memref<1x40xi32, #tpu.memory_space<vmem>>
          %dma_start3A_298 = tpu.memref_squeeze %dma_start3A_297 : memref<1x40xi32, #tpu.memory_space<vmem>> -> memref<40xi32, #tpu.memory_space<vmem>>
          %dma_start3A_299 = arith.constant 0 : i32
          %dma_start3A_300 = arith.constant 0 : i32
          %dma_start3A_301 = tpu.memref_slice %arg2[%dma_start3A_299, %dma_start3A_300] : memref<10000x128xf32, #tpu.memory_space<hbm>> -> memref<10000x128xf32, #tpu.memory_space<hbm>>
          tpu.enqueue_indirect_dma source(%dma_start3A_301 : memref<10000x128xf32, #tpu.memory_space<hbm>>) target(%dma_start3A_295 : memref<40x128xf32, #tpu.memory_space<vmem>>) offsets(%dma_start3A_298 : memref<40xi32, #tpu.memory_space<vmem>>) semaphore(%arg7 : memref<!tpu.dma_semaphore, #tpu.memory_space<semaphore_mem>>)
        } else {
        }
      }
      %scan3A_73 = arith.constant 2 : i32
    }
    %while3A_17 = arith.constant 1 : i32
    scf.for %while3A_18 = %while3A_15 to %while3A_11 step %while3A_17  : i32 {
      %add3A_19 = arith.addi %select_n3A, %while3A_18 : i32
      %mul3A_20 = arith.constant 8 : i32
      %mul3A_21 = arith.muli %add3A_19, %mul3A_20 : i32
      "tpu.region"() ({
        %run_scoped3A = tpu.sem_alloc : memref<!tpu.dma_semaphore, #tpu.memory_space<semaphore_mem>>
        %dma_start3A_74 = arith.constant 0 : i32
        %dma_start3A_75 = tpu.memref_slice %arg3[%mul3A_21, %dma_start3A_74] : memref<1024x40xi32, #tpu.memory_space<hbm>> -> memref<8x40xi32, #tpu.memory_space<hbm>>
        %dma_start3A_76 = arith.constant 0 : i32
        %dma_start3A_77 = tpu.memref_slice %arg3[%mul3A_21, %dma_start3A_76] : memref<1024x40xi32, #tpu.memory_space<hbm>> -> memref<8x40xi32, #tpu.memory_space<hbm>>
        tpu.enqueue_dma source(%dma_start3A_77 : memref<8x40xi32, #tpu.memory_space<hbm>>) target(%arg5 : memref<8x40xi32, #tpu.memory_space<vmem>>) target_semaphore(%run_scoped3A : memref<!tpu.dma_semaphore, #tpu.memory_space<semaphore_mem>>)
        %dma_wait3A = arith.constant 0 : i32
        %dma_wait3A_78 = tpu.memref_slice %arg3[%mul3A_21, %dma_wait3A] : memref<1024x40xi32, #tpu.memory_space<hbm>> -> memref<8x40xi32, #tpu.memory_space<hbm>>
        %dma_wait3A_79 = arith.constant 0 : i32
        %dma_wait3A_80 = tpu.memref_slice %arg3[%mul3A_21, %dma_wait3A_79] : memref<1024x40xi32, #tpu.memory_space<hbm>> -> memref<8x40xi32, #tpu.memory_space<hbm>>
        tpu.wait_dma2 semaphore(%run_scoped3A : memref<!tpu.dma_semaphore, #tpu.memory_space<semaphore_mem>>) src(%dma_wait3A_80 : memref<8x40xi32, #tpu.memory_space<hbm>>) dst(%arg5 : memref<8x40xi32, #tpu.memory_space<vmem>>)
        tpu.yield
      }) : () -> ()
      %dma_start3A = arith.constant 0 : i32
      %dma_start3A_22 = arith.constant 0 : i32
      %dma_start3A_23 = arith.constant 0 : i32
      %dma_start3A_24 = arith.constant 0 : i32
      %dma_start3A_25 = tpu.memref_slice %arg6[%dma_start3A_22, %dma_start3A_23, %dma_start3A_24] : memref<4x40x128xf32, #tpu.memory_space<vmem>> -> memref<1x40x128xf32, #tpu.memory_space<vmem>>
      %dma_start3A_26 = tpu.memref_squeeze %dma_start3A_25 : memref<1x40x128xf32, #tpu.memory_space<vmem>> -> memref<40x128xf32, #tpu.memory_space<vmem>>
      %dma_start3A_27 = arith.constant 0 : i32
      %dma_start3A_28 = tpu.memref_slice %arg5[%dma_start3A, %dma_start3A_27] : memref<8x40xi32, #tpu.memory_space<vmem>> -> memref<1x40xi32, #tpu.memory_space<vmem>>
      %dma_start3A_29 = tpu.memref_squeeze %dma_start3A_28 : memref<1x40xi32, #tpu.memory_space<vmem>> -> memref<40xi32, #tpu.memory_space<vmem>>
      %dma_start3A_30 = arith.constant 0 : i32
      %dma_start3A_31 = arith.constant 0 : i32
      %dma_start3A_32 = tpu.memref_slice %arg2[%dma_start3A_30, %dma_start3A_31] : memref<10000x128xf32, #tpu.memory_space<hbm>> -> memref<10000x128xf32, #tpu.memory_space<hbm>>
      tpu.enqueue_indirect_dma source(%dma_start3A_32 : memref<10000x128xf32, #tpu.memory_space<hbm>>) target(%dma_start3A_26 : memref<40x128xf32, #tpu.memory_space<vmem>>) offsets(%dma_start3A_29 : memref<40xi32, #tpu.memory_space<vmem>>) semaphore(%arg7 : memref<!tpu.dma_semaphore, #tpu.memory_space<semaphore_mem>>)
      %dma_start3A_33 = arith.constant 1 : i32
      %dma_start3A_34 = arith.constant 1 : i32
      %dma_start3A_35 = arith.constant 0 : i32
      %dma_start3A_36 = arith.constant 0 : i32
      %dma_start3A_37 = tpu.memref_slice %arg6[%dma_start3A_34, %dma_start3A_35, %dma_start3A_36] : memref<4x40x128xf32, #tpu.memory_space<vmem>> -> memref<1x40x128xf32, #tpu.memory_space<vmem>>
      %dma_start3A_38 = tpu.memref_squeeze %dma_start3A_37 : memref<1x40x128xf32, #tpu.memory_space<vmem>> -> memref<40x128xf32, #tpu.memory_space<vmem>>
      %dma_start3A_39 = arith.constant 0 : i32
      %dma_start3A_40 = tpu.memref_slice %arg5[%dma_start3A_33, %dma_start3A_39] : memref<8x40xi32, #tpu.memory_space<vmem>> -> memref<1x40xi32, #tpu.memory_space<vmem>>
      %dma_start3A_41 = tpu.memref_squeeze %dma_start3A_40 : memref<1x40xi32, #tpu.memory_space<vmem>> -> memref<40xi32, #tpu.memory_space<vmem>>
      %dma_start3A_42 = arith.constant 0 : i32
      %dma_start3A_43 = arith.constant 0 : i32
      %dma_start3A_44 = tpu.memref_slice %arg2[%dma_start3A_42, %dma_start3A_43] : memref<10000x128xf32, #tpu.memory_space<hbm>> -> memref<10000x128xf32, #tpu.memory_space<hbm>>
      tpu.enqueue_indirect_dma source(%dma_start3A_44 : memref<10000x128xf32, #tpu.memory_space<hbm>>) target(%dma_start3A_38 : memref<40x128xf32, #tpu.memory_space<vmem>>) offsets(%dma_start3A_41 : memref<40xi32, #tpu.memory_space<vmem>>) semaphore(%arg7 : memref<!tpu.dma_semaphore, #tpu.memory_space<semaphore_mem>>)
      %dma_start3A_45 = arith.constant 2 : i32
      %dma_start3A_46 = arith.constant 2 : i32
      %dma_start3A_47 = arith.constant 0 : i32
      %dma_start3A_48 = arith.constant 0 : i32
      %dma_start3A_49 = tpu.memref_slice %arg6[%dma_start3A_46, %dma_start3A_47, %dma_start3A_48] : memref<4x40x128xf32, #tpu.memory_space<vmem>> -> memref<1x40x128xf32, #tpu.memory_space<vmem>>
      %dma_start3A_50 = tpu.memref_squeeze %dma_start3A_49 : memref<1x40x128xf32, #tpu.memory_space<vmem>> -> memref<40x128xf32, #tpu.memory_space<vmem>>
      %dma_start3A_51 = arith.constant 0 : i32
      %dma_start3A_52 = tpu.memref_slice %arg5[%dma_start3A_45, %dma_start3A_51] : memref<8x40xi32, #tpu.memory_space<vmem>> -> memref<1x40xi32, #tpu.memory_space<vmem>>
      %dma_start3A_53 = tpu.memref_squeeze %dma_start3A_52 : memref<1x40xi32, #tpu.memory_space<vmem>> -> memref<40xi32, #tpu.memory_space<vmem>>
      %dma_start3A_54 = arith.constant 0 : i32
      %dma_start3A_55 = arith.constant 0 : i32
      %dma_start3A_56 = tpu.memref_slice %arg2[%dma_start3A_54, %dma_start3A_55] : memref<10000x128xf32, #tpu.memory_space<hbm>> -> memref<10000x128xf32, #tpu.memory_space<hbm>>
      tpu.enqueue_indirect_dma source(%dma_start3A_56 : memref<10000x128xf32, #tpu.memory_space<hbm>>) target(%dma_start3A_50 : memref<40x128xf32, #tpu.memory_space<vmem>>) offsets(%dma_start3A_53 : memref<40xi32, #tpu.memory_space<vmem>>) semaphore(%arg7 : memref<!tpu.dma_semaphore, #tpu.memory_space<semaphore_mem>>)
      %dma_start3A_57 = arith.constant 3 : i32
      %dma_start3A_58 = arith.constant 3 : i32
      %dma_start3A_59 = arith.constant 0 : i32
      %dma_start3A_60 = arith.constant 0 : i32
      %dma_start3A_61 = tpu.memref_slice %arg6[%dma_start3A_58, %dma_start3A_59, %dma_start3A_60] : memref<4x40x128xf32, #tpu.memory_space<vmem>> -> memref<1x40x128xf32, #tpu.memory_space<vmem>>
      %dma_start3A_62 = tpu.memref_squeeze %dma_start3A_61 : memref<1x40x128xf32, #tpu.memory_space<vmem>> -> memref<40x128xf32, #tpu.memory_space<vmem>>
      %dma_start3A_63 = arith.constant 0 : i32
      %dma_start3A_64 = tpu.memref_slice %arg5[%dma_start3A_57, %dma_start3A_63] : memref<8x40xi32, #tpu.memory_space<vmem>> -> memref<1x40xi32, #tpu.memory_space<vmem>>
      %dma_start3A_65 = tpu.memref_squeeze %dma_start3A_64 : memref<1x40xi32, #tpu.memory_space<vmem>> -> memref<40xi32, #tpu.memory_space<vmem>>
      %dma_start3A_66 = arith.constant 0 : i32
      %dma_start3A_67 = arith.constant 0 : i32
      %dma_start3A_68 = tpu.memref_slice %arg2[%dma_start3A_66, %dma_start3A_67] : memref<10000x128xf32, #tpu.memory_space<hbm>> -> memref<10000x128xf32, #tpu.memory_space<hbm>>
      tpu.enqueue_indirect_dma source(%dma_start3A_68 : memref<10000x128xf32, #tpu.memory_space<hbm>>) target(%dma_start3A_62 : memref<40x128xf32, #tpu.memory_space<vmem>>) offsets(%dma_start3A_65 : memref<40xi32, #tpu.memory_space<vmem>>) semaphore(%arg7 : memref<!tpu.dma_semaphore, #tpu.memory_space<semaphore_mem>>)
      %scan3A = arith.constant 0 : i32
      %scan3A_69 = arith.constant 0 : i32
      %scan3A_70 = arith.constant 2 : i32
      %scan3A_71 = arith.addi %scan3A_69, %scan3A_70 : i32
      %scan3A_72 = arith.constant 1 : i32
      scf.for %scan3A_74 = %scan3A_69 to %scan3A_71 step %scan3A_72  : i32 {
        %mul3A_75 = arith.constant 4 : i32
        %mul3A_76 = arith.muli %scan3A_74, %mul3A_75 : i32
        %add3A_77 = arith.constant 0 : i32
        %add3A_78 = arith.addi %mul3A_76, %add3A_77 : i32
        %dma_wait3A = arith.constant 0 : i32
        %dma_wait3A_79 = arith.constant 0 : i32
        %dma_wait3A_80 = arith.constant 0 : i32
        %dma_wait3A_81 = tpu.memref_slice %arg6[%dma_wait3A, %dma_wait3A_79, %dma_wait3A_80] : memref<4x40x128xf32, #tpu.memory_space<vmem>> -> memref<1x40x128xf32, #tpu.memory_space<vmem>>
        %dma_wait3A_82 = tpu.memref_squeeze %dma_wait3A_81 : memref<1x40x128xf32, #tpu.memory_space<vmem>> -> memref<40x128xf32, #tpu.memory_space<vmem>>
        %dma_wait3A_83 = arith.constant 0 : i32
        %dma_wait3A_84 = tpu.memref_slice %arg5[%add3A_78, %dma_wait3A_83] : memref<8x40xi32, #tpu.memory_space<vmem>> -> memref<1x40xi32, #tpu.memory_space<vmem>>
        %dma_wait3A_85 = tpu.memref_squeeze %dma_wait3A_84 : memref<1x40xi32, #tpu.memory_space<vmem>> -> memref<40xi32, #tpu.memory_space<vmem>>
        %dma_wait3A_86 = arith.constant 0 : i32
        %dma_wait3A_87 = arith.constant 0 : i32
        %dma_wait3A_88 = tpu.memref_slice %arg2[%dma_wait3A_86, %dma_wait3A_87] : memref<10000x128xf32, #tpu.memory_space<hbm>> -> memref<10000x128xf32, #tpu.memory_space<hbm>>
        tpu.wait_indirect_dma semaphore(%arg7 : memref<!tpu.dma_semaphore, #tpu.memory_space<semaphore_mem>>) src(%dma_wait3A_88 : memref<10000x128xf32, #tpu.memory_space<hbm>>) dst(%dma_wait3A_82 : memref<40x128xf32, #tpu.memory_space<vmem>>)
        %add3A_89 = arith.addi %mul3A_21, %add3A_78 : i32
        %mul3A_90 = arith.constant 40 : i32
        %mul3A_91 = arith.muli %add3A_89, %mul3A_90 : i32
        %dma_start3A_92 = arith.constant 0 : i32
        %dma_start3A_93 = arith.constant 0 : i32
        %dma_start3A_94 = arith.constant 0 : i32
        %dma_start3A_95 = tpu.memref_slice %arg6[%dma_start3A_92, %dma_start3A_93, %dma_start3A_94] : memref<4x40x128xf32, #tpu.memory_space<vmem>> -> memref<1x40x128xf32, #tpu.memory_space<vmem>>
        %dma_start3A_96 = tpu.memref_squeeze %dma_start3A_95 : memref<1x40x128xf32, #tpu.memory_space<vmem>> -> memref<40x128xf32, #tpu.memory_space<vmem>>
        %dma_start3A_97 = arith.constant 0 : i32
        %dma_start3A_98 = tpu.memref_slice %arg4[%mul3A_91, %dma_start3A_97] : memref<40960x128xf32, #tpu.memory_space<hbm>> -> memref<40x128xf32, #tpu.memory_space<hbm>>
        %dma_start3A_99 = arith.constant 0 : i32
        %dma_start3A_100 = tpu.memref_slice %arg4[%mul3A_91, %dma_start3A_99] : memref<40960x128xf32, #tpu.memory_space<hbm>> -> memref<40x128xf32, #tpu.memory_space<hbm>>
        %dma_start3A_101 = arith.constant 0 : i32
        %dma_start3A_102 = arith.constant 0 : i32
        %dma_start3A_103 = tpu.memref_slice %arg6[%dma_start3A_92, %dma_start3A_101, %dma_start3A_102] : memref<4x40x128xf32, #tpu.memory_space<vmem>> -> memref<1x40x128xf32, #tpu.memory_space<vmem>>
        %dma_start3A_104 = tpu.memref_squeeze %dma_start3A_103 : memref<1x40x128xf32, #tpu.memory_space<vmem>> -> memref<40x128xf32, #tpu.memory_space<vmem>>
        tpu.enqueue_dma source(%dma_start3A_104 : memref<40x128xf32, #tpu.memory_space<vmem>>) target(%dma_start3A_100 : memref<40x128xf32, #tpu.memory_space<hbm>>) target_semaphore(%arg8 : memref<!tpu.dma_semaphore, #tpu.memory_space<semaphore_mem>>)
        %add3A_105 = arith.constant 1 : i32
        %add3A_106 = arith.addi %mul3A_76, %add3A_105 : i32
        %dma_wait3A_107 = arith.constant 1 : i32
        %dma_wait3A_108 = arith.constant 0 : i32
        %dma_wait3A_109 = arith.constant 0 : i32
        %dma_wait3A_110 = tpu.memref_slice %arg6[%dma_wait3A_107, %dma_wait3A_108, %dma_wait3A_109] : memref<4x40x128xf32, #tpu.memory_space<vmem>> -> memref<1x40x128xf32, #tpu.memory_space<vmem>>
        %dma_wait3A_111 = tpu.memref_squeeze %dma_wait3A_110 : memref<1x40x128xf32, #tpu.memory_space<vmem>> -> memref<40x128xf32, #tpu.memory_space<vmem>>
        %dma_wait3A_112 = arith.constant 0 : i32
        %dma_wait3A_113 = tpu.memref_slice %arg5[%add3A_106, %dma_wait3A_112] : memref<8x40xi32, #tpu.memory_space<vmem>> -> memref<1x40xi32, #tpu.memory_space<vmem>>
        %dma_wait3A_114 = tpu.memref_squeeze %dma_wait3A_113 : memref<1x40xi32, #tpu.memory_space<vmem>> -> memref<40xi32, #tpu.memory_space<vmem>>
        %dma_wait3A_115 = arith.constant 0 : i32
        %dma_wait3A_116 = arith.constant 0 : i32
        %dma_wait3A_117 = tpu.memref_slice %arg2[%dma_wait3A_115, %dma_wait3A_116] : memref<10000x128xf32, #tpu.memory_space<hbm>> -> memref<10000x128xf32, #tpu.memory_space<hbm>>
        tpu.wait_indirect_dma semaphore(%arg7 : memref<!tpu.dma_semaphore, #tpu.memory_space<semaphore_mem>>) src(%dma_wait3A_117 : memref<10000x128xf32, #tpu.memory_space<hbm>>) dst(%dma_wait3A_111 : memref<40x128xf32, #tpu.memory_space<vmem>>)
        %add3A_118 = arith.addi %mul3A_21, %add3A_106 : i32
        %mul3A_119 = arith.constant 40 : i32
        %mul3A_120 = arith.muli %add3A_118, %mul3A_119 : i32
        %dma_start3A_121 = arith.constant 1 : i32
        %dma_start3A_122 = arith.constant 0 : i32
        %dma_start3A_123 = arith.constant 0 : i32
        %dma_start3A_124 = tpu.memref_slice %arg6[%dma_start3A_121, %dma_start3A_122, %dma_start3A_123] : memref<4x40x128xf32, #tpu.memory_space<vmem>> -> memref<1x40x128xf32, #tpu.memory_space<vmem>>
        %dma_start3A_125 = tpu.memref_squeeze %dma_start3A_124 : memref<1x40x128xf32, #tpu.memory_space<vmem>> -> memref<40x128xf32, #tpu.memory_space<vmem>>
        %dma_start3A_126 = arith.constant 0 : i32
        %dma_start3A_127 = tpu.memref_slice %arg4[%mul3A_120, %dma_start3A_126] : memref<40960x128xf32, #tpu.memory_space<hbm>> -> memref<40x128xf32, #tpu.memory_space<hbm>>
        %dma_start3A_128 = arith.constant 0 : i32
        %dma_start3A_129 = tpu.memref_slice %arg4[%mul3A_120, %dma_start3A_128] : memref<40960x128xf32, #tpu.memory_space<hbm>> -> memref<40x128xf32, #tpu.memory_space<hbm>>
        %dma_start3A_130 = arith.constant 0 : i32
        %dma_start3A_131 = arith.constant 0 : i32
        %dma_start3A_132 = tpu.memref_slice %arg6[%dma_start3A_121, %dma_start3A_130, %dma_start3A_131] : memref<4x40x128xf32, #tpu.memory_space<vmem>> -> memref<1x40x128xf32, #tpu.memory_space<vmem>>
        %dma_start3A_133 = tpu.memref_squeeze %dma_start3A_132 : memref<1x40x128xf32, #tpu.memory_space<vmem>> -> memref<40x128xf32, #tpu.memory_space<vmem>>
        tpu.enqueue_dma source(%dma_start3A_133 : memref<40x128xf32, #tpu.memory_space<vmem>>) target(%dma_start3A_129 : memref<40x128xf32, #tpu.memory_space<hbm>>) target_semaphore(%arg8 : memref<!tpu.dma_semaphore, #tpu.memory_space<semaphore_mem>>)
        %add3A_134 = arith.constant 2 : i32
        %add3A_135 = arith.addi %mul3A_76, %add3A_134 : i32
        %dma_wait3A_136 = arith.constant 2 : i32
        %dma_wait3A_137 = arith.constant 0 : i32
        %dma_wait3A_138 = arith.constant 0 : i32
        %dma_wait3A_139 = tpu.memref_slice %arg6[%dma_wait3A_136, %dma_wait3A_137, %dma_wait3A_138] : memref<4x40x128xf32, #tpu.memory_space<vmem>> -> memref<1x40x128xf32, #tpu.memory_space<vmem>>
        %dma_wait3A_140 = tpu.memref_squeeze %dma_wait3A_139 : memref<1x40x128xf32, #tpu.memory_space<vmem>> -> memref<40x128xf32, #tpu.memory_space<vmem>>
        %dma_wait3A_141 = arith.constant 0 : i32
        %dma_wait3A_142 = tpu.memref_slice %arg5[%add3A_135, %dma_wait3A_141] : memref<8x40xi32, #tpu.memory_space<vmem>> -> memref<1x40xi32, #tpu.memory_space<vmem>>
        %dma_wait3A_143 = tpu.memref_squeeze %dma_wait3A_142 : memref<1x40xi32, #tpu.memory_space<vmem>> -> memref<40xi32, #tpu.memory_space<vmem>>
        %dma_wait3A_144 = arith.constant 0 : i32
        %dma_wait3A_145 = arith.constant 0 : i32
        %dma_wait3A_146 = tpu.memref_slice %arg2[%dma_wait3A_144, %dma_wait3A_145] : memref<10000x128xf32, #tpu.memory_space<hbm>> -> memref<10000x128xf32, #tpu.memory_space<hbm>>
        tpu.wait_indirect_dma semaphore(%arg7 : memref<!tpu.dma_semaphore, #tpu.memory_space<semaphore_mem>>) src(%dma_wait3A_146 : memref<10000x128xf32, #tpu.memory_space<hbm>>) dst(%dma_wait3A_140 : memref<40x128xf32, #tpu.memory_space<vmem>>)
        %add3A_147 = arith.addi %mul3A_21, %add3A_135 : i32
        %mul3A_148 = arith.constant 40 : i32
        %mul3A_149 = arith.muli %add3A_147, %mul3A_148 : i32
        %dma_start3A_150 = arith.constant 2 : i32
        %dma_start3A_151 = arith.constant 0 : i32
        %dma_start3A_152 = arith.constant 0 : i32
        %dma_start3A_153 = tpu.memref_slice %arg6[%dma_start3A_150, %dma_start3A_151, %dma_start3A_152] : memref<4x40x128xf32, #tpu.memory_space<vmem>> -> memref<1x40x128xf32, #tpu.memory_space<vmem>>
        %dma_start3A_154 = tpu.memref_squeeze %dma_start3A_153 : memref<1x40x128xf32, #tpu.memory_space<vmem>> -> memref<40x128xf32, #tpu.memory_space<vmem>>
        %dma_start3A_155 = arith.constant 0 : i32
        %dma_start3A_156 = tpu.memref_slice %arg4[%mul3A_149, %dma_start3A_155] : memref<40960x128xf32, #tpu.memory_space<hbm>> -> memref<40x128xf32, #tpu.memory_space<hbm>>
        %dma_start3A_157 = arith.constant 0 : i32
        %dma_start3A_158 = tpu.memref_slice %arg4[%mul3A_149, %dma_start3A_157] : memref<40960x128xf32, #tpu.memory_space<hbm>> -> memref<40x128xf32, #tpu.memory_space<hbm>>
        %dma_start3A_159 = arith.constant 0 : i32
        %dma_start3A_160 = arith.constant 0 : i32
        %dma_start3A_161 = tpu.memref_slice %arg6[%dma_start3A_150, %dma_start3A_159, %dma_start3A_160] : memref<4x40x128xf32, #tpu.memory_space<vmem>> -> memref<1x40x128xf32, #tpu.memory_space<vmem>>
        %dma_start3A_162 = tpu.memref_squeeze %dma_start3A_161 : memref<1x40x128xf32, #tpu.memory_space<vmem>> -> memref<40x128xf32, #tpu.memory_space<vmem>>
        tpu.enqueue_dma source(%dma_start3A_162 : memref<40x128xf32, #tpu.memory_space<vmem>>) target(%dma_start3A_158 : memref<40x128xf32, #tpu.memory_space<hbm>>) target_semaphore(%arg8 : memref<!tpu.dma_semaphore, #tpu.memory_space<semaphore_mem>>)
        %add3A_163 = arith.constant 3 : i32
        %add3A_164 = arith.addi %mul3A_76, %add3A_163 : i32
        %dma_wait3A_165 = arith.constant 3 : i32
        %dma_wait3A_166 = arith.constant 0 : i32
        %dma_wait3A_167 = arith.constant 0 : i32
        %dma_wait3A_168 = tpu.memref_slice %arg6[%dma_wait3A_165, %dma_wait3A_166, %dma_wait3A_167] : memref<4x40x128xf32, #tpu.memory_space<vmem>> -> memref<1x40x128xf32, #tpu.memory_space<vmem>>
        %dma_wait3A_169 = tpu.memref_squeeze %dma_wait3A_168 : memref<1x40x128xf32, #tpu.memory_space<vmem>> -> memref<40x128xf32, #tpu.memory_space<vmem>>
        %dma_wait3A_170 = arith.constant 0 : i32
        %dma_wait3A_171 = tpu.memref_slice %arg5[%add3A_164, %dma_wait3A_170] : memref<8x40xi32, #tpu.memory_space<vmem>> -> memref<1x40xi32, #tpu.memory_space<vmem>>
        %dma_wait3A_172 = tpu.memref_squeeze %dma_wait3A_171 : memref<1x40xi32, #tpu.memory_space<vmem>> -> memref<40xi32, #tpu.memory_space<vmem>>
        %dma_wait3A_173 = arith.constant 0 : i32
        %dma_wait3A_174 = arith.constant 0 : i32
        %dma_wait3A_175 = tpu.memref_slice %arg2[%dma_wait3A_173, %dma_wait3A_174] : memref<10000x128xf32, #tpu.memory_space<hbm>> -> memref<10000x128xf32, #tpu.memory_space<hbm>>
        tpu.wait_indirect_dma semaphore(%arg7 : memref<!tpu.dma_semaphore, #tpu.memory_space<semaphore_mem>>) src(%dma_wait3A_175 : memref<10000x128xf32, #tpu.memory_space<hbm>>) dst(%dma_wait3A_169 : memref<40x128xf32, #tpu.memory_space<vmem>>)
        %add3A_176 = arith.addi %mul3A_21, %add3A_164 : i32
        %mul3A_177 = arith.constant 40 : i32
        %mul3A_178 = arith.muli %add3A_176, %mul3A_177 : i32
        %dma_start3A_179 = arith.constant 3 : i32
        %dma_start3A_180 = arith.constant 0 : i32
        %dma_start3A_181 = arith.constant 0 : i32
        %dma_start3A_182 = tpu.memref_slice %arg6[%dma_start3A_179, %dma_start3A_180, %dma_start3A_181] : memref<4x40x128xf32, #tpu.memory_space<vmem>> -> memref<1x40x128xf32, #tpu.memory_space<vmem>>
        %dma_start3A_183 = tpu.memref_squeeze %dma_start3A_182 : memref<1x40x128xf32, #tpu.memory_space<vmem>> -> memref<40x128xf32, #tpu.memory_space<vmem>>
        %dma_start3A_184 = arith.constant 0 : i32
        %dma_start3A_185 = tpu.memref_slice %arg4[%mul3A_178, %dma_start3A_184] : memref<40960x128xf32, #tpu.memory_space<hbm>> -> memref<40x128xf32, #tpu.memory_space<hbm>>
        %dma_start3A_186 = arith.constant 0 : i32
        %dma_start3A_187 = tpu.memref_slice %arg4[%mul3A_178, %dma_start3A_186] : memref<40960x128xf32, #tpu.memory_space<hbm>> -> memref<40x128xf32, #tpu.memory_space<hbm>>
        %dma_start3A_188 = arith.constant 0 : i32
        %dma_start3A_189 = arith.constant 0 : i32
        %dma_start3A_190 = tpu.memref_slice %arg6[%dma_start3A_179, %dma_start3A_188, %dma_start3A_189] : memref<4x40x128xf32, #tpu.memory_space<vmem>> -> memref<1x40x128xf32, #tpu.memory_space<vmem>>
        %dma_start3A_191 = tpu.memref_squeeze %dma_start3A_190 : memref<1x40x128xf32, #tpu.memory_space<vmem>> -> memref<40x128xf32, #tpu.memory_space<vmem>>
        tpu.enqueue_dma source(%dma_start3A_191 : memref<40x128xf32, #tpu.memory_space<vmem>>) target(%dma_start3A_187 : memref<40x128xf32, #tpu.memory_space<hbm>>) target_semaphore(%arg8 : memref<!tpu.dma_semaphore, #tpu.memory_space<semaphore_mem>>)
        %add3A_192 = arith.constant 0 : i32
        %add3A_193 = arith.addi %mul3A_76, %add3A_192 : i32
        %add3A_194 = arith.addi %mul3A_21, %add3A_193 : i32
        %mul3A_195 = arith.constant 40 : i32
        %mul3A_196 = arith.muli %add3A_194, %mul3A_195 : i32
        %dma_wait3A_197 = arith.constant 0 : i32
        %dma_wait3A_198 = arith.constant 0 : i32
        %dma_wait3A_199 = arith.constant 0 : i32
        %dma_wait3A_200 = tpu.memref_slice %arg6[%dma_wait3A_197, %dma_wait3A_198, %dma_wait3A_199] : memref<4x40x128xf32, #tpu.memory_space<vmem>> -> memref<1x40x128xf32, #tpu.memory_space<vmem>>
        %dma_wait3A_201 = tpu.memref_squeeze %dma_wait3A_200 : memref<1x40x128xf32, #tpu.memory_space<vmem>> -> memref<40x128xf32, #tpu.memory_space<vmem>>
        %dma_wait3A_202 = arith.constant 0 : i32
        %dma_wait3A_203 = tpu.memref_slice %arg4[%mul3A_196, %dma_wait3A_202] : memref<40960x128xf32, #tpu.memory_space<hbm>> -> memref<40x128xf32, #tpu.memory_space<hbm>>
        %dma_wait3A_204 = arith.constant 0 : i32
        %dma_wait3A_205 = tpu.memref_slice %arg4[%mul3A_196, %dma_wait3A_204] : memref<40960x128xf32, #tpu.memory_space<hbm>> -> memref<40x128xf32, #tpu.memory_space<hbm>>
        %dma_wait3A_206 = arith.constant 0 : i32
        %dma_wait3A_207 = arith.constant 0 : i32
        %dma_wait3A_208 = tpu.memref_slice %arg6[%dma_wait3A_197, %dma_wait3A_206, %dma_wait3A_207] : memref<4x40x128xf32, #tpu.memory_space<vmem>> -> memref<1x40x128xf32, #tpu.memory_space<vmem>>
        %dma_wait3A_209 = tpu.memref_squeeze %dma_wait3A_208 : memref<1x40x128xf32, #tpu.memory_space<vmem>> -> memref<40x128xf32, #tpu.memory_space<vmem>>
        tpu.wait_dma2 semaphore(%arg8 : memref<!tpu.dma_semaphore, #tpu.memory_space<semaphore_mem>>) src(%dma_wait3A_209 : memref<40x128xf32, #tpu.memory_space<vmem>>) dst(%dma_wait3A_205 : memref<40x128xf32, #tpu.memory_space<hbm>>)
        %add3A_210 = arith.constant 4 : i32
        %add3A_211 = arith.addi %add3A_193, %add3A_210 : i32
        %lt3A = arith.constant 8 : i32
        %lt3A_212 = arith.cmpi slt, %add3A_211, %lt3A : i32
        %convert_element_type3A = arith.extui %lt3A_212 : i1 to i32
        %cond3A = arith.constant 0 : i32
        %cond3A_213 = arith.cmpi ne, %convert_element_type3A, %cond3A : i32
        scf.if %cond3A_213 {
          %add3A_289 = arith.constant 4 : i32
          %add3A_290 = arith.addi %add3A_193, %add3A_289 : i32
          %dma_start3A_291 = arith.constant 0 : i32
          %dma_start3A_292 = arith.constant 0 : i32
          %dma_start3A_293 = arith.constant 0 : i32
          %dma_start3A_294 = tpu.memref_slice %arg6[%dma_start3A_291, %dma_start3A_292, %dma_start3A_293] : memref<4x40x128xf32, #tpu.memory_space<vmem>> -> memref<1x40x128xf32, #tpu.memory_space<vmem>>
          %dma_start3A_295 = tpu.memref_squeeze %dma_start3A_294 : memref<1x40x128xf32, #tpu.memory_space<vmem>> -> memref<40x128xf32, #tpu.memory_space<vmem>>
          %dma_start3A_296 = arith.constant 0 : i32
          %dma_start3A_297 = tpu.memref_slice %arg5[%add3A_290, %dma_start3A_296] : memref<8x40xi32, #tpu.memory_space<vmem>> -> memref<1x40xi32, #tpu.memory_space<vmem>>
          %dma_start3A_298 = tpu.memref_squeeze %dma_start3A_297 : memref<1x40xi32, #tpu.memory_space<vmem>> -> memref<40xi32, #tpu.memory_space<vmem>>
          %dma_start3A_299 = arith.constant 0 : i32
          %dma_start3A_300 = arith.constant 0 : i32
          %dma_start3A_301 = tpu.memref_slice %arg2[%dma_start3A_299, %dma_start3A_300] : memref<10000x128xf32, #tpu.memory_space<hbm>> -> memref<10000x128xf32, #tpu.memory_space<hbm>>
          tpu.enqueue_indirect_dma source(%dma_start3A_301 : memref<10000x128xf32, #tpu.memory_space<hbm>>) target(%dma_start3A_295 : memref<40x128xf32, #tpu.memory_space<vmem>>) offsets(%dma_start3A_298 : memref<40xi32, #tpu.memory_space<vmem>>) semaphore(%arg7 : memref<!tpu.dma_semaphore, #tpu.memory_space<semaphore_mem>>)
        } else {
        }
        %add3A_214 = arith.constant 1 : i32
        %add3A_215 = arith.addi %mul3A_76, %add3A_214 : i32
        %add3A_216 = arith.addi %mul3A_21, %add3A_215 : i32
        %mul3A_217 = arith.constant 40 : i32
        %mul3A_218 = arith.muli %add3A_216, %mul3A_217 : i32
        %dma_wait3A_219 = arith.constant 1 : i32
        %dma_wait3A_220 = arith.constant 0 : i32
        %dma_wait3A_221 = arith.constant 0 : i32
        %dma_wait3A_222 = tpu.memref_slice %arg6[%dma_wait3A_219, %dma_wait3A_220, %dma_wait3A_221] : memref<4x40x128xf32, #tpu.memory_space<vmem>> -> memref<1x40x128xf32, #tpu.memory_space<vmem>>
        %dma_wait3A_223 = tpu.memref_squeeze %dma_wait3A_222 : memref<1x40x128xf32, #tpu.memory_space<vmem>> -> memref<40x128xf32, #tpu.memory_space<vmem>>
        %dma_wait3A_224 = arith.constant 0 : i32
        %dma_wait3A_225 = tpu.memref_slice %arg4[%mul3A_218, %dma_wait3A_224] : memref<40960x128xf32, #tpu.memory_space<hbm>> -> memref<40x128xf32, #tpu.memory_space<hbm>>
        %dma_wait3A_226 = arith.constant 0 : i32
        %dma_wait3A_227 = tpu.memref_slice %arg4[%mul3A_218, %dma_wait3A_226] : memref<40960x128xf32, #tpu.memory_space<hbm>> -> memref<40x128xf32, #tpu.memory_space<hbm>>
        %dma_wait3A_228 = arith.constant 0 : i32
        %dma_wait3A_229 = arith.constant 0 : i32
        %dma_wait3A_230 = tpu.memref_slice %arg6[%dma_wait3A_219, %dma_wait3A_228, %dma_wait3A_229] : memref<4x40x128xf32, #tpu.memory_space<vmem>> -> memref<1x40x128xf32, #tpu.memory_space<vmem>>
        %dma_wait3A_231 = tpu.memref_squeeze %dma_wait3A_230 : memref<1x40x128xf32, #tpu.memory_space<vmem>> -> memref<40x128xf32, #tpu.memory_space<vmem>>
        tpu.wait_dma2 semaphore(%arg8 : memref<!tpu.dma_semaphore, #tpu.memory_space<semaphore_mem>>) src(%dma_wait3A_231 : memref<40x128xf32, #tpu.memory_space<vmem>>) dst(%dma_wait3A_227 : memref<40x128xf32, #tpu.memory_space<hbm>>)
        %add3A_232 = arith.constant 4 : i32
        %add3A_233 = arith.addi %add3A_215, %add3A_232 : i32
        %lt3A_234 = arith.constant 8 : i32
        %lt3A_235 = arith.cmpi slt, %add3A_233, %lt3A_234 : i32
        %convert_element_type3A_236 = arith.extui %lt3A_235 : i1 to i32
        %cond3A_237 = arith.constant 0 : i32
        %cond3A_238 = arith.cmpi ne, %convert_element_type3A_236, %cond3A_237 : i32
        scf.if %cond3A_238 {
          %add3A_289 = arith.constant 4 : i32
          %add3A_290 = arith.addi %add3A_215, %add3A_289 : i32
          %dma_start3A_291 = arith.constant 1 : i32
          %dma_start3A_292 = arith.constant 0 : i32
          %dma_start3A_293 = arith.constant 0 : i32
          %dma_start3A_294 = tpu.memref_slice %arg6[%dma_start3A_291, %dma_start3A_292, %dma_start3A_293] : memref<4x40x128xf32, #tpu.memory_space<vmem>> -> memref<1x40x128xf32, #tpu.memory_space<vmem>>
          %dma_start3A_295 = tpu.memref_squeeze %dma_start3A_294 : memref<1x40x128xf32, #tpu.memory_space<vmem>> -> memref<40x128xf32, #tpu.memory_space<vmem>>
          %dma_start3A_296 = arith.constant 0 : i32
          %dma_start3A_297 = tpu.memref_slice %arg5[%add3A_290, %dma_start3A_296] : memref<8x40xi32, #tpu.memory_space<vmem>> -> memref<1x40xi32, #tpu.memory_space<vmem>>
          %dma_start3A_298 = tpu.memref_squeeze %dma_start3A_297 : memref<1x40xi32, #tpu.memory_space<vmem>> -> memref<40xi32, #tpu.memory_space<vmem>>
          %dma_start3A_299 = arith.constant 0 : i32
          %dma_start3A_300 = arith.constant 0 : i32
          %dma_start3A_301 = tpu.memref_slice %arg2[%dma_start3A_299, %dma_start3A_300] : memref<10000x128xf32, #tpu.memory_space<hbm>> -> memref<10000x128xf32, #tpu.memory_space<hbm>>
          tpu.enqueue_indirect_dma source(%dma_start3A_301 : memref<10000x128xf32, #tpu.memory_space<hbm>>) target(%dma_start3A_295 : memref<40x128xf32, #tpu.memory_space<vmem>>) offsets(%dma_start3A_298 : memref<40xi32, #tpu.memory_space<vmem>>) semaphore(%arg7 : memref<!tpu.dma_semaphore, #tpu.memory_space<semaphore_mem>>)
        } else {
        }
        %add3A_239 = arith.constant 2 : i32
        %add3A_240 = arith.addi %mul3A_76, %add3A_239 : i32
        %add3A_241 = arith.addi %mul3A_21, %add3A_240 : i32
        %mul3A_242 = arith.constant 40 : i32
        %mul3A_243 = arith.muli %add3A_241, %mul3A_242 : i32
        %dma_wait3A_244 = arith.constant 2 : i32
        %dma_wait3A_245 = arith.constant 0 : i32
        %dma_wait3A_246 = arith.constant 0 : i32
        %dma_wait3A_247 = tpu.memref_slice %arg6[%dma_wait3A_244, %dma_wait3A_245, %dma_wait3A_246] : memref<4x40x128xf32, #tpu.memory_space<vmem>> -> memref<1x40x128xf32, #tpu.memory_space<vmem>>
        %dma_wait3A_248 = tpu.memref_squeeze %dma_wait3A_247 : memref<1x40x128xf32, #tpu.memory_space<vmem>> -> memref<40x128xf32, #tpu.memory_space<vmem>>
        %dma_wait3A_249 = arith.constant 0 : i32
        %dma_wait3A_250 = tpu.memref_slice %arg4[%mul3A_243, %dma_wait3A_249] : memref<40960x128xf32, #tpu.memory_space<hbm>> -> memref<40x128xf32, #tpu.memory_space<hbm>>
        %dma_wait3A_251 = arith.constant 0 : i32
        %dma_wait3A_252 = tpu.memref_slice %arg4[%mul3A_243, %dma_wait3A_251] : memref<40960x128xf32, #tpu.memory_space<hbm>> -> memref<40x128xf32, #tpu.memory_space<hbm>>
        %dma_wait3A_253 = arith.constant 0 : i32
        %dma_wait3A_254 = arith.constant 0 : i32
        %dma_wait3A_255 = tpu.memref_slice %arg6[%dma_wait3A_244, %dma_wait3A_253, %dma_wait3A_254] : memref<4x40x128xf32, #tpu.memory_space<vmem>> -> memref<1x40x128xf32, #tpu.memory_space<vmem>>
        %dma_wait3A_256 = tpu.memref_squeeze %dma_wait3A_255 : memref<1x40x128xf32, #tpu.memory_space<vmem>> -> memref<40x128xf32, #tpu.memory_space<vmem>>
        tpu.wait_dma2 semaphore(%arg8 : memref<!tpu.dma_semaphore, #tpu.memory_space<semaphore_mem>>) src(%dma_wait3A_256 : memref<40x128xf32, #tpu.memory_space<vmem>>) dst(%dma_wait3A_252 : memref<40x128xf32, #tpu.memory_space<hbm>>)
        %add3A_257 = arith.constant 4 : i32
        %add3A_258 = arith.addi %add3A_240, %add3A_257 : i32
        %lt3A_259 = arith.constant 8 : i32
        %lt3A_260 = arith.cmpi slt, %add3A_258, %lt3A_259 : i32
        %convert_element_type3A_261 = arith.extui %lt3A_260 : i1 to i32
        %cond3A_262 = arith.constant 0 : i32
        %cond3A_263 = arith.cmpi ne, %convert_element_type3A_261, %cond3A_262 : i32
        scf.if %cond3A_263 {
          %add3A_289 = arith.constant 4 : i32
          %add3A_290 = arith.addi %add3A_240, %add3A_289 : i32
          %dma_start3A_291 = arith.constant 2 : i32
          %dma_start3A_292 = arith.constant 0 : i32
          %dma_start3A_293 = arith.constant 0 : i32
          %dma_start3A_294 = tpu.memref_slice %arg6[%dma_start3A_291, %dma_start3A_292, %dma_start3A_293] : memref<4x40x128xf32, #tpu.memory_space<vmem>> -> memref<1x40x128xf32, #tpu.memory_space<vmem>>
          %dma_start3A_295 = tpu.memref_squeeze %dma_start3A_294 : memref<1x40x128xf32, #tpu.memory_space<vmem>> -> memref<40x128xf32, #tpu.memory_space<vmem>>
          %dma_start3A_296 = arith.constant 0 : i32
          %dma_start3A_297 = tpu.memref_slice %arg5[%add3A_290, %dma_start3A_296] : memref<8x40xi32, #tpu.memory_space<vmem>> -> memref<1x40xi32, #tpu.memory_space<vmem>>
          %dma_start3A_298 = tpu.memref_squeeze %dma_start3A_297 : memref<1x40xi32, #tpu.memory_space<vmem>> -> memref<40xi32, #tpu.memory_space<vmem>>
          %dma_start3A_299 = arith.constant 0 : i32
          %dma_start3A_300 = arith.constant 0 : i32
          %dma_start3A_301 = tpu.memref_slice %arg2[%dma_start3A_299, %dma_start3A_300] : memref<10000x128xf32, #tpu.memory_space<hbm>> -> memref<10000x128xf32, #tpu.memory_space<hbm>>
          tpu.enqueue_indirect_dma source(%dma_start3A_301 : memref<10000x128xf32, #tpu.memory_space<hbm>>) target(%dma_start3A_295 : memref<40x128xf32, #tpu.memory_space<vmem>>) offsets(%dma_start3A_298 : memref<40xi32, #tpu.memory_space<vmem>>) semaphore(%arg7 : memref<!tpu.dma_semaphore, #tpu.memory_space<semaphore_mem>>)
        } else {
        }
        %add3A_264 = arith.constant 3 : i32
        %add3A_265 = arith.addi %mul3A_76, %add3A_264 : i32
        %add3A_266 = arith.addi %mul3A_21, %add3A_265 : i32
        %mul3A_267 = arith.constant 40 : i32
        %mul3A_268 = arith.muli %add3A_266, %mul3A_267 : i32
        %dma_wait3A_269 = arith.constant 3 : i32
        %dma_wait3A_270 = arith.constant 0 : i32
        %dma_wait3A_271 = arith.constant 0 : i32
        %dma_wait3A_272 = tpu.memref_slice %arg6[%dma_wait3A_269, %dma_wait3A_270, %dma_wait3A_271] : memref<4x40x128xf32, #tpu.memory_space<vmem>> -> memref<1x40x128xf32, #tpu.memory_space<vmem>>
        %dma_wait3A_273 = tpu.memref_squeeze %dma_wait3A_272 : memref<1x40x128xf32, #tpu.memory_space<vmem>> -> memref<40x128xf32, #tpu.memory_space<vmem>>
        %dma_wait3A_274 = arith.constant 0 : i32
        %dma_wait3A_275 = tpu.memref_slice %arg4[%mul3A_268, %dma_wait3A_274] : memref<40960x128xf32, #tpu.memory_space<hbm>> -> memref<40x128xf32, #tpu.memory_space<hbm>>
        %dma_wait3A_276 = arith.constant 0 : i32
        %dma_wait3A_277 = tpu.memref_slice %arg4[%mul3A_268, %dma_wait3A_276] : memref<40960x128xf32, #tpu.memory_space<hbm>> -> memref<40x128xf32, #tpu.memory_space<hbm>>
        %dma_wait3A_278 = arith.constant 0 : i32
        %dma_wait3A_279 = arith.constant 0 : i32
        %dma_wait3A_280 = tpu.memref_slice %arg6[%dma_wait3A_269, %dma_wait3A_278, %dma_wait3A_279] : memref<4x40x128xf32, #tpu.memory_space<vmem>> -> memref<1x40x128xf32, #tpu.memory_space<vmem>>
        %dma_wait3A_281 = tpu.memref_squeeze %dma_wait3A_280 : memref<1x40x128xf32, #tpu.memory_space<vmem>> -> memref<40x128xf32, #tpu.memory_space<vmem>>
        tpu.wait_dma2 semaphore(%arg8 : memref<!tpu.dma_semaphore, #tpu.memory_space<semaphore_mem>>) src(%dma_wait3A_281 : memref<40x128xf32, #tpu.memory_space<vmem>>) dst(%dma_wait3A_277 : memref<40x128xf32, #tpu.memory_space<hbm>>)
        %add3A_282 = arith.constant 4 : i32
        %add3A_283 = arith.addi %add3A_265, %add3A_282 : i32
        %lt3A_284 = arith.constant 8 : i32
        %lt3A_285 = arith.cmpi slt, %add3A_283, %lt3A_284 : i32
        %convert_element_type3A_286 = arith.extui %lt3A_285 : i1 to i32
        %cond3A_287 = arith.constant 0 : i32
        %cond3A_288 = arith.cmpi ne, %convert_element_type3A_286, %cond3A_287 : i32
        scf.if %cond3A_288 {
          %add3A_289 = arith.constant 4 : i32
          %add3A_290 = arith.addi %add3A_265, %add3A_289 : i32
          %dma_start3A_291 = arith.constant 3 : i32
          %dma_start3A_292 = arith.constant 0 : i32
          %dma_start3A_293 = arith.constant 0 : i32
          %dma_start3A_294 = tpu.memref_slice %arg6[%dma_start3A_291, %dma_start3A_292, %dma_start3A_293] : memref<4x40x128xf32, #tpu.memory_space<vmem>> -> memref<1x40x128xf32, #tpu.memory_space<vmem>>
          %dma_start3A_295 = tpu.memref_squeeze %dma_start3A_294 : memref<1x40x128xf32, #tpu.memory_space<vmem>> -> memref<40x128xf32, #tpu.memory_space<vmem>>
          %dma_start3A_296 = arith.constant 0 : i32
          %dma_start3A_297 = tpu.memref_slice %arg5[%add3A_290, %dma_start3A_296] : memref<8x40xi32, #tpu.memory_space<vmem>> -> memref<1x40xi32, #tpu.memory_space<vmem>>
          %dma_start3A_298 = tpu.memref_squeeze %dma_start3A_297 : memref<1x40xi32, #tpu.memory_space<vmem>> -> memref<40xi32, #tpu.memory_space<vmem>>
          %dma_start3A_299 = arith.constant 0 : i32
          %dma_start3A_300 = arith.constant 0 : i32
          %dma_start3A_301 = tpu.memref_slice %arg2[%dma_start3A_299, %dma_start3A_300] : memref<10000x128xf32, #tpu.memory_space<hbm>> -> memref<10000x128xf32, #tpu.memory_space<hbm>>
          tpu.enqueue_indirect_dma source(%dma_start3A_301 : memref<10000x128xf32, #tpu.memory_space<hbm>>) target(%dma_start3A_295 : memref<40x128xf32, #tpu.memory_space<vmem>>) offsets(%dma_start3A_298 : memref<40xi32, #tpu.memory_space<vmem>>) semaphore(%arg7 : memref<!tpu.dma_semaphore, #tpu.memory_space<semaphore_mem>>)
        } else {
        }
      }
      %scan3A_73 = arith.constant 2 : i32
    }
    return
  }
}

module attributes {stable_mosaic.version = 14 : i64} {
  func.func @_mlp_body(%arg0: i32, %arg1: memref<1000x128xf32, #tpu.memory_space<vmem>>, %arg2: memref<2x1000x128xf32, #tpu.memory_space<vmem>>, %arg3: memref<128x128xf32, #tpu.memory_space<vmem>>, %arg4: memref<128x128xf32, #tpu.memory_space<vmem>>, %arg5: memref<1000x128xf32, #tpu.memory_space<vmem>>) attributes {dimension_semantics = [#tpu.dimension_semantics<arbitrary>], iteration_bounds = array<i64: 10>, scalar_prefetch = 0 : i64, scratch_operands = 0 : i64, tpu.core_type = #tpu.core_type<tc>, window_params = [{transform_indices = @transform_0, window_bounds = array<i64: 1000, 128>}, {transform_indices = @transform_1, window_bounds = array<i64: 2, 1000, 128>}, {pipeline_mode = #tpu.pipeline_mode<synchronous>, transform_indices = @transform_2, window_bounds = array<i64: 128, 128>}, {pipeline_mode = #tpu.pipeline_mode<synchronous>, transform_indices = @transform_3, window_bounds = array<i64: 128, 128>}, {transform_indices = @transform_4, window_bounds = array<i64: 1000, 128>}]} {
    %get3A = arith.constant 0 : index
    %get3A_0 = arith.constant 0 : index
    %get3A_1 = vector.load %arg1[%get3A, %get3A_0] : memref<1000x128xf32, #tpu.memory_space<vmem>>, vector<1000x128xf32>
    %get3A_2 = arith.constant 0 : index
    %get3A_3 = arith.constant 0 : index
    %get3A_4 = arith.constant 0 : index
    %get3A_5 = vector.load %arg2[%get3A_2, %get3A_3, %get3A_4] : memref<2x1000x128xf32, #tpu.memory_space<vmem>>, vector<1x1000x128xf32>
    %get3A_6 = vector.shape_cast %get3A_5 : vector<1x1000x128xf32> to vector<1000x128xf32>
    %add3A = arith.addf %get3A_1, %get3A_6 : vector<1000x128xf32>
    %get3A_7 = arith.constant 1 : index
    %get3A_8 = arith.constant 0 : index
    %get3A_9 = arith.constant 0 : index
    %get3A_10 = vector.load %arg2[%get3A_7, %get3A_8, %get3A_9] : memref<2x1000x128xf32, #tpu.memory_space<vmem>>, vector<1x1000x128xf32>
    %get3A_11 = vector.shape_cast %get3A_10 : vector<1x1000x128xf32> to vector<1000x128xf32>
    %add3A_12 = arith.addf %add3A, %get3A_11 : vector<1000x128xf32>
    %get3A_13 = arith.constant 0 : index
    %get3A_14 = arith.constant 0 : index
    %get3A_15 = vector.load %arg3[%get3A_13, %get3A_14] : memref<128x128xf32, #tpu.memory_space<vmem>>, vector<128x128xf32>
    %dot_general3A = arith.constant dense<0.000000e+00> : vector<1000x128xf32>
    %dot_general3A_16 = tpu.matmul %add3A_12, %get3A_15, %dot_general3A {dimension_numbers = #tpu.dot_dimension_numbers<[1], [0], [0], [1], [0, 0, 1, 1], [], []>, transpose_lhs_hint = false} : vector<1000x128xf32>, vector<128x128xf32>, vector<1000x128xf32> -> vector<1000x128xf32>
    %max3A = arith.constant 0.000000e+00 : f32
    %max3A_17 = vector.broadcast %max3A : f32 to vector<1000x128xf32>
    %max3A_18 = arith.maximumf %dot_general3A_16, %max3A_17 : vector<1000x128xf32>
    %get3A_19 = arith.constant 0 : index
    %get3A_20 = arith.constant 0 : index
    %get3A_21 = vector.load %arg4[%get3A_19, %get3A_20] : memref<128x128xf32, #tpu.memory_space<vmem>>, vector<128x128xf32>
    %dot_general3A_22 = arith.constant dense<0.000000e+00> : vector<1000x128xf32>
    %dot_general3A_23 = tpu.matmul %max3A_18, %get3A_21, %dot_general3A_22 {dimension_numbers = #tpu.dot_dimension_numbers<[1], [0], [0], [1], [0, 0, 1, 1], [], []>, transpose_lhs_hint = false} : vector<1000x128xf32>, vector<128x128xf32>, vector<1000x128xf32> -> vector<1000x128xf32>
    %max3A_24 = arith.constant 0.000000e+00 : f32
    %max3A_25 = vector.broadcast %max3A_24 : f32 to vector<1000x128xf32>
    %max3A_26 = arith.maximumf %dot_general3A_23, %max3A_25 : vector<1000x128xf32>
    %swap3A = arith.constant 0 : index
    %swap3A_27 = arith.constant 0 : index
    %swap3A_28 = vector.load %arg5[%swap3A, %swap3A_27] : memref<1000x128xf32, #tpu.memory_space<vmem>>, vector<1000x128xf32>
    tpu.vector_store %arg5[%swap3A, %swap3A_27], %max3A_26 {strides = array<i32>} : memref<1000x128xf32, #tpu.memory_space<vmem>>, vector<1000x128xf32>,
    return
  }
  func.func @transform_0(%arg0: i32) -> (i32, i32) {
    %c0_i32 = arith.constant 0 : i32
    %c0_i32_0 = arith.constant 0 : i32
    return %arg0, %c0_i32 : i32, i32
  }
  func.func @transform_1(%arg0: i32) -> (i32, i32, i32) {
    %c0_i32 = arith.constant 0 : i32
    %c0_i32_0 = arith.constant 0 : i32
    %c0_i32_1 = arith.constant 0 : i32
    return %c0_i32, %arg0, %c0_i32_0 : i32, i32, i32
  }
  func.func @transform_2(%arg0: i32) -> (i32, i32) {
    %c0_i32 = arith.constant 0 : i32
    %c0_i32_0 = arith.constant 0 : i32
    %c0_i32_1 = arith.constant 0 : i32
    return %c0_i32, %c0_i32_0 : i32, i32
  }
  func.func @transform_3(%arg0: i32) -> (i32, i32) {
    %c0_i32 = arith.constant 0 : i32
    %c0_i32_0 = arith.constant 0 : i32
    %c0_i32_1 = arith.constant 0 : i32
    return %c0_i32, %c0_i32_0 : i32, i32
  }
  func.func @transform_4(%arg0: i32) -> (i32, i32) {
    %c0_i32 = arith.constant 0 : i32
    %c0_i32_0 = arith.constant 0 : i32
    return %arg0, %c0_i32 : i32, i32
  }
}

module attributes {stable_mosaic.version = 14 : i64} {
  func.func @_mlp_body(%arg0: i32, %arg1: memref<1000x128xf32, #tpu.memory_space<vmem>>, %arg2: memref<2x1000x128xf32, #tpu.memory_space<vmem>>, %arg3: memref<128x128xf32, #tpu.memory_space<vmem>>, %arg4: memref<128x128xf32, #tpu.memory_space<vmem>>, %arg5: memref<1000x128xf32, #tpu.memory_space<vmem>>) attributes {dimension_semantics = [#tpu.dimension_semantics<arbitrary>], iteration_bounds = array<i64: 10>, scalar_prefetch = 0 : i64, scratch_operands = 0 : i64, tpu.core_type = #tpu.core_type<tc>, window_params = [{transform_indices = @transform_0, window_bounds = array<i64: 1000, 128>}, {transform_indices = @transform_1, window_bounds = array<i64: 2, 1000, 128>}, {pipeline_mode = #tpu.pipeline_mode<synchronous>, transform_indices = @transform_2, window_bounds = array<i64: 128, 128>}, {pipeline_mode = #tpu.pipeline_mode<synchronous>, transform_indices = @transform_3, window_bounds = array<i64: 128, 128>}, {transform_indices = @transform_4, window_bounds = array<i64: 1000, 128>}]} {
    %get3A = arith.constant 0 : index
    %get3A_0 = arith.constant 0 : index
    %get3A_1 = vector.load %arg1[%get3A, %get3A_0] : memref<1000x128xf32, #tpu.memory_space<vmem>>, vector<1000x128xf32>
    %get3A_2 = arith.constant 0 : index
    %get3A_3 = arith.constant 0 : index
    %get3A_4 = arith.constant 0 : index
    %get3A_5 = vector.load %arg2[%get3A_2, %get3A_3, %get3A_4] : memref<2x1000x128xf32, #tpu.memory_space<vmem>>, vector<1x1000x128xf32>
    %get3A_6 = vector.shape_cast %get3A_5 : vector<1x1000x128xf32> to vector<1000x128xf32>
    %add3A = arith.addf %get3A_1, %get3A_6 : vector<1000x128xf32>
    %get3A_7 = arith.constant 1 : index
    %get3A_8 = arith.constant 0 : index
    %get3A_9 = arith.constant 0 : index
    %get3A_10 = vector.load %arg2[%get3A_7, %get3A_8, %get3A_9] : memref<2x1000x128xf32, #tpu.memory_space<vmem>>, vector<1x1000x128xf32>
    %get3A_11 = vector.shape_cast %get3A_10 : vector<1x1000x128xf32> to vector<1000x128xf32>
    %add3A_12 = arith.addf %add3A, %get3A_11 : vector<1000x128xf32>
    %get3A_13 = arith.constant 0 : index
    %get3A_14 = arith.constant 0 : index
    %get3A_15 = vector.load %arg3[%get3A_13, %get3A_14] : memref<128x128xf32, #tpu.memory_space<vmem>>, vector<128x128xf32>
    %dot_general3A = arith.constant dense<0.000000e+00> : vector<1000x128xf32>
    %dot_general3A_16 = tpu.matmul %add3A_12, %get3A_15, %dot_general3A {dimension_numbers = #tpu.dot_dimension_numbers<[1], [0], [0], [1], [0, 0, 1, 1], [], []>, transpose_lhs_hint = false} : vector<1000x128xf32>, vector<128x128xf32>, vector<1000x128xf32> -> vector<1000x128xf32>
    %max3A = arith.constant 0.000000e+00 : f32
    %max3A_17 = vector.broadcast %max3A : f32 to vector<1000x128xf32>
    %max3A_18 = arith.maximumf %dot_general3A_16, %max3A_17 : vector<1000x128xf32>
    %get3A_19 = arith.constant 0 : index
    %get3A_20 = arith.constant 0 : index
    %get3A_21 = vector.load %arg4[%get3A_19, %get3A_20] : memref<128x128xf32, #tpu.memory_space<vmem>>, vector<128x128xf32>
    %dot_general3A_22 = arith.constant dense<0.000000e+00> : vector<1000x128xf32>
    %dot_general3A_23 = tpu.matmul %max3A_18, %get3A_21, %dot_general3A_22 {dimension_numbers = #tpu.dot_dimension_numbers<[1], [0], [0], [1], [0, 0, 1, 1], [], []>, transpose_lhs_hint = false} : vector<1000x128xf32>, vector<128x128xf32>, vector<1000x128xf32> -> vector<1000x128xf32>
    %swap3A = arith.constant 0 : index
    %swap3A_24 = arith.constant 0 : index
    %swap3A_25 = vector.load %arg5[%swap3A, %swap3A_24] : memref<1000x128xf32, #tpu.memory_space<vmem>>, vector<1000x128xf32>
    tpu.vector_store %arg5[%swap3A, %swap3A_24], %dot_general3A_23 {strides = array<i32>} : memref<1000x128xf32, #tpu.memory_space<vmem>>, vector<1000x128xf32>,
    return
  }
  func.func @transform_0(%arg0: i32) -> (i32, i32) {
    %c0_i32 = arith.constant 0 : i32
    %c0_i32_0 = arith.constant 0 : i32
    return %arg0, %c0_i32 : i32, i32
  }
  func.func @transform_1(%arg0: i32) -> (i32, i32, i32) {
    %c0_i32 = arith.constant 0 : i32
    %c0_i32_0 = arith.constant 0 : i32
    %c0_i32_1 = arith.constant 0 : i32
    return %c0_i32, %arg0, %c0_i32_0 : i32, i32, i32
  }
  func.func @transform_2(%arg0: i32) -> (i32, i32) {
    %c0_i32 = arith.constant 0 : i32
    %c0_i32_0 = arith.constant 0 : i32
    %c0_i32_1 = arith.constant 0 : i32
    return %c0_i32, %c0_i32_0 : i32, i32
  }
  func.func @transform_3(%arg0: i32) -> (i32, i32) {
    %c0_i32 = arith.constant 0 : i32
    %c0_i32_0 = arith.constant 0 : i32
    %c0_i32_1 = arith.constant 0 : i32
    return %c0_i32, %c0_i32_0 : i32, i32
  }
  func.func @transform_4(%arg0: i32) -> (i32, i32) {
    %c0_i32 = arith.constant 0 : i32
    %c0_i32_0 = arith.constant 0 : i32
    return %arg0, %c0_i32 : i32, i32
  }
}

module attributes {stable_mosaic.version = 14 : i64} {
  func.func @_pred_body(%arg0: i32, %arg1: i32, %arg2: memref<1x1024x128xf32, #tpu.memory_space<vmem>>, %arg3: memref<1x1024x128xf32, #tpu.memory_space<vmem>>, %arg4: memref<128x128xf32, #tpu.memory_space<vmem>>, %arg5: memref<1x128xf32, #tpu.memory_space<vmem>>, %arg6: memref<128x128xf32, #tpu.memory_space<vmem>>, %arg7: memref<1x128xf32, #tpu.memory_space<vmem>>, %arg8: memref<128x1xf32, #tpu.memory_space<vmem>>, %arg9: memref<1x1xf32, #tpu.memory_space<vmem>>, %arg10: memref<1x1024x1xf32, #tpu.memory_space<vmem>>) attributes {dimension_semantics = [#tpu.dimension_semantics<arbitrary>, #tpu.dimension_semantics<arbitrary>], iteration_bounds = array<i64: 2, 10>, scalar_prefetch = 0 : i64, scratch_operands = 0 : i64, tpu.core_type = #tpu.core_type<tc>, window_params = [{transform_indices = @transform_0, window_bounds = array<i64: 1, 1024, 128>}, {transform_indices = @transform_1, window_bounds = array<i64: 1, 1024, 128>}, {pipeline_mode = #tpu.pipeline_mode<synchronous>, transform_indices = @transform_2, window_bounds = array<i64: 128, 128>}, {pipeline_mode = #tpu.pipeline_mode<synchronous>, transform_indices = @transform_3, window_bounds = array<i64: 1, 128>}, {pipeline_mode = #tpu.pipeline_mode<synchronous>, transform_indices = @transform_4, window_bounds = array<i64: 128, 128>}, {pipeline_mode = #tpu.pipeline_mode<synchronous>, transform_indices = @transform_5, window_bounds = array<i64: 1, 128>}, {pipeline_mode = #tpu.pipeline_mode<synchronous>, transform_indices = @transform_6, window_bounds = array<i64: 128, 1>}, {pipeline_mode = #tpu.pipeline_mode<synchronous>, transform_indices = @transform_7, window_bounds = array<i64: 1, 1>}, {transform_indices = @transform_8, window_bounds = array<i64: 1, 1024, 1>}]} {
    %get3A = arith.constant 0 : index
    %get3A_0 = arith.constant 0 : index
    %get3A_1 = arith.constant 0 : index
    %get3A_2 = vector.load %arg2[%get3A, %get3A_0, %get3A_1] : memref<1x1024x128xf32, #tpu.memory_space<vmem>>, vector<1x1024x128xf32>
    %get3A_3 = vector.shape_cast %get3A_2 : vector<1x1024x128xf32> to vector<1024x128xf32>
    %get3A_4 = arith.constant 0 : index
    %get3A_5 = arith.constant 0 : index
    %get3A_6 = arith.constant 0 : index
    %get3A_7 = vector.load %arg3[%get3A_4, %get3A_5, %get3A_6] : memref<1x1024x128xf32, #tpu.memory_space<vmem>>, vector<1x1024x128xf32>
    %get3A_8 = vector.shape_cast %get3A_7 : vector<1x1024x128xf32> to vector<1024x128xf32>
    %mul3A = arith.mulf %get3A_3, %get3A_8 : vector<1024x128xf32>
    %get3A_9 = arith.constant 0 : index
    %get3A_10 = arith.constant 0 : index
    %get3A_11 = vector.load %arg4[%get3A_9, %get3A_10] : memref<128x128xf32, #tpu.memory_space<vmem>>, vector<128x128xf32>
    %dot_general3A = arith.constant dense<0.000000e+00> : vector<1024x128xf32>
    %dot_general3A_12 = tpu.matmul %mul3A, %get3A_11, %dot_general3A {dimension_numbers = #tpu.dot_dimension_numbers<[1], [0], [0], [1], [0, 0, 1, 1], [], []>, transpose_lhs_hint = false} : vector<1024x128xf32>, vector<128x128xf32>, vector<1024x128xf32> -> vector<1024x128xf32>
    %get3A_13 = arith.constant 0 : index
    %get3A_14 = arith.constant 0 : index
    %get3A_15 = vector.load %arg5[%get3A_13, %get3A_14] : memref<1x128xf32, #tpu.memory_space<vmem>>, vector<1x128xf32>
    %add3A = vector.broadcast %get3A_15 : vector<1x128xf32> to vector<1024x128xf32>
    %add3A_16 = arith.addf %dot_general3A_12, %add3A : vector<1024x128xf32>
    %max3A = arith.constant 0.000000e+00 : f32
    %max3A_17 = vector.broadcast %max3A : f32 to vector<1024x128xf32>
    %max3A_18 = arith.maximumf %add3A_16, %max3A_17 : vector<1024x128xf32>
    %get3A_19 = arith.constant 0 : index
    %get3A_20 = arith.constant 0 : index
    %get3A_21 = vector.load %arg6[%get3A_19, %get3A_20] : memref<128x128xf32, #tpu.memory_space<vmem>>, vector<128x128xf32>
    %dot_general3A_22 = arith.constant dense<0.000000e+00> : vector<1024x128xf32>
    %dot_general3A_23 = tpu.matmul %max3A_18, %get3A_21, %dot_general3A_22 {dimension_numbers = #tpu.dot_dimension_numbers<[1], [0], [0], [1], [0, 0, 1, 1], [], []>, transpose_lhs_hint = false} : vector<1024x128xf32>, vector<128x128xf32>, vector<1024x128xf32> -> vector<1024x128xf32>
    %get3A_24 = arith.constant 0 : index
    %get3A_25 = arith.constant 0 : index
    %get3A_26 = vector.load %arg7[%get3A_24, %get3A_25] : memref<1x128xf32, #tpu.memory_space<vmem>>, vector<1x128xf32>
    %add3A_27 = vector.broadcast %get3A_26 : vector<1x128xf32> to vector<1024x128xf32>
    %add3A_28 = arith.addf %dot_general3A_23, %add3A_27 : vector<1024x128xf32>
    %max3A_29 = arith.constant 0.000000e+00 : f32
    %max3A_30 = vector.broadcast %max3A_29 : f32 to vector<1024x128xf32>
    %max3A_31 = arith.maximumf %add3A_28, %max3A_30 : vector<1024x128xf32>
    %get3A_32 = arith.constant 0 : index
    %get3A_33 = arith.constant 0 : index
    %get3A_34 = vector.load %arg8[%get3A_32, %get3A_33] : memref<128x1xf32, #tpu.memory_space<vmem>>, vector<128x1xf32>
    %dot_general3A_35 = arith.constant dense<0.000000e+00> : vector<1024x1xf32>
    %dot_general3A_36 = tpu.matmul %max3A_31, %get3A_34, %dot_general3A_35 {dimension_numbers = #tpu.dot_dimension_numbers<[1], [0], [0], [1], [0, 0, 1, 1], [], []>, transpose_lhs_hint = false} : vector<1024x128xf32>, vector<128x1xf32>, vector<1024x1xf32> -> vector<1024x1xf32>
    %get3A_37 = arith.constant 0 : index
    %get3A_38 = arith.constant 0 : index
    %get3A_39 = vector.load %arg9[%get3A_37, %get3A_38] : memref<1x1xf32, #tpu.memory_space<vmem>>, vector<1x1xf32>
    %get3A_40 = vector.extract %get3A_39[0, 0] : f32 from vector<1x1xf32>
    %add3A_41 = vector.broadcast %get3A_40 : f32 to vector<1024x1xf32>
    %add3A_42 = arith.addf %dot_general3A_36, %add3A_41 : vector<1024x1xf32>
    %swap3A = arith.constant 0 : index
    %swap3A_43 = arith.constant 0 : index
    %swap3A_44 = arith.constant 0 : index
    %swap3A_45 = vector.load %arg10[%swap3A, %swap3A_43, %swap3A_44] : memref<1x1024x1xf32, #tpu.memory_space<vmem>>, vector<1x1024x1xf32>
    %swap3A_46 = vector.shape_cast %swap3A_45 : vector<1x1024x1xf32> to vector<1024x1xf32>
    %swap3A_47 = vector.shape_cast %add3A_42 : vector<1024x1xf32> to vector<1x1024x1xf32>
    tpu.vector_store %arg10[%swap3A, %swap3A_43, %swap3A_44], %swap3A_47 {strides = array<i32>} : memref<1x1024x1xf32, #tpu.memory_space<vmem>>, vector<1x1024x1xf32>,
    return
  }
  func.func @transform_0(%arg0: i32, %arg1: i32) -> (i32, i32, i32) {
    %mul3A = arith.constant 2 : i32
    %mul3A_0 = arith.muli %mul3A, %arg0 : i32
    %c0_i32 = arith.constant 0 : i32
    %c0_i32_1 = arith.constant 0 : i32
    return %mul3A_0, %arg1, %c0_i32 : i32, i32, i32
  }
  func.func @transform_1(%arg0: i32, %arg1: i32) -> (i32, i32, i32) {
    %mul3A = arith.constant 2 : i32
    %mul3A_0 = arith.muli %mul3A, %arg0 : i32
    %add3A = arith.constant 1 : i32
    %add3A_1 = arith.addi %mul3A_0, %add3A : i32
    %c0_i32 = arith.constant 0 : i32
    %c0_i32_2 = arith.constant 0 : i32
    return %add3A_1, %arg1, %c0_i32 : i32, i32, i32
  }
  func.func @transform_2(%arg0: i32, %arg1: i32) -> (i32, i32) {
    %c0_i32 = arith.constant 0 : i32
    %c0_i32_0 = arith.constant 0 : i32
    %c0_i32_1 = arith.constant 0 : i32
    return %c0_i32, %c0_i32_0 : i32, i32
  }
  func.func @transform_3(%arg0: i32, %arg1: i32) -> (i32, i32) {
    %c0_i32 = arith.constant 0 : i32
    %c0_i32_0 = arith.constant 0 : i32
    %c0_i32_1 = arith.constant 0 : i32
    return %c0_i32, %c0_i32_0 : i32, i32
  }
  func.func @transform_4(%arg0: i32, %arg1: i32) -> (i32, i32) {
    %c0_i32 = arith.constant 0 : i32
    %c0_i32_0 = arith.constant 0 : i32
    %c0_i32_1 = arith.constant 0 : i32
    return %c0_i32, %c0_i32_0 : i32, i32
  }
  func.func @transform_5(%arg0: i32, %arg1: i32) -> (i32, i32) {
    %c0_i32 = arith.constant 0 : i32
    %c0_i32_0 = arith.constant 0 : i32
    %c0_i32_1 = arith.constant 0 : i32
    return %c0_i32, %c0_i32_0 : i32, i32
  }
  func.func @transform_6(%arg0: i32, %arg1: i32) -> (i32, i32) {
    %c0_i32 = arith.constant 0 : i32
    %c0_i32_0 = arith.constant 0 : i32
    %c0_i32_1 = arith.constant 0 : i32
    return %c0_i32, %c0_i32_0 : i32, i32
  }
  func.func @transform_7(%arg0: i32, %arg1: i32) -> (i32, i32) {
    %c0_i32 = arith.constant 0 : i32
    %c0_i32_0 = arith.constant 0 : i32
    %c0_i32_1 = arith.constant 0 : i32
    return %c0_i32, %c0_i32_0 : i32, i32
  }
  func.func @transform_8(%arg0: i32, %arg1: i32) -> (i32, i32, i32) {
    %c0_i32 = arith.constant 0 : i32
    %c0_i32_0 = arith.constant 0 : i32
    return %arg0, %arg1, %c0_i32 : i32, i32, i32
  }
}

</mosaic_0001>

<sc_bundles>
// kernel: kernel.7.cloned.1.call-start
scs
__scs_entry_jumppad:
0x0: {  	(pc) =	sbr.rel $0x88, $3  }
0x1: {  	(tag) =	ssettag $0x0;
	lr =	simm.s32 $0x1  }
0x2: {  	[smem:$0x3F91] =	sst lr;
	_ =	strace $0xD0000000  }
0x3: {  	_ = 	snop  }
0x4: {  	_ = 	snop  }
0x5: {  	_ = 	snop  }
0x6: {  	_ = 	snop  }
0x7: {  	_ = 	snop  }
__scs_overlays_trampoline_lowered:
0x8: {  	[smem:$0x3FA0] =	sst s0  }
0x9: {  	[smem:$0x3FA1] =	sst s1  }
0xa: {  	[smem:$0x3FA2] =	sst s2  }
0xb: {  	[smem:$0x3FA3] =	sst s3  }
0xc: {  	[smem:$0x3FA4] =	sst s4  }
0xd: {  	[smem:$0x3FA5] =	sst s5  }
0xe: {  	[smem:$0x3FA6] =	sst s6  }
0xf: {  	[smem:$0x3FA7] =	sst s7  }
0x10: {  	[smem:$0x3FA8] =	sst s8  }
0x11: {  	[smem:$0x3FA9] =	sst s9;
	s0 =	simm.s32 @!p0 $0x0  }
0x12: {  	s1 =	sld [smem:$0x3F8F];
	s0 =	simm.s32 @p0 $0x1  }
0x13: {  	[smem:$0x3FAA] =	sst s0;
	s0 =	simm.s32 @!p1 $0x0  }
0x14: {  	s2 =	sld [smem:$0x3F8E];
	s0 =	simm.s32 @p1 $0x1  }
0x15: {  	[smem:$0x3FAB] =	sst s0;
	s0 =	simm.s32 @!p2 $0x0  }
0x16: {  	s3 =	sld [smem:$0x3FDB];
	s0 =	simm.s32 @p2 $0x1  }
0x17: {  	s4 =	simm.s32 $0x1BF5;
	[smem:$0x3FAD] =	sst s0  }
0x18: {  	s0 =	sld [smem:$0x3F90];
	_ =	swait.ge [sflag:s4], $0x0  }
0x19: {  	s7 =	sld [smem:$0x3F91]  }
0x1a: {  	s8 =	sadd.s32 $0xFFFFE003, lr  }
0x1b: {  	s9 =	sadd.s32 $0xFFFFFEF7, lr;
	s5 =	simm.s32 $0xFFFFFFFF;
	p2 =	slt.u32 s8, $0xFFFFF086  }
0x1c: {  	p1 =	slt.u32 s9, $0xF7A;
	s5 =	simm.s32 @!p2 $0x0  }
0x1d: {  	s5 =	simm.s32 @p1 $0x1;
	p0 =	seq.s32 s7, s2  }
0x1e: {  	s7 =	smul.u32 @!p0 $0xF7A, s2;
	p2 =	seq.s32 @!p0 s5, $0x0  }
0x1f: {  	s9 =	smul.u32 $0xF7A, s1;
	s8 =	simm.s32 @!p0 $0x1BF5;
	p2 =	por !p2, p0  }
0x20: {  	[sflag:s8] =	ssyncset.s32 @!p0 $0xFFFFF086;
	s6 =	sadd.s32 @!p0 s3, s7;
	s7 =	simm.s32 @!p0 $0x108  }
0x21: {  	s3 =	sadd.s32 s3, s9;
	s6 =	sadd.s32 @!p0 $0x88, s6;
	s7 =	simm.s32 @p2 $0x1082  }
0x22: {  	[simem:s7], [sflag:s8] =	dma.local @!p0 [hbm:s6], $0xF7A  }
0x23: {  	s9 =	sor.u32 $0xD0000000, s2;
	s6 =	simm.s32 $0x108;
	_ =	swait.ge @!p0 [sflag:s8], $0x0  }
0x24: {  	s3 =	sadd.s32 $0x88, s3;
	s6 =	simm.s32 @!p1 $0x1082;
	[sflag:s4] =	ssyncset.s32 $0xFFFFF086  }
0x25: {  	[simem:s6], [sflag:s4] =	dma.local [hbm:s3], $0xF7A  }
0x26: {  	[smem:$0x3F91] =	sst s1;
	(tag) =	ssettag s2;
	_ =	strace s9  }
0x27: {  	s1 =	sld [smem:$0x3FA1]  }
0x28: {  	s2 =	sld [smem:$0x3FA2]  }
0x29: {  	s4 =	sld [smem:$0x3FA4]  }
0x2a: {  	p0 =	seq.s32 s5, $0x0;
	s5 =	sld [smem:$0x3FA5]  }
0x2b: {  	s6 =	sld [smem:$0x3FA6]  }
0x2c: {  	s7 =	sld [smem:$0x3FA7]  }
0x2d: {  	s3 =	simm.s32 $0x108;
	s8 =	sld [smem:$0x3FA8]  }
0x2e: {  	s3 =	simm.s32 @!p0 $0x1082;
	s9 =	sld [smem:$0x3FA9]  }
0x2f: {  	lr =	sadd.s32 s0, s3;
	s0 =	sld [smem:$0x3FA0]  }
0x30: {  	s3 =	sld [smem:$0x3FA3]  }
0x31: {  	[smem:$0x3FAC] =	sst s10  }
0x32: {  	s10 =	sld [smem:$0x3FAA];
	_ =	sdelay $0x3  }
0x33: {  	p0 =	seq.s32 s10, $0x1;
	s10 =	sld [smem:$0x3FAC];
	_ =	sdelay $0x3  }
0x34: {  	[smem:$0x3FAC] =	sst s10  }
0x35: {  	s10 =	sld [smem:$0x3FAB];
	_ =	sdelay $0x3  }
0x36: {  	p1 =	seq.s32 s10, $0x1;
	s10 =	sld [smem:$0x3FAC];
	_ =	sdelay $0x3  }
0x37: {  	[smem:$0x3FAC] =	sst s10  }
0x38: {  	s10 =	sld [smem:$0x3FAD]  }
0x39: {  	_ = 	snop;
	(pc) =	sbr.ind lr, $3  }
0x3a: {  	_ = 	snop  }
0x3b: {  	_ = 	snop  }
0x3c: {  	p2 =	seq.s32 s10, $0x1;
	s10 =	sld [smem:$0x3FAC]  }
0x3d: {  	_ =	shalt  }
0x3e: {  	_ =	shalt  }
0x3f: {  	_ =	shalt  }
0x40: {  	_ =	shalt  }
0x41: {  	_ =	shalt  }
0x42: {  	_ =	shalt  }
0x43: {  	_ =	shalt  }
0x44: {  	_ =	shalt  }
0x45: {  	_ =	shalt  }
0x46: {  	_ =	shalt  }
0x47: {  	_ =	shalt  }
0x48: {  	_ =	shalt  }
0x49: {  	_ =	shalt  }
0x4a: {  	_ =	shalt  }
0x4b: {  	_ =	shalt  }
0x4c: {  	_ =	shalt  }
0x4d: {  	_ =	shalt  }
0x4e: {  	_ =	shalt  }
0x4f: {  	_ =	shalt  }
0x50: {  	_ =	shalt  }
0x51: {  	_ =	shalt  }
0x52: {  	_ =	shalt  }
0x53: {  	_ =	shalt  }
0x54: {  	_ =	shalt  }
0x55: {  	_ =	shalt  }
0x56: {  	_ =	shalt  }
0x57: {  	_ =	shalt  }
0x58: {  	_ =	shalt  }
0x59: {  	_ =	shalt  }
0x5a: {  	_ =	shalt  }
0x5b: {  	_ =	shalt  }
0x5c: {  	_ =	shalt  }
0x5d: {  	_ =	shalt  }
0x5e: {  	_ =	shalt  }
0x5f: {  	_ =	shalt  }
0x60: {  	_ =	shalt  }
0x61: {  	_ =	shalt  }
0x62: {  	_ =	shalt  }
0x63: {  	_ =	shalt  }
0x64: {  	_ =	shalt  }
0x65: {  	_ =	shalt  }
0x66: {  	_ =	shalt  }
0x67: {  	_ =	shalt  }
0x68: {  	_ =	shalt  }
0x69: {  	_ =	shalt  }
0x6a: {  	_ =	shalt  }
0x6b: {  	_ =	shalt  }
0x6c: {  	_ =	shalt  }
0x6d: {  	_ =	shalt  }
0x6e: {  	_ =	shalt  }
0x6f: {  	_ =	shalt  }
0x70: {  	_ =	shalt  }
0x71: {  	_ =	shalt  }
0x72: {  	_ =	shalt  }
0x73: {  	_ =	shalt  }
0x74: {  	_ =	shalt  }
0x75: {  	_ =	shalt  }
0x76: {  	_ =	shalt  }
0x77: {  	_ =	shalt  }
0x78: {  	_ =	shalt  }
0x79: {  	_ =	shalt  }
0x7a: {  	_ =	shalt  }
0x7b: {  	_ =	shalt  }
0x7c: {  	_ =	shalt  }
0x7d: {  	_ =	shalt  }
0x7e: {  	_ =	shalt  }
0x7f: {  	_ =	shalt  }
0x80: {  	_ =	shalt  }
0x81: {  	_ =	shalt  }
0x82: {  	_ =	shalt  }
0x83: {  	_ =	shalt  }
0x84: {  	_ =	shalt  }
0x85: {  	_ =	shalt  }
0x86: {  	_ =	shalt  }
0x87: {  	_ =	shalt  }
.Lfunc_end0:
.L_simem_size_0:
called_computation.3_lowered:
.L_overlay_start_0:
0x88: {  	s2 =	sld [smem:$0x3FD9]  }
0x89: {  	s3 =	sld [smem:$0x3FFE];
	_ =	sdelay $0x1  }
0x8a: {  	s1 =	srdreg.scid  }
0x8b: {  	s0 =	sand.u32 $0x1, s1  }
0x8c: {  	s16 =	sshll.u32 s0, $0xA;
	s2 =	sadd.s32 s3, s2  }
0x8d: {  	s2 =	sadd.s32 s2, s16  }
0x8e: {  	[smem:$0x3FB8] =	sst s2  }
0x8f: {  	_ = 	snop  }
0x90: {  	(tm) =	ssettm $0x1  }
0x91: {  	s17 =	sld [smem:$0x3FFB];
	_ =	sdelay $0x3  }
0x92: {  	_ =	strace s17  }
0x93: {  	s2 =	sld [smem:$0x3FFC];
	_ =	sdelay $0x3  }
0x94: {  	_ =	strace s2  }
0x95: {  	s2 =	sld [smem:$0x3FFD];
	_ =	sdelay $0x3  }
0x96: {  	_ =	strace s2  }
0x97: {  	_ =	strace $0x8FFFFFFF  }
0x98: {  	s18 =	sld [smem:$0x3FDB];
	_ =	sdelay $0x1  }
0x99: {  	s19 =	simm.s32 $_scs_section_size  }
0x9a: {  	s4 =	simm.s32 $_size__tile_overlayer_lowered;
	s5 =	simm.s32 $_tile_overlayer_lowered  }
0x9b: {  	s22 =	simm.s32 $0x1BFF;
	s21 =	sshll.u32 s5, $0x1;
	s2 =	sadd.s32 s19, s18  }
0x9c: {  	s6 =	simm.s32 $0x0;
	s20 =	sshll.u32 s4, $0x1;
	s4 =	sadd.s32 s21, s2  }
0x9d: {  	[timem:s6], [sflag:s22] =	dma.local [hbm:s4], s20  }
0x9e: {  	_ =	swait.ge [sflag:s22], s20  }
0x9f: {  	s3 =	ssub.s32 $0x0, s20;
	[sflag:s22] =	ssyncset.done $0x0  }
0xa0: {  	[sflag:s22] =	ssyncadd.s32 s3;
	_ =	sdelay $0x1  }
0xa1: {  	s23 =	simm.s32 $0x1B8B  }
0xa2: {  	_ =	swait.ge [sflag:s23], $0x1  }
0xa3: {  	[sflag:s23] =	ssyncset.done $0x0  }
0xa4: {  	s25 =	simm.s32 $0x1B8E;
	s24 =	sld [smem:$0x3FFE];
	[sflag:s23] =	ssyncadd.s32 $0xFFFFFFFF  }
0xa5: {  	s26 =	simm.s32 $execute0_lowered;
	[smem:$0x3FD2] =	sst s25  }
0xa6: {  	s4 =	sshll.u32 s26, $0x1;
	_ =	strace $0x8000004F;
	[dreg:$0x1] =	wrdreg $0xFFFFFFFF  }
0xa7: {  	s28 =	simm.s32 $_size_execute0_lowered;
	s2 =	sadd.s32 s2, s4;
	[dreg:$0x0] =	wrdreg $0x0  }
0xa8: {  	s4 =	sshll.u32 s28, $0x1;
	[dreg:$0x2] =	wrdreg s2  }
0xa9: {  	[dreg:$0x3] =	wrdreg s4  }
0xaa: {  	[dreg:$0x4] =	wrdreg $0xC0  }
0xab: {  	_ =	task [dreg:s6], $0x5FFFF  }
0xac: {  	[dreg:$0x1] =	wrdreg $0xFFFFFFFF  }
0xad: {  	[dreg:$0x0] =	wrdreg $0x60  }
0xae: {  	[dreg:$0x2] =	wrdreg s24  }
0xaf: {  	[dreg:$0x3] =	wrdreg $0x9  }
0xb0: {  	_ =	task.clear_ibuf [dreg:s6], $0x4FFFF;
	_ =	strace $0x9000004F  }
0xb1: {  	s29 =	simm.s32 $0x9;
	_ =	strace $0x80000051  }
0xb2: {  	_ =	swait.ge [sflag:s29], $0x1  }
0xb3: {  	[sflag:s29] =	ssyncadd.s32 $0xFFFFFFFF  }
0xb4: {  	_ =	strace $0x90000051  }
0xb5: {  	_ =	sfence  }
0xb6: {  	s30 =	sld [smem:$0x0];
	_ =	sdelay $0x2  }
0xb7: {  	s31 =	sshll.u32 s1, $0xD;
	s1 =	sshrl.u32 s1, $0x2  }
0xb8: {  	s3 =	sand.u32 $0x4000, s31;
	s1 =	sadd.s32 s1, s30  }
0xb9: {  	s0 =	sor.u32 s3, s0;
	s1 =	sshll.u32 s1, $0x11  }
0xba: {  	s0 =	sor.u32 s1, s0  }
0xbb: {  	s0 =	sadd.s32 $0x8F2B, s0  }
0xbc: {  	[sflag:s0] =	ssyncadd.remote.s32 $0x1  }
0xbd: {  	_ =	sfence.sel $0xFFFF  }
0xbe: {  	[dreg:$0x0] =	wrdreg $0xFFFFFFFF;
	(pc) =	sbr.abs _section_cstart, $3  }
0xbf: {  	[dreg:$0x1] =	wrdreg $0xFFFFFFFF  }
0xc0: {  	_ =	task.clear_ibuf [dreg:s6], $0x2FFFF;
	_ =	strace $0x9FFFFFFF  }
0xc1: {  	(tm) =	ssettm $0x7FFFFFFF  }
tec
execute0_lowered:
.L_overlay_start_1:
0x0: {  	(tag) =	ssettag $0x1  }
0x1: {  	s5 =	rddreg [dreg:$0x0]  }
0x2: {  	s0 =	rddreg [dreg:$0x1];
	s2 =	simm.s32 $0x0  }
0x3: {  	s3 =	srdreg.scid;
	s1 =	stileid.u32;
	s10 =	simm.s32 $0x400  }
0x4: {  	s11 =	simm.s32 $0x80;
	s12 =	simm.s32 $0x1800;
	s13 =	simm.s32 $0x100  }
0x5: {  	s14 =	simm.s32 $0x2C00;
	s15 =	simm.s32 $0x180;
	s16 =	simm.s32 $0x4000  }
0x6: {  	s17 =	simm.s32 $0x1;
	s18 =	simm.s32 $0x2;
	s19 =	simm.s32 $0x200  }
0x7: {  	s20 =	simm.s32 $0x280;
	s21 =	simm.s32 $0x300;
	s22 =	simm.s32 $0x380  }
0x8: {  	s23 =	simm.s32 $0x0;
	[smem:$0x7FF] =	sst s2;
	s4 =	sand.u32 $0x1, s3  }
0x9: {  	s6 =	smul.u32 $0x6, s1;
	s30 =	sshll.u32 s1, $0x1;
	s3 =	sadd.s32 $0x1A00, s5  }
0xa: {  	p0 =	seq.s32 s4, $0x0;
	s7 =	sor.u32 $0x60, s30;
	s4 =	ssub.s32 $0x2, s4  }
0xb: {  	_ =	strace $0x80000050;
	s7 =	smov.u32 @p0 s6;
	s8 =	sshrl.u32 s4, $0x1  }
0xc: {  	s6 =	sshll.u32 s7, $0x7;
	s7 =	smul.u32 $0x1400, s7;
	s31 =	ssub.s32 s4, s8  }
0xd: {  	s4 =	simm.s32 $0x7800;
	s8 =	simm.s32 $0x3;
	s9 =	sadd.s32 s6, s5  }
0xe: {  	s4 =	simm.s32 @!p0 $0x2800;
	s7 =	sadd.s32 s7, s5;
	s5 =	smax.u32 s31, $0x1  }
0xf: {  	s6 =	sadd.s32 $0xA5600, s7;
	s7 =	sadd.s32 $0xA1600, s9;
	s9 =	simm.s32 $0x28  }
.LBB2_1:
0x10: {  	[tilespmem:s2], [sflag:$0x3] =	stream.linear.gather [hbm4b:s7+s2], $0x400, $0x38;
	[tilespmem:$0x5400] =	vst v63  }
0x11: {  	_ =	swait.ge [sflag:s8], $0x400  }
0x12: {  	[sflag:s8] =	ssyncset.done $0x0  }
0x13: {  	[sflag:s8] =	ssyncadd.s32 $0xFFFFFC00  }
0x14: {  	[tilespmem:s10], [sflag:$0x1] =	stream.indirect.gather [hbm4b:s3+s9], $0x80, s2, s9, $0xb8;
	[tilespmem:$0x5400] =	vst v63  }
0x15: {  	_ = 	snop  }
0x16: {  	[tilespmem:s12], [sflag:$0x1] =	stream.indirect.gather [hbm4b:s3+s9], $0x80, s11, s9, $0xb8;
	[tilespmem:$0x5400] =	vst v63  }
0x17: {  	_ = 	snop  }
0x18: {  	[tilespmem:s14], [sflag:$0x1] =	stream.indirect.gather [hbm4b:s3+s9], $0x80, s13, s9, $0xb8;
	[tilespmem:$0x5400] =	vst v63  }
0x19: {  	_ = 	snop  }
0x1a: {  	[tilespmem:s16], [sflag:$0x1] =	stream.indirect.gather [hbm4b:s3+s9], $0x80, s15, s9, $0xb8;
	[tilespmem:$0x5400] =	vst v63  }
0x1b: {  	_ =	swait.ge [sflag:s17], $0x1400  }
0x1c: {  	[sflag:s17] =	ssyncset.done $0x0  }
0x1d: {  	s24 =	sadd.s32 $0x0, s6;
	[sflag:s17] =	ssyncadd.s32 $0xFFFFEC00  }
0x1e: {  	[hbm4b:s24+s2] =	stream.linear.scatter [tilespmem:s10], [sflag:$0x2], $0x1400, $0x38;
	[tilespmem:$0x5400] =	vst v63  }
0x1f: {  	_ =	swait.ge [sflag:s17], $0x1400  }
0x20: {  	[sflag:s17] =	ssyncset.done $0x0  }
0x21: {  	s25 =	sadd.s32 $0x280, s24;
	[sflag:s17] =	ssyncadd.s32 $0xFFFFEC00  }
0x22: {  	[hbm4b:s25+s2] =	stream.linear.scatter [tilespmem:s12], [sflag:$0x2], $0x1400, $0x38;
	[tilespmem:$0x5400] =	vst v63  }
0x23: {  	_ =	swait.ge [sflag:s17], $0x1400  }
0x24: {  	[sflag:s17] =	ssyncset.done $0x0  }
0x25: {  	s26 =	sadd.s32 $0x500, s24;
	[sflag:s17] =	ssyncadd.s32 $0xFFFFEC00  }
0x26: {  	[hbm4b:s26+s2] =	stream.linear.scatter [tilespmem:s14], [sflag:$0x2], $0x1400, $0x38;
	[tilespmem:$0x5400] =	vst v63  }
0x27: {  	_ =	swait.ge [sflag:s17], $0x1400  }
0x28: {  	[sflag:s17] =	ssyncset.done $0x0  }
0x29: {  	s28 =	sadd.s32 $0x780, s24;
	[sflag:s17] =	ssyncadd.s32 $0xFFFFEC00  }
0x2a: {  	[hbm4b:s28+s2] =	stream.linear.scatter [tilespmem:s16], [sflag:$0x2], $0x1400, $0x38;
	[tilespmem:$0x5400] =	vst v63  }
0x2b: {  	_ =	swait.ge [sflag:s18], $0x1400  }
0x2c: {  	[sflag:s18] =	ssyncset.done $0x0  }
0x2d: {  	[sflag:s18] =	ssyncadd.s32 $0xFFFFEC00  }
0x2e: {  	[tilespmem:s10], [sflag:$0x1] =	stream.indirect.gather [hbm4b:s3+s9], $0x80, s19, s9, $0xb8;
	[tilespmem:$0x5400] =	vst v63  }
0x2f: {  	_ =	swait.ge [sflag:s18], $0x1400  }
0x30: {  	[sflag:s18] =	ssyncset.done $0x0  }
0x31: {  	[sflag:s18] =	ssyncadd.s32 $0xFFFFEC00  }
0x32: {  	[tilespmem:s12], [sflag:$0x1] =	stream.indirect.gather [hbm4b:s3+s9], $0x80, s20, s9, $0xb8;
	[tilespmem:$0x5400] =	vst v63  }
0x33: {  	_ =	swait.ge [sflag:s18], $0x1400  }
0x34: {  	[sflag:s18] =	ssyncset.done $0x0  }
0x35: {  	[sflag:s18] =	ssyncadd.s32 $0xFFFFEC00  }
0x36: {  	[tilespmem:s14], [sflag:$0x1] =	stream.indirect.gather [hbm4b:s3+s9], $0x80, s21, s9, $0xb8;
	[tilespmem:$0x5400] =	vst v63  }
0x37: {  	_ =	swait.ge [sflag:s18], $0x1400  }
0x38: {  	[sflag:s18] =	ssyncset.done $0x0  }
0x39: {  	[sflag:s18] =	ssyncadd.s32 $0xFFFFEC00  }
0x3a: {  	[tilespmem:s16], [sflag:$0x1] =	stream.indirect.gather [hbm4b:s3+s9], $0x80, s22, s9, $0xb8;
	[tilespmem:$0x5400] =	vst v63  }
0x3b: {  	_ =	swait.ge [sflag:s17], $0x1400  }
0x3c: {  	[sflag:s17] =	ssyncset.done $0x0  }
0x3d: {  	s29 =	sadd.s32 $0xA00, s24;
	[sflag:s17] =	ssyncadd.s32 $0xFFFFEC00  }
0x3e: {  	[hbm4b:s29+s2] =	stream.linear.scatter [tilespmem:s10], [sflag:$0x2], $0x1400, $0x38;
	[tilespmem:$0x5400] =	vst v63  }
0x3f: {  	_ =	swait.ge [sflag:s17], $0x1400  }
0x40: {  	[sflag:s17] =	ssyncset.done $0x0  }
0x41: {  	s30 =	sadd.s32 $0xC80, s24;
	[sflag:s17] =	ssyncadd.s32 $0xFFFFEC00  }
0x42: {  	[hbm4b:s30+s2] =	stream.linear.scatter [tilespmem:s12], [sflag:$0x2], $0x1400, $0x38;
	[tilespmem:$0x5400] =	vst v63  }
0x43: {  	_ =	swait.ge [sflag:s17], $0x1400  }
0x44: {  	[sflag:s17] =	ssyncset.done $0x0  }
0x45: {  	s31 =	sadd.s32 $0xF00, s24;
	[sflag:s17] =	ssyncadd.s32 $0xFFFFEC00  }
0x46: {  	[hbm4b:s31+s2] =	stream.linear.scatter [tilespmem:s14], [sflag:$0x2], $0x1400, $0x38;
	[tilespmem:$0x5400] =	vst v63  }
0x47: {  	_ =	swait.ge [sflag:s17], $0x1400  }
0x48: {  	[sflag:s17] =	ssyncset.done $0x0  }
0x49: {  	s24 =	sadd.s32 $0x1180, s24;
	[sflag:s17] =	ssyncadd.s32 $0xFFFFEC00  }
0x4a: {  	[hbm4b:s24+s2] =	stream.linear.scatter [tilespmem:s16], [sflag:$0x2], $0x1400, $0x38;
	[tilespmem:$0x5400] =	vst v63  }
0x4b: {  	_ =	swait.ge [sflag:s18], $0x1400  }
0x4c: {  	[sflag:s18] =	ssyncset.done $0x0  }
0x4d: {  	[sflag:s18] =	ssyncadd.s32 $0xFFFFEC00  }
0x4e: {  	_ =	swait.ge [sflag:s18], $0x1400  }
0x4f: {  	[sflag:s18] =	ssyncset.done $0x0  }
0x50: {  	p0 =	sne.s32 s4, $0x1400;
	[sflag:s18] =	ssyncadd.s32 $0xFFFFEC00  }
.Ltmp0:
0x51: {  	_ =	swait.ge [sflag:s18], $0x1400;
	(pc) =	sbr.rel @!p0 .LBB2_3-.Ltmp0, $4  }
0x52: {  	[sflag:s18] =	ssyncset.done $0x0  }
0x53: {  	[sflag:s18] =	ssyncadd.s32 $0xFFFFEC00  }
0x54: {  	_ =	swait.ge [sflag:s18], $0x1400  }
0x55: {  	s25 =	smov.u32 s7;
	s24 =	simm.s32 $0x1400;
	[sflag:s18] =	ssyncset.done $0x0  }
.LBB2_2:
0x56: {  	[sflag:s18] =	ssyncadd.s32 $0xFFFFEC00  }
0x57: {  	s25 =	sadd.s32 $0x80, s25;
	s26 =	smov.u32 s24;
	s24 =	sadd.s32 $0x1400, s24  }
0x58: {  	[tilespmem:s2], [sflag:$0x3] =	stream.linear.gather [hbm4b:s25+s2], $0x400, $0x38;
	[tilespmem:$0x5400] =	vst v63  }
0x59: {  	p0 =	sne.s32 s4, s24;
	_ =	swait.ge [sflag:s8], $0x400  }
0x5a: {  	[sflag:s8] =	ssyncset.done $0x0  }
0x5b: {  	[sflag:s8] =	ssyncadd.s32 $0xFFFFFC00  }
0x5c: {  	[tilespmem:s10], [sflag:$0x1] =	stream.indirect.gather [hbm4b:s3+s9], $0x80, s2, s9, $0xb8;
	[tilespmem:$0x5400] =	vst v63  }
0x5d: {  	_ = 	snop  }
0x5e: {  	[tilespmem:s12], [sflag:$0x1] =	stream.indirect.gather [hbm4b:s3+s9], $0x80, s11, s9, $0xb8;
	[tilespmem:$0x5400] =	vst v63  }
0x5f: {  	_ = 	snop  }
0x60: {  	[tilespmem:s14], [sflag:$0x1] =	stream.indirect.gather [hbm4b:s3+s9], $0x80, s13, s9, $0xb8;
	[tilespmem:$0x5400] =	vst v63  }
0x61: {  	_ = 	snop  }
0x62: {  	[tilespmem:s16], [sflag:$0x1] =	stream.indirect.gather [hbm4b:s3+s9], $0x80, s15, s9, $0xb8;
	[tilespmem:$0x5400] =	vst v63  }
0x63: {  	_ =	swait.ge [sflag:s17], $0x1400  }
0x64: {  	[sflag:s17] =	ssyncset.done $0x0  }
0x65: {  	s26 =	sadd.s32 s26, s6;
	[sflag:s17] =	ssyncadd.s32 $0xFFFFEC00  }
0x66: {  	[hbm4b:s26+s2] =	stream.linear.scatter [tilespmem:s10], [sflag:$0x2], $0x1400, $0x38;
	[tilespmem:$0x5400] =	vst v63  }
0x67: {  	_ =	swait.ge [sflag:s17], $0x1400  }
0x68: {  	[sflag:s17] =	ssyncset.done $0x0  }
0x69: {  	s28 =	sadd.s32 $0x280, s26;
	[sflag:s17] =	ssyncadd.s32 $0xFFFFEC00  }
0x6a: {  	[hbm4b:s28+s2] =	stream.linear.scatter [tilespmem:s12], [sflag:$0x2], $0x1400, $0x38;
	[tilespmem:$0x5400] =	vst v63  }
0x6b: {  	_ =	swait.ge [sflag:s17], $0x1400  }
0x6c: {  	[sflag:s17] =	ssyncset.done $0x0  }
0x6d: {  	s28 =	sadd.s32 $0x500, s26;
	[sflag:s17] =	ssyncadd.s32 $0xFFFFEC00  }
0x6e: {  	[hbm4b:s28+s2] =	stream.linear.scatter [tilespmem:s14], [sflag:$0x2], $0x1400, $0x38;
	[tilespmem:$0x5400] =	vst v63  }
0x6f: {  	_ =	swait.ge [sflag:s17], $0x1400  }
0x70: {  	[sflag:s17] =	ssyncset.done $0x0  }
0x71: {  	s28 =	sadd.s32 $0x780, s26;
	[sflag:s17] =	ssyncadd.s32 $0xFFFFEC00  }
0x72: {  	[hbm4b:s28+s2] =	stream.linear.scatter [tilespmem:s16], [sflag:$0x2], $0x1400, $0x38;
	[tilespmem:$0x5400] =	vst v63  }
0x73: {  	_ =	swait.ge [sflag:s18], $0x1400  }
0x74: {  	[sflag:s18] =	ssyncset.done $0x0  }
0x75: {  	[sflag:s18] =	ssyncadd.s32 $0xFFFFEC00  }
0x76: {  	[tilespmem:s10], [sflag:$0x1] =	stream.indirect.gather [hbm4b:s3+s9], $0x80, s19, s9, $0xb8;
	[tilespmem:$0x5400] =	vst v63  }
0x77: {  	_ =	swait.ge [sflag:s18], $0x1400  }
0x78: {  	[sflag:s18] =	ssyncset.done $0x0  }
0x79: {  	[sflag:s18] =	ssyncadd.s32 $0xFFFFEC00  }
0x7a: {  	[tilespmem:s12], [sflag:$0x1] =	stream.indirect.gather [hbm4b:s3+s9], $0x80, s20, s9, $0xb8;
	[tilespmem:$0x5400] =	vst v63  }
0x7b: {  	_ =	swait.ge [sflag:s18], $0x1400  }
0x7c: {  	[sflag:s18] =	ssyncset.done $0x0  }
0x7d: {  	[sflag:s18] =	ssyncadd.s32 $0xFFFFEC00  }
0x7e: {  	[tilespmem:s14], [sflag:$0x1] =	stream.indirect.gather [hbm4b:s3+s9], $0x80, s21, s9, $0xb8;
	[tilespmem:$0x5400] =	vst v63  }
0x7f: {  	_ =	swait.ge [sflag:s18], $0x1400  }
0x80: {  	[sflag:s18] =	ssyncset.done $0x0  }
0x81: {  	[sflag:s18] =	ssyncadd.s32 $0xFFFFEC00  }
0x82: {  	[tilespmem:s16], [sflag:$0x1] =	stream.indirect.gather [hbm4b:s3+s9], $0x80, s22, s9, $0xb8;
	[tilespmem:$0x5400] =	vst v63  }
0x83: {  	_ =	swait.ge [sflag:s17], $0x1400  }
0x84: {  	[sflag:s17] =	ssyncset.done $0x0  }
0x85: {  	s28 =	sadd.s32 $0xA00, s26;
	[sflag:s17] =	ssyncadd.s32 $0xFFFFEC00  }
0x86: {  	[hbm4b:s28+s2] =	stream.linear.scatter [tilespmem:s10], [sflag:$0x2], $0x1400, $0x38;
	[tilespmem:$0x5400] =	vst v63  }
0x87: {  	_ =	swait.ge [sflag:s17], $0x1400  }
0x88: {  	[sflag:s17] =	ssyncset.done $0x0  }
0x89: {  	s28 =	sadd.s32 $0xC80, s26;
	[sflag:s17] =	ssyncadd.s32 $0xFFFFEC00  }
0x8a: {  	[hbm4b:s28+s2] =	stream.linear.scatter [tilespmem:s12], [sflag:$0x2], $0x1400, $0x38;
	[tilespmem:$0x5400] =	vst v63  }
0x8b: {  	_ =	swait.ge [sflag:s17], $0x1400  }
0x8c: {  	[sflag:s17] =	ssyncset.done $0x0  }
0x8d: {  	s28 =	sadd.s32 $0xF00, s26;
	[sflag:s17] =	ssyncadd.s32 $0xFFFFEC00  }
0x8e: {  	[hbm4b:s28+s2] =	stream.linear.scatter [tilespmem:s14], [sflag:$0x2], $0x1400, $0x38;
	[tilespmem:$0x5400] =	vst v63  }
0x8f: {  	_ =	swait.ge [sflag:s17], $0x1400  }
0x90: {  	[sflag:s17] =	ssyncset.done $0x0  }
0x91: {  	s26 =	sadd.s32 $0x1180, s26;
	[sflag:s17] =	ssyncadd.s32 $0xFFFFEC00  }
0x92: {  	[hbm4b:s26+s2] =	stream.linear.scatter [tilespmem:s16], [sflag:$0x2], $0x1400, $0x38;
	[tilespmem:$0x5400] =	vst v63  }
0x93: {  	_ =	swait.ge [sflag:s18], $0x1400  }
0x94: {  	[sflag:s18] =	ssyncset.done $0x0  }
0x95: {  	[sflag:s18] =	ssyncadd.s32 $0xFFFFEC00  }
0x96: {  	_ =	swait.ge [sflag:s18], $0x1400  }
0x97: {  	[sflag:s18] =	ssyncset.done $0x0  }
0x98: {  	[sflag:s18] =	ssyncadd.s32 $0xFFFFEC00  }
.Ltmp1:
0x99: {  	_ =	swait.ge [sflag:s18], $0x1400;
	(pc) =	sbr.rel @p0 .LBB2_2-.Ltmp1, $4  }
0x9a: {  	[sflag:s18] =	ssyncset.done $0x0  }
0x9b: {  	[sflag:s18] =	ssyncadd.s32 $0xFFFFEC00  }
0x9c: {  	_ =	swait.ge [sflag:s18], $0x1400  }
0x9d: {  	[sflag:s18] =	ssyncset.done $0x0  }
.LBB2_3:
0x9e: {  	s23 =	sadd.s32 $0x1, s23  }
0x9f: {  	p0 =	sne.s32 s23, s5  }
.Ltmp2:
0xa0: {  	_ = 	snop;
	(pc) =	sbr.rel @p0 .LBB2_1-.Ltmp2, $2  }
0xa1: {  	_ =	sdelay $0x2  }
0xa2: {  	[sflag:s18] =	ssyncadd.s32 $0xFFFFEC00  }
0xa3: {  	_ =	sfence.sel $0x180000  }
0xa4: {  	[bflag:$0x0] =	sbarrier.arrive $0xFFFF  }
0xa5: {  	p0 =	sne.s32 s1, $0x0;
	_ =	strace $0x90000050  }
0xa6: {  	s0 =	sadd.s32 @!p0 $0x100000, s0;
	[bflag:$0x2] =	sbarrier.arrive $0xFFFF  }
0xa7: {  	[sflag:s0] =	ssyncadd.tile.s32 @!p0 $0x1;
	_ =	shalt  }
.Lfunc_end2:
_tile_overlayer_lowered:
.L_overlay_start_2:
0xa8: {  	(tag) =	ssettag $0x2  }
0xa9: {  	s0 =	rddreg [dreg:$0x0];
	s2 =	stileid.u32  }
0xaa: {  	s1 =	rddreg [dreg:$0x1];
	p0 =	sne.s32 s2, $0x0  }
0xab: {  	s3 =	rddreg [dreg:$0x2];
	[bflag:$0x3] =	sbarrier.arrive $0xFFFF;
	s2 =	simm.s32 @!p0 $0x1C03  }
0xac: {  	[timem:s3], [sflag:s2] =	dma.local @!p0 [hbm:s0], s1  }
0xad: {  	s0 =	simm.s32 @!p0 $0x3  }
0xae: {  	_ =	swait.ge @!p0 [sflag:s0], s1  }
0xaf: {  	s1 =	ssub.s32 @!p0 $0x0, s1;
	[sflag:s0] =	ssyncset.done @!p0 $0x0  }
0xb0: {  	[sflag:s0] =	ssyncadd.s32 @!p0 s1  }
0xb1: {  	[bflag:$0x3] =	sbarrier.arrive $0xFFFF  }
0xb2: {  	_ =	shalt  }

// kernel: seg_sum.11.cloned.1.call-start
scs
__scs_entry_jumppad:
0x0: {  	(pc) =	sbr.rel $0x88, $3  }
0x1: {  	(tag) =	ssettag $0x0;
	lr =	simm.s32 $0x1  }
0x2: {  	[smem:$0x3F91] =	sst lr;
	_ =	strace $0xD0000000  }
0x3: {  	_ = 	snop  }
0x4: {  	_ = 	snop  }
0x5: {  	_ = 	snop  }
0x6: {  	_ = 	snop  }
0x7: {  	_ = 	snop  }
__scs_overlays_trampoline_lowered:
0x8: {  	[smem:$0x3FA0] =	sst s0  }
0x9: {  	[smem:$0x3FA1] =	sst s1  }
0xa: {  	[smem:$0x3FA2] =	sst s2  }
0xb: {  	[smem:$0x3FA3] =	sst s3  }
0xc: {  	[smem:$0x3FA4] =	sst s4  }
0xd: {  	[smem:$0x3FA5] =	sst s5  }
0xe: {  	[smem:$0x3FA6] =	sst s6  }
0xf: {  	[smem:$0x3FA7] =	sst s7  }
0x10: {  	[smem:$0x3FA8] =	sst s8  }
0x11: {  	[smem:$0x3FA9] =	sst s9;
	s0 =	simm.s32 @!p0 $0x0  }
0x12: {  	s1 =	sld [smem:$0x3F8F];
	s0 =	simm.s32 @p0 $0x1  }
0x13: {  	[smem:$0x3FAA] =	sst s0;
	s0 =	simm.s32 @!p1 $0x0  }
0x14: {  	s2 =	sld [smem:$0x3F8E];
	s0 =	simm.s32 @p1 $0x1  }
0x15: {  	[smem:$0x3FAB] =	sst s0;
	s0 =	simm.s32 @!p2 $0x0  }
0x16: {  	s3 =	sld [smem:$0x3FDB];
	s0 =	simm.s32 @p2 $0x1  }
0x17: {  	s4 =	simm.s32 $0x1BF5;
	[smem:$0x3FAD] =	sst s0  }
0x18: {  	s0 =	sld [smem:$0x3F90];
	_ =	swait.ge [sflag:s4], $0x0  }
0x19: {  	s7 =	sld [smem:$0x3F91]  }
0x1a: {  	s8 =	sadd.s32 $0xFFFFE003, lr  }
0x1b: {  	s9 =	sadd.s32 $0xFFFFFEF7, lr;
	s5 =	simm.s32 $0xFFFFFFFF;
	p2 =	slt.u32 s8, $0xFFFFF086  }
0x1c: {  	p1 =	slt.u32 s9, $0xF7A;
	s5 =	simm.s32 @!p2 $0x0  }
0x1d: {  	s5 =	simm.s32 @p1 $0x1;
	p0 =	seq.s32 s7, s2  }
0x1e: {  	s7 =	smul.u32 @!p0 $0xF7A, s2;
	p2 =	seq.s32 @!p0 s5, $0x0  }
0x1f: {  	s9 =	smul.u32 $0xF7A, s1;
	s8 =	simm.s32 @!p0 $0x1BF5;
	p2 =	por !p2, p0  }
0x20: {  	[sflag:s8] =	ssyncset.s32 @!p0 $0xFFFFF086;
	s6 =	sadd.s32 @!p0 s3, s7;
	s7 =	simm.s32 @!p0 $0x108  }
0x21: {  	s3 =	sadd.s32 s3, s9;
	s6 =	sadd.s32 @!p0 $0x88, s6;
	s7 =	simm.s32 @p2 $0x1082  }
0x22: {  	[simem:s7], [sflag:s8] =	dma.local @!p0 [hbm:s6], $0xF7A  }
0x23: {  	s9 =	sor.u32 $0xD0000000, s2;
	s6 =	simm.s32 $0x108;
	_ =	swait.ge @!p0 [sflag:s8], $0x0  }
0x24: {  	s3 =	sadd.s32 $0x88, s3;
	s6 =	simm.s32 @!p1 $0x1082;
	[sflag:s4] =	ssyncset.s32 $0xFFFFF086  }
0x25: {  	[simem:s6], [sflag:s4] =	dma.local [hbm:s3], $0xF7A  }
0x26: {  	[smem:$0x3F91] =	sst s1;
	(tag) =	ssettag s2;
	_ =	strace s9  }
0x27: {  	s1 =	sld [smem:$0x3FA1]  }
0x28: {  	s2 =	sld [smem:$0x3FA2]  }
0x29: {  	s4 =	sld [smem:$0x3FA4]  }
0x2a: {  	p0 =	seq.s32 s5, $0x0;
	s5 =	sld [smem:$0x3FA5]  }
0x2b: {  	s6 =	sld [smem:$0x3FA6]  }
0x2c: {  	s7 =	sld [smem:$0x3FA7]  }
0x2d: {  	s3 =	simm.s32 $0x108;
	s8 =	sld [smem:$0x3FA8]  }
0x2e: {  	s3 =	simm.s32 @!p0 $0x1082;
	s9 =	sld [smem:$0x3FA9]  }
0x2f: {  	lr =	sadd.s32 s0, s3;
	s0 =	sld [smem:$0x3FA0]  }
0x30: {  	s3 =	sld [smem:$0x3FA3]  }
0x31: {  	[smem:$0x3FAC] =	sst s10  }
0x32: {  	s10 =	sld [smem:$0x3FAA];
	_ =	sdelay $0x3  }
0x33: {  	p0 =	seq.s32 s10, $0x1;
	s10 =	sld [smem:$0x3FAC];
	_ =	sdelay $0x3  }
0x34: {  	[smem:$0x3FAC] =	sst s10  }
0x35: {  	s10 =	sld [smem:$0x3FAB];
	_ =	sdelay $0x3  }
0x36: {  	p1 =	seq.s32 s10, $0x1;
	s10 =	sld [smem:$0x3FAC];
	_ =	sdelay $0x3  }
0x37: {  	[smem:$0x3FAC] =	sst s10  }
0x38: {  	s10 =	sld [smem:$0x3FAD]  }
0x39: {  	_ = 	snop;
	(pc) =	sbr.ind lr, $3  }
0x3a: {  	_ = 	snop  }
0x3b: {  	_ = 	snop  }
0x3c: {  	p2 =	seq.s32 s10, $0x1;
	s10 =	sld [smem:$0x3FAC]  }
0x3d: {  	_ =	shalt  }
0x3e: {  	_ =	shalt  }
0x3f: {  	_ =	shalt  }
0x40: {  	_ =	shalt  }
0x41: {  	_ =	shalt  }
0x42: {  	_ =	shalt  }
0x43: {  	_ =	shalt  }
0x44: {  	_ =	shalt  }
0x45: {  	_ =	shalt  }
0x46: {  	_ =	shalt  }
0x47: {  	_ =	shalt  }
0x48: {  	_ =	shalt  }
0x49: {  	_ =	shalt  }
0x4a: {  	_ =	shalt  }
0x4b: {  	_ =	shalt  }
0x4c: {  	_ =	shalt  }
0x4d: {  	_ =	shalt  }
0x4e: {  	_ =	shalt  }
0x4f: {  	_ =	shalt  }
0x50: {  	_ =	shalt  }
0x51: {  	_ =	shalt  }
0x52: {  	_ =	shalt  }
0x53: {  	_ =	shalt  }
0x54: {  	_ =	shalt  }
0x55: {  	_ =	shalt  }
0x56: {  	_ =	shalt  }
0x57: {  	_ =	shalt  }
0x58: {  	_ =	shalt  }
0x59: {  	_ =	shalt  }
0x5a: {  	_ =	shalt  }
0x5b: {  	_ =	shalt  }
0x5c: {  	_ =	shalt  }
0x5d: {  	_ =	shalt  }
0x5e: {  	_ =	shalt  }
0x5f: {  	_ =	shalt  }
0x60: {  	_ =	shalt  }
0x61: {  	_ =	shalt  }
0x62: {  	_ =	shalt  }
0x63: {  	_ =	shalt  }
0x64: {  	_ =	shalt  }
0x65: {  	_ =	shalt  }
0x66: {  	_ =	shalt  }
0x67: {  	_ =	shalt  }
0x68: {  	_ =	shalt  }
0x69: {  	_ =	shalt  }
0x6a: {  	_ =	shalt  }
0x6b: {  	_ =	shalt  }
0x6c: {  	_ =	shalt  }
0x6d: {  	_ =	shalt  }
0x6e: {  	_ =	shalt  }
0x6f: {  	_ =	shalt  }
0x70: {  	_ =	shalt  }
0x71: {  	_ =	shalt  }
0x72: {  	_ =	shalt  }
0x73: {  	_ =	shalt  }
0x74: {  	_ =	shalt  }
0x75: {  	_ =	shalt  }
0x76: {  	_ =	shalt  }
0x77: {  	_ =	shalt  }
0x78: {  	_ =	shalt  }
0x79: {  	_ =	shalt  }
0x7a: {  	_ =	shalt  }
0x7b: {  	_ =	shalt  }
0x7c: {  	_ =	shalt  }
0x7d: {  	_ =	shalt  }
0x7e: {  	_ =	shalt  }
0x7f: {  	_ =	shalt  }
0x80: {  	_ =	shalt  }
0x81: {  	_ =	shalt  }
0x82: {  	_ =	shalt  }
0x83: {  	_ =	shalt  }
0x84: {  	_ =	shalt  }
0x85: {  	_ =	shalt  }
0x86: {  	_ =	shalt  }
0x87: {  	_ =	shalt  }
.Lfunc_end0:
.L_simem_size_0:
called_computation.2_lowered:
.L_overlay_start_0:
0x88: {  	s2 =	sld [smem:$0x3FD9]  }
0x89: {  	s3 =	sld [smem:$0x3FFE];
	_ =	sdelay $0x1  }
0x8a: {  	s1 =	srdreg.scid  }
0x8b: {  	s0 =	sand.u32 $0x1, s1  }
0x8c: {  	s16 =	sshll.u32 s0, $0xA;
	s2 =	sadd.s32 s3, s2  }
0x8d: {  	s2 =	sadd.s32 s2, s16  }
0x8e: {  	[smem:$0x3FB8] =	sst s2  }
0x8f: {  	_ = 	snop  }
0x90: {  	(tm) =	ssettm $0x1  }
0x91: {  	s17 =	sld [smem:$0x3FFB];
	_ =	sdelay $0x3  }
0x92: {  	_ =	strace s17  }
0x93: {  	s2 =	sld [smem:$0x3FFC];
	_ =	sdelay $0x3  }
0x94: {  	_ =	strace s2  }
0x95: {  	s2 =	sld [smem:$0x3FFD];
	_ =	sdelay $0x3  }
0x96: {  	_ =	strace s2  }
0x97: {  	_ =	strace $0x8FFFFFFF  }
0x98: {  	s18 =	sld [smem:$0x3FDB];
	_ =	sdelay $0x1  }
0x99: {  	s19 =	simm.s32 $_scs_section_size  }
0x9a: {  	s4 =	simm.s32 $_size__tile_overlayer_lowered;
	s5 =	simm.s32 $_tile_overlayer_lowered  }
0x9b: {  	s22 =	simm.s32 $0x1BFF;
	s21 =	sshll.u32 s5, $0x1;
	s2 =	sadd.s32 s19, s18  }
0x9c: {  	s6 =	simm.s32 $0x0;
	s20 =	sshll.u32 s4, $0x1;
	s4 =	sadd.s32 s21, s2  }
0x9d: {  	[timem:s6], [sflag:s22] =	dma.local [hbm:s4], s20  }
0x9e: {  	_ =	swait.ge [sflag:s22], s20  }
0x9f: {  	s3 =	ssub.s32 $0x0, s20;
	[sflag:s22] =	ssyncset.done $0x0  }
0xa0: {  	[sflag:s22] =	ssyncadd.s32 s3;
	_ =	sdelay $0x1  }
0xa1: {  	s23 =	simm.s32 $0x1B8B  }
0xa2: {  	_ =	swait.ge [sflag:s23], $0x1  }
0xa3: {  	[sflag:s23] =	ssyncset.done $0x0  }
0xa4: {  	s25 =	simm.s32 $0x1B8E;
	s24 =	sld [smem:$0x3FFE];
	[sflag:s23] =	ssyncadd.s32 $0xFFFFFFFF  }
0xa5: {  	s26 =	simm.s32 $execute0_lowered;
	[smem:$0x3FD2] =	sst s25  }
0xa6: {  	s4 =	sshll.u32 s26, $0x1;
	_ =	strace $0x8000004C;
	[dreg:$0x1] =	wrdreg $0xFFFFFFFF  }
0xa7: {  	s28 =	simm.s32 $_size_execute0_lowered;
	s2 =	sadd.s32 s2, s4;
	[dreg:$0x0] =	wrdreg $0x0  }
0xa8: {  	s4 =	sshll.u32 s28, $0x1;
	[dreg:$0x2] =	wrdreg s2  }
0xa9: {  	[dreg:$0x3] =	wrdreg s4  }
0xaa: {  	[dreg:$0x4] =	wrdreg $0xC0  }
0xab: {  	_ =	task [dreg:s6], $0x5FFFF  }
0xac: {  	[dreg:$0x1] =	wrdreg $0xFFFFFFFF  }
0xad: {  	[dreg:$0x0] =	wrdreg $0x60  }
0xae: {  	[dreg:$0x2] =	wrdreg s24  }
0xaf: {  	[dreg:$0x3] =	wrdreg $0x90000  }
0xb0: {  	[dreg:$0x4] =	wrdreg $0x9  }
0xb1: {  	_ =	task.clear_ibuf [dreg:s6], $0x5FFFF;
	_ =	strace $0x9000004C  }
0xb2: {  	s29 =	simm.s32 $0x9;
	_ =	strace $0x8000004E  }
0xb3: {  	_ =	swait.ge [sflag:s29], $0x1  }
0xb4: {  	[sflag:s29] =	ssyncadd.s32 $0xFFFFFFFF  }
0xb5: {  	_ =	strace $0x9000004E  }
0xb6: {  	_ =	sfence  }
0xb7: {  	s30 =	sld [smem:$0x0];
	_ =	sdelay $0x2  }
0xb8: {  	s31 =	sshll.u32 s1, $0xD;
	s1 =	sshrl.u32 s1, $0x2  }
0xb9: {  	s3 =	sand.u32 $0x4000, s31;
	s1 =	sadd.s32 s1, s30  }
0xba: {  	s0 =	sor.u32 s3, s0;
	s1 =	sshll.u32 s1, $0x11  }
0xbb: {  	s0 =	sor.u32 s1, s0  }
0xbc: {  	s0 =	sadd.s32 $0x8F2B, s0  }
0xbd: {  	[sflag:s0] =	ssyncadd.remote.s32 $0x1  }
0xbe: {  	_ =	sfence.sel $0xFFFF  }
0xbf: {  	[dreg:$0x0] =	wrdreg $0xFFFFFFFF;
	(pc) =	sbr.abs _section_cstart, $3  }
0xc0: {  	[dreg:$0x1] =	wrdreg $0xFFFFFFFF  }
0xc1: {  	_ =	task.clear_ibuf [dreg:s6], $0x2FFFF;
	_ =	strace $0x9FFFFFFF  }
0xc2: {  	(tm) =	ssettm $0x7FFFFFFF  }
0xc3: {  	_ =	shalt  }
tec
execute0_lowered:
.L_overlay_start_1:
0x0: {  	(tag) =	ssettag $0x1  }
0x1: {  	s0 =	rddreg [dreg:$0x0]  }
0x2: {  	s2 =	rddreg [dreg:$0x1]  }
0x3: {  	s3 =	simm.s32 $0x0;
	s1 =	srdreg.scid;
	s12 =	stileid.u32  }
0x4: {  	s14 =	simm.s32 $0x3;
	s15 =	simm.s32 $0x800;
	s16 =	simm.s32 $0x40  }
0x5: {  	s17 =	simm.s32 $0x1000;
	s30 =	simm.s32 $0x2;
	s13 =	simm.s32 $0x500  }
0x6: {  	s18 =	simm.s32 $0xD80;
	s28 =	simm.s32 $0x780;
	s29 =	simm.s32 $0xE00  }
0x7: {  	s31 =	simm.s32 $0xE80;
	s1 =	sand.u32 $0x1, s1;
	s4 =	smul.u32 $0x130, s12  }
0x8: {  	s5 =	sshll.u32 s12, $0x4;
	[smem:$0x7FF] =	sst s3;
	s6 =	smul.u32 $0x2780, s12  }
0x9: {  	s7 =	sadd.s32 $0x29A00, s0;
	s19 =	smul.u32 $0x4F000, s12;
	s21 =	sshll.u32 s12, $0x6  }
0xa: {  	p1 =	seq.s32 s12, $0xF;
	s12 =	simm.s32 $0xC00;
	p0 =	seq.s32 s1, $0x0  }
0xb: {  	s5 =	sor.u32 $0x1300, s5;
	_ =	strace $0x8000004D;
	s9 =	smul.u32 $0x27100, s1  }
0xc: {  	[dreg:$0x3] =	wrdreg s7;
	s8 =	ssub.s32 $0x2, s1;
	s11 =	smul.u32 $0x138800, s1  }
0xd: {  	s5 =	smov.u32 @p0 s4;
	s4 =	sadd.s32 $0x2C200, s0;
	s10 =	sshrl.u32 s8, $0x1  }
0xe: {  	s7 =	sshrl.u32 s19, $0x2;
	p0 =	sne.s32 s1, $0x0;
	s19 =	simm.s32 $0x3000  }
0xf: {  	s1 =	simm.s32 $0xF80;
	s5 =	sshll.u32 s5, $0x4;
	s8 =	ssub.s32 s8, s10  }
0x10: {  	s20 =	sadd.s32 s7, s2;
	s7 =	sor.u32 $0x1C03, s21;
	s6 =	sadd.s32 s6, s9  }
0x11: {  	s22 =	sshrl.u32 s11, $0x3;
	s21 =	simm.s32 $0x5000;
	s11 =	simm.s32 $0x580  }
0x12: {  	s5 =	sadd.s32 s5, s0;
	s0 =	sadd.s32 $0x53400, s0;
	s9 =	smov.u32 s7  }
0x13: {  	s23 =	smax.u32 s8, $0x1;
	[dreg:$0x4] =	wrdreg s20;
	s26 =	sshrl.u32 s20, $0x3  }
0x14: {  	s8 =	simm.s32 $0x480;
	s7 =	simm.s32 $0xD00;
	[dreg:$0x8] =	wrdreg s23  }
0x15: {  	s20 =	simm.s32 $0x600;
	s6 =	sadd.s32 s0, s6;
	[dreg:$0xb] =	wrdreg s26  }
0x16: {  	s0 =	sadd.s32 s0, s22;
	s24 =	sadd.s32 $0x1A00, s5;
	[dreg:$0x5] =	wrdreg s9  }
0x17: {  	s25 =	sadd.s32 $0x15A00, s5;
	s23 =	simm.s32 $0x7000;
	[dreg:$0x6] =	wrdreg s6  }
0x18: {  	s22 =	simm.s32 $0x680;
	s26 =	simm.s32 $0x700;
	[dreg:$0x9] =	wrdreg s24  }
0x19: {  	s6 =	sadd.s32 $0x128400, s2;
	s0 =	sadd.s32 $0x25080, s0;
	[dreg:$0xa] =	wrdreg s25  }
0x1a: {  	s24 =	simm.s32 $0x1;
	[dreg:$0x7] =	wrdreg s0;
	s0 =	sshrl.u32 @p1 s6, $0x3  }
0x1b: {  	s25 =	simm.s32 $0xC80;
	[dreg:$0xc] =	wrdreg s0;
	s0 =	simm.s32 $0x0  }
.LBB2_1:
0x1c: {  	[dreg:$0xd] =	wrdreg s0  }
0x1d: {  	s6 =	rddreg [dreg:$0x3]  }
0x1e: {  	s10 =	rddreg [dreg:$0xb]  }
0x1f: {  	[spmem:s10], [sflag:s9] =	dma.local [hbm:s6], $0x2780  }
0x20: {  	_ =	swait.ge [sflag:s14], $0x2780  }
0x21: {  	[sflag:s14] =	ssyncset.done $0x0  }
0x22: {  	[sflag:s14] =	ssyncadd.s32 $0xFFFFD880  }
0x23: {  	[bflag:$0x0] =	sbarrier.arrive $0xFFFF  }
0x24: {  	s6 =	rddreg [dreg:$0xa]  }
0x25: {  	s0 =	simm.s32 $0xF00;
	s10 =	simm.s32 $0x0;
	s9 =	rddreg [dreg:$0x9]  }
.LBB2_2:
0x26: {  	[tilespmem:s3], [sflag:$0x3] =	stream.linear.gather [hbm4b:s6+s3], $0x800, $0x38;
	[tilespmem:$0x1CC00] =	vst v63  }
0x27: {  	_ =	swait.ge [sflag:s14], $0x800  }
0x28: {  	[sflag:s14] =	ssyncset.done $0x0  }
0x29: {  	[sflag:s14] =	ssyncadd.s32 $0xFFFFF800  }
0x2a: {  	[tilespmem:s15], [sflag:$0x3] =	stream.linear.gather [hbm4b:s9+s3], $0x800, $0x38;
	[tilespmem:$0x1CC00] =	vst v63  }
0x2b: {  	_ =	swait.ge [sflag:s14], $0x800  }
0x2c: {  	[sflag:s14] =	ssyncset.done $0x0  }
0x2d: {  	[sflag:s14] =	ssyncadd.s32 $0xFFFFF800  }
0x2e: {  	[tilespmem:s17], [sflag:$0x1] =	stream.indirect.gather [hbm4b:s4+s16], $0x80, s3, s16, $0xb8;
	[tilespmem:$0x1CC00] =	vst v63  }
0x2f: {  	s5 =	simm.s32 $0x80  }
0x30: {  	[tilespmem:s19], [sflag:$0x1] =	stream.indirect.gather [hbm4b:s4+s16], $0x80, s5, s16, $0xb8;
	[tilespmem:$0x1CC00] =	vst v63  }
0x31: {  	s5 =	simm.s32 $0x100  }
0x32: {  	[tilespmem:s21], [sflag:$0x1] =	stream.indirect.gather [hbm4b:s4+s16], $0x80, s5, s16, $0xb8;
	[tilespmem:$0x1CC00] =	vst v63  }
0x33: {  	s5 =	simm.s32 $0x180  }
0x34: {  	[tilespmem:s23], [sflag:$0x1] =	stream.indirect.gather [hbm4b:s4+s16], $0x80, s5, s16, $0xb8;
	[tilespmem:$0x1CC00] =	vst v63  }
0x35: {  	_ =	swait.ge [sflag:s24], $0x2000  }
0x36: {  	[sflag:s24] =	ssyncset.done $0x0  }
0x37: {  	[sflag:s24] =	ssyncadd.s32 $0xFFFFE000  }
0x38: {  	[spmem:s2] =	stream.indirect.scatter.add.f32 [tilespmem:s17], [sflag:$0x2], $0x80, s15, s16, $0xb8;
	[tilespmem:$0x1CC00] =	vst v63  }
0x39: {  	_ =	swait.ge [sflag:s24], $0x2000  }
0x3a: {  	[sflag:s24] =	ssyncset.done $0x0  }
0x3b: {  	s5 =	simm.s32 $0x880;
	[sflag:s24] =	ssyncadd.s32 $0xFFFFE000  }
0x3c: {  	[spmem:s2] =	stream.indirect.scatter.add.f32 [tilespmem:s19], [sflag:$0x2], $0x80, s5, s16, $0xb8;
	[tilespmem:$0x1CC00] =	vst v63  }
0x3d: {  	_ =	swait.ge [sflag:s24], $0x2000  }
0x3e: {  	[sflag:s24] =	ssyncset.done $0x0  }
0x3f: {  	s5 =	simm.s32 $0x900;
	[sflag:s24] =	ssyncadd.s32 $0xFFFFE000  }
0x40: {  	[spmem:s2] =	stream.indirect.scatter.add.f32 [tilespmem:s21], [sflag:$0x2], $0x80, s5, s16, $0xb8;
	[tilespmem:$0x1CC00] =	vst v63  }
0x41: {  	_ =	swait.ge [sflag:s24], $0x2000  }
0x42: {  	[sflag:s24] =	ssyncset.done $0x0  }
0x43: {  	s5 =	simm.s32 $0x980;
	[sflag:s24] =	ssyncadd.s32 $0xFFFFE000  }
0x44: {  	[spmem:s2] =	stream.indirect.scatter.add.f32 [tilespmem:s23], [sflag:$0x2], $0x80, s5, s16, $0xb8;
	[tilespmem:$0x1CC00] =	vst v63  }
0x45: {  	_ =	swait.ge [sflag:s30], $0x2000  }
0x46: {  	[sflag:s30] =	ssyncset.done $0x0  }
0x47: {  	s5 =	simm.s32 $0x200;
	[sflag:s30] =	ssyncadd.s32 $0xFFFFE000  }
0x48: {  	[tilespmem:s17], [sflag:$0x1] =	stream.indirect.gather [hbm4b:s4+s16], $0x80, s5, s16, $0xb8;
	[tilespmem:$0x1CC00] =	vst v63  }
0x49: {  	_ =	swait.ge [sflag:s30], $0x2000  }
0x4a: {  	[sflag:s30] =	ssyncset.done $0x0  }
0x4b: {  	s5 =	simm.s32 $0x280;
	[sflag:s30] =	ssyncadd.s32 $0xFFFFE000  }
0x4c: {  	[tilespmem:s19], [sflag:$0x1] =	stream.indirect.gather [hbm4b:s4+s16], $0x80, s5, s16, $0xb8;
	[tilespmem:$0x1CC00] =	vst v63  }
0x4d: {  	_ =	swait.ge [sflag:s30], $0x2000  }
0x4e: {  	[sflag:s30] =	ssyncset.done $0x0  }
0x4f: {  	s5 =	simm.s32 $0x300;
	[sflag:s30] =	ssyncadd.s32 $0xFFFFE000  }
0x50: {  	[tilespmem:s21], [sflag:$0x1] =	stream.indirect.gather [hbm4b:s4+s16], $0x80, s5, s16, $0xb8;
	[tilespmem:$0x1CC00] =	vst v63  }
0x51: {  	_ =	swait.ge [sflag:s30], $0x2000  }
0x52: {  	[sflag:s30] =	ssyncset.done $0x0  }
0x53: {  	s5 =	simm.s32 $0x380;
	[sflag:s30] =	ssyncadd.s32 $0xFFFFE000  }
0x54: {  	[tilespmem:s23], [sflag:$0x1] =	stream.indirect.gather [hbm4b:s4+s16], $0x80, s5, s16, $0xb8;
	[tilespmem:$0x1CC00] =	vst v63  }
0x55: {  	_ =	swait.ge [sflag:s24], $0x2000  }
0x56: {  	[sflag:s24] =	ssyncset.done $0x0  }
0x57: {  	s5 =	simm.s32 $0xA00;
	[sflag:s24] =	ssyncadd.s32 $0xFFFFE000  }
0x58: {  	[spmem:s2] =	stream.indirect.scatter.add.f32 [tilespmem:s17], [sflag:$0x2], $0x80, s5, s16, $0xb8;
	[tilespmem:$0x1CC00] =	vst v63  }
0x59: {  	_ =	swait.ge [sflag:s24], $0x2000  }
0x5a: {  	[sflag:s24] =	ssyncset.done $0x0  }
0x5b: {  	s5 =	simm.s32 $0xA80;
	[sflag:s24] =	ssyncadd.s32 $0xFFFFE000  }
0x5c: {  	[spmem:s2] =	stream.indirect.scatter.add.f32 [tilespmem:s19], [sflag:$0x2], $0x80, s5, s16, $0xb8;
	[tilespmem:$0x1CC00] =	vst v63  }
0x5d: {  	_ =	swait.ge [sflag:s24], $0x2000  }
0x5e: {  	[sflag:s24] =	ssyncset.done $0x0  }
0x5f: {  	s5 =	simm.s32 $0xB00;
	[sflag:s24] =	ssyncadd.s32 $0xFFFFE000  }
0x60: {  	[spmem:s2] =	stream.indirect.scatter.add.f32 [tilespmem:s21], [sflag:$0x2], $0x80, s5, s16, $0xb8;
	[tilespmem:$0x1CC00] =	vst v63  }
0x61: {  	_ =	swait.ge [sflag:s24], $0x2000  }
0x62: {  	[sflag:s24] =	ssyncset.done $0x0  }
0x63: {  	s5 =	simm.s32 $0xB80;
	[sflag:s24] =	ssyncadd.s32 $0xFFFFE000  }
0x64: {  	[spmem:s2] =	stream.indirect.scatter.add.f32 [tilespmem:s23], [sflag:$0x2], $0x80, s5, s16, $0xb8;
	[tilespmem:$0x1CC00] =	vst v63  }
0x65: {  	_ =	swait.ge [sflag:s30], $0x2000  }
0x66: {  	[sflag:s30] =	ssyncset.done $0x0  }
0x67: {  	s5 =	simm.s32 $0x400;
	[sflag:s30] =	ssyncadd.s32 $0xFFFFE000  }
0x68: {  	[tilespmem:s17], [sflag:$0x1] =	stream.indirect.gather [hbm4b:s4+s16], $0x80, s5, s16, $0xb8;
	[tilespmem:$0x1CC00] =	vst v63  }
0x69: {  	_ =	swait.ge [sflag:s30], $0x2000  }
0x6a: {  	[sflag:s30] =	ssyncset.done $0x0  }
0x6b: {  	[sflag:s30] =	ssyncadd.s32 $0xFFFFE000  }
0x6c: {  	[tilespmem:s19], [sflag:$0x1] =	stream.indirect.gather [hbm4b:s4+s16], $0x80, s8, s16, $0xb8;
	[tilespmem:$0x1CC00] =	vst v63  }
0x6d: {  	_ =	swait.ge [sflag:s30], $0x2000  }
0x6e: {  	[sflag:s30] =	ssyncset.done $0x0  }
0x6f: {  	[sflag:s30] =	ssyncadd.s32 $0xFFFFE000  }
0x70: {  	[tilespmem:s21], [sflag:$0x1] =	stream.indirect.gather [hbm4b:s4+s16], $0x80, s13, s16, $0xb8;
	[tilespmem:$0x1CC00] =	vst v63  }
0x71: {  	_ =	swait.ge [sflag:s30], $0x2000  }
0x72: {  	[sflag:s30] =	ssyncset.done $0x0  }
0x73: {  	[sflag:s30] =	ssyncadd.s32 $0xFFFFE000  }
0x74: {  	[tilespmem:s23], [sflag:$0x1] =	stream.indirect.gather [hbm4b:s4+s16], $0x80, s11, s16, $0xb8;
	[tilespmem:$0x1CC00] =	vst v63  }
0x75: {  	_ =	swait.ge [sflag:s24], $0x2000  }
0x76: {  	[sflag:s24] =	ssyncset.done $0x0  }
0x77: {  	[sflag:s24] =	ssyncadd.s32 $0xFFFFE000  }
0x78: {  	[spmem:s2] =	stream.indirect.scatter.add.f32 [tilespmem:s17], [sflag:$0x2], $0x80, s12, s16, $0xb8;
	[tilespmem:$0x1CC00] =	vst v63  }
0x79: {  	_ =	swait.ge [sflag:s24], $0x2000  }
0x7a: {  	[sflag:s24] =	ssyncset.done $0x0  }
0x7b: {  	[sflag:s24] =	ssyncadd.s32 $0xFFFFE000  }
0x7c: {  	[spmem:s2] =	stream.indirect.scatter.add.f32 [tilespmem:s19], [sflag:$0x2], $0x80, s25, s16, $0xb8;
	[tilespmem:$0x1CC00] =	vst v63  }
0x7d: {  	_ =	swait.ge [sflag:s24], $0x2000  }
0x7e: {  	[sflag:s24] =	ssyncset.done $0x0  }
0x7f: {  	[sflag:s24] =	ssyncadd.s32 $0xFFFFE000  }
0x80: {  	[spmem:s2] =	stream.indirect.scatter.add.f32 [tilespmem:s21], [sflag:$0x2], $0x80, s7, s16, $0xb8;
	[tilespmem:$0x1CC00] =	vst v63  }
0x81: {  	_ =	swait.ge [sflag:s24], $0x2000  }
0x82: {  	[sflag:s24] =	ssyncset.done $0x0  }
0x83: {  	[sflag:s24] =	ssyncadd.s32 $0xFFFFE000  }
0x84: {  	[spmem:s2] =	stream.indirect.scatter.add.f32 [tilespmem:s23], [sflag:$0x2], $0x80, s18, s16, $0xb8;
	[tilespmem:$0x1CC00] =	vst v63  }
0x85: {  	_ =	swait.ge [sflag:s30], $0x2000  }
0x86: {  	[sflag:s30] =	ssyncset.done $0x0  }
0x87: {  	[sflag:s30] =	ssyncadd.s32 $0xFFFFE000  }
0x88: {  	[tilespmem:s17], [sflag:$0x1] =	stream.indirect.gather [hbm4b:s4+s16], $0x80, s20, s16, $0xb8;
	[tilespmem:$0x1CC00] =	vst v63  }
0x89: {  	_ =	swait.ge [sflag:s30], $0x2000  }
0x8a: {  	[sflag:s30] =	ssyncset.done $0x0  }
0x8b: {  	[sflag:s30] =	ssyncadd.s32 $0xFFFFE000  }
0x8c: {  	[tilespmem:s19], [sflag:$0x1] =	stream.indirect.gather [hbm4b:s4+s16], $0x80, s22, s16, $0xb8;
	[tilespmem:$0x1CC00] =	vst v63  }
0x8d: {  	_ =	swait.ge [sflag:s30], $0x2000  }
0x8e: {  	[sflag:s30] =	ssyncset.done $0x0  }
0x8f: {  	[sflag:s30] =	ssyncadd.s32 $0xFFFFE000  }
0x90: {  	[tilespmem:s21], [sflag:$0x1] =	stream.indirect.gather [hbm4b:s4+s16], $0x80, s26, s16, $0xb8;
	[tilespmem:$0x1CC00] =	vst v63  }
0x91: {  	_ =	swait.ge [sflag:s30], $0x2000  }
0x92: {  	[sflag:s30] =	ssyncset.done $0x0  }
0x93: {  	[sflag:s30] =	ssyncadd.s32 $0xFFFFE000  }
0x94: {  	[tilespmem:s23], [sflag:$0x1] =	stream.indirect.gather [hbm4b:s4+s16], $0x80, s28, s16, $0xb8;
	[tilespmem:$0x1CC00] =	vst v63  }
0x95: {  	_ =	swait.ge [sflag:s24], $0x2000  }
0x96: {  	[sflag:s24] =	ssyncset.done $0x0  }
0x97: {  	[sflag:s24] =	ssyncadd.s32 $0xFFFFE000  }
0x98: {  	[spmem:s2] =	stream.indirect.scatter.add.f32 [tilespmem:s17], [sflag:$0x2], $0x80, s29, s16, $0xb8;
	[tilespmem:$0x1CC00] =	vst v63  }
0x99: {  	_ =	swait.ge [sflag:s24], $0x2000  }
0x9a: {  	[sflag:s24] =	ssyncset.done $0x0  }
0x9b: {  	[sflag:s24] =	ssyncadd.s32 $0xFFFFE000  }
0x9c: {  	[spmem:s2] =	stream.indirect.scatter.add.f32 [tilespmem:s19], [sflag:$0x2], $0x80, s31, s16, $0xb8;
	[tilespmem:$0x1CC00] =	vst v63  }
0x9d: {  	_ =	swait.ge [sflag:s24], $0x2000  }
0x9e: {  	[sflag:s24] =	ssyncset.done $0x0  }
0x9f: {  	[sflag:s24] =	ssyncadd.s32 $0xFFFFE000  }
0xa0: {  	[spmem:s2] =	stream.indirect.scatter.add.f32 [tilespmem:s21], [sflag:$0x2], $0x80, s0, s16, $0xb8;
	[tilespmem:$0x1CC00] =	vst v63  }
0xa1: {  	_ =	swait.ge [sflag:s24], $0x2000  }
0xa2: {  	[sflag:s24] =	ssyncset.done $0x0  }
0xa3: {  	[sflag:s24] =	ssyncadd.s32 $0xFFFFE000  }
0xa4: {  	[spmem:s2] =	stream.indirect.scatter.add.f32 [tilespmem:s23], [sflag:$0x2], $0x80, s1, s16, $0xb8;
	[tilespmem:$0x1CC00] =	vst v63  }
0xa5: {  	_ =	swait.ge [sflag:s30], $0x2000  }
0xa6: {  	[sflag:s30] =	ssyncset.done $0x0  }
0xa7: {  	[sflag:s30] =	ssyncadd.s32 $0xFFFFE000  }
0xa8: {  	_ =	swait.ge [sflag:s30], $0x2000  }
0xa9: {  	[sflag:s30] =	ssyncset.done $0x0  }
0xaa: {  	p2 =	slt.u32 @!p0 s10, $0x12;
	[sflag:s30] =	ssyncadd.s32 $0xFFFFE000  }
0xab: {  	p2 =	por p0, !p2;
	_ =	swait.ge [sflag:s30], $0x2000  }
.Ltmp0:
0xac: {  	[sflag:s30] =	ssyncset.done $0x0;
	(pc) =	sbr.rel @!p2 .LBB2_2-.Ltmp0, $4  }
0xad: {  	[sflag:s30] =	ssyncadd.s32 $0xFFFFE000  }
0xae: {  	_ =	swait.ge [sflag:s30], $0x2000  }
0xaf: {  	s10 =	sadd.s32 $0x1, s10;
	[sflag:s30] =	ssyncset.done $0x0  }
0xb0: {  	s6 =	sadd.s32 $0x100, s6;
	s9 =	sadd.s32 $0x100, s9;
	[sflag:s30] =	ssyncadd.s32 $0xFFFFE000  }
0xb1: {  	[bflag:$0x0] =	sbarrier.arrive $0xFFFF  }
0xb2: {  	s9 =	rddreg [dreg:$0x5]  }
0xb3: {  	s6 =	rddreg [dreg:$0x7]  }
0xb4: {  	s10 =	rddreg [dreg:$0xc]  }
0xb5: {  	[hbm:s6], [sflag:s9] =	dma.local @p1 [spmem:s10], $0x2080  }
0xb6: {  	s6 =	simm.s32 @p1 $0x3  }
0xb7: {  	_ =	swait.ge @p1 [sflag:s6], $0x2080  }
0xb8: {  	[sflag:s6] =	ssyncset.done @p1 $0x0  }
0xb9: {  	[sflag:s6] =	ssyncadd.s32 @p1 $0xFFFFDF80;
	s6 =	rddreg [dreg:$0x4]  }
0xba: {  	s10 =	rddreg [dreg:$0x6];
	s6 =	sshrl.u32 @!p1 s6, $0x3  }
0xbb: {  	[hbm:s10], [sflag:s9] =	dma.local @!p1 [spmem:s6], $0x2780  }
0xbc: {  	s6 =	simm.s32 @!p1 $0x3  }
0xbd: {  	_ =	swait.ge @!p1 [sflag:s6], $0x2780  }
0xbe: {  	s0 =	rddreg [dreg:$0xd]  }
0xbf: {  	s5 =	rddreg [dreg:$0x8];
	s0 =	sadd.s32 $0x1, s0  }
0xc0: {  	p2 =	sne.s32 s0, s5  }
.Ltmp1:
0xc1: {  	_ = 	snop;
	(pc) =	sbr.rel @p2 .LBB2_1-.Ltmp1, $3  }
0xc2: {  	_ =	sdelay $0x1  }
0xc3: {  	[sflag:s6] =	ssyncset.done @!p1 $0x0  }
0xc4: {  	[sflag:s6] =	ssyncadd.s32 @!p1 $0xFFFFD880  }
0xc5: {  	_ =	sfence.sel $0x180000  }
0xc6: {  	[bflag:$0x0] =	sbarrier.arrive $0xFFFF  }
0xc7: {  	_ =	strace $0x9000004D  }
0xc8: {  	s0 =	stileid.u32;
	[bflag:$0x2] =	sbarrier.arrive $0xFFFF  }
0xc9: {  	p0 =	sne.s32 s0, $0x0;
	s0 =	rddreg [dreg:$0x2]  }
0xca: {  	s0 =	sadd.s32 @!p0 $0x100000, s0  }
0xcb: {  	[sflag:s0] =	ssyncadd.tile.s32 @!p0 $0x1;
	_ =	shalt  }
.Lfunc_end2:
_tile_overlayer_lowered:
.L_overlay_start_2:
0xcc: {  	(tag) =	ssettag $0x2  }
0xcd: {  	s0 =	rddreg [dreg:$0x0];
	s2 =	stileid.u32  }
0xce: {  	s1 =	rddreg [dreg:$0x1];
	p0 =	sne.s32 s2, $0x0  }
0xcf: {  	s3 =	rddreg [dreg:$0x2];
	[bflag:$0x3] =	sbarrier.arrive $0xFFFF;
	s2 =	simm.s32 @!p0 $0x1C03  }
0xd0: {  	[timem:s3], [sflag:s2] =	dma.local @!p0 [hbm:s0], s1  }
0xd1: {  	s0 =	simm.s32 @!p0 $0x3  }
0xd2: {  	_ =	swait.ge @!p0 [sflag:s0], s1  }
0xd3: {  	s1 =	ssub.s32 @!p0 $0x0, s1;
	[sflag:s0] =	ssyncset.done @!p0 $0x0  }
0xd4: {  	[sflag:s0] =	ssyncadd.s32 @!p0 s1  }
0xd5: {  	[bflag:$0x3] =	sbarrier.arrive $0xFFFF  }
0xd6: {  	_ =	shalt  }

// kernel: seg_sum.5.cloned.1.call-start
scs
__scs_entry_jumppad:
0x0: {  	(pc) =	sbr.rel $0x88, $3  }
0x1: {  	(tag) =	ssettag $0x0;
	lr =	simm.s32 $0x1  }
0x2: {  	[smem:$0x3F91] =	sst lr;
	_ =	strace $0xD0000000  }
0x3: {  	_ = 	snop  }
0x4: {  	_ = 	snop  }
0x5: {  	_ = 	snop  }
0x6: {  	_ = 	snop  }
0x7: {  	_ = 	snop  }
__scs_overlays_trampoline_lowered:
0x8: {  	[smem:$0x3FA0] =	sst s0  }
0x9: {  	[smem:$0x3FA1] =	sst s1  }
0xa: {  	[smem:$0x3FA2] =	sst s2  }
0xb: {  	[smem:$0x3FA3] =	sst s3  }
0xc: {  	[smem:$0x3FA4] =	sst s4  }
0xd: {  	[smem:$0x3FA5] =	sst s5  }
0xe: {  	[smem:$0x3FA6] =	sst s6  }
0xf: {  	[smem:$0x3FA7] =	sst s7  }
0x10: {  	[smem:$0x3FA8] =	sst s8  }
0x11: {  	[smem:$0x3FA9] =	sst s9;
	s0 =	simm.s32 @!p0 $0x0  }
0x12: {  	s1 =	sld [smem:$0x3F8F];
	s0 =	simm.s32 @p0 $0x1  }
0x13: {  	[smem:$0x3FAA] =	sst s0;
	s0 =	simm.s32 @!p1 $0x0  }
0x14: {  	s2 =	sld [smem:$0x3F8E];
	s0 =	simm.s32 @p1 $0x1  }
0x15: {  	[smem:$0x3FAB] =	sst s0;
	s0 =	simm.s32 @!p2 $0x0  }
0x16: {  	s3 =	sld [smem:$0x3FDB];
	s0 =	simm.s32 @p2 $0x1  }
0x17: {  	s4 =	simm.s32 $0x1BF5;
	[smem:$0x3FAD] =	sst s0  }
0x18: {  	s0 =	sld [smem:$0x3F90];
	_ =	swait.ge [sflag:s4], $0x0  }
0x19: {  	s7 =	sld [smem:$0x3F91]  }
0x1a: {  	s8 =	sadd.s32 $0xFFFFE003, lr  }
0x1b: {  	s9 =	sadd.s32 $0xFFFFFEF7, lr;
	s5 =	simm.s32 $0xFFFFFFFF;
	p2 =	slt.u32 s8, $0xFFFFF086  }
0x1c: {  	p1 =	slt.u32 s9, $0xF7A;
	s5 =	simm.s32 @!p2 $0x0  }
0x1d: {  	s5 =	simm.s32 @p1 $0x1;
	p0 =	seq.s32 s7, s2  }
0x1e: {  	s7 =	smul.u32 @!p0 $0xF7A, s2;
	p2 =	seq.s32 @!p0 s5, $0x0  }
0x1f: {  	s9 =	smul.u32 $0xF7A, s1;
	s8 =	simm.s32 @!p0 $0x1BF5;
	p2 =	por !p2, p0  }
0x20: {  	[sflag:s8] =	ssyncset.s32 @!p0 $0xFFFFF086;
	s6 =	sadd.s32 @!p0 s3, s7;
	s7 =	simm.s32 @!p0 $0x108  }
0x21: {  	s3 =	sadd.s32 s3, s9;
	s6 =	sadd.s32 @!p0 $0x88, s6;
	s7 =	simm.s32 @p2 $0x1082  }
0x22: {  	[simem:s7], [sflag:s8] =	dma.local @!p0 [hbm:s6], $0xF7A  }
0x23: {  	s9 =	sor.u32 $0xD0000000, s2;
	s6 =	simm.s32 $0x108;
	_ =	swait.ge @!p0 [sflag:s8], $0x0  }
0x24: {  	s3 =	sadd.s32 $0x88, s3;
	s6 =	simm.s32 @!p1 $0x1082;
	[sflag:s4] =	ssyncset.s32 $0xFFFFF086  }
0x25: {  	[simem:s6], [sflag:s4] =	dma.local [hbm:s3], $0xF7A  }
0x26: {  	[smem:$0x3F91] =	sst s1;
	(tag) =	ssettag s2;
	_ =	strace s9  }
0x27: {  	s1 =	sld [smem:$0x3FA1]  }
0x28: {  	s2 =	sld [smem:$0x3FA2]  }
0x29: {  	s4 =	sld [smem:$0x3FA4]  }
0x2a: {  	p0 =	seq.s32 s5, $0x0;
	s5 =	sld [smem:$0x3FA5]  }
0x2b: {  	s6 =	sld [smem:$0x3FA6]  }
0x2c: {  	s7 =	sld [smem:$0x3FA7]  }
0x2d: {  	s3 =	simm.s32 $0x108;
	s8 =	sld [smem:$0x3FA8]  }
0x2e: {  	s3 =	simm.s32 @!p0 $0x1082;
	s9 =	sld [smem:$0x3FA9]  }
0x2f: {  	lr =	sadd.s32 s0, s3;
	s0 =	sld [smem:$0x3FA0]  }
0x30: {  	s3 =	sld [smem:$0x3FA3]  }
0x31: {  	[smem:$0x3FAC] =	sst s10  }
0x32: {  	s10 =	sld [smem:$0x3FAA];
	_ =	sdelay $0x3  }
0x33: {  	p0 =	seq.s32 s10, $0x1;
	s10 =	sld [smem:$0x3FAC];
	_ =	sdelay $0x3  }
0x34: {  	[smem:$0x3FAC] =	sst s10  }
0x35: {  	s10 =	sld [smem:$0x3FAB];
	_ =	sdelay $0x3  }
0x36: {  	p1 =	seq.s32 s10, $0x1;
	s10 =	sld [smem:$0x3FAC];
	_ =	sdelay $0x3  }
0x37: {  	[smem:$0x3FAC] =	sst s10  }
0x38: {  	s10 =	sld [smem:$0x3FAD]  }
0x39: {  	_ = 	snop;
	(pc) =	sbr.ind lr, $3  }
0x3a: {  	_ = 	snop  }
0x3b: {  	_ = 	snop  }
0x3c: {  	p2 =	seq.s32 s10, $0x1;
	s10 =	sld [smem:$0x3FAC]  }
0x3d: {  	_ =	shalt  }
0x3e: {  	_ =	shalt  }
0x3f: {  	_ =	shalt  }
0x40: {  	_ =	shalt  }
0x41: {  	_ =	shalt  }
0x42: {  	_ =	shalt  }
0x43: {  	_ =	shalt  }
0x44: {  	_ =	shalt  }
0x45: {  	_ =	shalt  }
0x46: {  	_ =	shalt  }
0x47: {  	_ =	shalt  }
0x48: {  	_ =	shalt  }
0x49: {  	_ =	shalt  }
0x4a: {  	_ =	shalt  }
0x4b: {  	_ =	shalt  }
0x4c: {  	_ =	shalt  }
0x4d: {  	_ =	shalt  }
0x4e: {  	_ =	shalt  }
0x4f: {  	_ =	shalt  }
0x50: {  	_ =	shalt  }
0x51: {  	_ =	shalt  }
0x52: {  	_ =	shalt  }
0x53: {  	_ =	shalt  }
0x54: {  	_ =	shalt  }
0x55: {  	_ =	shalt  }
0x56: {  	_ =	shalt  }
0x57: {  	_ =	shalt  }
0x58: {  	_ =	shalt  }
0x59: {  	_ =	shalt  }
0x5a: {  	_ =	shalt  }
0x5b: {  	_ =	shalt  }
0x5c: {  	_ =	shalt  }
0x5d: {  	_ =	shalt  }
0x5e: {  	_ =	shalt  }
0x5f: {  	_ =	shalt  }
0x60: {  	_ =	shalt  }
0x61: {  	_ =	shalt  }
0x62: {  	_ =	shalt  }
0x63: {  	_ =	shalt  }
0x64: {  	_ =	shalt  }
0x65: {  	_ =	shalt  }
0x66: {  	_ =	shalt  }
0x67: {  	_ =	shalt  }
0x68: {  	_ =	shalt  }
0x69: {  	_ =	shalt  }
0x6a: {  	_ =	shalt  }
0x6b: {  	_ =	shalt  }
0x6c: {  	_ =	shalt  }
0x6d: {  	_ =	shalt  }
0x6e: {  	_ =	shalt  }
0x6f: {  	_ =	shalt  }
0x70: {  	_ =	shalt  }
0x71: {  	_ =	shalt  }
0x72: {  	_ =	shalt  }
0x73: {  	_ =	shalt  }
0x74: {  	_ =	shalt  }
0x75: {  	_ =	shalt  }
0x76: {  	_ =	shalt  }
0x77: {  	_ =	shalt  }
0x78: {  	_ =	shalt  }
0x79: {  	_ =	shalt  }
0x7a: {  	_ =	shalt  }
0x7b: {  	_ =	shalt  }
0x7c: {  	_ =	shalt  }
0x7d: {  	_ =	shalt  }
0x7e: {  	_ =	shalt  }
0x7f: {  	_ =	shalt  }
0x80: {  	_ =	shalt  }
0x81: {  	_ =	shalt  }
0x82: {  	_ =	shalt  }
0x83: {  	_ =	shalt  }
0x84: {  	_ =	shalt  }
0x85: {  	_ =	shalt  }
0x86: {  	_ =	shalt  }
0x87: {  	_ =	shalt  }
.Lfunc_end0:
.L_simem_size_0:
called_computation_lowered:
.L_overlay_start_0:
0x88: {  	s2 =	sld [smem:$0x3FD9]  }
0x89: {  	s3 =	sld [smem:$0x3FFE];
	_ =	sdelay $0x1  }
0x8a: {  	s1 =	srdreg.scid  }
0x8b: {  	s0 =	sand.u32 $0x1, s1  }
0x8c: {  	s17 =	sshll.u32 s0, $0xA;
	s2 =	sadd.s32 s3, s2  }
0x8d: {  	s2 =	sadd.s32 s2, s17  }
0x8e: {  	[smem:$0x3FB8] =	sst s2  }
0x8f: {  	_ = 	snop  }
0x90: {  	s2 =	sld [smem:$0x3FC9];
	(tm) =	ssettm $0x1  }
0x91: {  	s18 =	sld [smem:$0x3FFB];
	_ =	sdelay $0x3  }
0x92: {  	_ =	strace s18  }
0x93: {  	s3 =	sld [smem:$0x3FFC];
	_ =	sdelay $0x3  }
0x94: {  	_ =	strace s3  }
0x95: {  	s3 =	sld [smem:$0x3FFD];
	_ =	sdelay $0x3  }
0x96: {  	_ =	strace s3  }
0x97: {  	_ =	strace $0x8FFFFFFF  }
0x98: {  	s19 =	sld [smem:$0x3FDB];
	_ =	sdelay $0x1  }
0x99: {  	s4 =	simm.s32 $_scs_section_size  }
0x9a: {  	s5 =	simm.s32 $_size__tile_overlayer_lowered;
	s6 =	simm.s32 $_tile_overlayer_lowered  }
0x9b: {  	s22 =	simm.s32 $0x1BFF;
	s21 =	sshll.u32 s6, $0x1;
	s3 =	sadd.s32 s4, s19  }
0x9c: {  	s7 =	simm.s32 $0x0;
	s20 =	sshll.u32 s5, $0x1;
	s5 =	sadd.s32 s21, s3  }
0x9d: {  	[timem:s7], [sflag:s22] =	dma.local [hbm:s5], s20  }
0x9e: {  	_ =	swait.ge [sflag:s22], s20  }
0x9f: {  	s4 =	ssub.s32 $0x0, s20;
	[sflag:s22] =	ssyncset.done $0x0  }
0xa0: {  	[sflag:s22] =	ssyncadd.s32 s4;
	_ =	sdelay $0x1  }
0xa1: {  	s23 =	simm.s32 $0x1B8B  }
0xa2: {  	_ =	swait.ge [sflag:s23], $0x1  }
0xa3: {  	[sflag:s23] =	ssyncset.done $0x0  }
0xa4: {  	s25 =	simm.s32 $0x1B8E;
	s24 =	sld [smem:$0x3FFE];
	[sflag:s23] =	ssyncadd.s32 $0xFFFFFFFF  }
0xa5: {  	s26 =	simm.s32 $execute0_lowered;
	[smem:$0x3FD2] =	sst s25  }
0xa6: {  	s5 =	sshll.u32 s26, $0x1;
	_ =	strace $0x80000046;
	[dreg:$0x1] =	wrdreg $0xFFFFFFFF  }
0xa7: {  	s28 =	simm.s32 $_size_execute0_lowered;
	s3 =	sadd.s32 s3, s5;
	[dreg:$0x0] =	wrdreg $0x0  }
0xa8: {  	s5 =	sshll.u32 s28, $0x1;
	[dreg:$0x2] =	wrdreg s3  }
0xa9: {  	[dreg:$0x3] =	wrdreg s5  }
0xaa: {  	[dreg:$0x4] =	wrdreg $0xC0  }
0xab: {  	_ =	task [dreg:s7], $0x5FFFF  }
0xac: {  	[dreg:$0x1] =	wrdreg $0xFFFFFFFF  }
0xad: {  	[dreg:$0x0] =	wrdreg $0x60  }
0xae: {  	[dreg:$0x2] =	wrdreg s2  }
0xaf: {  	[dreg:$0x3] =	wrdreg s24  }
0xb0: {  	[dreg:$0x4] =	wrdreg $0x90000  }
0xb1: {  	[dreg:$0x5] =	wrdreg $0x9  }
0xb2: {  	_ =	task.clear_ibuf [dreg:s7], $0x6FFFF;
	_ =	strace $0x90000046  }
0xb3: {  	s29 =	simm.s32 $0x9;
	_ =	strace $0x80000048  }
0xb4: {  	_ =	swait.ge [sflag:s29], $0x1  }
0xb5: {  	[sflag:s29] =	ssyncadd.s32 $0xFFFFFFFF  }
0xb6: {  	_ =	strace $0x90000048  }
0xb7: {  	_ =	sfence  }
0xb8: {  	s30 =	sld [smem:$0x0];
	_ =	sdelay $0x2  }
0xb9: {  	s31 =	sshll.u32 s1, $0xD;
	s1 =	sshrl.u32 s1, $0x2  }
0xba: {  	s3 =	sand.u32 $0x4000, s31;
	s1 =	sadd.s32 s1, s30  }
0xbb: {  	s0 =	sor.u32 s3, s0;
	s1 =	sshll.u32 s1, $0x11  }
0xbc: {  	s0 =	sor.u32 s1, s0  }
0xbd: {  	s0 =	sadd.s32 $0x8F2B, s0  }
0xbe: {  	[sflag:s0] =	ssyncadd.remote.s32 $0x1  }
0xbf: {  	_ =	sfence.sel $0xFFFF  }
0xc0: {  	[dreg:$0x0] =	wrdreg $0xFFFFFFFF;
	(pc) =	sbr.abs _section_cstart, $3  }
0xc1: {  	[dreg:$0x1] =	wrdreg $0xFFFFFFFF  }
0xc2: {  	_ =	task.clear_ibuf [dreg:s7], $0x2FFFF;
	_ =	strace $0x9FFFFFFF  }
0xc3: {  	(tm) =	ssettm $0x7FFFFFFF  }
tec
execute0_lowered:
.L_overlay_start_1:
0x0: {  	(tag) =	ssettag $0x1  }
0x1: {  	s1 =	rddreg [dreg:$0x0]  }
0x2: {  	s0 =	rddreg [dreg:$0x1]  }
0x3: {  	s3 =	rddreg [dreg:$0x2]  }
0x4: {  	s2 =	srdreg.scid;
	s12 =	stileid.u32  }
0x5: {  	s4 =	simm.s32 $0x0;
	s14 =	simm.s32 $0x3;
	s15 =	simm.s32 $0x800  }
0x6: {  	s16 =	simm.s32 $0x40;
	s17 =	simm.s32 $0x1000;
	s30 =	simm.s32 $0x2  }
0x7: {  	s13 =	simm.s32 $0x500;
	s28 =	simm.s32 $0x780;
	s29 =	simm.s32 $0xE00  }
0x8: {  	s31 =	simm.s32 $0xE80;
	s2 =	sand.u32 $0x1, s2;
	s5 =	smul.u32 $0x130, s12  }
0x9: {  	s6 =	sshll.u32 s12, $0x4;
	[smem:$0x7FF] =	sst s4;
	s18 =	smul.u32 $0x2780, s12  }
0xa: {  	s7 =	sadd.s32 $0x29A00, s0;
	s19 =	smul.u32 $0x4F000, s12;
	s21 =	sshll.u32 s12, $0x6  }
0xb: {  	p1 =	seq.s32 s12, $0xF;
	s12 =	simm.s32 $0xC00;
	p0 =	seq.s32 s2, $0x0  }
0xc: {  	s6 =	sor.u32 $0x1300, s6;
	_ =	strace $0x80000047;
	s9 =	smul.u32 $0x27100, s2  }
0xd: {  	[dreg:$0x4] =	wrdreg s7;
	s8 =	ssub.s32 $0x2, s2;
	s11 =	smul.u32 $0x138800, s2  }
0xe: {  	s6 =	smov.u32 @p0 s5;
	s10 =	sshrl.u32 s8, $0x1;
	s7 =	sshrl.u32 s19, $0x2  }
0xf: {  	p0 =	sne.s32 s2, $0x0;
	s19 =	simm.s32 $0x3000;
	s2 =	simm.s32 $0xF80  }
0x10: {  	s5 =	sshll.u32 s6, $0x4;
	s8 =	ssub.s32 s8, s10;
	s20 =	sadd.s32 s7, s3  }
0x11: {  	s7 =	sor.u32 $0x1C03, s21;
	s6 =	sadd.s32 s18, s9;
	s22 =	sshrl.u32 s11, $0x3  }
0x12: {  	s21 =	simm.s32 $0x5000;
	s11 =	simm.s32 $0x580;
	s18 =	simm.s32 $0xD80  }
0x13: {  	s5 =	sadd.s32 s5, s0;
	s0 =	sadd.s32 $0x2C200, s0;
	s9 =	smov.u32 s7  }
0x14: {  	s23 =	smax.u32 s8, $0x1;
	[dreg:$0x5] =	wrdreg s20;
	s26 =	sshrl.u32 s20, $0x3  }
0x15: {  	s8 =	simm.s32 $0x480;
	s7 =	simm.s32 $0xD00;
	[dreg:$0x9] =	wrdreg s23  }
0x16: {  	s20 =	simm.s32 $0x600;
	s6 =	sadd.s32 s0, s6;
	[dreg:$0xc] =	wrdreg s26  }
0x17: {  	s0 =	sadd.s32 s0, s22;
	s24 =	sadd.s32 $0x1A00, s5;
	[dreg:$0x6] =	wrdreg s9  }
0x18: {  	s25 =	sadd.s32 $0x15A00, s5;
	s23 =	simm.s32 $0x7000;
	[dreg:$0x7] =	wrdreg s6  }
0x19: {  	s22 =	simm.s32 $0x680;
	s26 =	simm.s32 $0x700;
	[dreg:$0xa] =	wrdreg s24  }
0x1a: {  	s6 =	sadd.s32 $0x128400, s3;
	s0 =	sadd.s32 $0x25080, s0;
	[dreg:$0xb] =	wrdreg s25  }
0x1b: {  	s24 =	simm.s32 $0x1;
	[dreg:$0x8] =	wrdreg s0;
	s0 =	sshrl.u32 @p1 s6, $0x3  }
0x1c: {  	s25 =	simm.s32 $0xC80;
	[dreg:$0xd] =	wrdreg s0;
	s0 =	simm.s32 $0x0  }
.LBB2_1:
0x1d: {  	[dreg:$0xe] =	wrdreg s0  }
0x1e: {  	s6 =	rddreg [dreg:$0x4]  }
0x1f: {  	s10 =	rddreg [dreg:$0xc]  }
0x20: {  	[spmem:s10], [sflag:s9] =	dma.local [hbm:s6], $0x2780  }
0x21: {  	_ =	swait.ge [sflag:s14], $0x2780  }
0x22: {  	[sflag:s14] =	ssyncset.done $0x0  }
0x23: {  	[sflag:s14] =	ssyncadd.s32 $0xFFFFD880  }
0x24: {  	[bflag:$0x0] =	sbarrier.arrive $0xFFFF  }
0x25: {  	s6 =	rddreg [dreg:$0xb]  }
0x26: {  	s0 =	simm.s32 $0xF00;
	s10 =	simm.s32 $0x0;
	s9 =	rddreg [dreg:$0xa]  }
.LBB2_2:
0x27: {  	[tilespmem:s4], [sflag:$0x3] =	stream.linear.gather [hbm4b:s6+s4], $0x800, $0x38;
	[tilespmem:$0x1CC00] =	vst v63  }
0x28: {  	_ =	swait.ge [sflag:s14], $0x800  }
0x29: {  	[sflag:s14] =	ssyncset.done $0x0  }
0x2a: {  	[sflag:s14] =	ssyncadd.s32 $0xFFFFF800  }
0x2b: {  	[tilespmem:s15], [sflag:$0x3] =	stream.linear.gather [hbm4b:s9+s4], $0x800, $0x38;
	[tilespmem:$0x1CC00] =	vst v63  }
0x2c: {  	_ =	swait.ge [sflag:s14], $0x800  }
0x2d: {  	[sflag:s14] =	ssyncset.done $0x0  }
0x2e: {  	[sflag:s14] =	ssyncadd.s32 $0xFFFFF800  }
0x2f: {  	[tilespmem:s17], [sflag:$0x1] =	stream.indirect.gather [hbm4b:s1+s16], $0x80, s4, s16, $0xb8;
	[tilespmem:$0x1CC00] =	vst v63  }
0x30: {  	s5 =	simm.s32 $0x80  }
0x31: {  	[tilespmem:s19], [sflag:$0x1] =	stream.indirect.gather [hbm4b:s1+s16], $0x80, s5, s16, $0xb8;
	[tilespmem:$0x1CC00] =	vst v63  }
0x32: {  	s5 =	simm.s32 $0x100  }
0x33: {  	[tilespmem:s21], [sflag:$0x1] =	stream.indirect.gather [hbm4b:s1+s16], $0x80, s5, s16, $0xb8;
	[tilespmem:$0x1CC00] =	vst v63  }
0x34: {  	s5 =	simm.s32 $0x180  }
0x35: {  	[tilespmem:s23], [sflag:$0x1] =	stream.indirect.gather [hbm4b:s1+s16], $0x80, s5, s16, $0xb8;
	[tilespmem:$0x1CC00] =	vst v63  }
0x36: {  	_ =	swait.ge [sflag:s24], $0x2000  }
0x37: {  	[sflag:s24] =	ssyncset.done $0x0  }
0x38: {  	[sflag:s24] =	ssyncadd.s32 $0xFFFFE000  }
0x39: {  	[spmem:s3] =	stream.indirect.scatter.add.f32 [tilespmem:s17], [sflag:$0x2], $0x80, s15, s16, $0xb8;
	[tilespmem:$0x1CC00] =	vst v63  }
0x3a: {  	_ =	swait.ge [sflag:s24], $0x2000  }
0x3b: {  	[sflag:s24] =	ssyncset.done $0x0  }
0x3c: {  	s5 =	simm.s32 $0x880;
	[sflag:s24] =	ssyncadd.s32 $0xFFFFE000  }
0x3d: {  	[spmem:s3] =	stream.indirect.scatter.add.f32 [tilespmem:s19], [sflag:$0x2], $0x80, s5, s16, $0xb8;
	[tilespmem:$0x1CC00] =	vst v63  }
0x3e: {  	_ =	swait.ge [sflag:s24], $0x2000  }
0x3f: {  	[sflag:s24] =	ssyncset.done $0x0  }
0x40: {  	s5 =	simm.s32 $0x900;
	[sflag:s24] =	ssyncadd.s32 $0xFFFFE000  }
0x41: {  	[spmem:s3] =	stream.indirect.scatter.add.f32 [tilespmem:s21], [sflag:$0x2], $0x80, s5, s16, $0xb8;
	[tilespmem:$0x1CC00] =	vst v63  }
0x42: {  	_ =	swait.ge [sflag:s24], $0x2000  }
0x43: {  	[sflag:s24] =	ssyncset.done $0x0  }
0x44: {  	s5 =	simm.s32 $0x980;
	[sflag:s24] =	ssyncadd.s32 $0xFFFFE000  }
0x45: {  	[spmem:s3] =	stream.indirect.scatter.add.f32 [tilespmem:s23], [sflag:$0x2], $0x80, s5, s16, $0xb8;
	[tilespmem:$0x1CC00] =	vst v63  }
0x46: {  	_ =	swait.ge [sflag:s30], $0x2000  }
0x47: {  	[sflag:s30] =	ssyncset.done $0x0  }
0x48: {  	s5 =	simm.s32 $0x200;
	[sflag:s30] =	ssyncadd.s32 $0xFFFFE000  }
0x49: {  	[tilespmem:s17], [sflag:$0x1] =	stream.indirect.gather [hbm4b:s1+s16], $0x80, s5, s16, $0xb8;
	[tilespmem:$0x1CC00] =	vst v63  }
0x4a: {  	_ =	swait.ge [sflag:s30], $0x2000  }
0x4b: {  	[sflag:s30] =	ssyncset.done $0x0  }
0x4c: {  	s5 =	simm.s32 $0x280;
	[sflag:s30] =	ssyncadd.s32 $0xFFFFE000  }
0x4d: {  	[tilespmem:s19], [sflag:$0x1] =	stream.indirect.gather [hbm4b:s1+s16], $0x80, s5, s16, $0xb8;
	[tilespmem:$0x1CC00] =	vst v63  }
0x4e: {  	_ =	swait.ge [sflag:s30], $0x2000  }
0x4f: {  	[sflag:s30] =	ssyncset.done $0x0  }
0x50: {  	s5 =	simm.s32 $0x300;
	[sflag:s30] =	ssyncadd.s32 $0xFFFFE000  }
0x51: {  	[tilespmem:s21], [sflag:$0x1] =	stream.indirect.gather [hbm4b:s1+s16], $0x80, s5, s16, $0xb8;
	[tilespmem:$0x1CC00] =	vst v63  }
0x52: {  	_ =	swait.ge [sflag:s30], $0x2000  }
0x53: {  	[sflag:s30] =	ssyncset.done $0x0  }
0x54: {  	s5 =	simm.s32 $0x380;
	[sflag:s30] =	ssyncadd.s32 $0xFFFFE000  }
0x55: {  	[tilespmem:s23], [sflag:$0x1] =	stream.indirect.gather [hbm4b:s1+s16], $0x80, s5, s16, $0xb8;
	[tilespmem:$0x1CC00] =	vst v63  }
0x56: {  	_ =	swait.ge [sflag:s24], $0x2000  }
0x57: {  	[sflag:s24] =	ssyncset.done $0x0  }
0x58: {  	s5 =	simm.s32 $0xA00;
	[sflag:s24] =	ssyncadd.s32 $0xFFFFE000  }
0x59: {  	[spmem:s3] =	stream.indirect.scatter.add.f32 [tilespmem:s17], [sflag:$0x2], $0x80, s5, s16, $0xb8;
	[tilespmem:$0x1CC00] =	vst v63  }
0x5a: {  	_ =	swait.ge [sflag:s24], $0x2000  }
0x5b: {  	[sflag:s24] =	ssyncset.done $0x0  }
0x5c: {  	s5 =	simm.s32 $0xA80;
	[sflag:s24] =	ssyncadd.s32 $0xFFFFE000  }
0x5d: {  	[spmem:s3] =	stream.indirect.scatter.add.f32 [tilespmem:s19], [sflag:$0x2], $0x80, s5, s16, $0xb8;
	[tilespmem:$0x1CC00] =	vst v63  }
0x5e: {  	_ =	swait.ge [sflag:s24], $0x2000  }
0x5f: {  	[sflag:s24] =	ssyncset.done $0x0  }
0x60: {  	s5 =	simm.s32 $0xB00;
	[sflag:s24] =	ssyncadd.s32 $0xFFFFE000  }
0x61: {  	[spmem:s3] =	stream.indirect.scatter.add.f32 [tilespmem:s21], [sflag:$0x2], $0x80, s5, s16, $0xb8;
	[tilespmem:$0x1CC00] =	vst v63  }
0x62: {  	_ =	swait.ge [sflag:s24], $0x2000  }
0x63: {  	[sflag:s24] =	ssyncset.done $0x0  }
0x64: {  	s5 =	simm.s32 $0xB80;
	[sflag:s24] =	ssyncadd.s32 $0xFFFFE000  }
0x65: {  	[spmem:s3] =	stream.indirect.scatter.add.f32 [tilespmem:s23], [sflag:$0x2], $0x80, s5, s16, $0xb8;
	[tilespmem:$0x1CC00] =	vst v63  }
0x66: {  	_ =	swait.ge [sflag:s30], $0x2000  }
0x67: {  	[sflag:s30] =	ssyncset.done $0x0  }
0x68: {  	s5 =	simm.s32 $0x400;
	[sflag:s30] =	ssyncadd.s32 $0xFFFFE000  }
0x69: {  	[tilespmem:s17], [sflag:$0x1] =	stream.indirect.gather [hbm4b:s1+s16], $0x80, s5, s16, $0xb8;
	[tilespmem:$0x1CC00] =	vst v63  }
0x6a: {  	_ =	swait.ge [sflag:s30], $0x2000  }
0x6b: {  	[sflag:s30] =	ssyncset.done $0x0  }
0x6c: {  	[sflag:s30] =	ssyncadd.s32 $0xFFFFE000  }
0x6d: {  	[tilespmem:s19], [sflag:$0x1] =	stream.indirect.gather [hbm4b:s1+s16], $0x80, s8, s16, $0xb8;
	[tilespmem:$0x1CC00] =	vst v63  }
0x6e: {  	_ =	swait.ge [sflag:s30], $0x2000  }
0x6f: {  	[sflag:s30] =	ssyncset.done $0x0  }
0x70: {  	[sflag:s30] =	ssyncadd.s32 $0xFFFFE000  }
0x71: {  	[tilespmem:s21], [sflag:$0x1] =	stream.indirect.gather [hbm4b:s1+s16], $0x80, s13, s16, $0xb8;
	[tilespmem:$0x1CC00] =	vst v63  }
0x72: {  	_ =	swait.ge [sflag:s30], $0x2000  }
0x73: {  	[sflag:s30] =	ssyncset.done $0x0  }
0x74: {  	[sflag:s30] =	ssyncadd.s32 $0xFFFFE000  }
0x75: {  	[tilespmem:s23], [sflag:$0x1] =	stream.indirect.gather [hbm4b:s1+s16], $0x80, s11, s16, $0xb8;
	[tilespmem:$0x1CC00] =	vst v63  }
0x76: {  	_ =	swait.ge [sflag:s24], $0x2000  }
0x77: {  	[sflag:s24] =	ssyncset.done $0x0  }
0x78: {  	[sflag:s24] =	ssyncadd.s32 $0xFFFFE000  }
0x79: {  	[spmem:s3] =	stream.indirect.scatter.add.f32 [tilespmem:s17], [sflag:$0x2], $0x80, s12, s16, $0xb8;
	[tilespmem:$0x1CC00] =	vst v63  }
0x7a: {  	_ =	swait.ge [sflag:s24], $0x2000  }
0x7b: {  	[sflag:s24] =	ssyncset.done $0x0  }
0x7c: {  	[sflag:s24] =	ssyncadd.s32 $0xFFFFE000  }
0x7d: {  	[spmem:s3] =	stream.indirect.scatter.add.f32 [tilespmem:s19], [sflag:$0x2], $0x80, s25, s16, $0xb8;
	[tilespmem:$0x1CC00] =	vst v63  }
0x7e: {  	_ =	swait.ge [sflag:s24], $0x2000  }
0x7f: {  	[sflag:s24] =	ssyncset.done $0x0  }
0x80: {  	[sflag:s24] =	ssyncadd.s32 $0xFFFFE000  }
0x81: {  	[spmem:s3] =	stream.indirect.scatter.add.f32 [tilespmem:s21], [sflag:$0x2], $0x80, s7, s16, $0xb8;
	[tilespmem:$0x1CC00] =	vst v63  }
0x82: {  	_ =	swait.ge [sflag:s24], $0x2000  }
0x83: {  	[sflag:s24] =	ssyncset.done $0x0  }
0x84: {  	[sflag:s24] =	ssyncadd.s32 $0xFFFFE000  }
0x85: {  	[spmem:s3] =	stream.indirect.scatter.add.f32 [tilespmem:s23], [sflag:$0x2], $0x80, s18, s16, $0xb8;
	[tilespmem:$0x1CC00] =	vst v63  }
0x86: {  	_ =	swait.ge [sflag:s30], $0x2000  }
0x87: {  	[sflag:s30] =	ssyncset.done $0x0  }
0x88: {  	[sflag:s30] =	ssyncadd.s32 $0xFFFFE000  }
0x89: {  	[tilespmem:s17], [sflag:$0x1] =	stream.indirect.gather [hbm4b:s1+s16], $0x80, s20, s16, $0xb8;
	[tilespmem:$0x1CC00] =	vst v63  }
0x8a: {  	_ =	swait.ge [sflag:s30], $0x2000  }
0x8b: {  	[sflag:s30] =	ssyncset.done $0x0  }
0x8c: {  	[sflag:s30] =	ssyncadd.s32 $0xFFFFE000  }
0x8d: {  	[tilespmem:s19], [sflag:$0x1] =	stream.indirect.gather [hbm4b:s1+s16], $0x80, s22, s16, $0xb8;
	[tilespmem:$0x1CC00] =	vst v63  }
0x8e: {  	_ =	swait.ge [sflag:s30], $0x2000  }
0x8f: {  	[sflag:s30] =	ssyncset.done $0x0  }
0x90: {  	[sflag:s30] =	ssyncadd.s32 $0xFFFFE000  }
0x91: {  	[tilespmem:s21], [sflag:$0x1] =	stream.indirect.gather [hbm4b:s1+s16], $0x80, s26, s16, $0xb8;
	[tilespmem:$0x1CC00] =	vst v63  }
0x92: {  	_ =	swait.ge [sflag:s30], $0x2000  }
0x93: {  	[sflag:s30] =	ssyncset.done $0x0  }
0x94: {  	[sflag:s30] =	ssyncadd.s32 $0xFFFFE000  }
0x95: {  	[tilespmem:s23], [sflag:$0x1] =	stream.indirect.gather [hbm4b:s1+s16], $0x80, s28, s16, $0xb8;
	[tilespmem:$0x1CC00] =	vst v63  }
0x96: {  	_ =	swait.ge [sflag:s24], $0x2000  }
0x97: {  	[sflag:s24] =	ssyncset.done $0x0  }
0x98: {  	[sflag:s24] =	ssyncadd.s32 $0xFFFFE000  }
0x99: {  	[spmem:s3] =	stream.indirect.scatter.add.f32 [tilespmem:s17], [sflag:$0x2], $0x80, s29, s16, $0xb8;
	[tilespmem:$0x1CC00] =	vst v63  }
0x9a: {  	_ =	swait.ge [sflag:s24], $0x2000  }
0x9b: {  	[sflag:s24] =	ssyncset.done $0x0  }
0x9c: {  	[sflag:s24] =	ssyncadd.s32 $0xFFFFE000  }
0x9d: {  	[spmem:s3] =	stream.indirect.scatter.add.f32 [tilespmem:s19], [sflag:$0x2], $0x80, s31, s16, $0xb8;
	[tilespmem:$0x1CC00] =	vst v63  }
0x9e: {  	_ =	swait.ge [sflag:s24], $0x2000  }
0x9f: {  	[sflag:s24] =	ssyncset.done $0x0  }
0xa0: {  	[sflag:s24] =	ssyncadd.s32 $0xFFFFE000  }
0xa1: {  	[spmem:s3] =	stream.indirect.scatter.add.f32 [tilespmem:s21], [sflag:$0x2], $0x80, s0, s16, $0xb8;
	[tilespmem:$0x1CC00] =	vst v63  }
0xa2: {  	_ =	swait.ge [sflag:s24], $0x2000  }
0xa3: {  	[sflag:s24] =	ssyncset.done $0x0  }
0xa4: {  	[sflag:s24] =	ssyncadd.s32 $0xFFFFE000  }
0xa5: {  	[spmem:s3] =	stream.indirect.scatter.add.f32 [tilespmem:s23], [sflag:$0x2], $0x80, s2, s16, $0xb8;
	[tilespmem:$0x1CC00] =	vst v63  }
0xa6: {  	_ =	swait.ge [sflag:s30], $0x2000  }
0xa7: {  	[sflag:s30] =	ssyncset.done $0x0  }
0xa8: {  	[sflag:s30] =	ssyncadd.s32 $0xFFFFE000  }
0xa9: {  	_ =	swait.ge [sflag:s30], $0x2000  }
0xaa: {  	[sflag:s30] =	ssyncset.done $0x0  }
0xab: {  	p2 =	slt.u32 @!p0 s10, $0x12;
	[sflag:s30] =	ssyncadd.s32 $0xFFFFE000  }
0xac: {  	p2 =	por p0, !p2;
	_ =	swait.ge [sflag:s30], $0x2000  }
.Ltmp0:
0xad: {  	[sflag:s30] =	ssyncset.done $0x0;
	(pc) =	sbr.rel @!p2 .LBB2_2-.Ltmp0, $4  }
0xae: {  	[sflag:s30] =	ssyncadd.s32 $0xFFFFE000  }
0xaf: {  	_ =	swait.ge [sflag:s30], $0x2000  }
0xb0: {  	s10 =	sadd.s32 $0x1, s10;
	[sflag:s30] =	ssyncset.done $0x0  }
0xb1: {  	s6 =	sadd.s32 $0x100, s6;
	s9 =	sadd.s32 $0x100, s9;
	[sflag:s30] =	ssyncadd.s32 $0xFFFFE000  }
0xb2: {  	[bflag:$0x0] =	sbarrier.arrive $0xFFFF  }
0xb3: {  	s9 =	rddreg [dreg:$0x6]  }
0xb4: {  	s6 =	rddreg [dreg:$0x8]  }
0xb5: {  	s10 =	rddreg [dreg:$0xd]  }
0xb6: {  	[hbm:s6], [sflag:s9] =	dma.local @p1 [spmem:s10], $0x2080  }
0xb7: {  	s6 =	simm.s32 @p1 $0x3  }
0xb8: {  	_ =	swait.ge @p1 [sflag:s6], $0x2080  }
0xb9: {  	[sflag:s6] =	ssyncset.done @p1 $0x0  }
0xba: {  	[sflag:s6] =	ssyncadd.s32 @p1 $0xFFFFDF80;
	s6 =	rddreg [dreg:$0x5]  }
0xbb: {  	s10 =	rddreg [dreg:$0x7];
	s6 =	sshrl.u32 @!p1 s6, $0x3  }
0xbc: {  	[hbm:s10], [sflag:s9] =	dma.local @!p1 [spmem:s6], $0x2780  }
0xbd: {  	s6 =	simm.s32 @!p1 $0x3  }
0xbe: {  	_ =	swait.ge @!p1 [sflag:s6], $0x2780  }
0xbf: {  	s0 =	rddreg [dreg:$0xe]  }
0xc0: {  	s5 =	rddreg [dreg:$0x9];
	s0 =	sadd.s32 $0x1, s0  }
0xc1: {  	p2 =	sne.s32 s0, s5  }
.Ltmp1:
0xc2: {  	_ = 	snop;
	(pc) =	sbr.rel @p2 .LBB2_1-.Ltmp1, $3  }
0xc3: {  	_ =	sdelay $0x1  }
0xc4: {  	[sflag:s6] =	ssyncset.done @!p1 $0x0  }
0xc5: {  	[sflag:s6] =	ssyncadd.s32 @!p1 $0xFFFFD880  }
0xc6: {  	_ =	sfence.sel $0x180000  }
0xc7: {  	[bflag:$0x0] =	sbarrier.arrive $0xFFFF  }
0xc8: {  	_ =	strace $0x90000047  }
0xc9: {  	s0 =	stileid.u32;
	[bflag:$0x2] =	sbarrier.arrive $0xFFFF  }
0xca: {  	p0 =	sne.s32 s0, $0x0;
	s0 =	rddreg [dreg:$0x3]  }
0xcb: {  	s0 =	sadd.s32 @!p0 $0x100000, s0  }
0xcc: {  	[sflag:s0] =	ssyncadd.tile.s32 @!p0 $0x1;
	_ =	shalt  }
.Lfunc_end2:
_tile_overlayer_lowered:
.L_overlay_start_2:
0xcd: {  	(tag) =	ssettag $0x2  }
0xce: {  	s0 =	rddreg [dreg:$0x0];
	s2 =	stileid.u32  }
0xcf: {  	s1 =	rddreg [dreg:$0x1];
	p0 =	sne.s32 s2, $0x0  }
0xd0: {  	s3 =	rddreg [dreg:$0x2];
	[bflag:$0x3] =	sbarrier.arrive $0xFFFF;
	s2 =	simm.s32 @!p0 $0x1C03  }
0xd1: {  	[timem:s3], [sflag:s2] =	dma.local @!p0 [hbm:s0], s1  }
0xd2: {  	s0 =	simm.s32 @!p0 $0x3  }
0xd3: {  	_ =	swait.ge @!p0 [sflag:s0], s1  }
0xd4: {  	s1 =	ssub.s32 @!p0 $0x0, s1;
	[sflag:s0] =	ssyncset.done @!p0 $0x0  }
0xd5: {  	[sflag:s0] =	ssyncadd.s32 @!p0 s1  }
0xd6: {  	[bflag:$0x3] =	sbarrier.arrive $0xFFFF  }
0xd7: {  	_ =	shalt  }

// kernel: seg_sum.8.cloned.1.call-start
scs
__scs_entry_jumppad:
0x0: {  	(pc) =	sbr.rel $0x88, $3  }
0x1: {  	(tag) =	ssettag $0x0;
	lr =	simm.s32 $0x1  }
0x2: {  	[smem:$0x3F91] =	sst lr;
	_ =	strace $0xD0000000  }
0x3: {  	_ = 	snop  }
0x4: {  	_ = 	snop  }
0x5: {  	_ = 	snop  }
0x6: {  	_ = 	snop  }
0x7: {  	_ = 	snop  }
__scs_overlays_trampoline_lowered:
0x8: {  	[smem:$0x3FA0] =	sst s0  }
0x9: {  	[smem:$0x3FA1] =	sst s1  }
0xa: {  	[smem:$0x3FA2] =	sst s2  }
0xb: {  	[smem:$0x3FA3] =	sst s3  }
0xc: {  	[smem:$0x3FA4] =	sst s4  }
0xd: {  	[smem:$0x3FA5] =	sst s5  }
0xe: {  	[smem:$0x3FA6] =	sst s6  }
0xf: {  	[smem:$0x3FA7] =	sst s7  }
0x10: {  	[smem:$0x3FA8] =	sst s8  }
0x11: {  	[smem:$0x3FA9] =	sst s9;
	s0 =	simm.s32 @!p0 $0x0  }
0x12: {  	s1 =	sld [smem:$0x3F8F];
	s0 =	simm.s32 @p0 $0x1  }
0x13: {  	[smem:$0x3FAA] =	sst s0;
	s0 =	simm.s32 @!p1 $0x0  }
0x14: {  	s2 =	sld [smem:$0x3F8E];
	s0 =	simm.s32 @p1 $0x1  }
0x15: {  	[smem:$0x3FAB] =	sst s0;
	s0 =	simm.s32 @!p2 $0x0  }
0x16: {  	s3 =	sld [smem:$0x3FDB];
	s0 =	simm.s32 @p2 $0x1  }
0x17: {  	s4 =	simm.s32 $0x1BF5;
	[smem:$0x3FAD] =	sst s0  }
0x18: {  	s0 =	sld [smem:$0x3F90];
	_ =	swait.ge [sflag:s4], $0x0  }
0x19: {  	s7 =	sld [smem:$0x3F91]  }
0x1a: {  	s8 =	sadd.s32 $0xFFFFE003, lr  }
0x1b: {  	s9 =	sadd.s32 $0xFFFFFEF7, lr;
	s5 =	simm.s32 $0xFFFFFFFF;
	p2 =	slt.u32 s8, $0xFFFFF086  }
0x1c: {  	p1 =	slt.u32 s9, $0xF7A;
	s5 =	simm.s32 @!p2 $0x0  }
0x1d: {  	s5 =	simm.s32 @p1 $0x1;
	p0 =	seq.s32 s7, s2  }
0x1e: {  	s7 =	smul.u32 @!p0 $0xF7A, s2;
	p2 =	seq.s32 @!p0 s5, $0x0  }
0x1f: {  	s9 =	smul.u32 $0xF7A, s1;
	s8 =	simm.s32 @!p0 $0x1BF5;
	p2 =	por !p2, p0  }
0x20: {  	[sflag:s8] =	ssyncset.s32 @!p0 $0xFFFFF086;
	s6 =	sadd.s32 @!p0 s3, s7;
	s7 =	simm.s32 @!p0 $0x108  }
0x21: {  	s3 =	sadd.s32 s3, s9;
	s6 =	sadd.s32 @!p0 $0x88, s6;
	s7 =	simm.s32 @p2 $0x1082  }
0x22: {  	[simem:s7], [sflag:s8] =	dma.local @!p0 [hbm:s6], $0xF7A  }
0x23: {  	s9 =	sor.u32 $0xD0000000, s2;
	s6 =	simm.s32 $0x108;
	_ =	swait.ge @!p0 [sflag:s8], $0x0  }
0x24: {  	s3 =	sadd.s32 $0x88, s3;
	s6 =	simm.s32 @!p1 $0x1082;
	[sflag:s4] =	ssyncset.s32 $0xFFFFF086  }
0x25: {  	[simem:s6], [sflag:s4] =	dma.local [hbm:s3], $0xF7A  }
0x26: {  	[smem:$0x3F91] =	sst s1;
	(tag) =	ssettag s2;
	_ =	strace s9  }
0x27: {  	s1 =	sld [smem:$0x3FA1]  }
0x28: {  	s2 =	sld [smem:$0x3FA2]  }
0x29: {  	s4 =	sld [smem:$0x3FA4]  }
0x2a: {  	p0 =	seq.s32 s5, $0x0;
	s5 =	sld [smem:$0x3FA5]  }
0x2b: {  	s6 =	sld [smem:$0x3FA6]  }
0x2c: {  	s7 =	sld [smem:$0x3FA7]  }
0x2d: {  	s3 =	simm.s32 $0x108;
	s8 =	sld [smem:$0x3FA8]  }
0x2e: {  	s3 =	simm.s32 @!p0 $0x1082;
	s9 =	sld [smem:$0x3FA9]  }
0x2f: {  	lr =	sadd.s32 s0, s3;
	s0 =	sld [smem:$0x3FA0]  }
0x30: {  	s3 =	sld [smem:$0x3FA3]  }
0x31: {  	[smem:$0x3FAC] =	sst s10  }
0x32: {  	s10 =	sld [smem:$0x3FAA];
	_ =	sdelay $0x3  }
0x33: {  	p0 =	seq.s32 s10, $0x1;
	s10 =	sld [smem:$0x3FAC];
	_ =	sdelay $0x3  }
0x34: {  	[smem:$0x3FAC] =	sst s10  }
0x35: {  	s10 =	sld [smem:$0x3FAB];
	_ =	sdelay $0x3  }
0x36: {  	p1 =	seq.s32 s10, $0x1;
	s10 =	sld [smem:$0x3FAC];
	_ =	sdelay $0x3  }
0x37: {  	[smem:$0x3FAC] =	sst s10  }
0x38: {  	s10 =	sld [smem:$0x3FAD]  }
0x39: {  	_ = 	snop;
	(pc) =	sbr.ind lr, $3  }
0x3a: {  	_ = 	snop  }
0x3b: {  	_ = 	snop  }
0x3c: {  	p2 =	seq.s32 s10, $0x1;
	s10 =	sld [smem:$0x3FAC]  }
0x3d: {  	_ =	shalt  }
0x3e: {  	_ =	shalt  }
0x3f: {  	_ =	shalt  }
0x40: {  	_ =	shalt  }
0x41: {  	_ =	shalt  }
0x42: {  	_ =	shalt  }
0x43: {  	_ =	shalt  }
0x44: {  	_ =	shalt  }
0x45: {  	_ =	shalt  }
0x46: {  	_ =	shalt  }
0x47: {  	_ =	shalt  }
0x48: {  	_ =	shalt  }
0x49: {  	_ =	shalt  }
0x4a: {  	_ =	shalt  }
0x4b: {  	_ =	shalt  }
0x4c: {  	_ =	shalt  }
0x4d: {  	_ =	shalt  }
0x4e: {  	_ =	shalt  }
0x4f: {  	_ =	shalt  }
0x50: {  	_ =	shalt  }
0x51: {  	_ =	shalt  }
0x52: {  	_ =	shalt  }
0x53: {  	_ =	shalt  }
0x54: {  	_ =	shalt  }
0x55: {  	_ =	shalt  }
0x56: {  	_ =	shalt  }
0x57: {  	_ =	shalt  }
0x58: {  	_ =	shalt  }
0x59: {  	_ =	shalt  }
0x5a: {  	_ =	shalt  }
0x5b: {  	_ =	shalt  }
0x5c: {  	_ =	shalt  }
0x5d: {  	_ =	shalt  }
0x5e: {  	_ =	shalt  }
0x5f: {  	_ =	shalt  }
0x60: {  	_ =	shalt  }
0x61: {  	_ =	shalt  }
0x62: {  	_ =	shalt  }
0x63: {  	_ =	shalt  }
0x64: {  	_ =	shalt  }
0x65: {  	_ =	shalt  }
0x66: {  	_ =	shalt  }
0x67: {  	_ =	shalt  }
0x68: {  	_ =	shalt  }
0x69: {  	_ =	shalt  }
0x6a: {  	_ =	shalt  }
0x6b: {  	_ =	shalt  }
0x6c: {  	_ =	shalt  }
0x6d: {  	_ =	shalt  }
0x6e: {  	_ =	shalt  }
0x6f: {  	_ =	shalt  }
0x70: {  	_ =	shalt  }
0x71: {  	_ =	shalt  }
0x72: {  	_ =	shalt  }
0x73: {  	_ =	shalt  }
0x74: {  	_ =	shalt  }
0x75: {  	_ =	shalt  }
0x76: {  	_ =	shalt  }
0x77: {  	_ =	shalt  }
0x78: {  	_ =	shalt  }
0x79: {  	_ =	shalt  }
0x7a: {  	_ =	shalt  }
0x7b: {  	_ =	shalt  }
0x7c: {  	_ =	shalt  }
0x7d: {  	_ =	shalt  }
0x7e: {  	_ =	shalt  }
0x7f: {  	_ =	shalt  }
0x80: {  	_ =	shalt  }
0x81: {  	_ =	shalt  }
0x82: {  	_ =	shalt  }
0x83: {  	_ =	shalt  }
0x84: {  	_ =	shalt  }
0x85: {  	_ =	shalt  }
0x86: {  	_ =	shalt  }
0x87: {  	_ =	shalt  }
.Lfunc_end0:
.L_simem_size_0:
called_computation.1_lowered:
.L_overlay_start_0:
0x88: {  	s2 =	sld [smem:$0x3FD9]  }
0x89: {  	s3 =	sld [smem:$0x3FFE];
	_ =	sdelay $0x1  }
0x8a: {  	s1 =	srdreg.scid  }
0x8b: {  	s0 =	sand.u32 $0x1, s1  }
0x8c: {  	s16 =	sshll.u32 s0, $0xA;
	s2 =	sadd.s32 s3, s2  }
0x8d: {  	s2 =	sadd.s32 s2, s16  }
0x8e: {  	[smem:$0x3FB8] =	sst s2  }
0x8f: {  	_ = 	snop  }
0x90: {  	(tm) =	ssettm $0x1  }
0x91: {  	s17 =	sld [smem:$0x3FFB];
	_ =	sdelay $0x3  }
0x92: {  	_ =	strace s17  }
0x93: {  	s2 =	sld [smem:$0x3FFC];
	_ =	sdelay $0x3  }
0x94: {  	_ =	strace s2  }
0x95: {  	s2 =	sld [smem:$0x3FFD];
	_ =	sdelay $0x3  }
0x96: {  	_ =	strace s2  }
0x97: {  	_ =	strace $0x8FFFFFFF  }
0x98: {  	s18 =	sld [smem:$0x3FDB];
	_ =	sdelay $0x1  }
0x99: {  	s19 =	simm.s32 $_scs_section_size  }
0x9a: {  	s4 =	simm.s32 $_size__tile_overlayer_lowered;
	s5 =	simm.s32 $_tile_overlayer_lowered  }
0x9b: {  	s22 =	simm.s32 $0x1BFF;
	s21 =	sshll.u32 s5, $0x1;
	s2 =	sadd.s32 s19, s18  }
0x9c: {  	s6 =	simm.s32 $0x0;
	s20 =	sshll.u32 s4, $0x1;
	s4 =	sadd.s32 s21, s2  }
0x9d: {  	[timem:s6], [sflag:s22] =	dma.local [hbm:s4], s20  }
0x9e: {  	_ =	swait.ge [sflag:s22], s20  }
0x9f: {  	s3 =	ssub.s32 $0x0, s20;
	[sflag:s22] =	ssyncset.done $0x0  }
0xa0: {  	[sflag:s22] =	ssyncadd.s32 s3;
	_ =	sdelay $0x1  }
0xa1: {  	s23 =	simm.s32 $0x1B8B  }
0xa2: {  	_ =	swait.ge [sflag:s23], $0x1  }
0xa3: {  	[sflag:s23] =	ssyncset.done $0x0  }
0xa4: {  	s25 =	simm.s32 $0x1B8E;
	s24 =	sld [smem:$0x3FFE];
	[sflag:s23] =	ssyncadd.s32 $0xFFFFFFFF  }
0xa5: {  	s26 =	simm.s32 $execute0_lowered;
	[smem:$0x3FD2] =	sst s25  }
0xa6: {  	s4 =	sshll.u32 s26, $0x1;
	_ =	strace $0x80000049;
	[dreg:$0x1] =	wrdreg $0xFFFFFFFF  }
0xa7: {  	s28 =	simm.s32 $_size_execute0_lowered;
	s2 =	sadd.s32 s2, s4;
	[dreg:$0x0] =	wrdreg $0x0  }
0xa8: {  	s4 =	sshll.u32 s28, $0x1;
	[dreg:$0x2] =	wrdreg s2  }
0xa9: {  	[dreg:$0x3] =	wrdreg s4  }
0xaa: {  	[dreg:$0x4] =	wrdreg $0xC0  }
0xab: {  	_ =	task [dreg:s6], $0x5FFFF  }
0xac: {  	[dreg:$0x1] =	wrdreg $0xFFFFFFFF  }
0xad: {  	[dreg:$0x0] =	wrdreg $0x60  }
0xae: {  	[dreg:$0x2] =	wrdreg s24  }
0xaf: {  	[dreg:$0x3] =	wrdreg $0x90000  }
0xb0: {  	[dreg:$0x4] =	wrdreg $0x9  }
0xb1: {  	_ =	task.clear_ibuf [dreg:s6], $0x5FFFF;
	_ =	strace $0x90000049  }
0xb2: {  	s29 =	simm.s32 $0x9;
	_ =	strace $0x8000004B  }
0xb3: {  	_ =	swait.ge [sflag:s29], $0x1  }
0xb4: {  	[sflag:s29] =	ssyncadd.s32 $0xFFFFFFFF  }
0xb5: {  	_ =	strace $0x9000004B  }
0xb6: {  	_ =	sfence  }
0xb7: {  	s30 =	sld [smem:$0x0];
	_ =	sdelay $0x2  }
0xb8: {  	s31 =	sshll.u32 s1, $0xD;
	s1 =	sshrl.u32 s1, $0x2  }
0xb9: {  	s3 =	sand.u32 $0x4000, s31;
	s1 =	sadd.s32 s1, s30  }
0xba: {  	s0 =	sor.u32 s3, s0;
	s1 =	sshll.u32 s1, $0x11  }
0xbb: {  	s0 =	sor.u32 s1, s0  }
0xbc: {  	s0 =	sadd.s32 $0x8F2B, s0  }
0xbd: {  	[sflag:s0] =	ssyncadd.remote.s32 $0x1  }
0xbe: {  	_ =	sfence.sel $0xFFFF  }
0xbf: {  	[dreg:$0x0] =	wrdreg $0xFFFFFFFF;
	(pc) =	sbr.abs _section_cstart, $3  }
0xc0: {  	[dreg:$0x1] =	wrdreg $0xFFFFFFFF  }
0xc1: {  	_ =	task.clear_ibuf [dreg:s6], $0x2FFFF;
	_ =	strace $0x9FFFFFFF  }
0xc2: {  	(tm) =	ssettm $0x7FFFFFFF  }
0xc3: {  	_ =	shalt  }
tec
execute0_lowered:
.L_overlay_start_1:
0x0: {  	(tag) =	ssettag $0x1  }
0x1: {  	s0 =	rddreg [dreg:$0x0]  }
0x2: {  	s2 =	rddreg [dreg:$0x1]  }
0x3: {  	s3 =	simm.s32 $0x0;
	s1 =	srdreg.scid;
	s12 =	stileid.u32  }
0x4: {  	s14 =	simm.s32 $0x3;
	s15 =	simm.s32 $0x800;
	s16 =	simm.s32 $0x40  }
0x5: {  	s17 =	simm.s32 $0x1000;
	s30 =	simm.s32 $0x2;
	s13 =	simm.s32 $0x500  }
0x6: {  	s18 =	simm.s32 $0xD80;
	s28 =	simm.s32 $0x780;
	s29 =	simm.s32 $0xE00  }
0x7: {  	s31 =	simm.s32 $0xE80;
	s1 =	sand.u32 $0x1, s1;
	s4 =	smul.u32 $0x130, s12  }
0x8: {  	s5 =	sshll.u32 s12, $0x4;
	[smem:$0x7FF] =	sst s3;
	s6 =	smul.u32 $0x2780, s12  }
0x9: {  	s7 =	sadd.s32 $0x29A00, s0;
	s19 =	smul.u32 $0x4F000, s12;
	s21 =	sshll.u32 s12, $0x6  }
0xa: {  	p1 =	seq.s32 s12, $0xF;
	s12 =	simm.s32 $0xC00;
	p0 =	seq.s32 s1, $0x0  }
0xb: {  	s5 =	sor.u32 $0x1300, s5;
	_ =	strace $0x8000004A;
	s9 =	smul.u32 $0x27100, s1  }
0xc: {  	[dreg:$0x3] =	wrdreg s7;
	s8 =	ssub.s32 $0x2, s1;
	s11 =	smul.u32 $0x138800, s1  }
0xd: {  	s5 =	smov.u32 @p0 s4;
	s4 =	sadd.s32 $0x2C200, s0;
	s10 =	sshrl.u32 s8, $0x1  }
0xe: {  	s7 =	sshrl.u32 s19, $0x2;
	p0 =	sne.s32 s1, $0x0;
	s19 =	simm.s32 $0x3000  }
0xf: {  	s1 =	simm.s32 $0xF80;
	s5 =	sshll.u32 s5, $0x4;
	s8 =	ssub.s32 s8, s10  }
0x10: {  	s20 =	sadd.s32 s7, s2;
	s7 =	sor.u32 $0x1C03, s21;
	s6 =	sadd.s32 s6, s9  }
0x11: {  	s22 =	sshrl.u32 s11, $0x3;
	s21 =	simm.s32 $0x5000;
	s11 =	simm.s32 $0x580  }
0x12: {  	s5 =	sadd.s32 s5, s0;
	s0 =	sadd.s32 $0x53400, s0;
	s9 =	smov.u32 s7  }
0x13: {  	s23 =	smax.u32 s8, $0x1;
	[dreg:$0x4] =	wrdreg s20;
	s26 =	sshrl.u32 s20, $0x3  }
0x14: {  	s8 =	simm.s32 $0x480;
	s7 =	simm.s32 $0xD00;
	[dreg:$0x8] =	wrdreg s23  }
0x15: {  	s20 =	simm.s32 $0x600;
	s6 =	sadd.s32 s0, s6;
	[dreg:$0xb] =	wrdreg s26  }
0x16: {  	s0 =	sadd.s32 s0, s22;
	s24 =	sadd.s32 $0x1A00, s5;
	[dreg:$0x5] =	wrdreg s9  }
0x17: {  	s25 =	sadd.s32 $0x15A00, s5;
	s23 =	simm.s32 $0x7000;
	[dreg:$0x6] =	wrdreg s6  }
0x18: {  	s22 =	simm.s32 $0x680;
	s26 =	simm.s32 $0x700;
	[dreg:$0x9] =	wrdreg s24  }
0x19: {  	s6 =	sadd.s32 $0x128400, s2;
	s0 =	sadd.s32 $0x25080, s0;
	[dreg:$0xa] =	wrdreg s25  }
0x1a: {  	s24 =	simm.s32 $0x1;
	[dreg:$0x7] =	wrdreg s0;
	s0 =	sshrl.u32 @p1 s6, $0x3  }
0x1b: {  	s25 =	simm.s32 $0xC80;
	[dreg:$0xc] =	wrdreg s0;
	s0 =	simm.s32 $0x0  }
.LBB2_1:
0x1c: {  	[dreg:$0xd] =	wrdreg s0  }
0x1d: {  	s6 =	rddreg [dreg:$0x3]  }
0x1e: {  	s10 =	rddreg [dreg:$0xb]  }
0x1f: {  	[spmem:s10], [sflag:s9] =	dma.local [hbm:s6], $0x2780  }
0x20: {  	_ =	swait.ge [sflag:s14], $0x2780  }
0x21: {  	[sflag:s14] =	ssyncset.done $0x0  }
0x22: {  	[sflag:s14] =	ssyncadd.s32 $0xFFFFD880  }
0x23: {  	[bflag:$0x0] =	sbarrier.arrive $0xFFFF  }
0x24: {  	s6 =	rddreg [dreg:$0xa]  }
0x25: {  	s0 =	simm.s32 $0xF00;
	s10 =	simm.s32 $0x0;
	s9 =	rddreg [dreg:$0x9]  }
.LBB2_2:
0x26: {  	[tilespmem:s3], [sflag:$0x3] =	stream.linear.gather [hbm4b:s6+s3], $0x800, $0x38;
	[tilespmem:$0x1CC00] =	vst v63  }
0x27: {  	_ =	swait.ge [sflag:s14], $0x800  }
0x28: {  	[sflag:s14] =	ssyncset.done $0x0  }
0x29: {  	[sflag:s14] =	ssyncadd.s32 $0xFFFFF800  }
0x2a: {  	[tilespmem:s15], [sflag:$0x3] =	stream.linear.gather [hbm4b:s9+s3], $0x800, $0x38;
	[tilespmem:$0x1CC00] =	vst v63  }
0x2b: {  	_ =	swait.ge [sflag:s14], $0x800  }
0x2c: {  	[sflag:s14] =	ssyncset.done $0x0  }
0x2d: {  	[sflag:s14] =	ssyncadd.s32 $0xFFFFF800  }
0x2e: {  	[tilespmem:s17], [sflag:$0x1] =	stream.indirect.gather [hbm4b:s4+s16], $0x80, s3, s16, $0xb8;
	[tilespmem:$0x1CC00] =	vst v63  }
0x2f: {  	s5 =	simm.s32 $0x80  }
0x30: {  	[tilespmem:s19], [sflag:$0x1] =	stream.indirect.gather [hbm4b:s4+s16], $0x80, s5, s16, $0xb8;
	[tilespmem:$0x1CC00] =	vst v63  }
0x31: {  	s5 =	simm.s32 $0x100  }
0x32: {  	[tilespmem:s21], [sflag:$0x1] =	stream.indirect.gather [hbm4b:s4+s16], $0x80, s5, s16, $0xb8;
	[tilespmem:$0x1CC00] =	vst v63  }
0x33: {  	s5 =	simm.s32 $0x180  }
0x34: {  	[tilespmem:s23], [sflag:$0x1] =	stream.indirect.gather [hbm4b:s4+s16], $0x80, s5, s16, $0xb8;
	[tilespmem:$0x1CC00] =	vst v63  }
0x35: {  	_ =	swait.ge [sflag:s24], $0x2000  }
0x36: {  	[sflag:s24] =	ssyncset.done $0x0  }
0x37: {  	[sflag:s24] =	ssyncadd.s32 $0xFFFFE000  }
0x38: {  	[spmem:s2] =	stream.indirect.scatter.add.f32 [tilespmem:s17], [sflag:$0x2], $0x80, s15, s16, $0xb8;
	[tilespmem:$0x1CC00] =	vst v63  }
0x39: {  	_ =	swait.ge [sflag:s24], $0x2000  }
0x3a: {  	[sflag:s24] =	ssyncset.done $0x0  }
0x3b: {  	s5 =	simm.s32 $0x880;
	[sflag:s24] =	ssyncadd.s32 $0xFFFFE000  }
0x3c: {  	[spmem:s2] =	stream.indirect.scatter.add.f32 [tilespmem:s19], [sflag:$0x2], $0x80, s5, s16, $0xb8;
	[tilespmem:$0x1CC00] =	vst v63  }
0x3d: {  	_ =	swait.ge [sflag:s24], $0x2000  }
0x3e: {  	[sflag:s24] =	ssyncset.done $0x0  }
0x3f: {  	s5 =	simm.s32 $0x900;
	[sflag:s24] =	ssyncadd.s32 $0xFFFFE000  }
0x40: {  	[spmem:s2] =	stream.indirect.scatter.add.f32 [tilespmem:s21], [sflag:$0x2], $0x80, s5, s16, $0xb8;
	[tilespmem:$0x1CC00] =	vst v63  }
0x41: {  	_ =	swait.ge [sflag:s24], $0x2000  }
0x42: {  	[sflag:s24] =	ssyncset.done $0x0  }
0x43: {  	s5 =	simm.s32 $0x980;
	[sflag:s24] =	ssyncadd.s32 $0xFFFFE000  }
0x44: {  	[spmem:s2] =	stream.indirect.scatter.add.f32 [tilespmem:s23], [sflag:$0x2], $0x80, s5, s16, $0xb8;
	[tilespmem:$0x1CC00] =	vst v63  }
0x45: {  	_ =	swait.ge [sflag:s30], $0x2000  }
0x46: {  	[sflag:s30] =	ssyncset.done $0x0  }
0x47: {  	s5 =	simm.s32 $0x200;
	[sflag:s30] =	ssyncadd.s32 $0xFFFFE000  }
0x48: {  	[tilespmem:s17], [sflag:$0x1] =	stream.indirect.gather [hbm4b:s4+s16], $0x80, s5, s16, $0xb8;
	[tilespmem:$0x1CC00] =	vst v63  }
0x49: {  	_ =	swait.ge [sflag:s30], $0x2000  }
0x4a: {  	[sflag:s30] =	ssyncset.done $0x0  }
0x4b: {  	s5 =	simm.s32 $0x280;
	[sflag:s30] =	ssyncadd.s32 $0xFFFFE000  }
0x4c: {  	[tilespmem:s19], [sflag:$0x1] =	stream.indirect.gather [hbm4b:s4+s16], $0x80, s5, s16, $0xb8;
	[tilespmem:$0x1CC00] =	vst v63  }
0x4d: {  	_ =	swait.ge [sflag:s30], $0x2000  }
0x4e: {  	[sflag:s30] =	ssyncset.done $0x0  }
0x4f: {  	s5 =	simm.s32 $0x300;
	[sflag:s30] =	ssyncadd.s32 $0xFFFFE000  }
0x50: {  	[tilespmem:s21], [sflag:$0x1] =	stream.indirect.gather [hbm4b:s4+s16], $0x80, s5, s16, $0xb8;
	[tilespmem:$0x1CC00] =	vst v63  }
0x51: {  	_ =	swait.ge [sflag:s30], $0x2000  }
0x52: {  	[sflag:s30] =	ssyncset.done $0x0  }
0x53: {  	s5 =	simm.s32 $0x380;
	[sflag:s30] =	ssyncadd.s32 $0xFFFFE000  }
0x54: {  	[tilespmem:s23], [sflag:$0x1] =	stream.indirect.gather [hbm4b:s4+s16], $0x80, s5, s16, $0xb8;
	[tilespmem:$0x1CC00] =	vst v63  }
0x55: {  	_ =	swait.ge [sflag:s24], $0x2000  }
0x56: {  	[sflag:s24] =	ssyncset.done $0x0  }
0x57: {  	s5 =	simm.s32 $0xA00;
	[sflag:s24] =	ssyncadd.s32 $0xFFFFE000  }
0x58: {  	[spmem:s2] =	stream.indirect.scatter.add.f32 [tilespmem:s17], [sflag:$0x2], $0x80, s5, s16, $0xb8;
	[tilespmem:$0x1CC00] =	vst v63  }
0x59: {  	_ =	swait.ge [sflag:s24], $0x2000  }
0x5a: {  	[sflag:s24] =	ssyncset.done $0x0  }
0x5b: {  	s5 =	simm.s32 $0xA80;
	[sflag:s24] =	ssyncadd.s32 $0xFFFFE000  }
0x5c: {  	[spmem:s2] =	stream.indirect.scatter.add.f32 [tilespmem:s19], [sflag:$0x2], $0x80, s5, s16, $0xb8;
	[tilespmem:$0x1CC00] =	vst v63  }
0x5d: {  	_ =	swait.ge [sflag:s24], $0x2000  }
0x5e: {  	[sflag:s24] =	ssyncset.done $0x0  }
0x5f: {  	s5 =	simm.s32 $0xB00;
	[sflag:s24] =	ssyncadd.s32 $0xFFFFE000  }
0x60: {  	[spmem:s2] =	stream.indirect.scatter.add.f32 [tilespmem:s21], [sflag:$0x2], $0x80, s5, s16, $0xb8;
	[tilespmem:$0x1CC00] =	vst v63  }
0x61: {  	_ =	swait.ge [sflag:s24], $0x2000  }
0x62: {  	[sflag:s24] =	ssyncset.done $0x0  }
0x63: {  	s5 =	simm.s32 $0xB80;
	[sflag:s24] =	ssyncadd.s32 $0xFFFFE000  }
0x64: {  	[spmem:s2] =	stream.indirect.scatter.add.f32 [tilespmem:s23], [sflag:$0x2], $0x80, s5, s16, $0xb8;
	[tilespmem:$0x1CC00] =	vst v63  }
0x65: {  	_ =	swait.ge [sflag:s30], $0x2000  }
0x66: {  	[sflag:s30] =	ssyncset.done $0x0  }
0x67: {  	s5 =	simm.s32 $0x400;
	[sflag:s30] =	ssyncadd.s32 $0xFFFFE000  }
0x68: {  	[tilespmem:s17], [sflag:$0x1] =	stream.indirect.gather [hbm4b:s4+s16], $0x80, s5, s16, $0xb8;
	[tilespmem:$0x1CC00] =	vst v63  }
0x69: {  	_ =	swait.ge [sflag:s30], $0x2000  }
0x6a: {  	[sflag:s30] =	ssyncset.done $0x0  }
0x6b: {  	[sflag:s30] =	ssyncadd.s32 $0xFFFFE000  }
0x6c: {  	[tilespmem:s19], [sflag:$0x1] =	stream.indirect.gather [hbm4b:s4+s16], $0x80, s8, s16, $0xb8;
	[tilespmem:$0x1CC00] =	vst v63  }
0x6d: {  	_ =	swait.ge [sflag:s30], $0x2000  }
0x6e: {  	[sflag:s30] =	ssyncset.done $0x0  }
0x6f: {  	[sflag:s30] =	ssyncadd.s32 $0xFFFFE000  }
0x70: {  	[tilespmem:s21], [sflag:$0x1] =	stream.indirect.gather [hbm4b:s4+s16], $0x80, s13, s16, $0xb8;
	[tilespmem:$0x1CC00] =	vst v63  }
0x71: {  	_ =	swait.ge [sflag:s30], $0x2000  }
0x72: {  	[sflag:s30] =	ssyncset.done $0x0  }
0x73: {  	[sflag:s30] =	ssyncadd.s32 $0xFFFFE000  }
0x74: {  	[tilespmem:s23], [sflag:$0x1] =	stream.indirect.gather [hbm4b:s4+s16], $0x80, s11, s16, $0xb8;
	[tilespmem:$0x1CC00] =	vst v63  }
0x75: {  	_ =	swait.ge [sflag:s24], $0x2000  }
0x76: {  	[sflag:s24] =	ssyncset.done $0x0  }
0x77: {  	[sflag:s24] =	ssyncadd.s32 $0xFFFFE000  }
0x78: {  	[spmem:s2] =	stream.indirect.scatter.add.f32 [tilespmem:s17], [sflag:$0x2], $0x80, s12, s16, $0xb8;
	[tilespmem:$0x1CC00] =	vst v63  }
0x79: {  	_ =	swait.ge [sflag:s24], $0x2000  }
0x7a: {  	[sflag:s24] =	ssyncset.done $0x0  }
0x7b: {  	[sflag:s24] =	ssyncadd.s32 $0xFFFFE000  }
0x7c: {  	[spmem:s2] =	stream.indirect.scatter.add.f32 [tilespmem:s19], [sflag:$0x2], $0x80, s25, s16, $0xb8;
	[tilespmem:$0x1CC00] =	vst v63  }
0x7d: {  	_ =	swait.ge [sflag:s24], $0x2000  }
0x7e: {  	[sflag:s24] =	ssyncset.done $0x0  }
0x7f: {  	[sflag:s24] =	ssyncadd.s32 $0xFFFFE000  }
0x80: {  	[spmem:s2] =	stream.indirect.scatter.add.f32 [tilespmem:s21], [sflag:$0x2], $0x80, s7, s16, $0xb8;
	[tilespmem:$0x1CC00] =	vst v63  }
0x81: {  	_ =	swait.ge [sflag:s24], $0x2000  }
0x82: {  	[sflag:s24] =	ssyncset.done $0x0  }
0x83: {  	[sflag:s24] =	ssyncadd.s32 $0xFFFFE000  }
0x84: {  	[spmem:s2] =	stream.indirect.scatter.add.f32 [tilespmem:s23], [sflag:$0x2], $0x80, s18, s16, $0xb8;
	[tilespmem:$0x1CC00] =	vst v63  }
0x85: {  	_ =	swait.ge [sflag:s30], $0x2000  }
0x86: {  	[sflag:s30] =	ssyncset.done $0x0  }
0x87: {  	[sflag:s30] =	ssyncadd.s32 $0xFFFFE000  }
0x88: {  	[tilespmem:s17], [sflag:$0x1] =	stream.indirect.gather [hbm4b:s4+s16], $0x80, s20, s16, $0xb8;
	[tilespmem:$0x1CC00] =	vst v63  }
0x89: {  	_ =	swait.ge [sflag:s30], $0x2000  }
0x8a: {  	[sflag:s30] =	ssyncset.done $0x0  }
0x8b: {  	[sflag:s30] =	ssyncadd.s32 $0xFFFFE000  }
0x8c: {  	[tilespmem:s19], [sflag:$0x1] =	stream.indirect.gather [hbm4b:s4+s16], $0x80, s22, s16, $0xb8;
	[tilespmem:$0x1CC00] =	vst v63  }
0x8d: {  	_ =	swait.ge [sflag:s30], $0x2000  }
0x8e: {  	[sflag:s30] =	ssyncset.done $0x0  }
0x8f: {  	[sflag:s30] =	ssyncadd.s32 $0xFFFFE000  }
0x90: {  	[tilespmem:s21], [sflag:$0x1] =	stream.indirect.gather [hbm4b:s4+s16], $0x80, s26, s16, $0xb8;
	[tilespmem:$0x1CC00] =	vst v63  }
0x91: {  	_ =	swait.ge [sflag:s30], $0x2000  }
0x92: {  	[sflag:s30] =	ssyncset.done $0x0  }
0x93: {  	[sflag:s30] =	ssyncadd.s32 $0xFFFFE000  }
0x94: {  	[tilespmem:s23], [sflag:$0x1] =	stream.indirect.gather [hbm4b:s4+s16], $0x80, s28, s16, $0xb8;
	[tilespmem:$0x1CC00] =	vst v63  }
0x95: {  	_ =	swait.ge [sflag:s24], $0x2000  }
0x96: {  	[sflag:s24] =	ssyncset.done $0x0  }
0x97: {  	[sflag:s24] =	ssyncadd.s32 $0xFFFFE000  }
0x98: {  	[spmem:s2] =	stream.indirect.scatter.add.f32 [tilespmem:s17], [sflag:$0x2], $0x80, s29, s16, $0xb8;
	[tilespmem:$0x1CC00] =	vst v63  }
0x99: {  	_ =	swait.ge [sflag:s24], $0x2000  }
0x9a: {  	[sflag:s24] =	ssyncset.done $0x0  }
0x9b: {  	[sflag:s24] =	ssyncadd.s32 $0xFFFFE000  }
0x9c: {  	[spmem:s2] =	stream.indirect.scatter.add.f32 [tilespmem:s19], [sflag:$0x2], $0x80, s31, s16, $0xb8;
	[tilespmem:$0x1CC00] =	vst v63  }
0x9d: {  	_ =	swait.ge [sflag:s24], $0x2000  }
0x9e: {  	[sflag:s24] =	ssyncset.done $0x0  }
0x9f: {  	[sflag:s24] =	ssyncadd.s32 $0xFFFFE000  }
0xa0: {  	[spmem:s2] =	stream.indirect.scatter.add.f32 [tilespmem:s21], [sflag:$0x2], $0x80, s0, s16, $0xb8;
	[tilespmem:$0x1CC00] =	vst v63  }
0xa1: {  	_ =	swait.ge [sflag:s24], $0x2000  }
0xa2: {  	[sflag:s24] =	ssyncset.done $0x0  }
0xa3: {  	[sflag:s24] =	ssyncadd.s32 $0xFFFFE000  }
0xa4: {  	[spmem:s2] =	stream.indirect.scatter.add.f32 [tilespmem:s23], [sflag:$0x2], $0x80, s1, s16, $0xb8;
	[tilespmem:$0x1CC00] =	vst v63  }
0xa5: {  	_ =	swait.ge [sflag:s30], $0x2000  }
0xa6: {  	[sflag:s30] =	ssyncset.done $0x0  }
0xa7: {  	[sflag:s30] =	ssyncadd.s32 $0xFFFFE000  }
0xa8: {  	_ =	swait.ge [sflag:s30], $0x2000  }
0xa9: {  	[sflag:s30] =	ssyncset.done $0x0  }
0xaa: {  	p2 =	slt.u32 @!p0 s10, $0x12;
	[sflag:s30] =	ssyncadd.s32 $0xFFFFE000  }
0xab: {  	p2 =	por p0, !p2;
	_ =	swait.ge [sflag:s30], $0x2000  }
.Ltmp0:
0xac: {  	[sflag:s30] =	ssyncset.done $0x0;
	(pc) =	sbr.rel @!p2 .LBB2_2-.Ltmp0, $4  }
0xad: {  	[sflag:s30] =	ssyncadd.s32 $0xFFFFE000  }
0xae: {  	_ =	swait.ge [sflag:s30], $0x2000  }
0xaf: {  	s10 =	sadd.s32 $0x1, s10;
	[sflag:s30] =	ssyncset.done $0x0  }
0xb0: {  	s6 =	sadd.s32 $0x100, s6;
	s9 =	sadd.s32 $0x100, s9;
	[sflag:s30] =	ssyncadd.s32 $0xFFFFE000  }
0xb1: {  	[bflag:$0x0] =	sbarrier.arrive $0xFFFF  }
0xb2: {  	s9 =	rddreg [dreg:$0x5]  }
0xb3: {  	s6 =	rddreg [dreg:$0x7]  }
0xb4: {  	s10 =	rddreg [dreg:$0xc]  }
0xb5: {  	[hbm:s6], [sflag:s9] =	dma.local @p1 [spmem:s10], $0x2080  }
0xb6: {  	s6 =	simm.s32 @p1 $0x3  }
0xb7: {  	_ =	swait.ge @p1 [sflag:s6], $0x2080  }
0xb8: {  	[sflag:s6] =	ssyncset.done @p1 $0x0  }
0xb9: {  	[sflag:s6] =	ssyncadd.s32 @p1 $0xFFFFDF80;
	s6 =	rddreg [dreg:$0x4]  }
0xba: {  	s10 =	rddreg [dreg:$0x6];
	s6 =	sshrl.u32 @!p1 s6, $0x3  }
0xbb: {  	[hbm:s10], [sflag:s9] =	dma.local @!p1 [spmem:s6], $0x2780  }
0xbc: {  	s6 =	simm.s32 @!p1 $0x3  }
0xbd: {  	_ =	swait.ge @!p1 [sflag:s6], $0x2780  }
0xbe: {  	s0 =	rddreg [dreg:$0xd]  }
0xbf: {  	s5 =	rddreg [dreg:$0x8];
	s0 =	sadd.s32 $0x1, s0  }
0xc0: {  	p2 =	sne.s32 s0, s5  }
.Ltmp1:
0xc1: {  	_ = 	snop;
	(pc) =	sbr.rel @p2 .LBB2_1-.Ltmp1, $3  }
0xc2: {  	_ =	sdelay $0x1  }
0xc3: {  	[sflag:s6] =	ssyncset.done @!p1 $0x0  }
0xc4: {  	[sflag:s6] =	ssyncadd.s32 @!p1 $0xFFFFD880  }
0xc5: {  	_ =	sfence.sel $0x180000  }
0xc6: {  	[bflag:$0x0] =	sbarrier.arrive $0xFFFF  }
0xc7: {  	_ =	strace $0x9000004A  }
0xc8: {  	s0 =	stileid.u32;
	[bflag:$0x2] =	sbarrier.arrive $0xFFFF  }
0xc9: {  	p0 =	sne.s32 s0, $0x0;
	s0 =	rddreg [dreg:$0x2]  }
0xca: {  	s0 =	sadd.s32 @!p0 $0x100000, s0  }
0xcb: {  	[sflag:s0] =	ssyncadd.tile.s32 @!p0 $0x1;
	_ =	shalt  }
.Lfunc_end2:
_tile_overlayer_lowered:
.L_overlay_start_2:
0xcc: {  	(tag) =	ssettag $0x2  }
0xcd: {  	s0 =	rddreg [dreg:$0x0];
	s2 =	stileid.u32  }
0xce: {  	s1 =	rddreg [dreg:$0x1];
	p0 =	sne.s32 s2, $0x0  }
0xcf: {  	s3 =	rddreg [dreg:$0x2];
	[bflag:$0x3] =	sbarrier.arrive $0xFFFF;
	s2 =	simm.s32 @!p0 $0x1C03  }
0xd0: {  	[timem:s3], [sflag:s2] =	dma.local @!p0 [hbm:s0], s1  }
0xd1: {  	s0 =	simm.s32 @!p0 $0x3  }
0xd2: {  	_ =	swait.ge @!p0 [sflag:s0], s1  }
0xd3: {  	s1 =	ssub.s32 @!p0 $0x0, s1;
	[sflag:s0] =	ssyncset.done @!p0 $0x0  }
0xd4: {  	[sflag:s0] =	ssyncadd.s32 @!p0 s1  }
0xd5: {  	[bflag:$0x3] =	sbarrier.arrive $0xFFFF  }
0xd6: {  	_ =	shalt  }

</sc_bundles>
